<compile_context>
chip_gen: v7x
topology: tpu7x:2x2x1
jax: 0.10.2.dev20260603
libtpu: 0.0.44.dev20260713+nightly
codegen_flags: <defaults>
</compile_context>

<pallas_src>
import functools

import jax
import jax.numpy as jnp
from jax import lax
from jax.experimental import pallas as pl
from jax.experimental.pallas import tpu as pltpu
from jax.experimental.pallas import tpu_sc as plsc

_NN = 10000
_NE = 320000
_NG = 64
_D_IN = 128
_D_HID = 256
_D_OUT = 128

_NC = 2
_NS = 16
_NW = _NC * _NS
_CHUNK = 128

_NP = 10240
_RPT = _NP // _NS
_GRP = 8
_NGRP = 10
_NCHUNK = _GRP * _NGRP
_EPW = _NCHUNK * _CHUNK
_NEP = _EPW * _NW

_C2 = 32
_K2 = 4
_NGTOT = _NEP // (8 * _C2)
_G0 = 72
_G1 = 8

_R = 256
_NBLK = _NP // _R


def _agg_body(table, srci, dsti, acc_out,
              sidx, didx, r0, r1, r2, r3, zblk, acc_sh, sem):
    c = lax.axis_index("c")
    s = lax.axis_index("s")
    wid = c * _NS + s
    bufs = (r0, r1, r2, r3)

    for i in range(8):
        for j in range(8):
            zblk[i, pl.ds(j * 16, 16)] = jnp.zeros((16,), jnp.float32)

    @pl.loop(0, _RPT // 8)
    def zloop(i):
        pltpu.sync_copy(zblk, acc_sh.at[pl.ds(s * _RPT + i * 8, 8)])

    plsc.subcore_barrier()

    ng = jnp.where(c == 0, _G0, _G1)
    gbase = jnp.where(c == 0, s * _G0, _NS * _G0 + s * _G1)

    @pl.loop(0, ng)
    def gloop(g):
        gi = gbase + g
        pltpu.sync_copy(srci.at[gi], sidx)
        pltpu.sync_copy(dsti.at[gi], didx)
        d0 = [pltpu.async_copy(table.at[sidx.at[j]], bufs[j], sem)
              for j in range(_K2)]
        for j in range(_K2):
            d0[j].wait()
        d1 = [pltpu.async_copy(table.at[sidx.at[_K2 + j]], bufs[j], sem)
              for j in range(_K2)]
        for j in range(_K2):
            pltpu.sync_copy(bufs[j], acc_sh.at[didx.at[j]], add=True)
        for j in range(_K2):
            d1[j].wait()
        for j in range(_K2):
            pltpu.sync_copy(bufs[j], acc_sh.at[didx.at[_K2 + j]], add=True)

    plsc.subcore_barrier()
    pltpu.sync_copy(acc_sh.at[pl.ds(s * _RPT, _RPT)],
                    acc_out.at[pl.ds(c * _NP + s * _RPT, _RPT)])


def _deg_body(ones_hbm, dsti, deg_out, didx, oblk, zblk, deg_sh):
    c = lax.axis_index("c")
    s = lax.axis_index("s")
    wid = c * _NS + s

    for i in range(8):
        for j in range(8):
            zblk[i, pl.ds(j * 16, 16)] = jnp.zeros((16,), jnp.float32)
    pltpu.sync_copy(ones_hbm, oblk)

    @pl.loop(0, _RPT // 8)
    def zloop(i):
        pltpu.sync_copy(zblk, deg_sh.at[pl.ds(s * _RPT + i * 8, 8)])

    plsc.subcore_barrier()

    @pl.loop(0, _NGRP)
    def gloop(g):
        pltpu.sync_copy(dsti.at[wid, pl.ds(g * _GRP, _GRP)], didx)
        for j in range(_GRP):
            pltpu.sync_copy(oblk, deg_sh.at[didx.at[j]], add=True)

    plsc.subcore_barrier()
    pltpu.sync_copy(deg_sh.at[pl.ds(s * _RPT, _RPT)],
                    deg_out.at[pl.ds(c * _NP + s * _RPT, _RPT)])


_sc_mesh = plsc.VectorSubcoreMesh(core_axis_name="c", subcore_axis_name="s")

_agg = functools.partial(
    pl.kernel,
    out_type=jax.ShapeDtypeStruct((_NC * _NP, _D_IN), jnp.float32),
    mesh=_sc_mesh,
    scratch_types=[
        pltpu.VMEM((8, _C2), jnp.int32),
        pltpu.VMEM((8, _C2), jnp.int32),
        pltpu.VMEM((_C2, _D_IN), jnp.float32),
        pltpu.VMEM((_C2, _D_IN), jnp.float32),
        pltpu.VMEM((_C2, _D_IN), jnp.float32),
        pltpu.VMEM((_C2, _D_IN), jnp.float32),
        pltpu.VMEM((8, _D_IN), jnp.float32),
        pltpu.VMEM_SHARED((_NP, _D_IN), jnp.float32),
        pltpu.SemaphoreType.DMA,
    ],
)(_agg_body)

_deg = functools.partial(
    pl.kernel,
    out_type=jax.ShapeDtypeStruct((_NC * _NP, _D_IN), jnp.float32),
    mesh=_sc_mesh,
    scratch_types=[
        pltpu.VMEM((_GRP, _CHUNK), jnp.int32),
        pltpu.VMEM((_CHUNK, _D_IN), jnp.float32),
        pltpu.VMEM((8, _D_IN), jnp.float32),
        pltpu.VMEM_SHARED((_NP, _D_IN), jnp.float32),
    ],
)(_deg_body)


def _dense1_body(acc_ref, deg_ref, x_ref, w1l_ref, b1_ref, w1r_ref,
                 w2l_ref, w2r_ref, p_ref, hr_ref):
    a = acc_ref[0] + acc_ref[1]
    d = deg_ref[0, :, 0:1] + deg_ref[1, :, 0:1]
    agg = a / jnp.maximum(d, 1.0)
    h = (jnp.dot(agg, w1l_ref[...], preferred_element_type=jnp.float32)
         + b1_ref[...]
         + jnp.dot(x_ref[...], w1r_ref[...], preferred_element_type=jnp.float32))
    h = jnp.maximum(h, 0.0)
    p_ref[...] = jnp.dot(h, w2l_ref[...], preferred_element_type=jnp.float32)
    hr_ref[...] = jnp.dot(h, w2r_ref[...], preferred_element_type=jnp.float32)


_dense1 = pl.pallas_call(
    _dense1_body,
    grid=(_NBLK,),
    in_specs=[
        pl.BlockSpec((_NC, _R, _D_IN), lambda i: (0, i, 0)),
        pl.BlockSpec((_NC, _R, _D_IN), lambda i: (0, i, 0)),
        pl.BlockSpec((_R, _D_IN), lambda i: (i, 0)),
        pl.BlockSpec((_D_IN, _D_HID), lambda i: (0, 0)),
        pl.BlockSpec((1, _D_HID), lambda i: (0, 0)),
        pl.BlockSpec((_D_IN, _D_HID), lambda i: (0, 0)),
        pl.BlockSpec((_D_HID, _D_OUT), lambda i: (0, 0)),
        pl.BlockSpec((_D_HID, _D_OUT), lambda i: (0, 0)),
    ],
    out_specs=[
        pl.BlockSpec((_R, _D_OUT), lambda i: (i, 0)),
        pl.BlockSpec((_R, _D_OUT), lambda i: (i, 0)),
    ],
    out_shape=[
        jax.ShapeDtypeStruct((_NP, _D_OUT), jnp.float32),
        jax.ShapeDtypeStruct((_NP, _D_OUT), jnp.float32),
    ],
)


def _dense2_body(acc_ref, deg_ref, hr_ref, b2_ref, batch_ref, out_ref,
                 pool_acc, cnt_acc):
    i = pl.program_id(0)
    a = acc_ref[0] + acc_ref[1]
    d = deg_ref[0, :, 0:1] + deg_ref[1, :, 0:1]
    h2 = a / jnp.maximum(d, 1.0) + b2_ref[...] + hr_ref[...]
    b = batch_ref[0, 0, :]
    gids = lax.broadcasted_iota(jnp.int32, (_R, _NG), 1)
    m = (b[:, None] == gids).astype(jnp.float32)
    pooled = lax.dot_general(m, h2, (((0,), (0,)), ((), ())),
                             preferred_element_type=jnp.float32)
    cnt = lax.dot_general(m, jnp.ones((_R, _D_OUT), jnp.float32),
                          (((0,), (0,)), ((), ())),
                          preferred_element_type=jnp.float32)

    @pl.when(i == 0)
    def _():
        pool_acc[...] = jnp.zeros_like(pool_acc)
        cnt_acc[...] = jnp.zeros_like(cnt_acc)

    pool_acc[...] += pooled
    cnt_acc[...] += cnt

    @pl.when(i == _NBLK - 1)
    def _():
        out_ref[...] = pool_acc[...] / jnp.maximum(cnt_acc[...], 1.0)


_dense2 = pl.pallas_call(
    _dense2_body,
    grid=(_NBLK,),
    in_specs=[
        pl.BlockSpec((_NC, _R, _D_OUT), lambda i: (0, i, 0)),
        pl.BlockSpec((_NC, _R, _D_IN), lambda i: (0, i, 0)),
        pl.BlockSpec((_R, _D_OUT), lambda i: (i, 0)),
        pl.BlockSpec((1, _D_OUT), lambda i: (0, 0)),
        pl.BlockSpec((1, 1, _R), lambda i: (i, 0, 0)),
    ],
    out_specs=pl.BlockSpec((_NG, _D_OUT), lambda i: (0, 0)),
    out_shape=jax.ShapeDtypeStruct((_NG, _D_OUT), jnp.float32),
    scratch_shapes=[
        pltpu.VMEM((_NG, _D_OUT), jnp.float32),
        pltpu.VMEM((_NG, _D_OUT), jnp.float32),
    ],
)


def kernel(x, edge_index, batch, W1_l, b1, W1_r, W2_l, b2, W2_r):
    x = x.astype(jnp.float32)
    src = edge_index[0].astype(jnp.int32)
    dst = edge_index[1].astype(jnp.int32)
    pad_e = _NEP - _NE
    src_f = jnp.concatenate([src, jnp.zeros((pad_e,), jnp.int32)])
    dst_f = jnp.concatenate([dst, jnp.full((pad_e,), _NN, jnp.int32)])
    src_a = src_f.reshape(_NGTOT, 8, _C2)
    dst_a = dst_f.reshape(_NGTOT, 8, _C2)
    dst_p = dst_f.reshape(_NW, _NCHUNK, _CHUNK)
    x_p = jnp.pad(x, ((0, _NP - _NN), (0, 0)))
    ones_blk = jnp.ones((_CHUNK, _D_IN), jnp.float32)
    batch3 = jnp.concatenate(
        [batch.astype(jnp.int32), jnp.full((_NP - _NN,), _NG, jnp.int32)]
    ).reshape(_NBLK, 1, _R)

    acc1 = _agg(x_p, src_a, dst_a).reshape(_NC, _NP, _D_IN)
    deg = _deg(ones_blk, dst_p).reshape(_NC, _NP, _D_IN)
    p, hr = _dense1(acc1, deg, x_p, W1_l, b1.reshape(1, _D_HID), W1_r, W2_l, W2_r)
    acc2 = _agg(p, src_a, dst_a).reshape(_NC, _NP, _D_OUT)
    return _dense2(acc2, deg, hr, b2.reshape(1, _D_OUT), batch3)

# --- scband reference (transcript-rebuilt; emitter-appended) ---
"""Pipeline reference for scband-graph-sage-57732950393029 (READ-ONLY COPY).

The authoritative reference and input builder live on the scoring server;
editing this copy changes nothing except your own understanding.
"""

import jax, jax.numpy as jnp
import numpy as np

N_NODES = 10000
N_EDGES = 320000
D_IN = 128
D_HID = 256
D_OUT = 128
N_GRAPHS = 64


def setup_inputs(seed: int = 0) -> dict:
    key = jax.random.key(seed)
    ks = jax.random.split(key, 10)
    x = jax.random.normal(ks[0], (N_NODES, D_IN), dtype=jnp.float32)
    edge_index = jax.random.randint(ks[1], (2, N_EDGES), 0, N_NODES, dtype=jnp.int64)
    batch = jnp.sort(jax.random.randint(ks[2], (N_NODES,), 0, N_GRAPHS, dtype=jnp.int64))
    # SAGEConv params: lin_l applied to aggregated neighbors (with bias), lin_r to root
    s1 = 1.0 / np.sqrt(D_IN)
    s2 = 1.0 / np.sqrt(D_HID)
    W1_l = jax.random.uniform(ks[3], (D_IN, D_HID), jnp.float32, -s1, s1)
    b1 = jax.random.uniform(ks[4], (D_HID,), jnp.float32, -s1, s1)
    W1_r = jax.random.uniform(ks[5], (D_IN, D_HID), jnp.float32, -s1, s1)
    W2_l = jax.random.uniform(ks[6], (D_HID, D_OUT), jnp.float32, -s2, s2)
    b2 = jax.random.uniform(ks[7], (D_OUT,), jnp.float32, -s2, s2)
    W2_r = jax.random.uniform(ks[8], (D_HID, D_OUT), jnp.float32, -s2, s2)
    return {"x": x, "edge_index": edge_index, "batch": batch,
            "W1_l": W1_l, "b1": b1, "W1_r": W1_r,
            "W2_l": W2_l, "b2": b2, "W2_r": W2_r}


def _sage_conv(x, src, dst, W_l, b, W_r):
    # mean aggregation of neighbor messages onto dst nodes
    msg = jnp.take(x, src, axis=0)
    agg = jax.ops.segment_sum(msg, dst, num_segments=N_NODES)
    deg = jax.ops.segment_sum(jnp.ones((src.shape[0],), dtype=x.dtype), dst, num_segments=N_NODES)
    agg = agg / jnp.maximum(deg, 1.0)[:, None]
    return agg @ W_l + b + x @ W_r


def reference(x, edge_index, batch, W1_l, b1, W1_r, W2_l, b2, W2_r):
    x = x.astype(jnp.float32)
    src = edge_index[0]
    dst = edge_index[1]
    h = _sage_conv(x, src, dst, W1_l, b1, W1_r)
    h = jax.nn.relu(h)
    # dropout is identity in eval mode (training=False)
    h = _sage_conv(h, src, dst, W2_l, b2, W2_r)
    # global_mean_pool over graph ids in `batch`
    pooled = jax.ops.segment_sum(h, batch, num_segments=N_GRAPHS)
    counts = jax.ops.segment_sum(jnp.ones((h.shape[0],), dtype=h.dtype), batch, num_segments=N_GRAPHS)
    return pooled / jnp.maximum(counts, 1.0)[:, None]

if __name__ == "__main__":
    import jax
    _d = setup_inputs()
    print(jax.jit(kernel)(*tuple(_d.values())))

</pallas_src>

<mosaic_0001>
#map = affine_map<(d0, d1) -> (0, 0)>
#map1 = affine_map<(d0, d1) -> (0, 0, 0)>
module attributes {stable_mosaic.version = 14 : i64} {
  func.func @_deg_body(%arg0: i32, %arg1: i32, %arg2: memref<128x128xf32, #tpu.memory_space<hbm>>, %arg3: memref<32x80x128xi32, #tpu.memory_space<hbm>>, %arg4: memref<20480x128xf32, #tpu.memory_space<hbm>>, %arg5: memref<8x128xi32, #tpu.memory_space<vmem>>, %arg6: memref<128x128xf32, #tpu.memory_space<vmem>>, %arg7: memref<8x128xf32, #tpu.memory_space<vmem>>, %arg8: memref<10240x128xf32, #tpu.memory_space<vmem_shared>>) attributes {dimension_semantics = [#tpu.dimension_semantics<core_parallel>, #tpu.dimension_semantics<subcore_parallel>], iteration_bounds = array<i64: 2, 16>, scalar_prefetch = 0 : i64, scratch_operands = 4 : i64, tpu.core_type = #tpu.core_type<sc_vector_subcore>, window_params = [{transform_indices = #map}, {transform_indices = #map1}, {transform_indices = #map}]} {
    %mul3A = arith.constant 16 : i32
    %mul3A_0 = arith.muli %arg0, %mul3A : i32
    %add3A = arith.addi %mul3A_0, %arg1 : i32
    %broadcast_in_dim3A = arith.constant 0.000000e+00 : f32
    %broadcast_in_dim3A_1 = vector.broadcast %broadcast_in_dim3A : f32 to vector<16xf32>
    %swap3A = arith.constant 0 : i32
    %swap3A_2 = arith.index_cast %swap3A : i32 to index
    %swap3A_3 = arith.constant 0 : index
    %swap3A_4 = tpu.vector_load %arg7[%swap3A_2, %swap3A_3] {strides = array<i32>} : memref<8x128xf32, #tpu.memory_space<vmem>>, vector<1x16xf32>,
    %swap3A_5 = vector.shape_cast %swap3A_4 : vector<1x16xf32> to vector<16xf32>
    %swap3A_6 = vector.shape_cast %broadcast_in_dim3A_1 : vector<16xf32> to vector<1x16xf32>
    tpu.vector_store %arg7[%swap3A_2, %swap3A_3], %swap3A_6 {strides = array<i32>} : memref<8x128xf32, #tpu.memory_space<vmem>>, vector<1x16xf32>,
    %broadcast_in_dim3A_7 = arith.constant 0.000000e+00 : f32
    %broadcast_in_dim3A_8 = vector.broadcast %broadcast_in_dim3A_7 : f32 to vector<16xf32>
    %swap3A_9 = arith.constant 0 : i32
    %swap3A_10 = arith.index_cast %swap3A_9 : i32 to index
    %swap3A_11 = arith.constant 16 : index
    %swap3A_12 = tpu.vector_load %arg7[%swap3A_10, %swap3A_11] {strides = array<i32>} : memref<8x128xf32, #tpu.memory_space<vmem>>, vector<1x16xf32>,
    %swap3A_13 = vector.shape_cast %swap3A_12 : vector<1x16xf32> to vector<16xf32>
    %swap3A_14 = vector.shape_cast %broadcast_in_dim3A_8 : vector<16xf32> to vector<1x16xf32>
    tpu.vector_store %arg7[%swap3A_10, %swap3A_11], %swap3A_14 {strides = array<i32>} : memref<8x128xf32, #tpu.memory_space<vmem>>, vector<1x16xf32>,
    %broadcast_in_dim3A_15 = arith.constant 0.000000e+00 : f32
    %broadcast_in_dim3A_16 = vector.broadcast %broadcast_in_dim3A_15 : f32 to vector<16xf32>
    %swap3A_17 = arith.constant 0 : i32
    %swap3A_18 = arith.index_cast %swap3A_17 : i32 to index
    %swap3A_19 = arith.constant 32 : index
    %swap3A_20 = tpu.vector_load %arg7[%swap3A_18, %swap3A_19] {strides = array<i32>} : memref<8x128xf32, #tpu.memory_space<vmem>>, vector<1x16xf32>,
    %swap3A_21 = vector.shape_cast %swap3A_20 : vector<1x16xf32> to vector<16xf32>
    %swap3A_22 = vector.shape_cast %broadcast_in_dim3A_16 : vector<16xf32> to vector<1x16xf32>
    tpu.vector_store %arg7[%swap3A_18, %swap3A_19], %swap3A_22 {strides = array<i32>} : memref<8x128xf32, #tpu.memory_space<vmem>>, vector<1x16xf32>,
    %broadcast_in_dim3A_23 = arith.constant 0.000000e+00 : f32
    %broadcast_in_dim3A_24 = vector.broadcast %broadcast_in_dim3A_23 : f32 to vector<16xf32>
    %swap3A_25 = arith.constant 0 : i32
    %swap3A_26 = arith.index_cast %swap3A_25 : i32 to index
    %swap3A_27 = arith.constant 48 : index
    %swap3A_28 = tpu.vector_load %arg7[%swap3A_26, %swap3A_27] {strides = array<i32>} : memref<8x128xf32, #tpu.memory_space<vmem>>, vector<1x16xf32>,
    %swap3A_29 = vector.shape_cast %swap3A_28 : vector<1x16xf32> to vector<16xf32>
    %swap3A_30 = vector.shape_cast %broadcast_in_dim3A_24 : vector<16xf32> to vector<1x16xf32>
    tpu.vector_store %arg7[%swap3A_26, %swap3A_27], %swap3A_30 {strides = array<i32>} : memref<8x128xf32, #tpu.memory_space<vmem>>, vector<1x16xf32>,
    %broadcast_in_dim3A_31 = arith.constant 0.000000e+00 : f32
    %broadcast_in_dim3A_32 = vector.broadcast %broadcast_in_dim3A_31 : f32 to vector<16xf32>
    %swap3A_33 = arith.constant 0 : i32
    %swap3A_34 = arith.index_cast %swap3A_33 : i32 to index
    %swap3A_35 = arith.constant 64 : index
    %swap3A_36 = tpu.vector_load %arg7[%swap3A_34, %swap3A_35] {strides = array<i32>} : memref<8x128xf32, #tpu.memory_space<vmem>>, vector<1x16xf32>,
    %swap3A_37 = vector.shape_cast %swap3A_36 : vector<1x16xf32> to vector<16xf32>
    %swap3A_38 = vector.shape_cast %broadcast_in_dim3A_32 : vector<16xf32> to vector<1x16xf32>
    tpu.vector_store %arg7[%swap3A_34, %swap3A_35], %swap3A_38 {strides = array<i32>} : memref<8x128xf32, #tpu.memory_space<vmem>>, vector<1x16xf32>,
    %broadcast_in_dim3A_39 = arith.constant 0.000000e+00 : f32
    %broadcast_in_dim3A_40 = vector.broadcast %broadcast_in_dim3A_39 : f32 to vector<16xf32>
    %swap3A_41 = arith.constant 0 : i32
    %swap3A_42 = arith.index_cast %swap3A_41 : i32 to index
    %swap3A_43 = arith.constant 80 : index
    %swap3A_44 = tpu.vector_load %arg7[%swap3A_42, %swap3A_43] {strides = array<i32>} : memref<8x128xf32, #tpu.memory_space<vmem>>, vector<1x16xf32>,
    %swap3A_45 = vector.shape_cast %swap3A_44 : vector<1x16xf32> to vector<16xf32>
    %swap3A_46 = vector.shape_cast %broadcast_in_dim3A_40 : vector<16xf32> to vector<1x16xf32>
    tpu.vector_store %arg7[%swap3A_42, %swap3A_43], %swap3A_46 {strides = array<i32>} : memref<8x128xf32, #tpu.memory_space<vmem>>, vector<1x16xf32>,
    %broadcast_in_dim3A_47 = arith.constant 0.000000e+00 : f32
    %broadcast_in_dim3A_48 = vector.broadcast %broadcast_in_dim3A_47 : f32 to vector<16xf32>
    %swap3A_49 = arith.constant 0 : i32
    %swap3A_50 = arith.index_cast %swap3A_49 : i32 to index
    %swap3A_51 = arith.constant 96 : index
    %swap3A_52 = tpu.vector_load %arg7[%swap3A_50, %swap3A_51] {strides = array<i32>} : memref<8x128xf32, #tpu.memory_space<vmem>>, vector<1x16xf32>,
    %swap3A_53 = vector.shape_cast %swap3A_52 : vector<1x16xf32> to vector<16xf32>
    %swap3A_54 = vector.shape_cast %broadcast_in_dim3A_48 : vector<16xf32> to vector<1x16xf32>
    tpu.vector_store %arg7[%swap3A_50, %swap3A_51], %swap3A_54 {strides = array<i32>} : memref<8x128xf32, #tpu.memory_space<vmem>>, vector<1x16xf32>,
    %broadcast_in_dim3A_55 = arith.constant 0.000000e+00 : f32
    %broadcast_in_dim3A_56 = vector.broadcast %broadcast_in_dim3A_55 : f32 to vector<16xf32>
    %swap3A_57 = arith.constant 0 : i32
    %swap3A_58 = arith.index_cast %swap3A_57 : i32 to index
    %swap3A_59 = arith.constant 112 : index
    %swap3A_60 = tpu.vector_load %arg7[%swap3A_58, %swap3A_59] {strides = array<i32>} : memref<8x128xf32, #tpu.memory_space<vmem>>, vector<1x16xf32>,
    %swap3A_61 = vector.shape_cast %swap3A_60 : vector<1x16xf32> to vector<16xf32>
    %swap3A_62 = vector.shape_cast %broadcast_in_dim3A_56 : vector<16xf32> to vector<1x16xf32>
    tpu.vector_store %arg7[%swap3A_58, %swap3A_59], %swap3A_62 {strides = array<i32>} : memref<8x128xf32, #tpu.memory_space<vmem>>, vector<1x16xf32>,
    %broadcast_in_dim3A_63 = arith.constant 0.000000e+00 : f32
    %broadcast_in_dim3A_64 = vector.broadcast %broadcast_in_dim3A_63 : f32 to vector<16xf32>
    %swap3A_65 = arith.constant 1 : i32
    %swap3A_66 = arith.index_cast %swap3A_65 : i32 to index
    %swap3A_67 = arith.constant 0 : index
    %swap3A_68 = tpu.vector_load %arg7[%swap3A_66, %swap3A_67] {strides = array<i32>} : memref<8x128xf32, #tpu.memory_space<vmem>>, vector<1x16xf32>,
    %swap3A_69 = vector.shape_cast %swap3A_68 : vector<1x16xf32> to vector<16xf32>
    %swap3A_70 = vector.shape_cast %broadcast_in_dim3A_64 : vector<16xf32> to vector<1x16xf32>
    tpu.vector_store %arg7[%swap3A_66, %swap3A_67], %swap3A_70 {strides = array<i32>} : memref<8x128xf32, #tpu.memory_space<vmem>>, vector<1x16xf32>,
    %broadcast_in_dim3A_71 = arith.constant 0.000000e+00 : f32
    %broadcast_in_dim3A_72 = vector.broadcast %broadcast_in_dim3A_71 : f32 to vector<16xf32>
    %swap3A_73 = arith.constant 1 : i32
    %swap3A_74 = arith.index_cast %swap3A_73 : i32 to index
    %swap3A_75 = arith.constant 16 : index
    %swap3A_76 = tpu.vector_load %arg7[%swap3A_74, %swap3A_75] {strides = array<i32>} : memref<8x128xf32, #tpu.memory_space<vmem>>, vector<1x16xf32>,
    %swap3A_77 = vector.shape_cast %swap3A_76 : vector<1x16xf32> to vector<16xf32>
    %swap3A_78 = vector.shape_cast %broadcast_in_dim3A_72 : vector<16xf32> to vector<1x16xf32>
    tpu.vector_store %arg7[%swap3A_74, %swap3A_75], %swap3A_78 {strides = array<i32>} : memref<8x128xf32, #tpu.memory_space<vmem>>, vector<1x16xf32>,
    %broadcast_in_dim3A_79 = arith.constant 0.000000e+00 : f32
    %broadcast_in_dim3A_80 = vector.broadcast %broadcast_in_dim3A_79 : f32 to vector<16xf32>
    %swap3A_81 = arith.constant 1 : i32
    %swap3A_82 = arith.index_cast %swap3A_81 : i32 to index
    %swap3A_83 = arith.constant 32 : index
    %swap3A_84 = tpu.vector_load %arg7[%swap3A_82, %swap3A_83] {strides = array<i32>} : memref<8x128xf32, #tpu.memory_space<vmem>>, vector<1x16xf32>,
    %swap3A_85 = vector.shape_cast %swap3A_84 : vector<1x16xf32> to vector<16xf32>
    %swap3A_86 = vector.shape_cast %broadcast_in_dim3A_80 : vector<16xf32> to vector<1x16xf32>
    tpu.vector_store %arg7[%swap3A_82, %swap3A_83], %swap3A_86 {strides = array<i32>} : memref<8x128xf32, #tpu.memory_space<vmem>>, vector<1x16xf32>,
    %broadcast_in_dim3A_87 = arith.constant 0.000000e+00 : f32
    %broadcast_in_dim3A_88 = vector.broadcast %broadcast_in_dim3A_87 : f32 to vector<16xf32>
    %swap3A_89 = arith.constant 1 : i32
    %swap3A_90 = arith.index_cast %swap3A_89 : i32 to index
    %swap3A_91 = arith.constant 48 : index
    %swap3A_92 = tpu.vector_load %arg7[%swap3A_90, %swap3A_91] {strides = array<i32>} : memref<8x128xf32, #tpu.memory_space<vmem>>, vector<1x16xf32>,
    %swap3A_93 = vector.shape_cast %swap3A_92 : vector<1x16xf32> to vector<16xf32>
    %swap3A_94 = vector.shape_cast %broadcast_in_dim3A_88 : vector<16xf32> to vector<1x16xf32>
    tpu.vector_store %arg7[%swap3A_90, %swap3A_91], %swap3A_94 {strides = array<i32>} : memref<8x128xf32, #tpu.memory_space<vmem>>, vector<1x16xf32>,
    %broadcast_in_dim3A_95 = arith.constant 0.000000e+00 : f32
    %broadcast_in_dim3A_96 = vector.broadcast %broadcast_in_dim3A_95 : f32 to vector<16xf32>
    %swap3A_97 = arith.constant 1 : i32
    %swap3A_98 = arith.index_cast %swap3A_97 : i32 to index
    %swap3A_99 = arith.constant 64 : index
    %swap3A_100 = tpu.vector_load %arg7[%swap3A_98, %swap3A_99] {strides = array<i32>} : memref<8x128xf32, #tpu.memory_space<vmem>>, vector<1x16xf32>,
    %swap3A_101 = vector.shape_cast %swap3A_100 : vector<1x16xf32> to vector<16xf32>
    %swap3A_102 = vector.shape_cast %broadcast_in_dim3A_96 : vector<16xf32> to vector<1x16xf32>
    tpu.vector_store %arg7[%swap3A_98, %swap3A_99], %swap3A_102 {strides = array<i32>} : memref<8x128xf32, #tpu.memory_space<vmem>>, vector<1x16xf32>,
    %broadcast_in_dim3A_103 = arith.constant 0.000000e+00 : f32
    %broadcast_in_dim3A_104 = vector.broadcast %broadcast_in_dim3A_103 : f32 to vector<16xf32>
    %swap3A_105 = arith.constant 1 : i32
    %swap3A_106 = arith.index_cast %swap3A_105 : i32 to index
    %swap3A_107 = arith.constant 80 : index
    %swap3A_108 = tpu.vector_load %arg7[%swap3A_106, %swap3A_107] {strides = array<i32>} : memref<8x128xf32, #tpu.memory_space<vmem>>, vector<1x16xf32>,
    %swap3A_109 = vector.shape_cast %swap3A_108 : vector<1x16xf32> to vector<16xf32>
    %swap3A_110 = vector.shape_cast %broadcast_in_dim3A_104 : vector<16xf32> to vector<1x16xf32>
    tpu.vector_store %arg7[%swap3A_106, %swap3A_107], %swap3A_110 {strides = array<i32>} : memref<8x128xf32, #tpu.memory_space<vmem>>, vector<1x16xf32>,
    %broadcast_in_dim3A_111 = arith.constant 0.000000e+00 : f32
    %broadcast_in_dim3A_112 = vector.broadcast %broadcast_in_dim3A_111 : f32 to vector<16xf32>
    %swap3A_113 = arith.constant 1 : i32
    %swap3A_114 = arith.index_cast %swap3A_113 : i32 to index
    %swap3A_115 = arith.constant 96 : index
    %swap3A_116 = tpu.vector_load %arg7[%swap3A_114, %swap3A_115] {strides = array<i32>} : memref<8x128xf32, #tpu.memory_space<vmem>>, vector<1x16xf32>,
    %swap3A_117 = vector.shape_cast %swap3A_116 : vector<1x16xf32> to vector<16xf32>
    %swap3A_118 = vector.shape_cast %broadcast_in_dim3A_112 : vector<16xf32> to vector<1x16xf32>
    tpu.vector_store %arg7[%swap3A_114, %swap3A_115], %swap3A_118 {strides = array<i32>} : memref<8x128xf32, #tpu.memory_space<vmem>>, vector<1x16xf32>,
    %broadcast_in_dim3A_119 = arith.constant 0.000000e+00 : f32
    %broadcast_in_dim3A_120 = vector.broadcast %broadcast_in_dim3A_119 : f32 to vector<16xf32>
    %swap3A_121 = arith.constant 1 : i32
    %swap3A_122 = arith.index_cast %swap3A_121 : i32 to index
    %swap3A_123 = arith.constant 112 : index
    %swap3A_124 = tpu.vector_load %arg7[%swap3A_122, %swap3A_123] {strides = array<i32>} : memref<8x128xf32, #tpu.memory_space<vmem>>, vector<1x16xf32>,
    %swap3A_125 = vector.shape_cast %swap3A_124 : vector<1x16xf32> to vector<16xf32>
    %swap3A_126 = vector.shape_cast %broadcast_in_dim3A_120 : vector<16xf32> to vector<1x16xf32>
    tpu.vector_store %arg7[%swap3A_122, %swap3A_123], %swap3A_126 {strides = array<i32>} : memref<8x128xf32, #tpu.memory_space<vmem>>, vector<1x16xf32>,
    %broadcast_in_dim3A_127 = arith.constant 0.000000e+00 : f32
    %broadcast_in_dim3A_128 = vector.broadcast %broadcast_in_dim3A_127 : f32 to vector<16xf32>
    %swap3A_129 = arith.constant 2 : i32
    %swap3A_130 = arith.index_cast %swap3A_129 : i32 to index
    %swap3A_131 = arith.constant 0 : index
    %swap3A_132 = tpu.vector_load %arg7[%swap3A_130, %swap3A_131] {strides = array<i32>} : memref<8x128xf32, #tpu.memory_space<vmem>>, vector<1x16xf32>,
    %swap3A_133 = vector.shape_cast %swap3A_132 : vector<1x16xf32> to vector<16xf32>
    %swap3A_134 = vector.shape_cast %broadcast_in_dim3A_128 : vector<16xf32> to vector<1x16xf32>
    tpu.vector_store %arg7[%swap3A_130, %swap3A_131], %swap3A_134 {strides = array<i32>} : memref<8x128xf32, #tpu.memory_space<vmem>>, vector<1x16xf32>,
    %broadcast_in_dim3A_135 = arith.constant 0.000000e+00 : f32
    %broadcast_in_dim3A_136 = vector.broadcast %broadcast_in_dim3A_135 : f32 to vector<16xf32>
    %swap3A_137 = arith.constant 2 : i32
    %swap3A_138 = arith.index_cast %swap3A_137 : i32 to index
    %swap3A_139 = arith.constant 16 : index
    %swap3A_140 = tpu.vector_load %arg7[%swap3A_138, %swap3A_139] {strides = array<i32>} : memref<8x128xf32, #tpu.memory_space<vmem>>, vector<1x16xf32>,
    %swap3A_141 = vector.shape_cast %swap3A_140 : vector<1x16xf32> to vector<16xf32>
    %swap3A_142 = vector.shape_cast %broadcast_in_dim3A_136 : vector<16xf32> to vector<1x16xf32>
    tpu.vector_store %arg7[%swap3A_138, %swap3A_139], %swap3A_142 {strides = array<i32>} : memref<8x128xf32, #tpu.memory_space<vmem>>, vector<1x16xf32>,
    %broadcast_in_dim3A_143 = arith.constant 0.000000e+00 : f32
    %broadcast_in_dim3A_144 = vector.broadcast %broadcast_in_dim3A_143 : f32 to vector<16xf32>
    %swap3A_145 = arith.constant 2 : i32
    %swap3A_146 = arith.index_cast %swap3A_145 : i32 to index
    %swap3A_147 = arith.constant 32 : index
    %swap3A_148 = tpu.vector_load %arg7[%swap3A_146, %swap3A_147] {strides = array<i32>} : memref<8x128xf32, #tpu.memory_space<vmem>>, vector<1x16xf32>,
    %swap3A_149 = vector.shape_cast %swap3A_148 : vector<1x16xf32> to vector<16xf32>
    %swap3A_150 = vector.shape_cast %broadcast_in_dim3A_144 : vector<16xf32> to vector<1x16xf32>
    tpu.vector_store %arg7[%swap3A_146, %swap3A_147], %swap3A_150 {strides = array<i32>} : memref<8x128xf32, #tpu.memory_space<vmem>>, vector<1x16xf32>,
    %broadcast_in_dim3A_151 = arith.constant 0.000000e+00 : f32
    %broadcast_in_dim3A_152 = vector.broadcast %broadcast_in_dim3A_151 : f32 to vector<16xf32>
    %swap3A_153 = arith.constant 2 : i32
    %swap3A_154 = arith.index_cast %swap3A_153 : i32 to index
    %swap3A_155 = arith.constant 48 : index
    %swap3A_156 = tpu.vector_load %arg7[%swap3A_154, %swap3A_155] {strides = array<i32>} : memref<8x128xf32, #tpu.memory_space<vmem>>, vector<1x16xf32>,
    %swap3A_157 = vector.shape_cast %swap3A_156 : vector<1x16xf32> to vector<16xf32>
    %swap3A_158 = vector.shape_cast %broadcast_in_dim3A_152 : vector<16xf32> to vector<1x16xf32>
    tpu.vector_store %arg7[%swap3A_154, %swap3A_155], %swap3A_158 {strides = array<i32>} : memref<8x128xf32, #tpu.memory_space<vmem>>, vector<1x16xf32>,
    %broadcast_in_dim3A_159 = arith.constant 0.000000e+00 : f32
    %broadcast_in_dim3A_160 = vector.broadcast %broadcast_in_dim3A_159 : f32 to vector<16xf32>
    %swap3A_161 = arith.constant 2 : i32
    %swap3A_162 = arith.index_cast %swap3A_161 : i32 to index
    %swap3A_163 = arith.constant 64 : index
    %swap3A_164 = tpu.vector_load %arg7[%swap3A_162, %swap3A_163] {strides = array<i32>} : memref<8x128xf32, #tpu.memory_space<vmem>>, vector<1x16xf32>,
    %swap3A_165 = vector.shape_cast %swap3A_164 : vector<1x16xf32> to vector<16xf32>
    %swap3A_166 = vector.shape_cast %broadcast_in_dim3A_160 : vector<16xf32> to vector<1x16xf32>
    tpu.vector_store %arg7[%swap3A_162, %swap3A_163], %swap3A_166 {strides = array<i32>} : memref<8x128xf32, #tpu.memory_space<vmem>>, vector<1x16xf32>,
    %broadcast_in_dim3A_167 = arith.constant 0.000000e+00 : f32
    %broadcast_in_dim3A_168 = vector.broadcast %broadcast_in_dim3A_167 : f32 to vector<16xf32>
    %swap3A_169 = arith.constant 2 : i32
    %swap3A_170 = arith.index_cast %swap3A_169 : i32 to index
    %swap3A_171 = arith.constant 80 : index
    %swap3A_172 = tpu.vector_load %arg7[%swap3A_170, %swap3A_171] {strides = array<i32>} : memref<8x128xf32, #tpu.memory_space<vmem>>, vector<1x16xf32>,
    %swap3A_173 = vector.shape_cast %swap3A_172 : vector<1x16xf32> to vector<16xf32>
    %swap3A_174 = vector.shape_cast %broadcast_in_dim3A_168 : vector<16xf32> to vector<1x16xf32>
    tpu.vector_store %arg7[%swap3A_170, %swap3A_171], %swap3A_174 {strides = array<i32>} : memref<8x128xf32, #tpu.memory_space<vmem>>, vector<1x16xf32>,
    %broadcast_in_dim3A_175 = arith.constant 0.000000e+00 : f32
    %broadcast_in_dim3A_176 = vector.broadcast %broadcast_in_dim3A_175 : f32 to vector<16xf32>
    %swap3A_177 = arith.constant 2 : i32
    %swap3A_178 = arith.index_cast %swap3A_177 : i32 to index
    %swap3A_179 = arith.constant 96 : index
    %swap3A_180 = tpu.vector_load %arg7[%swap3A_178, %swap3A_179] {strides = array<i32>} : memref<8x128xf32, #tpu.memory_space<vmem>>, vector<1x16xf32>,
    %swap3A_181 = vector.shape_cast %swap3A_180 : vector<1x16xf32> to vector<16xf32>
    %swap3A_182 = vector.shape_cast %broadcast_in_dim3A_176 : vector<16xf32> to vector<1x16xf32>
    tpu.vector_store %arg7[%swap3A_178, %swap3A_179], %swap3A_182 {strides = array<i32>} : memref<8x128xf32, #tpu.memory_space<vmem>>, vector<1x16xf32>,
    %broadcast_in_dim3A_183 = arith.constant 0.000000e+00 : f32
    %broadcast_in_dim3A_184 = vector.broadcast %broadcast_in_dim3A_183 : f32 to vector<16xf32>
    %swap3A_185 = arith.constant 2 : i32
    %swap3A_186 = arith.index_cast %swap3A_185 : i32 to index
    %swap3A_187 = arith.constant 112 : index
    %swap3A_188 = tpu.vector_load %arg7[%swap3A_186, %swap3A_187] {strides = array<i32>} : memref<8x128xf32, #tpu.memory_space<vmem>>, vector<1x16xf32>,
    %swap3A_189 = vector.shape_cast %swap3A_188 : vector<1x16xf32> to vector<16xf32>
    %swap3A_190 = vector.shape_cast %broadcast_in_dim3A_184 : vector<16xf32> to vector<1x16xf32>
    tpu.vector_store %arg7[%swap3A_186, %swap3A_187], %swap3A_190 {strides = array<i32>} : memref<8x128xf32, #tpu.memory_space<vmem>>, vector<1x16xf32>,
    %broadcast_in_dim3A_191 = arith.constant 0.000000e+00 : f32
    %broadcast_in_dim3A_192 = vector.broadcast %broadcast_in_dim3A_191 : f32 to vector<16xf32>
    %swap3A_193 = arith.constant 3 : i32
    %swap3A_194 = arith.index_cast %swap3A_193 : i32 to index
    %swap3A_195 = arith.constant 0 : index
    %swap3A_196 = tpu.vector_load %arg7[%swap3A_194, %swap3A_195] {strides = array<i32>} : memref<8x128xf32, #tpu.memory_space<vmem>>, vector<1x16xf32>,
    %swap3A_197 = vector.shape_cast %swap3A_196 : vector<1x16xf32> to vector<16xf32>
    %swap3A_198 = vector.shape_cast %broadcast_in_dim3A_192 : vector<16xf32> to vector<1x16xf32>
    tpu.vector_store %arg7[%swap3A_194, %swap3A_195], %swap3A_198 {strides = array<i32>} : memref<8x128xf32, #tpu.memory_space<vmem>>, vector<1x16xf32>,
    %broadcast_in_dim3A_199 = arith.constant 0.000000e+00 : f32
    %broadcast_in_dim3A_200 = vector.broadcast %broadcast_in_dim3A_199 : f32 to vector<16xf32>
    %swap3A_201 = arith.constant 3 : i32
    %swap3A_202 = arith.index_cast %swap3A_201 : i32 to index
    %swap3A_203 = arith.constant 16 : index
    %swap3A_204 = tpu.vector_load %arg7[%swap3A_202, %swap3A_203] {strides = array<i32>} : memref<8x128xf32, #tpu.memory_space<vmem>>, vector<1x16xf32>,
    %swap3A_205 = vector.shape_cast %swap3A_204 : vector<1x16xf32> to vector<16xf32>
    %swap3A_206 = vector.shape_cast %broadcast_in_dim3A_200 : vector<16xf32> to vector<1x16xf32>
    tpu.vector_store %arg7[%swap3A_202, %swap3A_203], %swap3A_206 {strides = array<i32>} : memref<8x128xf32, #tpu.memory_space<vmem>>, vector<1x16xf32>,
    %broadcast_in_dim3A_207 = arith.constant 0.000000e+00 : f32
    %broadcast_in_dim3A_208 = vector.broadcast %broadcast_in_dim3A_207 : f32 to vector<16xf32>
    %swap3A_209 = arith.constant 3 : i32
    %swap3A_210 = arith.index_cast %swap3A_209 : i32 to index
    %swap3A_211 = arith.constant 32 : index
    %swap3A_212 = tpu.vector_load %arg7[%swap3A_210, %swap3A_211] {strides = array<i32>} : memref<8x128xf32, #tpu.memory_space<vmem>>, vector<1x16xf32>,
    %swap3A_213 = vector.shape_cast %swap3A_212 : vector<1x16xf32> to vector<16xf32>
    %swap3A_214 = vector.shape_cast %broadcast_in_dim3A_208 : vector<16xf32> to vector<1x16xf32>
    tpu.vector_store %arg7[%swap3A_210, %swap3A_211], %swap3A_214 {strides = array<i32>} : memref<8x128xf32, #tpu.memory_space<vmem>>, vector<1x16xf32>,
    %broadcast_in_dim3A_215 = arith.constant 0.000000e+00 : f32
    %broadcast_in_dim3A_216 = vector.broadcast %broadcast_in_dim3A_215 : f32 to vector<16xf32>
    %swap3A_217 = arith.constant 3 : i32
    %swap3A_218 = arith.index_cast %swap3A_217 : i32 to index
    %swap3A_219 = arith.constant 48 : index
    %swap3A_220 = tpu.vector_load %arg7[%swap3A_218, %swap3A_219] {strides = array<i32>} : memref<8x128xf32, #tpu.memory_space<vmem>>, vector<1x16xf32>,
    %swap3A_221 = vector.shape_cast %swap3A_220 : vector<1x16xf32> to vector<16xf32>
    %swap3A_222 = vector.shape_cast %broadcast_in_dim3A_216 : vector<16xf32> to vector<1x16xf32>
    tpu.vector_store %arg7[%swap3A_218, %swap3A_219], %swap3A_222 {strides = array<i32>} : memref<8x128xf32, #tpu.memory_space<vmem>>, vector<1x16xf32>,
    %broadcast_in_dim3A_223 = arith.constant 0.000000e+00 : f32
    %broadcast_in_dim3A_224 = vector.broadcast %broadcast_in_dim3A_223 : f32 to vector<16xf32>
    %swap3A_225 = arith.constant 3 : i32
    %swap3A_226 = arith.index_cast %swap3A_225 : i32 to index
    %swap3A_227 = arith.constant 64 : index
    %swap3A_228 = tpu.vector_load %arg7[%swap3A_226, %swap3A_227] {strides = array<i32>} : memref<8x128xf32, #tpu.memory_space<vmem>>, vector<1x16xf32>,
    %swap3A_229 = vector.shape_cast %swap3A_228 : vector<1x16xf32> to vector<16xf32>
    %swap3A_230 = vector.shape_cast %broadcast_in_dim3A_224 : vector<16xf32> to vector<1x16xf32>
    tpu.vector_store %arg7[%swap3A_226, %swap3A_227], %swap3A_230 {strides = array<i32>} : memref<8x128xf32, #tpu.memory_space<vmem>>, vector<1x16xf32>,
    %broadcast_in_dim3A_231 = arith.constant 0.000000e+00 : f32
    %broadcast_in_dim3A_232 = vector.broadcast %broadcast_in_dim3A_231 : f32 to vector<16xf32>
    %swap3A_233 = arith.constant 3 : i32
    %swap3A_234 = arith.index_cast %swap3A_233 : i32 to index
    %swap3A_235 = arith.constant 80 : index
    %swap3A_236 = tpu.vector_load %arg7[%swap3A_234, %swap3A_235] {strides = array<i32>} : memref<8x128xf32, #tpu.memory_space<vmem>>, vector<1x16xf32>,
    %swap3A_237 = vector.shape_cast %swap3A_236 : vector<1x16xf32> to vector<16xf32>
    %swap3A_238 = vector.shape_cast %broadcast_in_dim3A_232 : vector<16xf32> to vector<1x16xf32>
    tpu.vector_store %arg7[%swap3A_234, %swap3A_235], %swap3A_238 {strides = array<i32>} : memref<8x128xf32, #tpu.memory_space<vmem>>, vector<1x16xf32>,
    %broadcast_in_dim3A_239 = arith.constant 0.000000e+00 : f32
    %broadcast_in_dim3A_240 = vector.broadcast %broadcast_in_dim3A_239 : f32 to vector<16xf32>
    %swap3A_241 = arith.constant 3 : i32
    %swap3A_242 = arith.index_cast %swap3A_241 : i32 to index
    %swap3A_243 = arith.constant 96 : index
    %swap3A_244 = tpu.vector_load %arg7[%swap3A_242, %swap3A_243] {strides = array<i32>} : memref<8x128xf32, #tpu.memory_space<vmem>>, vector<1x16xf32>,
    %swap3A_245 = vector.shape_cast %swap3A_244 : vector<1x16xf32> to vector<16xf32>
    %swap3A_246 = vector.shape_cast %broadcast_in_dim3A_240 : vector<16xf32> to vector<1x16xf32>
    tpu.vector_store %arg7[%swap3A_242, %swap3A_243], %swap3A_246 {strides = array<i32>} : memref<8x128xf32, #tpu.memory_space<vmem>>, vector<1x16xf32>,
    %broadcast_in_dim3A_247 = arith.constant 0.000000e+00 : f32
    %broadcast_in_dim3A_248 = vector.broadcast %broadcast_in_dim3A_247 : f32 to vector<16xf32>
    %swap3A_249 = arith.constant 3 : i32
    %swap3A_250 = arith.index_cast %swap3A_249 : i32 to index
    %swap3A_251 = arith.constant 112 : index
    %swap3A_252 = tpu.vector_load %arg7[%swap3A_250, %swap3A_251] {strides = array<i32>} : memref<8x128xf32, #tpu.memory_space<vmem>>, vector<1x16xf32>,
    %swap3A_253 = vector.shape_cast %swap3A_252 : vector<1x16xf32> to vector<16xf32>
    %swap3A_254 = vector.shape_cast %broadcast_in_dim3A_248 : vector<16xf32> to vector<1x16xf32>
    tpu.vector_store %arg7[%swap3A_250, %swap3A_251], %swap3A_254 {strides = array<i32>} : memref<8x128xf32, #tpu.memory_space<vmem>>, vector<1x16xf32>,
    %broadcast_in_dim3A_255 = arith.constant 0.000000e+00 : f32
    %broadcast_in_dim3A_256 = vector.broadcast %broadcast_in_dim3A_255 : f32 to vector<16xf32>
    %swap3A_257 = arith.constant 4 : i32
    %swap3A_258 = arith.index_cast %swap3A_257 : i32 to index
    %swap3A_259 = arith.constant 0 : index
    %swap3A_260 = tpu.vector_load %arg7[%swap3A_258, %swap3A_259] {strides = array<i32>} : memref<8x128xf32, #tpu.memory_space<vmem>>, vector<1x16xf32>,
    %swap3A_261 = vector.shape_cast %swap3A_260 : vector<1x16xf32> to vector<16xf32>
    %swap3A_262 = vector.shape_cast %broadcast_in_dim3A_256 : vector<16xf32> to vector<1x16xf32>
    tpu.vector_store %arg7[%swap3A_258, %swap3A_259], %swap3A_262 {strides = array<i32>} : memref<8x128xf32, #tpu.memory_space<vmem>>, vector<1x16xf32>,
    %broadcast_in_dim3A_263 = arith.constant 0.000000e+00 : f32
    %broadcast_in_dim3A_264 = vector.broadcast %broadcast_in_dim3A_263 : f32 to vector<16xf32>
    %swap3A_265 = arith.constant 4 : i32
    %swap3A_266 = arith.index_cast %swap3A_265 : i32 to index
    %swap3A_267 = arith.constant 16 : index
    %swap3A_268 = tpu.vector_load %arg7[%swap3A_266, %swap3A_267] {strides = array<i32>} : memref<8x128xf32, #tpu.memory_space<vmem>>, vector<1x16xf32>,
    %swap3A_269 = vector.shape_cast %swap3A_268 : vector<1x16xf32> to vector<16xf32>
    %swap3A_270 = vector.shape_cast %broadcast_in_dim3A_264 : vector<16xf32> to vector<1x16xf32>
    tpu.vector_store %arg7[%swap3A_266, %swap3A_267], %swap3A_270 {strides = array<i32>} : memref<8x128xf32, #tpu.memory_space<vmem>>, vector<1x16xf32>,
    %broadcast_in_dim3A_271 = arith.constant 0.000000e+00 : f32
    %broadcast_in_dim3A_272 = vector.broadcast %broadcast_in_dim3A_271 : f32 to vector<16xf32>
    %swap3A_273 = arith.constant 4 : i32
    %swap3A_274 = arith.index_cast %swap3A_273 : i32 to index
    %swap3A_275 = arith.constant 32 : index
    %swap3A_276 = tpu.vector_load %arg7[%swap3A_274, %swap3A_275] {strides = array<i32>} : memref<8x128xf32, #tpu.memory_space<vmem>>, vector<1x16xf32>,
    %swap3A_277 = vector.shape_cast %swap3A_276 : vector<1x16xf32> to vector<16xf32>
    %swap3A_278 = vector.shape_cast %broadcast_in_dim3A_272 : vector<16xf32> to vector<1x16xf32>
    tpu.vector_store %arg7[%swap3A_274, %swap3A_275], %swap3A_278 {strides = array<i32>} : memref<8x128xf32, #tpu.memory_space<vmem>>, vector<1x16xf32>,
    %broadcast_in_dim3A_279 = arith.constant 0.000000e+00 : f32
    %broadcast_in_dim3A_280 = vector.broadcast %broadcast_in_dim3A_279 : f32 to vector<16xf32>
    %swap3A_281 = arith.constant 4 : i32
    %swap3A_282 = arith.index_cast %swap3A_281 : i32 to index
    %swap3A_283 = arith.constant 48 : index
    %swap3A_284 = tpu.vector_load %arg7[%swap3A_282, %swap3A_283] {strides = array<i32>} : memref<8x128xf32, #tpu.memory_space<vmem>>, vector<1x16xf32>,
    %swap3A_285 = vector.shape_cast %swap3A_284 : vector<1x16xf32> to vector<16xf32>
    %swap3A_286 = vector.shape_cast %broadcast_in_dim3A_280 : vector<16xf32> to vector<1x16xf32>
    tpu.vector_store %arg7[%swap3A_282, %swap3A_283], %swap3A_286 {strides = array<i32>} : memref<8x128xf32, #tpu.memory_space<vmem>>, vector<1x16xf32>,
    %broadcast_in_dim3A_287 = arith.constant 0.000000e+00 : f32
    %broadcast_in_dim3A_288 = vector.broadcast %broadcast_in_dim3A_287 : f32 to vector<16xf32>
    %swap3A_289 = arith.constant 4 : i32
    %swap3A_290 = arith.index_cast %swap3A_289 : i32 to index
    %swap3A_291 = arith.constant 64 : index
    %swap3A_292 = tpu.vector_load %arg7[%swap3A_290, %swap3A_291] {strides = array<i32>} : memref<8x128xf32, #tpu.memory_space<vmem>>, vector<1x16xf32>,
    %swap3A_293 = vector.shape_cast %swap3A_292 : vector<1x16xf32> to vector<16xf32>
    %swap3A_294 = vector.shape_cast %broadcast_in_dim3A_288 : vector<16xf32> to vector<1x16xf32>
    tpu.vector_store %arg7[%swap3A_290, %swap3A_291], %swap3A_294 {strides = array<i32>} : memref<8x128xf32, #tpu.memory_space<vmem>>, vector<1x16xf32>,
    %broadcast_in_dim3A_295 = arith.constant 0.000000e+00 : f32
    %broadcast_in_dim3A_296 = vector.broadcast %broadcast_in_dim3A_295 : f32 to vector<16xf32>
    %swap3A_297 = arith.constant 4 : i32
    %swap3A_298 = arith.index_cast %swap3A_297 : i32 to index
    %swap3A_299 = arith.constant 80 : index
    %swap3A_300 = tpu.vector_load %arg7[%swap3A_298, %swap3A_299] {strides = array<i32>} : memref<8x128xf32, #tpu.memory_space<vmem>>, vector<1x16xf32>,
    %swap3A_301 = vector.shape_cast %swap3A_300 : vector<1x16xf32> to vector<16xf32>
    %swap3A_302 = vector.shape_cast %broadcast_in_dim3A_296 : vector<16xf32> to vector<1x16xf32>
    tpu.vector_store %arg7[%swap3A_298, %swap3A_299], %swap3A_302 {strides = array<i32>} : memref<8x128xf32, #tpu.memory_space<vmem>>, vector<1x16xf32>,
    %broadcast_in_dim3A_303 = arith.constant 0.000000e+00 : f32
    %broadcast_in_dim3A_304 = vector.broadcast %broadcast_in_dim3A_303 : f32 to vector<16xf32>
    %swap3A_305 = arith.constant 4 : i32
    %swap3A_306 = arith.index_cast %swap3A_305 : i32 to index
    %swap3A_307 = arith.constant 96 : index
    %swap3A_308 = tpu.vector_load %arg7[%swap3A_306, %swap3A_307] {strides = array<i32>} : memref<8x128xf32, #tpu.memory_space<vmem>>, vector<1x16xf32>,
    %swap3A_309 = vector.shape_cast %swap3A_308 : vector<1x16xf32> to vector<16xf32>
    %swap3A_310 = vector.shape_cast %broadcast_in_dim3A_304 : vector<16xf32> to vector<1x16xf32>
    tpu.vector_store %arg7[%swap3A_306, %swap3A_307], %swap3A_310 {strides = array<i32>} : memref<8x128xf32, #tpu.memory_space<vmem>>, vector<1x16xf32>,
    %broadcast_in_dim3A_311 = arith.constant 0.000000e+00 : f32
    %broadcast_in_dim3A_312 = vector.broadcast %broadcast_in_dim3A_311 : f32 to vector<16xf32>
    %swap3A_313 = arith.constant 4 : i32
    %swap3A_314 = arith.index_cast %swap3A_313 : i32 to index
    %swap3A_315 = arith.constant 112 : index
    %swap3A_316 = tpu.vector_load %arg7[%swap3A_314, %swap3A_315] {strides = array<i32>} : memref<8x128xf32, #tpu.memory_space<vmem>>, vector<1x16xf32>,
    %swap3A_317 = vector.shape_cast %swap3A_316 : vector<1x16xf32> to vector<16xf32>
    %swap3A_318 = vector.shape_cast %broadcast_in_dim3A_312 : vector<16xf32> to vector<1x16xf32>
    tpu.vector_store %arg7[%swap3A_314, %swap3A_315], %swap3A_318 {strides = array<i32>} : memref<8x128xf32, #tpu.memory_space<vmem>>, vector<1x16xf32>,
    %broadcast_in_dim3A_319 = arith.constant 0.000000e+00 : f32
    %broadcast_in_dim3A_320 = vector.broadcast %broadcast_in_dim3A_319 : f32 to vector<16xf32>
    %swap3A_321 = arith.constant 5 : i32
    %swap3A_322 = arith.index_cast %swap3A_321 : i32 to index
    %swap3A_323 = arith.constant 0 : index
    %swap3A_324 = tpu.vector_load %arg7[%swap3A_322, %swap3A_323] {strides = array<i32>} : memref<8x128xf32, #tpu.memory_space<vmem>>, vector<1x16xf32>,
    %swap3A_325 = vector.shape_cast %swap3A_324 : vector<1x16xf32> to vector<16xf32>
    %swap3A_326 = vector.shape_cast %broadcast_in_dim3A_320 : vector<16xf32> to vector<1x16xf32>
    tpu.vector_store %arg7[%swap3A_322, %swap3A_323], %swap3A_326 {strides = array<i32>} : memref<8x128xf32, #tpu.memory_space<vmem>>, vector<1x16xf32>,
    %broadcast_in_dim3A_327 = arith.constant 0.000000e+00 : f32
    %broadcast_in_dim3A_328 = vector.broadcast %broadcast_in_dim3A_327 : f32 to vector<16xf32>
    %swap3A_329 = arith.constant 5 : i32
    %swap3A_330 = arith.index_cast %swap3A_329 : i32 to index
    %swap3A_331 = arith.constant 16 : index
    %swap3A_332 = tpu.vector_load %arg7[%swap3A_330, %swap3A_331] {strides = array<i32>} : memref<8x128xf32, #tpu.memory_space<vmem>>, vector<1x16xf32>,
    %swap3A_333 = vector.shape_cast %swap3A_332 : vector<1x16xf32> to vector<16xf32>
    %swap3A_334 = vector.shape_cast %broadcast_in_dim3A_328 : vector<16xf32> to vector<1x16xf32>
    tpu.vector_store %arg7[%swap3A_330, %swap3A_331], %swap3A_334 {strides = array<i32>} : memref<8x128xf32, #tpu.memory_space<vmem>>, vector<1x16xf32>,
    %broadcast_in_dim3A_335 = arith.constant 0.000000e+00 : f32
    %broadcast_in_dim3A_336 = vector.broadcast %broadcast_in_dim3A_335 : f32 to vector<16xf32>
    %swap3A_337 = arith.constant 5 : i32
    %swap3A_338 = arith.index_cast %swap3A_337 : i32 to index
    %swap3A_339 = arith.constant 32 : index
    %swap3A_340 = tpu.vector_load %arg7[%swap3A_338, %swap3A_339] {strides = array<i32>} : memref<8x128xf32, #tpu.memory_space<vmem>>, vector<1x16xf32>,
    %swap3A_341 = vector.shape_cast %swap3A_340 : vector<1x16xf32> to vector<16xf32>
    %swap3A_342 = vector.shape_cast %broadcast_in_dim3A_336 : vector<16xf32> to vector<1x16xf32>
    tpu.vector_store %arg7[%swap3A_338, %swap3A_339], %swap3A_342 {strides = array<i32>} : memref<8x128xf32, #tpu.memory_space<vmem>>, vector<1x16xf32>,
    %broadcast_in_dim3A_343 = arith.constant 0.000000e+00 : f32
    %broadcast_in_dim3A_344 = vector.broadcast %broadcast_in_dim3A_343 : f32 to vector<16xf32>
    %swap3A_345 = arith.constant 5 : i32
    %swap3A_346 = arith.index_cast %swap3A_345 : i32 to index
    %swap3A_347 = arith.constant 48 : index
    %swap3A_348 = tpu.vector_load %arg7[%swap3A_346, %swap3A_347] {strides = array<i32>} : memref<8x128xf32, #tpu.memory_space<vmem>>, vector<1x16xf32>,
    %swap3A_349 = vector.shape_cast %swap3A_348 : vector<1x16xf32> to vector<16xf32>
    %swap3A_350 = vector.shape_cast %broadcast_in_dim3A_344 : vector<16xf32> to vector<1x16xf32>
    tpu.vector_store %arg7[%swap3A_346, %swap3A_347], %swap3A_350 {strides = array<i32>} : memref<8x128xf32, #tpu.memory_space<vmem>>, vector<1x16xf32>,
    %broadcast_in_dim3A_351 = arith.constant 0.000000e+00 : f32
    %broadcast_in_dim3A_352 = vector.broadcast %broadcast_in_dim3A_351 : f32 to vector<16xf32>
    %swap3A_353 = arith.constant 5 : i32
    %swap3A_354 = arith.index_cast %swap3A_353 : i32 to index
    %swap3A_355 = arith.constant 64 : index
    %swap3A_356 = tpu.vector_load %arg7[%swap3A_354, %swap3A_355] {strides = array<i32>} : memref<8x128xf32, #tpu.memory_space<vmem>>, vector<1x16xf32>,
    %swap3A_357 = vector.shape_cast %swap3A_356 : vector<1x16xf32> to vector<16xf32>
    %swap3A_358 = vector.shape_cast %broadcast_in_dim3A_352 : vector<16xf32> to vector<1x16xf32>
    tpu.vector_store %arg7[%swap3A_354, %swap3A_355], %swap3A_358 {strides = array<i32>} : memref<8x128xf32, #tpu.memory_space<vmem>>, vector<1x16xf32>,
    %broadcast_in_dim3A_359 = arith.constant 0.000000e+00 : f32
    %broadcast_in_dim3A_360 = vector.broadcast %broadcast_in_dim3A_359 : f32 to vector<16xf32>
    %swap3A_361 = arith.constant 5 : i32
    %swap3A_362 = arith.index_cast %swap3A_361 : i32 to index
    %swap3A_363 = arith.constant 80 : index
    %swap3A_364 = tpu.vector_load %arg7[%swap3A_362, %swap3A_363] {strides = array<i32>} : memref<8x128xf32, #tpu.memory_space<vmem>>, vector<1x16xf32>,
    %swap3A_365 = vector.shape_cast %swap3A_364 : vector<1x16xf32> to vector<16xf32>
    %swap3A_366 = vector.shape_cast %broadcast_in_dim3A_360 : vector<16xf32> to vector<1x16xf32>
    tpu.vector_store %arg7[%swap3A_362, %swap3A_363], %swap3A_366 {strides = array<i32>} : memref<8x128xf32, #tpu.memory_space<vmem>>, vector<1x16xf32>,
    %broadcast_in_dim3A_367 = arith.constant 0.000000e+00 : f32
    %broadcast_in_dim3A_368 = vector.broadcast %broadcast_in_dim3A_367 : f32 to vector<16xf32>
    %swap3A_369 = arith.constant 5 : i32
    %swap3A_370 = arith.index_cast %swap3A_369 : i32 to index
    %swap3A_371 = arith.constant 96 : index
    %swap3A_372 = tpu.vector_load %arg7[%swap3A_370, %swap3A_371] {strides = array<i32>} : memref<8x128xf32, #tpu.memory_space<vmem>>, vector<1x16xf32>,
    %swap3A_373 = vector.shape_cast %swap3A_372 : vector<1x16xf32> to vector<16xf32>
    %swap3A_374 = vector.shape_cast %broadcast_in_dim3A_368 : vector<16xf32> to vector<1x16xf32>
    tpu.vector_store %arg7[%swap3A_370, %swap3A_371], %swap3A_374 {strides = array<i32>} : memref<8x128xf32, #tpu.memory_space<vmem>>, vector<1x16xf32>,
    %broadcast_in_dim3A_375 = arith.constant 0.000000e+00 : f32
    %broadcast_in_dim3A_376 = vector.broadcast %broadcast_in_dim3A_375 : f32 to vector<16xf32>
    %swap3A_377 = arith.constant 5 : i32
    %swap3A_378 = arith.index_cast %swap3A_377 : i32 to index
    %swap3A_379 = arith.constant 112 : index
    %swap3A_380 = tpu.vector_load %arg7[%swap3A_378, %swap3A_379] {strides = array<i32>} : memref<8x128xf32, #tpu.memory_space<vmem>>, vector<1x16xf32>,
    %swap3A_381 = vector.shape_cast %swap3A_380 : vector<1x16xf32> to vector<16xf32>
    %swap3A_382 = vector.shape_cast %broadcast_in_dim3A_376 : vector<16xf32> to vector<1x16xf32>
    tpu.vector_store %arg7[%swap3A_378, %swap3A_379], %swap3A_382 {strides = array<i32>} : memref<8x128xf32, #tpu.memory_space<vmem>>, vector<1x16xf32>,
    %broadcast_in_dim3A_383 = arith.constant 0.000000e+00 : f32
    %broadcast_in_dim3A_384 = vector.broadcast %broadcast_in_dim3A_383 : f32 to vector<16xf32>
    %swap3A_385 = arith.constant 6 : i32
    %swap3A_386 = arith.index_cast %swap3A_385 : i32 to index
    %swap3A_387 = arith.constant 0 : index
    %swap3A_388 = tpu.vector_load %arg7[%swap3A_386, %swap3A_387] {strides = array<i32>} : memref<8x128xf32, #tpu.memory_space<vmem>>, vector<1x16xf32>,
    %swap3A_389 = vector.shape_cast %swap3A_388 : vector<1x16xf32> to vector<16xf32>
    %swap3A_390 = vector.shape_cast %broadcast_in_dim3A_384 : vector<16xf32> to vector<1x16xf32>
    tpu.vector_store %arg7[%swap3A_386, %swap3A_387], %swap3A_390 {strides = array<i32>} : memref<8x128xf32, #tpu.memory_space<vmem>>, vector<1x16xf32>,
    %broadcast_in_dim3A_391 = arith.constant 0.000000e+00 : f32
    %broadcast_in_dim3A_392 = vector.broadcast %broadcast_in_dim3A_391 : f32 to vector<16xf32>
    %swap3A_393 = arith.constant 6 : i32
    %swap3A_394 = arith.index_cast %swap3A_393 : i32 to index
    %swap3A_395 = arith.constant 16 : index
    %swap3A_396 = tpu.vector_load %arg7[%swap3A_394, %swap3A_395] {strides = array<i32>} : memref<8x128xf32, #tpu.memory_space<vmem>>, vector<1x16xf32>,
    %swap3A_397 = vector.shape_cast %swap3A_396 : vector<1x16xf32> to vector<16xf32>
    %swap3A_398 = vector.shape_cast %broadcast_in_dim3A_392 : vector<16xf32> to vector<1x16xf32>
    tpu.vector_store %arg7[%swap3A_394, %swap3A_395], %swap3A_398 {strides = array<i32>} : memref<8x128xf32, #tpu.memory_space<vmem>>, vector<1x16xf32>,
    %broadcast_in_dim3A_399 = arith.constant 0.000000e+00 : f32
    %broadcast_in_dim3A_400 = vector.broadcast %broadcast_in_dim3A_399 : f32 to vector<16xf32>
    %swap3A_401 = arith.constant 6 : i32
    %swap3A_402 = arith.index_cast %swap3A_401 : i32 to index
    %swap3A_403 = arith.constant 32 : index
    %swap3A_404 = tpu.vector_load %arg7[%swap3A_402, %swap3A_403] {strides = array<i32>} : memref<8x128xf32, #tpu.memory_space<vmem>>, vector<1x16xf32>,
    %swap3A_405 = vector.shape_cast %swap3A_404 : vector<1x16xf32> to vector<16xf32>
    %swap3A_406 = vector.shape_cast %broadcast_in_dim3A_400 : vector<16xf32> to vector<1x16xf32>
    tpu.vector_store %arg7[%swap3A_402, %swap3A_403], %swap3A_406 {strides = array<i32>} : memref<8x128xf32, #tpu.memory_space<vmem>>, vector<1x16xf32>,
    %broadcast_in_dim3A_407 = arith.constant 0.000000e+00 : f32
    %broadcast_in_dim3A_408 = vector.broadcast %broadcast_in_dim3A_407 : f32 to vector<16xf32>
    %swap3A_409 = arith.constant 6 : i32
    %swap3A_410 = arith.index_cast %swap3A_409 : i32 to index
    %swap3A_411 = arith.constant 48 : index
    %swap3A_412 = tpu.vector_load %arg7[%swap3A_410, %swap3A_411] {strides = array<i32>} : memref<8x128xf32, #tpu.memory_space<vmem>>, vector<1x16xf32>,
    %swap3A_413 = vector.shape_cast %swap3A_412 : vector<1x16xf32> to vector<16xf32>
    %swap3A_414 = vector.shape_cast %broadcast_in_dim3A_408 : vector<16xf32> to vector<1x16xf32>
    tpu.vector_store %arg7[%swap3A_410, %swap3A_411], %swap3A_414 {strides = array<i32>} : memref<8x128xf32, #tpu.memory_space<vmem>>, vector<1x16xf32>,
    %broadcast_in_dim3A_415 = arith.constant 0.000000e+00 : f32
    %broadcast_in_dim3A_416 = vector.broadcast %broadcast_in_dim3A_415 : f32 to vector<16xf32>
    %swap3A_417 = arith.constant 6 : i32
    %swap3A_418 = arith.index_cast %swap3A_417 : i32 to index
    %swap3A_419 = arith.constant 64 : index
    %swap3A_420 = tpu.vector_load %arg7[%swap3A_418, %swap3A_419] {strides = array<i32>} : memref<8x128xf32, #tpu.memory_space<vmem>>, vector<1x16xf32>,
    %swap3A_421 = vector.shape_cast %swap3A_420 : vector<1x16xf32> to vector<16xf32>
    %swap3A_422 = vector.shape_cast %broadcast_in_dim3A_416 : vector<16xf32> to vector<1x16xf32>
    tpu.vector_store %arg7[%swap3A_418, %swap3A_419], %swap3A_422 {strides = array<i32>} : memref<8x128xf32, #tpu.memory_space<vmem>>, vector<1x16xf32>,
    %broadcast_in_dim3A_423 = arith.constant 0.000000e+00 : f32
    %broadcast_in_dim3A_424 = vector.broadcast %broadcast_in_dim3A_423 : f32 to vector<16xf32>
    %swap3A_425 = arith.constant 6 : i32
    %swap3A_426 = arith.index_cast %swap3A_425 : i32 to index
    %swap3A_427 = arith.constant 80 : index
    %swap3A_428 = tpu.vector_load %arg7[%swap3A_426, %swap3A_427] {strides = array<i32>} : memref<8x128xf32, #tpu.memory_space<vmem>>, vector<1x16xf32>,
    %swap3A_429 = vector.shape_cast %swap3A_428 : vector<1x16xf32> to vector<16xf32>
    %swap3A_430 = vector.shape_cast %broadcast_in_dim3A_424 : vector<16xf32> to vector<1x16xf32>
    tpu.vector_store %arg7[%swap3A_426, %swap3A_427], %swap3A_430 {strides = array<i32>} : memref<8x128xf32, #tpu.memory_space<vmem>>, vector<1x16xf32>,
    %broadcast_in_dim3A_431 = arith.constant 0.000000e+00 : f32
    %broadcast_in_dim3A_432 = vector.broadcast %broadcast_in_dim3A_431 : f32 to vector<16xf32>
    %swap3A_433 = arith.constant 6 : i32
    %swap3A_434 = arith.index_cast %swap3A_433 : i32 to index
    %swap3A_435 = arith.constant 96 : index
    %swap3A_436 = tpu.vector_load %arg7[%swap3A_434, %swap3A_435] {strides = array<i32>} : memref<8x128xf32, #tpu.memory_space<vmem>>, vector<1x16xf32>,
    %swap3A_437 = vector.shape_cast %swap3A_436 : vector<1x16xf32> to vector<16xf32>
    %swap3A_438 = vector.shape_cast %broadcast_in_dim3A_432 : vector<16xf32> to vector<1x16xf32>
    tpu.vector_store %arg7[%swap3A_434, %swap3A_435], %swap3A_438 {strides = array<i32>} : memref<8x128xf32, #tpu.memory_space<vmem>>, vector<1x16xf32>,
    %broadcast_in_dim3A_439 = arith.constant 0.000000e+00 : f32
    %broadcast_in_dim3A_440 = vector.broadcast %broadcast_in_dim3A_439 : f32 to vector<16xf32>
    %swap3A_441 = arith.constant 6 : i32
    %swap3A_442 = arith.index_cast %swap3A_441 : i32 to index
    %swap3A_443 = arith.constant 112 : index
    %swap3A_444 = tpu.vector_load %arg7[%swap3A_442, %swap3A_443] {strides = array<i32>} : memref<8x128xf32, #tpu.memory_space<vmem>>, vector<1x16xf32>,
    %swap3A_445 = vector.shape_cast %swap3A_444 : vector<1x16xf32> to vector<16xf32>
    %swap3A_446 = vector.shape_cast %broadcast_in_dim3A_440 : vector<16xf32> to vector<1x16xf32>
    tpu.vector_store %arg7[%swap3A_442, %swap3A_443], %swap3A_446 {strides = array<i32>} : memref<8x128xf32, #tpu.memory_space<vmem>>, vector<1x16xf32>,
    %broadcast_in_dim3A_447 = arith.constant 0.000000e+00 : f32
    %broadcast_in_dim3A_448 = vector.broadcast %broadcast_in_dim3A_447 : f32 to vector<16xf32>
    %swap3A_449 = arith.constant 7 : i32
    %swap3A_450 = arith.index_cast %swap3A_449 : i32 to index
    %swap3A_451 = arith.constant 0 : index
    %swap3A_452 = tpu.vector_load %arg7[%swap3A_450, %swap3A_451] {strides = array<i32>} : memref<8x128xf32, #tpu.memory_space<vmem>>, vector<1x16xf32>,
    %swap3A_453 = vector.shape_cast %swap3A_452 : vector<1x16xf32> to vector<16xf32>
    %swap3A_454 = vector.shape_cast %broadcast_in_dim3A_448 : vector<16xf32> to vector<1x16xf32>
    tpu.vector_store %arg7[%swap3A_450, %swap3A_451], %swap3A_454 {strides = array<i32>} : memref<8x128xf32, #tpu.memory_space<vmem>>, vector<1x16xf32>,
    %broadcast_in_dim3A_455 = arith.constant 0.000000e+00 : f32
    %broadcast_in_dim3A_456 = vector.broadcast %broadcast_in_dim3A_455 : f32 to vector<16xf32>
    %swap3A_457 = arith.constant 7 : i32
    %swap3A_458 = arith.index_cast %swap3A_457 : i32 to index
    %swap3A_459 = arith.constant 16 : index
    %swap3A_460 = tpu.vector_load %arg7[%swap3A_458, %swap3A_459] {strides = array<i32>} : memref<8x128xf32, #tpu.memory_space<vmem>>, vector<1x16xf32>,
    %swap3A_461 = vector.shape_cast %swap3A_460 : vector<1x16xf32> to vector<16xf32>
    %swap3A_462 = vector.shape_cast %broadcast_in_dim3A_456 : vector<16xf32> to vector<1x16xf32>
    tpu.vector_store %arg7[%swap3A_458, %swap3A_459], %swap3A_462 {strides = array<i32>} : memref<8x128xf32, #tpu.memory_space<vmem>>, vector<1x16xf32>,
    %broadcast_in_dim3A_463 = arith.constant 0.000000e+00 : f32
    %broadcast_in_dim3A_464 = vector.broadcast %broadcast_in_dim3A_463 : f32 to vector<16xf32>
    %swap3A_465 = arith.constant 7 : i32
    %swap3A_466 = arith.index_cast %swap3A_465 : i32 to index
    %swap3A_467 = arith.constant 32 : index
    %swap3A_468 = tpu.vector_load %arg7[%swap3A_466, %swap3A_467] {strides = array<i32>} : memref<8x128xf32, #tpu.memory_space<vmem>>, vector<1x16xf32>,
    %swap3A_469 = vector.shape_cast %swap3A_468 : vector<1x16xf32> to vector<16xf32>
    %swap3A_470 = vector.shape_cast %broadcast_in_dim3A_464 : vector<16xf32> to vector<1x16xf32>
    tpu.vector_store %arg7[%swap3A_466, %swap3A_467], %swap3A_470 {strides = array<i32>} : memref<8x128xf32, #tpu.memory_space<vmem>>, vector<1x16xf32>,
    %broadcast_in_dim3A_471 = arith.constant 0.000000e+00 : f32
    %broadcast_in_dim3A_472 = vector.broadcast %broadcast_in_dim3A_471 : f32 to vector<16xf32>
    %swap3A_473 = arith.constant 7 : i32
    %swap3A_474 = arith.index_cast %swap3A_473 : i32 to index
    %swap3A_475 = arith.constant 48 : index
    %swap3A_476 = tpu.vector_load %arg7[%swap3A_474, %swap3A_475] {strides = array<i32>} : memref<8x128xf32, #tpu.memory_space<vmem>>, vector<1x16xf32>,
    %swap3A_477 = vector.shape_cast %swap3A_476 : vector<1x16xf32> to vector<16xf32>
    %swap3A_478 = vector.shape_cast %broadcast_in_dim3A_472 : vector<16xf32> to vector<1x16xf32>
    tpu.vector_store %arg7[%swap3A_474, %swap3A_475], %swap3A_478 {strides = array<i32>} : memref<8x128xf32, #tpu.memory_space<vmem>>, vector<1x16xf32>,
    %broadcast_in_dim3A_479 = arith.constant 0.000000e+00 : f32
    %broadcast_in_dim3A_480 = vector.broadcast %broadcast_in_dim3A_479 : f32 to vector<16xf32>
    %swap3A_481 = arith.constant 7 : i32
    %swap3A_482 = arith.index_cast %swap3A_481 : i32 to index
    %swap3A_483 = arith.constant 64 : index
    %swap3A_484 = tpu.vector_load %arg7[%swap3A_482, %swap3A_483] {strides = array<i32>} : memref<8x128xf32, #tpu.memory_space<vmem>>, vector<1x16xf32>,
    %swap3A_485 = vector.shape_cast %swap3A_484 : vector<1x16xf32> to vector<16xf32>
    %swap3A_486 = vector.shape_cast %broadcast_in_dim3A_480 : vector<16xf32> to vector<1x16xf32>
    tpu.vector_store %arg7[%swap3A_482, %swap3A_483], %swap3A_486 {strides = array<i32>} : memref<8x128xf32, #tpu.memory_space<vmem>>, vector<1x16xf32>,
    %broadcast_in_dim3A_487 = arith.constant 0.000000e+00 : f32
    %broadcast_in_dim3A_488 = vector.broadcast %broadcast_in_dim3A_487 : f32 to vector<16xf32>
    %swap3A_489 = arith.constant 7 : i32
    %swap3A_490 = arith.index_cast %swap3A_489 : i32 to index
    %swap3A_491 = arith.constant 80 : index
    %swap3A_492 = tpu.vector_load %arg7[%swap3A_490, %swap3A_491] {strides = array<i32>} : memref<8x128xf32, #tpu.memory_space<vmem>>, vector<1x16xf32>,
    %swap3A_493 = vector.shape_cast %swap3A_492 : vector<1x16xf32> to vector<16xf32>
    %swap3A_494 = vector.shape_cast %broadcast_in_dim3A_488 : vector<16xf32> to vector<1x16xf32>
    tpu.vector_store %arg7[%swap3A_490, %swap3A_491], %swap3A_494 {strides = array<i32>} : memref<8x128xf32, #tpu.memory_space<vmem>>, vector<1x16xf32>,
    %broadcast_in_dim3A_495 = arith.constant 0.000000e+00 : f32
    %broadcast_in_dim3A_496 = vector.broadcast %broadcast_in_dim3A_495 : f32 to vector<16xf32>
    %swap3A_497 = arith.constant 7 : i32
    %swap3A_498 = arith.index_cast %swap3A_497 : i32 to index
    %swap3A_499 = arith.constant 96 : index
    %swap3A_500 = tpu.vector_load %arg7[%swap3A_498, %swap3A_499] {strides = array<i32>} : memref<8x128xf32, #tpu.memory_space<vmem>>, vector<1x16xf32>,
    %swap3A_501 = vector.shape_cast %swap3A_500 : vector<1x16xf32> to vector<16xf32>
    %swap3A_502 = vector.shape_cast %broadcast_in_dim3A_496 : vector<16xf32> to vector<1x16xf32>
    tpu.vector_store %arg7[%swap3A_498, %swap3A_499], %swap3A_502 {strides = array<i32>} : memref<8x128xf32, #tpu.memory_space<vmem>>, vector<1x16xf32>,
    %broadcast_in_dim3A_503 = arith.constant 0.000000e+00 : f32
    %broadcast_in_dim3A_504 = vector.broadcast %broadcast_in_dim3A_503 : f32 to vector<16xf32>
    %swap3A_505 = arith.constant 7 : i32
    %swap3A_506 = arith.index_cast %swap3A_505 : i32 to index
    %swap3A_507 = arith.constant 112 : index
    %swap3A_508 = tpu.vector_load %arg7[%swap3A_506, %swap3A_507] {strides = array<i32>} : memref<8x128xf32, #tpu.memory_space<vmem>>, vector<1x16xf32>,
    %swap3A_509 = vector.shape_cast %swap3A_508 : vector<1x16xf32> to vector<16xf32>
    %swap3A_510 = vector.shape_cast %broadcast_in_dim3A_504 : vector<16xf32> to vector<1x16xf32>
    tpu.vector_store %arg7[%swap3A_506, %swap3A_507], %swap3A_510 {strides = array<i32>} : memref<8x128xf32, #tpu.memory_space<vmem>>, vector<1x16xf32>,
    "tpu.region"() ({
      %run_scoped3A = tpu.sem_alloc : memref<!tpu.dma_semaphore, #tpu.memory_space<semaphore_mem>>
      tpu.enqueue_dma source(%arg2 : memref<128x128xf32, #tpu.memory_space<hbm>>) target(%arg6 : memref<128x128xf32, #tpu.memory_space<vmem>>) target_semaphore(%run_scoped3A : memref<!tpu.dma_semaphore, #tpu.memory_space<semaphore_mem>>)
      tpu.wait_dma2 semaphore(%run_scoped3A : memref<!tpu.dma_semaphore, #tpu.memory_space<semaphore_mem>>) src(%arg2 : memref<128x128xf32, #tpu.memory_space<hbm>>) dst(%arg6 : memref<128x128xf32, #tpu.memory_space<vmem>>)
      tpu.yield
    }) : () -> ()
    %scan3A = arith.constant 0 : i32
    %scan3A_511 = arith.constant 80 : i32
    %scan3A_512 = arith.addi %scan3A, %scan3A_511 : i32
    %scan3A_513 = arith.constant 1 : i32
    scf.for %scan3A_528 = %scan3A to %scan3A_512 step %scan3A_513  : i32 {
      %mul3A_529 = arith.constant 1 : i32
      %mul3A_530 = arith.muli %scan3A_528, %mul3A_529 : i32
      %add3A_531 = arith.constant 0 : i32
      %add3A_532 = arith.addi %add3A_531, %mul3A_530 : i32
      %mul3A_533 = arith.constant 640 : i32
      %mul3A_534 = arith.muli %arg1, %mul3A_533 : i32
      %mul3A_535 = arith.constant 8 : i32
      %mul3A_536 = arith.muli %add3A_532, %mul3A_535 : i32
      %add3A_537 = arith.addi %mul3A_534, %mul3A_536 : i32
      "tpu.region"() ({
        %run_scoped3A = tpu.sem_alloc : memref<!tpu.dma_semaphore, #tpu.memory_space<semaphore_mem>>
        %dma_start3A = arith.constant 0 : i32
        %dma_start3A_538 = tpu.memref_slice %arg8[%add3A_537, %dma_start3A] : memref<10240x128xf32, #tpu.memory_space<vmem_shared>> -> memref<8x128xf32, #tpu.memory_space<vmem_shared>>
        %dma_start3A_539 = arith.constant 0 : i32
        %dma_start3A_540 = tpu.memref_slice %arg8[%add3A_537, %dma_start3A_539] : memref<10240x128xf32, #tpu.memory_space<vmem_shared>> -> memref<8x128xf32, #tpu.memory_space<vmem_shared>>
        tpu.enqueue_dma source(%arg7 : memref<8x128xf32, #tpu.memory_space<vmem>>) target(%dma_start3A_540 : memref<8x128xf32, #tpu.memory_space<vmem_shared>>) target_semaphore(%run_scoped3A : memref<!tpu.dma_semaphore, #tpu.memory_space<semaphore_mem>>)
        %dma_wait3A = arith.constant 0 : i32
        %dma_wait3A_541 = tpu.memref_slice %arg8[%add3A_537, %dma_wait3A] : memref<10240x128xf32, #tpu.memory_space<vmem_shared>> -> memref<8x128xf32, #tpu.memory_space<vmem_shared>>
        %dma_wait3A_542 = arith.constant 0 : i32
        %dma_wait3A_543 = tpu.memref_slice %arg8[%add3A_537, %dma_wait3A_542] : memref<10240x128xf32, #tpu.memory_space<vmem_shared>> -> memref<8x128xf32, #tpu.memory_space<vmem_shared>>
        tpu.wait_dma2 semaphore(%run_scoped3A : memref<!tpu.dma_semaphore, #tpu.memory_space<semaphore_mem>>) src(%arg7 : memref<8x128xf32, #tpu.memory_space<vmem>>) dst(%dma_wait3A_543 : memref<8x128xf32, #tpu.memory_space<vmem_shared>>)
        tpu.yield
      }) : () -> ()
    }
    %scan3A_514 = arith.constant 80 : i32
    %barrier3A = arith.constant 0 : index
    tpu.barrier barrier_id(%barrier3A)
    %scan3A_515 = arith.constant 0 : i32
    %scan3A_516 = arith.constant 10 : i32
    %scan3A_517 = arith.addi %scan3A_515, %scan3A_516 : i32
    %scan3A_518 = arith.constant 1 : i32
    scf.for %scan3A_528 = %scan3A_515 to %scan3A_517 step %scan3A_518  : i32 {
      %mul3A_529 = arith.constant 1 : i32
      %mul3A_530 = arith.muli %scan3A_528, %mul3A_529 : i32
      %add3A_531 = arith.constant 0 : i32
      %add3A_532 = arith.addi %add3A_531, %mul3A_530 : i32
      %mul3A_533 = arith.constant 8 : i32
      %mul3A_534 = arith.muli %add3A_532, %mul3A_533 : i32
      "tpu.region"() ({
        %run_scoped3A_542 = tpu.sem_alloc : memref<!tpu.dma_semaphore, #tpu.memory_space<semaphore_mem>>
        %dma_start3A = arith.constant 0 : i32
        %dma_start3A_543 = tpu.memref_slice %arg3[%add3A, %mul3A_534, %dma_start3A] : memref<32x80x128xi32, #tpu.memory_space<hbm>> -> memref<1x8x128xi32, #tpu.memory_space<hbm>>
        %dma_start3A_544 = tpu.memref_squeeze %dma_start3A_543 : memref<1x8x128xi32, #tpu.memory_space<hbm>> -> memref<8x128xi32, #tpu.memory_space<hbm>>
        %dma_start3A_545 = arith.constant 0 : i32
        %dma_start3A_546 = tpu.memref_slice %arg3[%add3A, %mul3A_534, %dma_start3A_545] : memref<32x80x128xi32, #tpu.memory_space<hbm>> -> memref<1x8x128xi32, #tpu.memory_space<hbm>>
        %dma_start3A_547 = tpu.memref_squeeze %dma_start3A_546 : memref<1x8x128xi32, #tpu.memory_space<hbm>> -> memref<8x128xi32, #tpu.memory_space<hbm>>
        tpu.enqueue_dma source(%dma_start3A_547 : memref<8x128xi32, #tpu.memory_space<hbm>>) target(%arg5 : memref<8x128xi32, #tpu.memory_space<vmem>>) target_semaphore(%run_scoped3A_542 : memref<!tpu.dma_semaphore, #tpu.memory_space<semaphore_mem>>)
        %dma_wait3A = arith.constant 0 : i32
        %dma_wait3A_548 = tpu.memref_slice %arg3[%add3A, %mul3A_534, %dma_wait3A] : memref<32x80x128xi32, #tpu.memory_space<hbm>> -> memref<1x8x128xi32, #tpu.memory_space<hbm>>
        %dma_wait3A_549 = tpu.memref_squeeze %dma_wait3A_548 : memref<1x8x128xi32, #tpu.memory_space<hbm>> -> memref<8x128xi32, #tpu.memory_space<hbm>>
        %dma_wait3A_550 = arith.constant 0 : i32
        %dma_wait3A_551 = tpu.memref_slice %arg3[%add3A, %mul3A_534, %dma_wait3A_550] : memref<32x80x128xi32, #tpu.memory_space<hbm>> -> memref<1x8x128xi32, #tpu.memory_space<hbm>>
        %dma_wait3A_552 = tpu.memref_squeeze %dma_wait3A_551 : memref<1x8x128xi32, #tpu.memory_space<hbm>> -> memref<8x128xi32, #tpu.memory_space<hbm>>
        tpu.wait_dma2 semaphore(%run_scoped3A_542 : memref<!tpu.dma_semaphore, #tpu.memory_space<semaphore_mem>>) src(%dma_wait3A_552 : memref<8x128xi32, #tpu.memory_space<hbm>>) dst(%arg5 : memref<8x128xi32, #tpu.memory_space<vmem>>)
        tpu.yield
      }) : () -> ()
      %run_scoped3A = arith.constant 0 : i32
      "tpu.region"() ({
        %run_scoped3A_542 = tpu.sem_alloc : memref<!tpu.dma_semaphore, #tpu.memory_space<semaphore_mem>>
        %dma_start3A = arith.constant 0 : i32
        %dma_start3A_543 = tpu.memref_slice %arg5[%run_scoped3A, %dma_start3A] : memref<8x128xi32, #tpu.memory_space<vmem>> -> memref<1x128xi32, #tpu.memory_space<vmem>>
        %dma_start3A_544 = tpu.memref_squeeze %dma_start3A_543 : memref<1x128xi32, #tpu.memory_space<vmem>> -> memref<128xi32, #tpu.memory_space<vmem>>
        %dma_start3A_545 = arith.constant 0 : i32
        %dma_start3A_546 = arith.constant 0 : i32
        %dma_start3A_547 = tpu.memref_slice %arg8[%dma_start3A_545, %dma_start3A_546] : memref<10240x128xf32, #tpu.memory_space<vmem_shared>> -> memref<10240x128xf32, #tpu.memory_space<vmem_shared>>
        tpu.enqueue_indirect_dma source(%arg6 : memref<128x128xf32, #tpu.memory_space<vmem>>) target(%dma_start3A_547 : memref<10240x128xf32, #tpu.memory_space<vmem_shared>>) offsets(%dma_start3A_544 : memref<128xi32, #tpu.memory_space<vmem>>) semaphore(%run_scoped3A_542 : memref<!tpu.dma_semaphore, #tpu.memory_space<semaphore_mem>>) {add = true}
        %dma_wait3A = arith.constant 0 : i32
        %dma_wait3A_548 = tpu.memref_slice %arg5[%run_scoped3A, %dma_wait3A] : memref<8x128xi32, #tpu.memory_space<vmem>> -> memref<1x128xi32, #tpu.memory_space<vmem>>
        %dma_wait3A_549 = tpu.memref_squeeze %dma_wait3A_548 : memref<1x128xi32, #tpu.memory_space<vmem>> -> memref<128xi32, #tpu.memory_space<vmem>>
        %dma_wait3A_550 = arith.constant 0 : i32
        %dma_wait3A_551 = arith.constant 0 : i32
        %dma_wait3A_552 = tpu.memref_slice %arg8[%dma_wait3A_550, %dma_wait3A_551] : memref<10240x128xf32, #tpu.memory_space<vmem_shared>> -> memref<10240x128xf32, #tpu.memory_space<vmem_shared>>
        tpu.wait_indirect_dma semaphore(%run_scoped3A_542 : memref<!tpu.dma_semaphore, #tpu.memory_space<semaphore_mem>>) src(%arg6 : memref<128x128xf32, #tpu.memory_space<vmem>>) dst(%dma_wait3A_552 : memref<10240x128xf32, #tpu.memory_space<vmem_shared>>)
        tpu.yield
      }) : () -> ()
      %run_scoped3A_535 = arith.constant 1 : i32
      "tpu.region"() ({
        %run_scoped3A_542 = tpu.sem_alloc : memref<!tpu.dma_semaphore, #tpu.memory_space<semaphore_mem>>
        %dma_start3A = arith.constant 0 : i32
        %dma_start3A_543 = tpu.memref_slice %arg5[%run_scoped3A_535, %dma_start3A] : memref<8x128xi32, #tpu.memory_space<vmem>> -> memref<1x128xi32, #tpu.memory_space<vmem>>
        %dma_start3A_544 = tpu.memref_squeeze %dma_start3A_543 : memref<1x128xi32, #tpu.memory_space<vmem>> -> memref<128xi32, #tpu.memory_space<vmem>>
        %dma_start3A_545 = arith.constant 0 : i32
        %dma_start3A_546 = arith.constant 0 : i32
        %dma_start3A_547 = tpu.memref_slice %arg8[%dma_start3A_545, %dma_start3A_546] : memref<10240x128xf32, #tpu.memory_space<vmem_shared>> -> memref<10240x128xf32, #tpu.memory_space<vmem_shared>>
        tpu.enqueue_indirect_dma source(%arg6 : memref<128x128xf32, #tpu.memory_space<vmem>>) target(%dma_start3A_547 : memref<10240x128xf32, #tpu.memory_space<vmem_shared>>) offsets(%dma_start3A_544 : memref<128xi32, #tpu.memory_space<vmem>>) semaphore(%run_scoped3A_542 : memref<!tpu.dma_semaphore, #tpu.memory_space<semaphore_mem>>) {add = true}
        %dma_wait3A = arith.constant 0 : i32
        %dma_wait3A_548 = tpu.memref_slice %arg5[%run_scoped3A_535, %dma_wait3A] : memref<8x128xi32, #tpu.memory_space<vmem>> -> memref<1x128xi32, #tpu.memory_space<vmem>>
        %dma_wait3A_549 = tpu.memref_squeeze %dma_wait3A_548 : memref<1x128xi32, #tpu.memory_space<vmem>> -> memref<128xi32, #tpu.memory_space<vmem>>
        %dma_wait3A_550 = arith.constant 0 : i32
        %dma_wait3A_551 = arith.constant 0 : i32
        %dma_wait3A_552 = tpu.memref_slice %arg8[%dma_wait3A_550, %dma_wait3A_551] : memref<10240x128xf32, #tpu.memory_space<vmem_shared>> -> memref<10240x128xf32, #tpu.memory_space<vmem_shared>>
        tpu.wait_indirect_dma semaphore(%run_scoped3A_542 : memref<!tpu.dma_semaphore, #tpu.memory_space<semaphore_mem>>) src(%arg6 : memref<128x128xf32, #tpu.memory_space<vmem>>) dst(%dma_wait3A_552 : memref<10240x128xf32, #tpu.memory_space<vmem_shared>>)
        tpu.yield
      }) : () -> ()
      %run_scoped3A_536 = arith.constant 2 : i32
      "tpu.region"() ({
        %run_scoped3A_542 = tpu.sem_alloc : memref<!tpu.dma_semaphore, #tpu.memory_space<semaphore_mem>>
        %dma_start3A = arith.constant 0 : i32
        %dma_start3A_543 = tpu.memref_slice %arg5[%run_scoped3A_536, %dma_start3A] : memref<8x128xi32, #tpu.memory_space<vmem>> -> memref<1x128xi32, #tpu.memory_space<vmem>>
        %dma_start3A_544 = tpu.memref_squeeze %dma_start3A_543 : memref<1x128xi32, #tpu.memory_space<vmem>> -> memref<128xi32, #tpu.memory_space<vmem>>
        %dma_start3A_545 = arith.constant 0 : i32
        %dma_start3A_546 = arith.constant 0 : i32
        %dma_start3A_547 = tpu.memref_slice %arg8[%dma_start3A_545, %dma_start3A_546] : memref<10240x128xf32, #tpu.memory_space<vmem_shared>> -> memref<10240x128xf32, #tpu.memory_space<vmem_shared>>
        tpu.enqueue_indirect_dma source(%arg6 : memref<128x128xf32, #tpu.memory_space<vmem>>) target(%dma_start3A_547 : memref<10240x128xf32, #tpu.memory_space<vmem_shared>>) offsets(%dma_start3A_544 : memref<128xi32, #tpu.memory_space<vmem>>) semaphore(%run_scoped3A_542 : memref<!tpu.dma_semaphore, #tpu.memory_space<semaphore_mem>>) {add = true}
        %dma_wait3A = arith.constant 0 : i32
        %dma_wait3A_548 = tpu.memref_slice %arg5[%run_scoped3A_536, %dma_wait3A] : memref<8x128xi32, #tpu.memory_space<vmem>> -> memref<1x128xi32, #tpu.memory_space<vmem>>
        %dma_wait3A_549 = tpu.memref_squeeze %dma_wait3A_548 : memref<1x128xi32, #tpu.memory_space<vmem>> -> memref<128xi32, #tpu.memory_space<vmem>>
        %dma_wait3A_550 = arith.constant 0 : i32
        %dma_wait3A_551 = arith.constant 0 : i32
        %dma_wait3A_552 = tpu.memref_slice %arg8[%dma_wait3A_550, %dma_wait3A_551] : memref<10240x128xf32, #tpu.memory_space<vmem_shared>> -> memref<10240x128xf32, #tpu.memory_space<vmem_shared>>
        tpu.wait_indirect_dma semaphore(%run_scoped3A_542 : memref<!tpu.dma_semaphore, #tpu.memory_space<semaphore_mem>>) src(%arg6 : memref<128x128xf32, #tpu.memory_space<vmem>>) dst(%dma_wait3A_552 : memref<10240x128xf32, #tpu.memory_space<vmem_shared>>)
        tpu.yield
      }) : () -> ()
      %run_scoped3A_537 = arith.constant 3 : i32
      "tpu.region"() ({
        %run_scoped3A_542 = tpu.sem_alloc : memref<!tpu.dma_semaphore, #tpu.memory_space<semaphore_mem>>
        %dma_start3A = arith.constant 0 : i32
        %dma_start3A_543 = tpu.memref_slice %arg5[%run_scoped3A_537, %dma_start3A] : memref<8x128xi32, #tpu.memory_space<vmem>> -> memref<1x128xi32, #tpu.memory_space<vmem>>
        %dma_start3A_544 = tpu.memref_squeeze %dma_start3A_543 : memref<1x128xi32, #tpu.memory_space<vmem>> -> memref<128xi32, #tpu.memory_space<vmem>>
        %dma_start3A_545 = arith.constant 0 : i32
        %dma_start3A_546 = arith.constant 0 : i32
        %dma_start3A_547 = tpu.memref_slice %arg8[%dma_start3A_545, %dma_start3A_546] : memref<10240x128xf32, #tpu.memory_space<vmem_shared>> -> memref<10240x128xf32, #tpu.memory_space<vmem_shared>>
        tpu.enqueue_indirect_dma source(%arg6 : memref<128x128xf32, #tpu.memory_space<vmem>>) target(%dma_start3A_547 : memref<10240x128xf32, #tpu.memory_space<vmem_shared>>) offsets(%dma_start3A_544 : memref<128xi32, #tpu.memory_space<vmem>>) semaphore(%run_scoped3A_542 : memref<!tpu.dma_semaphore, #tpu.memory_space<semaphore_mem>>) {add = true}
        %dma_wait3A = arith.constant 0 : i32
        %dma_wait3A_548 = tpu.memref_slice %arg5[%run_scoped3A_537, %dma_wait3A] : memref<8x128xi32, #tpu.memory_space<vmem>> -> memref<1x128xi32, #tpu.memory_space<vmem>>
        %dma_wait3A_549 = tpu.memref_squeeze %dma_wait3A_548 : memref<1x128xi32, #tpu.memory_space<vmem>> -> memref<128xi32, #tpu.memory_space<vmem>>
        %dma_wait3A_550 = arith.constant 0 : i32
        %dma_wait3A_551 = arith.constant 0 : i32
        %dma_wait3A_552 = tpu.memref_slice %arg8[%dma_wait3A_550, %dma_wait3A_551] : memref<10240x128xf32, #tpu.memory_space<vmem_shared>> -> memref<10240x128xf32, #tpu.memory_space<vmem_shared>>
        tpu.wait_indirect_dma semaphore(%run_scoped3A_542 : memref<!tpu.dma_semaphore, #tpu.memory_space<semaphore_mem>>) src(%arg6 : memref<128x128xf32, #tpu.memory_space<vmem>>) dst(%dma_wait3A_552 : memref<10240x128xf32, #tpu.memory_space<vmem_shared>>)
        tpu.yield
      }) : () -> ()
      %run_scoped3A_538 = arith.constant 4 : i32
      "tpu.region"() ({
        %run_scoped3A_542 = tpu.sem_alloc : memref<!tpu.dma_semaphore, #tpu.memory_space<semaphore_mem>>
        %dma_start3A = arith.constant 0 : i32
        %dma_start3A_543 = tpu.memref_slice %arg5[%run_scoped3A_538, %dma_start3A] : memref<8x128xi32, #tpu.memory_space<vmem>> -> memref<1x128xi32, #tpu.memory_space<vmem>>
        %dma_start3A_544 = tpu.memref_squeeze %dma_start3A_543 : memref<1x128xi32, #tpu.memory_space<vmem>> -> memref<128xi32, #tpu.memory_space<vmem>>
        %dma_start3A_545 = arith.constant 0 : i32
        %dma_start3A_546 = arith.constant 0 : i32
        %dma_start3A_547 = tpu.memref_slice %arg8[%dma_start3A_545, %dma_start3A_546] : memref<10240x128xf32, #tpu.memory_space<vmem_shared>> -> memref<10240x128xf32, #tpu.memory_space<vmem_shared>>
        tpu.enqueue_indirect_dma source(%arg6 : memref<128x128xf32, #tpu.memory_space<vmem>>) target(%dma_start3A_547 : memref<10240x128xf32, #tpu.memory_space<vmem_shared>>) offsets(%dma_start3A_544 : memref<128xi32, #tpu.memory_space<vmem>>) semaphore(%run_scoped3A_542 : memref<!tpu.dma_semaphore, #tpu.memory_space<semaphore_mem>>) {add = true}
        %dma_wait3A = arith.constant 0 : i32
        %dma_wait3A_548 = tpu.memref_slice %arg5[%run_scoped3A_538, %dma_wait3A] : memref<8x128xi32, #tpu.memory_space<vmem>> -> memref<1x128xi32, #tpu.memory_space<vmem>>
        %dma_wait3A_549 = tpu.memref_squeeze %dma_wait3A_548 : memref<1x128xi32, #tpu.memory_space<vmem>> -> memref<128xi32, #tpu.memory_space<vmem>>
        %dma_wait3A_550 = arith.constant 0 : i32
        %dma_wait3A_551 = arith.constant 0 : i32
        %dma_wait3A_552 = tpu.memref_slice %arg8[%dma_wait3A_550, %dma_wait3A_551] : memref<10240x128xf32, #tpu.memory_space<vmem_shared>> -> memref<10240x128xf32, #tpu.memory_space<vmem_shared>>
        tpu.wait_indirect_dma semaphore(%run_scoped3A_542 : memref<!tpu.dma_semaphore, #tpu.memory_space<semaphore_mem>>) src(%arg6 : memref<128x128xf32, #tpu.memory_space<vmem>>) dst(%dma_wait3A_552 : memref<10240x128xf32, #tpu.memory_space<vmem_shared>>)
        tpu.yield
      }) : () -> ()
      %run_scoped3A_539 = arith.constant 5 : i32
      "tpu.region"() ({
        %run_scoped3A_542 = tpu.sem_alloc : memref<!tpu.dma_semaphore, #tpu.memory_space<semaphore_mem>>
        %dma_start3A = arith.constant 0 : i32
        %dma_start3A_543 = tpu.memref_slice %arg5[%run_scoped3A_539, %dma_start3A] : memref<8x128xi32, #tpu.memory_space<vmem>> -> memref<1x128xi32, #tpu.memory_space<vmem>>
        %dma_start3A_544 = tpu.memref_squeeze %dma_start3A_543 : memref<1x128xi32, #tpu.memory_space<vmem>> -> memref<128xi32, #tpu.memory_space<vmem>>
        %dma_start3A_545 = arith.constant 0 : i32
        %dma_start3A_546 = arith.constant 0 : i32
        %dma_start3A_547 = tpu.memref_slice %arg8[%dma_start3A_545, %dma_start3A_546] : memref<10240x128xf32, #tpu.memory_space<vmem_shared>> -> memref<10240x128xf32, #tpu.memory_space<vmem_shared>>
        tpu.enqueue_indirect_dma source(%arg6 : memref<128x128xf32, #tpu.memory_space<vmem>>) target(%dma_start3A_547 : memref<10240x128xf32, #tpu.memory_space<vmem_shared>>) offsets(%dma_start3A_544 : memref<128xi32, #tpu.memory_space<vmem>>) semaphore(%run_scoped3A_542 : memref<!tpu.dma_semaphore, #tpu.memory_space<semaphore_mem>>) {add = true}
        %dma_wait3A = arith.constant 0 : i32
        %dma_wait3A_548 = tpu.memref_slice %arg5[%run_scoped3A_539, %dma_wait3A] : memref<8x128xi32, #tpu.memory_space<vmem>> -> memref<1x128xi32, #tpu.memory_space<vmem>>
        %dma_wait3A_549 = tpu.memref_squeeze %dma_wait3A_548 : memref<1x128xi32, #tpu.memory_space<vmem>> -> memref<128xi32, #tpu.memory_space<vmem>>
        %dma_wait3A_550 = arith.constant 0 : i32
        %dma_wait3A_551 = arith.constant 0 : i32
        %dma_wait3A_552 = tpu.memref_slice %arg8[%dma_wait3A_550, %dma_wait3A_551] : memref<10240x128xf32, #tpu.memory_space<vmem_shared>> -> memref<10240x128xf32, #tpu.memory_space<vmem_shared>>
        tpu.wait_indirect_dma semaphore(%run_scoped3A_542 : memref<!tpu.dma_semaphore, #tpu.memory_space<semaphore_mem>>) src(%arg6 : memref<128x128xf32, #tpu.memory_space<vmem>>) dst(%dma_wait3A_552 : memref<10240x128xf32, #tpu.memory_space<vmem_shared>>)
        tpu.yield
      }) : () -> ()
      %run_scoped3A_540 = arith.constant 6 : i32
      "tpu.region"() ({
        %run_scoped3A_542 = tpu.sem_alloc : memref<!tpu.dma_semaphore, #tpu.memory_space<semaphore_mem>>
        %dma_start3A = arith.constant 0 : i32
        %dma_start3A_543 = tpu.memref_slice %arg5[%run_scoped3A_540, %dma_start3A] : memref<8x128xi32, #tpu.memory_space<vmem>> -> memref<1x128xi32, #tpu.memory_space<vmem>>
        %dma_start3A_544 = tpu.memref_squeeze %dma_start3A_543 : memref<1x128xi32, #tpu.memory_space<vmem>> -> memref<128xi32, #tpu.memory_space<vmem>>
        %dma_start3A_545 = arith.constant 0 : i32
        %dma_start3A_546 = arith.constant 0 : i32
        %dma_start3A_547 = tpu.memref_slice %arg8[%dma_start3A_545, %dma_start3A_546] : memref<10240x128xf32, #tpu.memory_space<vmem_shared>> -> memref<10240x128xf32, #tpu.memory_space<vmem_shared>>
        tpu.enqueue_indirect_dma source(%arg6 : memref<128x128xf32, #tpu.memory_space<vmem>>) target(%dma_start3A_547 : memref<10240x128xf32, #tpu.memory_space<vmem_shared>>) offsets(%dma_start3A_544 : memref<128xi32, #tpu.memory_space<vmem>>) semaphore(%run_scoped3A_542 : memref<!tpu.dma_semaphore, #tpu.memory_space<semaphore_mem>>) {add = true}
        %dma_wait3A = arith.constant 0 : i32
        %dma_wait3A_548 = tpu.memref_slice %arg5[%run_scoped3A_540, %dma_wait3A] : memref<8x128xi32, #tpu.memory_space<vmem>> -> memref<1x128xi32, #tpu.memory_space<vmem>>
        %dma_wait3A_549 = tpu.memref_squeeze %dma_wait3A_548 : memref<1x128xi32, #tpu.memory_space<vmem>> -> memref<128xi32, #tpu.memory_space<vmem>>
        %dma_wait3A_550 = arith.constant 0 : i32
        %dma_wait3A_551 = arith.constant 0 : i32
        %dma_wait3A_552 = tpu.memref_slice %arg8[%dma_wait3A_550, %dma_wait3A_551] : memref<10240x128xf32, #tpu.memory_space<vmem_shared>> -> memref<10240x128xf32, #tpu.memory_space<vmem_shared>>
        tpu.wait_indirect_dma semaphore(%run_scoped3A_542 : memref<!tpu.dma_semaphore, #tpu.memory_space<semaphore_mem>>) src(%arg6 : memref<128x128xf32, #tpu.memory_space<vmem>>) dst(%dma_wait3A_552 : memref<10240x128xf32, #tpu.memory_space<vmem_shared>>)
        tpu.yield
      }) : () -> ()
      %run_scoped3A_541 = arith.constant 7 : i32
      "tpu.region"() ({
        %run_scoped3A_542 = tpu.sem_alloc : memref<!tpu.dma_semaphore, #tpu.memory_space<semaphore_mem>>
        %dma_start3A = arith.constant 0 : i32
        %dma_start3A_543 = tpu.memref_slice %arg5[%run_scoped3A_541, %dma_start3A] : memref<8x128xi32, #tpu.memory_space<vmem>> -> memref<1x128xi32, #tpu.memory_space<vmem>>
        %dma_start3A_544 = tpu.memref_squeeze %dma_start3A_543 : memref<1x128xi32, #tpu.memory_space<vmem>> -> memref<128xi32, #tpu.memory_space<vmem>>
        %dma_start3A_545 = arith.constant 0 : i32
        %dma_start3A_546 = arith.constant 0 : i32
        %dma_start3A_547 = tpu.memref_slice %arg8[%dma_start3A_545, %dma_start3A_546] : memref<10240x128xf32, #tpu.memory_space<vmem_shared>> -> memref<10240x128xf32, #tpu.memory_space<vmem_shared>>
        tpu.enqueue_indirect_dma source(%arg6 : memref<128x128xf32, #tpu.memory_space<vmem>>) target(%dma_start3A_547 : memref<10240x128xf32, #tpu.memory_space<vmem_shared>>) offsets(%dma_start3A_544 : memref<128xi32, #tpu.memory_space<vmem>>) semaphore(%run_scoped3A_542 : memref<!tpu.dma_semaphore, #tpu.memory_space<semaphore_mem>>) {add = true}
        %dma_wait3A = arith.constant 0 : i32
        %dma_wait3A_548 = tpu.memref_slice %arg5[%run_scoped3A_541, %dma_wait3A] : memref<8x128xi32, #tpu.memory_space<vmem>> -> memref<1x128xi32, #tpu.memory_space<vmem>>
        %dma_wait3A_549 = tpu.memref_squeeze %dma_wait3A_548 : memref<1x128xi32, #tpu.memory_space<vmem>> -> memref<128xi32, #tpu.memory_space<vmem>>
        %dma_wait3A_550 = arith.constant 0 : i32
        %dma_wait3A_551 = arith.constant 0 : i32
        %dma_wait3A_552 = tpu.memref_slice %arg8[%dma_wait3A_550, %dma_wait3A_551] : memref<10240x128xf32, #tpu.memory_space<vmem_shared>> -> memref<10240x128xf32, #tpu.memory_space<vmem_shared>>
        tpu.wait_indirect_dma semaphore(%run_scoped3A_542 : memref<!tpu.dma_semaphore, #tpu.memory_space<semaphore_mem>>) src(%arg6 : memref<128x128xf32, #tpu.memory_space<vmem>>) dst(%dma_wait3A_552 : memref<10240x128xf32, #tpu.memory_space<vmem_shared>>)
        tpu.yield
      }) : () -> ()
    }
    %scan3A_519 = arith.constant 10 : i32
    %barrier3A_520 = arith.constant 0 : index
    tpu.barrier barrier_id(%barrier3A_520)
    %mul3A_521 = arith.constant 640 : i32
    %mul3A_522 = arith.muli %arg1, %mul3A_521 : i32
    %mul3A_523 = arith.constant 10240 : i32
    %mul3A_524 = arith.muli %arg0, %mul3A_523 : i32
    %mul3A_525 = arith.constant 640 : i32
    %mul3A_526 = arith.muli %arg1, %mul3A_525 : i32
    %add3A_527 = arith.addi %mul3A_524, %mul3A_526 : i32
    "tpu.region"() ({
      %run_scoped3A = tpu.sem_alloc : memref<!tpu.dma_semaphore, #tpu.memory_space<semaphore_mem>>
      %dma_start3A = arith.constant 0 : i32
      %dma_start3A_528 = tpu.memref_slice %arg4[%add3A_527, %dma_start3A] : memref<20480x128xf32, #tpu.memory_space<hbm>> -> memref<640x128xf32, #tpu.memory_space<hbm>>
      %dma_start3A_529 = arith.constant 0 : i32
      %dma_start3A_530 = tpu.memref_slice %arg8[%mul3A_522, %dma_start3A_529] : memref<10240x128xf32, #tpu.memory_space<vmem_shared>> -> memref<640x128xf32, #tpu.memory_space<vmem_shared>>
      tpu.enqueue_dma source(%dma_start3A_530 : memref<640x128xf32, #tpu.memory_space<vmem_shared>>) target(%dma_start3A_528 : memref<640x128xf32, #tpu.memory_space<hbm>>) target_semaphore(%run_scoped3A : memref<!tpu.dma_semaphore, #tpu.memory_space<semaphore_mem>>)
      %dma_wait3A = arith.constant 0 : i32
      %dma_wait3A_531 = tpu.memref_slice %arg4[%add3A_527, %dma_wait3A] : memref<20480x128xf32, #tpu.memory_space<hbm>> -> memref<640x128xf32, #tpu.memory_space<hbm>>
      %dma_wait3A_532 = arith.constant 0 : i32
      %dma_wait3A_533 = tpu.memref_slice %arg8[%mul3A_522, %dma_wait3A_532] : memref<10240x128xf32, #tpu.memory_space<vmem_shared>> -> memref<640x128xf32, #tpu.memory_space<vmem_shared>>
      tpu.wait_dma2 semaphore(%run_scoped3A : memref<!tpu.dma_semaphore, #tpu.memory_space<semaphore_mem>>) src(%dma_wait3A_533 : memref<640x128xf32, #tpu.memory_space<vmem_shared>>) dst(%dma_wait3A_531 : memref<640x128xf32, #tpu.memory_space<hbm>>)
      tpu.yield
    }) : () -> ()
    return
  }
}

#map = affine_map<(d0, d1) -> (0, 0)>
#map1 = affine_map<(d0, d1) -> (0, 0, 0)>
module attributes {stable_mosaic.version = 14 : i64} {
  func.func @_agg_body(%arg0: i32, %arg1: i32, %arg2: memref<10240x128xf32, #tpu.memory_space<hbm>>, %arg3: memref<1280x8x32xi32, #tpu.memory_space<hbm>>, %arg4: memref<1280x8x32xi32, #tpu.memory_space<hbm>>, %arg5: memref<20480x128xf32, #tpu.memory_space<hbm>>, %arg6: memref<8x32xi32, #tpu.memory_space<vmem>>, %arg7: memref<8x32xi32, #tpu.memory_space<vmem>>, %arg8: memref<32x128xf32, #tpu.memory_space<vmem>>, %arg9: memref<32x128xf32, #tpu.memory_space<vmem>>, %arg10: memref<32x128xf32, #tpu.memory_space<vmem>>, %arg11: memref<32x128xf32, #tpu.memory_space<vmem>>, %arg12: memref<8x128xf32, #tpu.memory_space<vmem>>, %arg13: memref<10240x128xf32, #tpu.memory_space<vmem_shared>>, %arg14: memref<!tpu.dma_semaphore, #tpu.memory_space<semaphore_mem>>) attributes {dimension_semantics = [#tpu.dimension_semantics<core_parallel>, #tpu.dimension_semantics<subcore_parallel>], iteration_bounds = array<i64: 2, 16>, scalar_prefetch = 0 : i64, scratch_operands = 9 : i64, tpu.core_type = #tpu.core_type<sc_vector_subcore>, window_params = [{transform_indices = #map}, {transform_indices = #map1}, {transform_indices = #map1}, {transform_indices = #map}]} {
    %mul3A = arith.constant 16 : i32
    %mul3A_0 = arith.muli %arg0, %mul3A : i32
    %add3A = arith.addi %mul3A_0, %arg1 : i32
    %broadcast_in_dim3A = arith.constant 0.000000e+00 : f32
    %broadcast_in_dim3A_1 = vector.broadcast %broadcast_in_dim3A : f32 to vector<16xf32>
    %swap3A = arith.constant 0 : i32
    %swap3A_2 = arith.index_cast %swap3A : i32 to index
    %swap3A_3 = arith.constant 0 : index
    %swap3A_4 = tpu.vector_load %arg12[%swap3A_2, %swap3A_3] {strides = array<i32>} : memref<8x128xf32, #tpu.memory_space<vmem>>, vector<1x16xf32>,
    %swap3A_5 = vector.shape_cast %swap3A_4 : vector<1x16xf32> to vector<16xf32>
    %swap3A_6 = vector.shape_cast %broadcast_in_dim3A_1 : vector<16xf32> to vector<1x16xf32>
    tpu.vector_store %arg12[%swap3A_2, %swap3A_3], %swap3A_6 {strides = array<i32>} : memref<8x128xf32, #tpu.memory_space<vmem>>, vector<1x16xf32>,
    %broadcast_in_dim3A_7 = arith.constant 0.000000e+00 : f32
    %broadcast_in_dim3A_8 = vector.broadcast %broadcast_in_dim3A_7 : f32 to vector<16xf32>
    %swap3A_9 = arith.constant 0 : i32
    %swap3A_10 = arith.index_cast %swap3A_9 : i32 to index
    %swap3A_11 = arith.constant 16 : index
    %swap3A_12 = tpu.vector_load %arg12[%swap3A_10, %swap3A_11] {strides = array<i32>} : memref<8x128xf32, #tpu.memory_space<vmem>>, vector<1x16xf32>,
    %swap3A_13 = vector.shape_cast %swap3A_12 : vector<1x16xf32> to vector<16xf32>
    %swap3A_14 = vector.shape_cast %broadcast_in_dim3A_8 : vector<16xf32> to vector<1x16xf32>
    tpu.vector_store %arg12[%swap3A_10, %swap3A_11], %swap3A_14 {strides = array<i32>} : memref<8x128xf32, #tpu.memory_space<vmem>>, vector<1x16xf32>,
    %broadcast_in_dim3A_15 = arith.constant 0.000000e+00 : f32
    %broadcast_in_dim3A_16 = vector.broadcast %broadcast_in_dim3A_15 : f32 to vector<16xf32>
    %swap3A_17 = arith.constant 0 : i32
    %swap3A_18 = arith.index_cast %swap3A_17 : i32 to index
    %swap3A_19 = arith.constant 32 : index
    %swap3A_20 = tpu.vector_load %arg12[%swap3A_18, %swap3A_19] {strides = array<i32>} : memref<8x128xf32, #tpu.memory_space<vmem>>, vector<1x16xf32>,
    %swap3A_21 = vector.shape_cast %swap3A_20 : vector<1x16xf32> to vector<16xf32>
    %swap3A_22 = vector.shape_cast %broadcast_in_dim3A_16 : vector<16xf32> to vector<1x16xf32>
    tpu.vector_store %arg12[%swap3A_18, %swap3A_19], %swap3A_22 {strides = array<i32>} : memref<8x128xf32, #tpu.memory_space<vmem>>, vector<1x16xf32>,
    %broadcast_in_dim3A_23 = arith.constant 0.000000e+00 : f32
    %broadcast_in_dim3A_24 = vector.broadcast %broadcast_in_dim3A_23 : f32 to vector<16xf32>
    %swap3A_25 = arith.constant 0 : i32
    %swap3A_26 = arith.index_cast %swap3A_25 : i32 to index
    %swap3A_27 = arith.constant 48 : index
    %swap3A_28 = tpu.vector_load %arg12[%swap3A_26, %swap3A_27] {strides = array<i32>} : memref<8x128xf32, #tpu.memory_space<vmem>>, vector<1x16xf32>,
    %swap3A_29 = vector.shape_cast %swap3A_28 : vector<1x16xf32> to vector<16xf32>
    %swap3A_30 = vector.shape_cast %broadcast_in_dim3A_24 : vector<16xf32> to vector<1x16xf32>
    tpu.vector_store %arg12[%swap3A_26, %swap3A_27], %swap3A_30 {strides = array<i32>} : memref<8x128xf32, #tpu.memory_space<vmem>>, vector<1x16xf32>,
    %broadcast_in_dim3A_31 = arith.constant 0.000000e+00 : f32
    %broadcast_in_dim3A_32 = vector.broadcast %broadcast_in_dim3A_31 : f32 to vector<16xf32>
    %swap3A_33 = arith.constant 0 : i32
    %swap3A_34 = arith.index_cast %swap3A_33 : i32 to index
    %swap3A_35 = arith.constant 64 : index
    %swap3A_36 = tpu.vector_load %arg12[%swap3A_34, %swap3A_35] {strides = array<i32>} : memref<8x128xf32, #tpu.memory_space<vmem>>, vector<1x16xf32>,
    %swap3A_37 = vector.shape_cast %swap3A_36 : vector<1x16xf32> to vector<16xf32>
    %swap3A_38 = vector.shape_cast %broadcast_in_dim3A_32 : vector<16xf32> to vector<1x16xf32>
    tpu.vector_store %arg12[%swap3A_34, %swap3A_35], %swap3A_38 {strides = array<i32>} : memref<8x128xf32, #tpu.memory_space<vmem>>, vector<1x16xf32>,
    %broadcast_in_dim3A_39 = arith.constant 0.000000e+00 : f32
    %broadcast_in_dim3A_40 = vector.broadcast %broadcast_in_dim3A_39 : f32 to vector<16xf32>
    %swap3A_41 = arith.constant 0 : i32
    %swap3A_42 = arith.index_cast %swap3A_41 : i32 to index
    %swap3A_43 = arith.constant 80 : index
    %swap3A_44 = tpu.vector_load %arg12[%swap3A_42, %swap3A_43] {strides = array<i32>} : memref<8x128xf32, #tpu.memory_space<vmem>>, vector<1x16xf32>,
    %swap3A_45 = vector.shape_cast %swap3A_44 : vector<1x16xf32> to vector<16xf32>
    %swap3A_46 = vector.shape_cast %broadcast_in_dim3A_40 : vector<16xf32> to vector<1x16xf32>
    tpu.vector_store %arg12[%swap3A_42, %swap3A_43], %swap3A_46 {strides = array<i32>} : memref<8x128xf32, #tpu.memory_space<vmem>>, vector<1x16xf32>,
    %broadcast_in_dim3A_47 = arith.constant 0.000000e+00 : f32
    %broadcast_in_dim3A_48 = vector.broadcast %broadcast_in_dim3A_47 : f32 to vector<16xf32>
    %swap3A_49 = arith.constant 0 : i32
    %swap3A_50 = arith.index_cast %swap3A_49 : i32 to index
    %swap3A_51 = arith.constant 96 : index
    %swap3A_52 = tpu.vector_load %arg12[%swap3A_50, %swap3A_51] {strides = array<i32>} : memref<8x128xf32, #tpu.memory_space<vmem>>, vector<1x16xf32>,
    %swap3A_53 = vector.shape_cast %swap3A_52 : vector<1x16xf32> to vector<16xf32>
    %swap3A_54 = vector.shape_cast %broadcast_in_dim3A_48 : vector<16xf32> to vector<1x16xf32>
    tpu.vector_store %arg12[%swap3A_50, %swap3A_51], %swap3A_54 {strides = array<i32>} : memref<8x128xf32, #tpu.memory_space<vmem>>, vector<1x16xf32>,
    %broadcast_in_dim3A_55 = arith.constant 0.000000e+00 : f32
    %broadcast_in_dim3A_56 = vector.broadcast %broadcast_in_dim3A_55 : f32 to vector<16xf32>
    %swap3A_57 = arith.constant 0 : i32
    %swap3A_58 = arith.index_cast %swap3A_57 : i32 to index
    %swap3A_59 = arith.constant 112 : index
    %swap3A_60 = tpu.vector_load %arg12[%swap3A_58, %swap3A_59] {strides = array<i32>} : memref<8x128xf32, #tpu.memory_space<vmem>>, vector<1x16xf32>,
    %swap3A_61 = vector.shape_cast %swap3A_60 : vector<1x16xf32> to vector<16xf32>
    %swap3A_62 = vector.shape_cast %broadcast_in_dim3A_56 : vector<16xf32> to vector<1x16xf32>
    tpu.vector_store %arg12[%swap3A_58, %swap3A_59], %swap3A_62 {strides = array<i32>} : memref<8x128xf32, #tpu.memory_space<vmem>>, vector<1x16xf32>,
    %broadcast_in_dim3A_63 = arith.constant 0.000000e+00 : f32
    %broadcast_in_dim3A_64 = vector.broadcast %broadcast_in_dim3A_63 : f32 to vector<16xf32>
    %swap3A_65 = arith.constant 1 : i32
    %swap3A_66 = arith.index_cast %swap3A_65 : i32 to index
    %swap3A_67 = arith.constant 0 : index
    %swap3A_68 = tpu.vector_load %arg12[%swap3A_66, %swap3A_67] {strides = array<i32>} : memref<8x128xf32, #tpu.memory_space<vmem>>, vector<1x16xf32>,
    %swap3A_69 = vector.shape_cast %swap3A_68 : vector<1x16xf32> to vector<16xf32>
    %swap3A_70 = vector.shape_cast %broadcast_in_dim3A_64 : vector<16xf32> to vector<1x16xf32>
    tpu.vector_store %arg12[%swap3A_66, %swap3A_67], %swap3A_70 {strides = array<i32>} : memref<8x128xf32, #tpu.memory_space<vmem>>, vector<1x16xf32>,
    %broadcast_in_dim3A_71 = arith.constant 0.000000e+00 : f32
    %broadcast_in_dim3A_72 = vector.broadcast %broadcast_in_dim3A_71 : f32 to vector<16xf32>
    %swap3A_73 = arith.constant 1 : i32
    %swap3A_74 = arith.index_cast %swap3A_73 : i32 to index
    %swap3A_75 = arith.constant 16 : index
    %swap3A_76 = tpu.vector_load %arg12[%swap3A_74, %swap3A_75] {strides = array<i32>} : memref<8x128xf32, #tpu.memory_space<vmem>>, vector<1x16xf32>,
    %swap3A_77 = vector.shape_cast %swap3A_76 : vector<1x16xf32> to vector<16xf32>
    %swap3A_78 = vector.shape_cast %broadcast_in_dim3A_72 : vector<16xf32> to vector<1x16xf32>
    tpu.vector_store %arg12[%swap3A_74, %swap3A_75], %swap3A_78 {strides = array<i32>} : memref<8x128xf32, #tpu.memory_space<vmem>>, vector<1x16xf32>,
    %broadcast_in_dim3A_79 = arith.constant 0.000000e+00 : f32
    %broadcast_in_dim3A_80 = vector.broadcast %broadcast_in_dim3A_79 : f32 to vector<16xf32>
    %swap3A_81 = arith.constant 1 : i32
    %swap3A_82 = arith.index_cast %swap3A_81 : i32 to index
    %swap3A_83 = arith.constant 32 : index
    %swap3A_84 = tpu.vector_load %arg12[%swap3A_82, %swap3A_83] {strides = array<i32>} : memref<8x128xf32, #tpu.memory_space<vmem>>, vector<1x16xf32>,
    %swap3A_85 = vector.shape_cast %swap3A_84 : vector<1x16xf32> to vector<16xf32>
    %swap3A_86 = vector.shape_cast %broadcast_in_dim3A_80 : vector<16xf32> to vector<1x16xf32>
    tpu.vector_store %arg12[%swap3A_82, %swap3A_83], %swap3A_86 {strides = array<i32>} : memref<8x128xf32, #tpu.memory_space<vmem>>, vector<1x16xf32>,
    %broadcast_in_dim3A_87 = arith.constant 0.000000e+00 : f32
    %broadcast_in_dim3A_88 = vector.broadcast %broadcast_in_dim3A_87 : f32 to vector<16xf32>
    %swap3A_89 = arith.constant 1 : i32
    %swap3A_90 = arith.index_cast %swap3A_89 : i32 to index
    %swap3A_91 = arith.constant 48 : index
    %swap3A_92 = tpu.vector_load %arg12[%swap3A_90, %swap3A_91] {strides = array<i32>} : memref<8x128xf32, #tpu.memory_space<vmem>>, vector<1x16xf32>,
    %swap3A_93 = vector.shape_cast %swap3A_92 : vector<1x16xf32> to vector<16xf32>
    %swap3A_94 = vector.shape_cast %broadcast_in_dim3A_88 : vector<16xf32> to vector<1x16xf32>
    tpu.vector_store %arg12[%swap3A_90, %swap3A_91], %swap3A_94 {strides = array<i32>} : memref<8x128xf32, #tpu.memory_space<vmem>>, vector<1x16xf32>,
    %broadcast_in_dim3A_95 = arith.constant 0.000000e+00 : f32
    %broadcast_in_dim3A_96 = vector.broadcast %broadcast_in_dim3A_95 : f32 to vector<16xf32>
    %swap3A_97 = arith.constant 1 : i32
    %swap3A_98 = arith.index_cast %swap3A_97 : i32 to index
    %swap3A_99 = arith.constant 64 : index
    %swap3A_100 = tpu.vector_load %arg12[%swap3A_98, %swap3A_99] {strides = array<i32>} : memref<8x128xf32, #tpu.memory_space<vmem>>, vector<1x16xf32>,
    %swap3A_101 = vector.shape_cast %swap3A_100 : vector<1x16xf32> to vector<16xf32>
    %swap3A_102 = vector.shape_cast %broadcast_in_dim3A_96 : vector<16xf32> to vector<1x16xf32>
    tpu.vector_store %arg12[%swap3A_98, %swap3A_99], %swap3A_102 {strides = array<i32>} : memref<8x128xf32, #tpu.memory_space<vmem>>, vector<1x16xf32>,
    %broadcast_in_dim3A_103 = arith.constant 0.000000e+00 : f32
    %broadcast_in_dim3A_104 = vector.broadcast %broadcast_in_dim3A_103 : f32 to vector<16xf32>
    %swap3A_105 = arith.constant 1 : i32
    %swap3A_106 = arith.index_cast %swap3A_105 : i32 to index
    %swap3A_107 = arith.constant 80 : index
    %swap3A_108 = tpu.vector_load %arg12[%swap3A_106, %swap3A_107] {strides = array<i32>} : memref<8x128xf32, #tpu.memory_space<vmem>>, vector<1x16xf32>,
    %swap3A_109 = vector.shape_cast %swap3A_108 : vector<1x16xf32> to vector<16xf32>
    %swap3A_110 = vector.shape_cast %broadcast_in_dim3A_104 : vector<16xf32> to vector<1x16xf32>
    tpu.vector_store %arg12[%swap3A_106, %swap3A_107], %swap3A_110 {strides = array<i32>} : memref<8x128xf32, #tpu.memory_space<vmem>>, vector<1x16xf32>,
    %broadcast_in_dim3A_111 = arith.constant 0.000000e+00 : f32
    %broadcast_in_dim3A_112 = vector.broadcast %broadcast_in_dim3A_111 : f32 to vector<16xf32>
    %swap3A_113 = arith.constant 1 : i32
    %swap3A_114 = arith.index_cast %swap3A_113 : i32 to index
    %swap3A_115 = arith.constant 96 : index
    %swap3A_116 = tpu.vector_load %arg12[%swap3A_114, %swap3A_115] {strides = array<i32>} : memref<8x128xf32, #tpu.memory_space<vmem>>, vector<1x16xf32>,
    %swap3A_117 = vector.shape_cast %swap3A_116 : vector<1x16xf32> to vector<16xf32>
    %swap3A_118 = vector.shape_cast %broadcast_in_dim3A_112 : vector<16xf32> to vector<1x16xf32>
    tpu.vector_store %arg12[%swap3A_114, %swap3A_115], %swap3A_118 {strides = array<i32>} : memref<8x128xf32, #tpu.memory_space<vmem>>, vector<1x16xf32>,
    %broadcast_in_dim3A_119 = arith.constant 0.000000e+00 : f32
    %broadcast_in_dim3A_120 = vector.broadcast %broadcast_in_dim3A_119 : f32 to vector<16xf32>
    %swap3A_121 = arith.constant 1 : i32
    %swap3A_122 = arith.index_cast %swap3A_121 : i32 to index
    %swap3A_123 = arith.constant 112 : index
    %swap3A_124 = tpu.vector_load %arg12[%swap3A_122, %swap3A_123] {strides = array<i32>} : memref<8x128xf32, #tpu.memory_space<vmem>>, vector<1x16xf32>,
    %swap3A_125 = vector.shape_cast %swap3A_124 : vector<1x16xf32> to vector<16xf32>
    %swap3A_126 = vector.shape_cast %broadcast_in_dim3A_120 : vector<16xf32> to vector<1x16xf32>
    tpu.vector_store %arg12[%swap3A_122, %swap3A_123], %swap3A_126 {strides = array<i32>} : memref<8x128xf32, #tpu.memory_space<vmem>>, vector<1x16xf32>,
    %broadcast_in_dim3A_127 = arith.constant 0.000000e+00 : f32
    %broadcast_in_dim3A_128 = vector.broadcast %broadcast_in_dim3A_127 : f32 to vector<16xf32>
    %swap3A_129 = arith.constant 2 : i32
    %swap3A_130 = arith.index_cast %swap3A_129 : i32 to index
    %swap3A_131 = arith.constant 0 : index
    %swap3A_132 = tpu.vector_load %arg12[%swap3A_130, %swap3A_131] {strides = array<i32>} : memref<8x128xf32, #tpu.memory_space<vmem>>, vector<1x16xf32>,
    %swap3A_133 = vector.shape_cast %swap3A_132 : vector<1x16xf32> to vector<16xf32>
    %swap3A_134 = vector.shape_cast %broadcast_in_dim3A_128 : vector<16xf32> to vector<1x16xf32>
    tpu.vector_store %arg12[%swap3A_130, %swap3A_131], %swap3A_134 {strides = array<i32>} : memref<8x128xf32, #tpu.memory_space<vmem>>, vector<1x16xf32>,
    %broadcast_in_dim3A_135 = arith.constant 0.000000e+00 : f32
    %broadcast_in_dim3A_136 = vector.broadcast %broadcast_in_dim3A_135 : f32 to vector<16xf32>
    %swap3A_137 = arith.constant 2 : i32
    %swap3A_138 = arith.index_cast %swap3A_137 : i32 to index
    %swap3A_139 = arith.constant 16 : index
    %swap3A_140 = tpu.vector_load %arg12[%swap3A_138, %swap3A_139] {strides = array<i32>} : memref<8x128xf32, #tpu.memory_space<vmem>>, vector<1x16xf32>,
    %swap3A_141 = vector.shape_cast %swap3A_140 : vector<1x16xf32> to vector<16xf32>
    %swap3A_142 = vector.shape_cast %broadcast_in_dim3A_136 : vector<16xf32> to vector<1x16xf32>
    tpu.vector_store %arg12[%swap3A_138, %swap3A_139], %swap3A_142 {strides = array<i32>} : memref<8x128xf32, #tpu.memory_space<vmem>>, vector<1x16xf32>,
    %broadcast_in_dim3A_143 = arith.constant 0.000000e+00 : f32
    %broadcast_in_dim3A_144 = vector.broadcast %broadcast_in_dim3A_143 : f32 to vector<16xf32>
    %swap3A_145 = arith.constant 2 : i32
    %swap3A_146 = arith.index_cast %swap3A_145 : i32 to index
    %swap3A_147 = arith.constant 32 : index
    %swap3A_148 = tpu.vector_load %arg12[%swap3A_146, %swap3A_147] {strides = array<i32>} : memref<8x128xf32, #tpu.memory_space<vmem>>, vector<1x16xf32>,
    %swap3A_149 = vector.shape_cast %swap3A_148 : vector<1x16xf32> to vector<16xf32>
    %swap3A_150 = vector.shape_cast %broadcast_in_dim3A_144 : vector<16xf32> to vector<1x16xf32>
    tpu.vector_store %arg12[%swap3A_146, %swap3A_147], %swap3A_150 {strides = array<i32>} : memref<8x128xf32, #tpu.memory_space<vmem>>, vector<1x16xf32>,
    %broadcast_in_dim3A_151 = arith.constant 0.000000e+00 : f32
    %broadcast_in_dim3A_152 = vector.broadcast %broadcast_in_dim3A_151 : f32 to vector<16xf32>
    %swap3A_153 = arith.constant 2 : i32
    %swap3A_154 = arith.index_cast %swap3A_153 : i32 to index
    %swap3A_155 = arith.constant 48 : index
    %swap3A_156 = tpu.vector_load %arg12[%swap3A_154, %swap3A_155] {strides = array<i32>} : memref<8x128xf32, #tpu.memory_space<vmem>>, vector<1x16xf32>,
    %swap3A_157 = vector.shape_cast %swap3A_156 : vector<1x16xf32> to vector<16xf32>
    %swap3A_158 = vector.shape_cast %broadcast_in_dim3A_152 : vector<16xf32> to vector<1x16xf32>
    tpu.vector_store %arg12[%swap3A_154, %swap3A_155], %swap3A_158 {strides = array<i32>} : memref<8x128xf32, #tpu.memory_space<vmem>>, vector<1x16xf32>,
    %broadcast_in_dim3A_159 = arith.constant 0.000000e+00 : f32
    %broadcast_in_dim3A_160 = vector.broadcast %broadcast_in_dim3A_159 : f32 to vector<16xf32>
    %swap3A_161 = arith.constant 2 : i32
    %swap3A_162 = arith.index_cast %swap3A_161 : i32 to index
    %swap3A_163 = arith.constant 64 : index
    %swap3A_164 = tpu.vector_load %arg12[%swap3A_162, %swap3A_163] {strides = array<i32>} : memref<8x128xf32, #tpu.memory_space<vmem>>, vector<1x16xf32>,
    %swap3A_165 = vector.shape_cast %swap3A_164 : vector<1x16xf32> to vector<16xf32>
    %swap3A_166 = vector.shape_cast %broadcast_in_dim3A_160 : vector<16xf32> to vector<1x16xf32>
    tpu.vector_store %arg12[%swap3A_162, %swap3A_163], %swap3A_166 {strides = array<i32>} : memref<8x128xf32, #tpu.memory_space<vmem>>, vector<1x16xf32>,
    %broadcast_in_dim3A_167 = arith.constant 0.000000e+00 : f32
    %broadcast_in_dim3A_168 = vector.broadcast %broadcast_in_dim3A_167 : f32 to vector<16xf32>
    %swap3A_169 = arith.constant 2 : i32
    %swap3A_170 = arith.index_cast %swap3A_169 : i32 to index
    %swap3A_171 = arith.constant 80 : index
    %swap3A_172 = tpu.vector_load %arg12[%swap3A_170, %swap3A_171] {strides = array<i32>} : memref<8x128xf32, #tpu.memory_space<vmem>>, vector<1x16xf32>,
    %swap3A_173 = vector.shape_cast %swap3A_172 : vector<1x16xf32> to vector<16xf32>
    %swap3A_174 = vector.shape_cast %broadcast_in_dim3A_168 : vector<16xf32> to vector<1x16xf32>
    tpu.vector_store %arg12[%swap3A_170, %swap3A_171], %swap3A_174 {strides = array<i32>} : memref<8x128xf32, #tpu.memory_space<vmem>>, vector<1x16xf32>,
    %broadcast_in_dim3A_175 = arith.constant 0.000000e+00 : f32
    %broadcast_in_dim3A_176 = vector.broadcast %broadcast_in_dim3A_175 : f32 to vector<16xf32>
    %swap3A_177 = arith.constant 2 : i32
    %swap3A_178 = arith.index_cast %swap3A_177 : i32 to index
    %swap3A_179 = arith.constant 96 : index
    %swap3A_180 = tpu.vector_load %arg12[%swap3A_178, %swap3A_179] {strides = array<i32>} : memref<8x128xf32, #tpu.memory_space<vmem>>, vector<1x16xf32>,
    %swap3A_181 = vector.shape_cast %swap3A_180 : vector<1x16xf32> to vector<16xf32>
    %swap3A_182 = vector.shape_cast %broadcast_in_dim3A_176 : vector<16xf32> to vector<1x16xf32>
    tpu.vector_store %arg12[%swap3A_178, %swap3A_179], %swap3A_182 {strides = array<i32>} : memref<8x128xf32, #tpu.memory_space<vmem>>, vector<1x16xf32>,
    %broadcast_in_dim3A_183 = arith.constant 0.000000e+00 : f32
    %broadcast_in_dim3A_184 = vector.broadcast %broadcast_in_dim3A_183 : f32 to vector<16xf32>
    %swap3A_185 = arith.constant 2 : i32
    %swap3A_186 = arith.index_cast %swap3A_185 : i32 to index
    %swap3A_187 = arith.constant 112 : index
    %swap3A_188 = tpu.vector_load %arg12[%swap3A_186, %swap3A_187] {strides = array<i32>} : memref<8x128xf32, #tpu.memory_space<vmem>>, vector<1x16xf32>,
    %swap3A_189 = vector.shape_cast %swap3A_188 : vector<1x16xf32> to vector<16xf32>
    %swap3A_190 = vector.shape_cast %broadcast_in_dim3A_184 : vector<16xf32> to vector<1x16xf32>
    tpu.vector_store %arg12[%swap3A_186, %swap3A_187], %swap3A_190 {strides = array<i32>} : memref<8x128xf32, #tpu.memory_space<vmem>>, vector<1x16xf32>,
    %broadcast_in_dim3A_191 = arith.constant 0.000000e+00 : f32
    %broadcast_in_dim3A_192 = vector.broadcast %broadcast_in_dim3A_191 : f32 to vector<16xf32>
    %swap3A_193 = arith.constant 3 : i32
    %swap3A_194 = arith.index_cast %swap3A_193 : i32 to index
    %swap3A_195 = arith.constant 0 : index
    %swap3A_196 = tpu.vector_load %arg12[%swap3A_194, %swap3A_195] {strides = array<i32>} : memref<8x128xf32, #tpu.memory_space<vmem>>, vector<1x16xf32>,
    %swap3A_197 = vector.shape_cast %swap3A_196 : vector<1x16xf32> to vector<16xf32>
    %swap3A_198 = vector.shape_cast %broadcast_in_dim3A_192 : vector<16xf32> to vector<1x16xf32>
    tpu.vector_store %arg12[%swap3A_194, %swap3A_195], %swap3A_198 {strides = array<i32>} : memref<8x128xf32, #tpu.memory_space<vmem>>, vector<1x16xf32>,
    %broadcast_in_dim3A_199 = arith.constant 0.000000e+00 : f32
    %broadcast_in_dim3A_200 = vector.broadcast %broadcast_in_dim3A_199 : f32 to vector<16xf32>
    %swap3A_201 = arith.constant 3 : i32
    %swap3A_202 = arith.index_cast %swap3A_201 : i32 to index
    %swap3A_203 = arith.constant 16 : index
    %swap3A_204 = tpu.vector_load %arg12[%swap3A_202, %swap3A_203] {strides = array<i32>} : memref<8x128xf32, #tpu.memory_space<vmem>>, vector<1x16xf32>,
    %swap3A_205 = vector.shape_cast %swap3A_204 : vector<1x16xf32> to vector<16xf32>
    %swap3A_206 = vector.shape_cast %broadcast_in_dim3A_200 : vector<16xf32> to vector<1x16xf32>
    tpu.vector_store %arg12[%swap3A_202, %swap3A_203], %swap3A_206 {strides = array<i32>} : memref<8x128xf32, #tpu.memory_space<vmem>>, vector<1x16xf32>,
    %broadcast_in_dim3A_207 = arith.constant 0.000000e+00 : f32
    %broadcast_in_dim3A_208 = vector.broadcast %broadcast_in_dim3A_207 : f32 to vector<16xf32>
    %swap3A_209 = arith.constant 3 : i32
    %swap3A_210 = arith.index_cast %swap3A_209 : i32 to index
    %swap3A_211 = arith.constant 32 : index
    %swap3A_212 = tpu.vector_load %arg12[%swap3A_210, %swap3A_211] {strides = array<i32>} : memref<8x128xf32, #tpu.memory_space<vmem>>, vector<1x16xf32>,
    %swap3A_213 = vector.shape_cast %swap3A_212 : vector<1x16xf32> to vector<16xf32>
    %swap3A_214 = vector.shape_cast %broadcast_in_dim3A_208 : vector<16xf32> to vector<1x16xf32>
    tpu.vector_store %arg12[%swap3A_210, %swap3A_211], %swap3A_214 {strides = array<i32>} : memref<8x128xf32, #tpu.memory_space<vmem>>, vector<1x16xf32>,
    %broadcast_in_dim3A_215 = arith.constant 0.000000e+00 : f32
    %broadcast_in_dim3A_216 = vector.broadcast %broadcast_in_dim3A_215 : f32 to vector<16xf32>
    %swap3A_217 = arith.constant 3 : i32
    %swap3A_218 = arith.index_cast %swap3A_217 : i32 to index
    %swap3A_219 = arith.constant 48 : index
    %swap3A_220 = tpu.vector_load %arg12[%swap3A_218, %swap3A_219] {strides = array<i32>} : memref<8x128xf32, #tpu.memory_space<vmem>>, vector<1x16xf32>,
    %swap3A_221 = vector.shape_cast %swap3A_220 : vector<1x16xf32> to vector<16xf32>
    %swap3A_222 = vector.shape_cast %broadcast_in_dim3A_216 : vector<16xf32> to vector<1x16xf32>
    tpu.vector_store %arg12[%swap3A_218, %swap3A_219], %swap3A_222 {strides = array<i32>} : memref<8x128xf32, #tpu.memory_space<vmem>>, vector<1x16xf32>,
    %broadcast_in_dim3A_223 = arith.constant 0.000000e+00 : f32
    %broadcast_in_dim3A_224 = vector.broadcast %broadcast_in_dim3A_223 : f32 to vector<16xf32>
    %swap3A_225 = arith.constant 3 : i32
    %swap3A_226 = arith.index_cast %swap3A_225 : i32 to index
    %swap3A_227 = arith.constant 64 : index
    %swap3A_228 = tpu.vector_load %arg12[%swap3A_226, %swap3A_227] {strides = array<i32>} : memref<8x128xf32, #tpu.memory_space<vmem>>, vector<1x16xf32>,
    %swap3A_229 = vector.shape_cast %swap3A_228 : vector<1x16xf32> to vector<16xf32>
    %swap3A_230 = vector.shape_cast %broadcast_in_dim3A_224 : vector<16xf32> to vector<1x16xf32>
    tpu.vector_store %arg12[%swap3A_226, %swap3A_227], %swap3A_230 {strides = array<i32>} : memref<8x128xf32, #tpu.memory_space<vmem>>, vector<1x16xf32>,
    %broadcast_in_dim3A_231 = arith.constant 0.000000e+00 : f32
    %broadcast_in_dim3A_232 = vector.broadcast %broadcast_in_dim3A_231 : f32 to vector<16xf32>
    %swap3A_233 = arith.constant 3 : i32
    %swap3A_234 = arith.index_cast %swap3A_233 : i32 to index
    %swap3A_235 = arith.constant 80 : index
    %swap3A_236 = tpu.vector_load %arg12[%swap3A_234, %swap3A_235] {strides = array<i32>} : memref<8x128xf32, #tpu.memory_space<vmem>>, vector<1x16xf32>,
    %swap3A_237 = vector.shape_cast %swap3A_236 : vector<1x16xf32> to vector<16xf32>
    %swap3A_238 = vector.shape_cast %broadcast_in_dim3A_232 : vector<16xf32> to vector<1x16xf32>
    tpu.vector_store %arg12[%swap3A_234, %swap3A_235], %swap3A_238 {strides = array<i32>} : memref<8x128xf32, #tpu.memory_space<vmem>>, vector<1x16xf32>,
    %broadcast_in_dim3A_239 = arith.constant 0.000000e+00 : f32
    %broadcast_in_dim3A_240 = vector.broadcast %broadcast_in_dim3A_239 : f32 to vector<16xf32>
    %swap3A_241 = arith.constant 3 : i32
    %swap3A_242 = arith.index_cast %swap3A_241 : i32 to index
    %swap3A_243 = arith.constant 96 : index
    %swap3A_244 = tpu.vector_load %arg12[%swap3A_242, %swap3A_243] {strides = array<i32>} : memref<8x128xf32, #tpu.memory_space<vmem>>, vector<1x16xf32>,
    %swap3A_245 = vector.shape_cast %swap3A_244 : vector<1x16xf32> to vector<16xf32>
    %swap3A_246 = vector.shape_cast %broadcast_in_dim3A_240 : vector<16xf32> to vector<1x16xf32>
    tpu.vector_store %arg12[%swap3A_242, %swap3A_243], %swap3A_246 {strides = array<i32>} : memref<8x128xf32, #tpu.memory_space<vmem>>, vector<1x16xf32>,
    %broadcast_in_dim3A_247 = arith.constant 0.000000e+00 : f32
    %broadcast_in_dim3A_248 = vector.broadcast %broadcast_in_dim3A_247 : f32 to vector<16xf32>
    %swap3A_249 = arith.constant 3 : i32
    %swap3A_250 = arith.index_cast %swap3A_249 : i32 to index
    %swap3A_251 = arith.constant 112 : index
    %swap3A_252 = tpu.vector_load %arg12[%swap3A_250, %swap3A_251] {strides = array<i32>} : memref<8x128xf32, #tpu.memory_space<vmem>>, vector<1x16xf32>,
    %swap3A_253 = vector.shape_cast %swap3A_252 : vector<1x16xf32> to vector<16xf32>
    %swap3A_254 = vector.shape_cast %broadcast_in_dim3A_248 : vector<16xf32> to vector<1x16xf32>
    tpu.vector_store %arg12[%swap3A_250, %swap3A_251], %swap3A_254 {strides = array<i32>} : memref<8x128xf32, #tpu.memory_space<vmem>>, vector<1x16xf32>,
    %broadcast_in_dim3A_255 = arith.constant 0.000000e+00 : f32
    %broadcast_in_dim3A_256 = vector.broadcast %broadcast_in_dim3A_255 : f32 to vector<16xf32>
    %swap3A_257 = arith.constant 4 : i32
    %swap3A_258 = arith.index_cast %swap3A_257 : i32 to index
    %swap3A_259 = arith.constant 0 : index
    %swap3A_260 = tpu.vector_load %arg12[%swap3A_258, %swap3A_259] {strides = array<i32>} : memref<8x128xf32, #tpu.memory_space<vmem>>, vector<1x16xf32>,
    %swap3A_261 = vector.shape_cast %swap3A_260 : vector<1x16xf32> to vector<16xf32>
    %swap3A_262 = vector.shape_cast %broadcast_in_dim3A_256 : vector<16xf32> to vector<1x16xf32>
    tpu.vector_store %arg12[%swap3A_258, %swap3A_259], %swap3A_262 {strides = array<i32>} : memref<8x128xf32, #tpu.memory_space<vmem>>, vector<1x16xf32>,
    %broadcast_in_dim3A_263 = arith.constant 0.000000e+00 : f32
    %broadcast_in_dim3A_264 = vector.broadcast %broadcast_in_dim3A_263 : f32 to vector<16xf32>
    %swap3A_265 = arith.constant 4 : i32
    %swap3A_266 = arith.index_cast %swap3A_265 : i32 to index
    %swap3A_267 = arith.constant 16 : index
    %swap3A_268 = tpu.vector_load %arg12[%swap3A_266, %swap3A_267] {strides = array<i32>} : memref<8x128xf32, #tpu.memory_space<vmem>>, vector<1x16xf32>,
    %swap3A_269 = vector.shape_cast %swap3A_268 : vector<1x16xf32> to vector<16xf32>
    %swap3A_270 = vector.shape_cast %broadcast_in_dim3A_264 : vector<16xf32> to vector<1x16xf32>
    tpu.vector_store %arg12[%swap3A_266, %swap3A_267], %swap3A_270 {strides = array<i32>} : memref<8x128xf32, #tpu.memory_space<vmem>>, vector<1x16xf32>,
    %broadcast_in_dim3A_271 = arith.constant 0.000000e+00 : f32
    %broadcast_in_dim3A_272 = vector.broadcast %broadcast_in_dim3A_271 : f32 to vector<16xf32>
    %swap3A_273 = arith.constant 4 : i32
    %swap3A_274 = arith.index_cast %swap3A_273 : i32 to index
    %swap3A_275 = arith.constant 32 : index
    %swap3A_276 = tpu.vector_load %arg12[%swap3A_274, %swap3A_275] {strides = array<i32>} : memref<8x128xf32, #tpu.memory_space<vmem>>, vector<1x16xf32>,
    %swap3A_277 = vector.shape_cast %swap3A_276 : vector<1x16xf32> to vector<16xf32>
    %swap3A_278 = vector.shape_cast %broadcast_in_dim3A_272 : vector<16xf32> to vector<1x16xf32>
    tpu.vector_store %arg12[%swap3A_274, %swap3A_275], %swap3A_278 {strides = array<i32>} : memref<8x128xf32, #tpu.memory_space<vmem>>, vector<1x16xf32>,
    %broadcast_in_dim3A_279 = arith.constant 0.000000e+00 : f32
    %broadcast_in_dim3A_280 = vector.broadcast %broadcast_in_dim3A_279 : f32 to vector<16xf32>
    %swap3A_281 = arith.constant 4 : i32
    %swap3A_282 = arith.index_cast %swap3A_281 : i32 to index
    %swap3A_283 = arith.constant 48 : index
    %swap3A_284 = tpu.vector_load %arg12[%swap3A_282, %swap3A_283] {strides = array<i32>} : memref<8x128xf32, #tpu.memory_space<vmem>>, vector<1x16xf32>,
    %swap3A_285 = vector.shape_cast %swap3A_284 : vector<1x16xf32> to vector<16xf32>
    %swap3A_286 = vector.shape_cast %broadcast_in_dim3A_280 : vector<16xf32> to vector<1x16xf32>
    tpu.vector_store %arg12[%swap3A_282, %swap3A_283], %swap3A_286 {strides = array<i32>} : memref<8x128xf32, #tpu.memory_space<vmem>>, vector<1x16xf32>,
    %broadcast_in_dim3A_287 = arith.constant 0.000000e+00 : f32
    %broadcast_in_dim3A_288 = vector.broadcast %broadcast_in_dim3A_287 : f32 to vector<16xf32>
    %swap3A_289 = arith.constant 4 : i32
    %swap3A_290 = arith.index_cast %swap3A_289 : i32 to index
    %swap3A_291 = arith.constant 64 : index
    %swap3A_292 = tpu.vector_load %arg12[%swap3A_290, %swap3A_291] {strides = array<i32>} : memref<8x128xf32, #tpu.memory_space<vmem>>, vector<1x16xf32>,
    %swap3A_293 = vector.shape_cast %swap3A_292 : vector<1x16xf32> to vector<16xf32>
    %swap3A_294 = vector.shape_cast %broadcast_in_dim3A_288 : vector<16xf32> to vector<1x16xf32>
    tpu.vector_store %arg12[%swap3A_290, %swap3A_291], %swap3A_294 {strides = array<i32>} : memref<8x128xf32, #tpu.memory_space<vmem>>, vector<1x16xf32>,
    %broadcast_in_dim3A_295 = arith.constant 0.000000e+00 : f32
    %broadcast_in_dim3A_296 = vector.broadcast %broadcast_in_dim3A_295 : f32 to vector<16xf32>
    %swap3A_297 = arith.constant 4 : i32
    %swap3A_298 = arith.index_cast %swap3A_297 : i32 to index
    %swap3A_299 = arith.constant 80 : index
    %swap3A_300 = tpu.vector_load %arg12[%swap3A_298, %swap3A_299] {strides = array<i32>} : memref<8x128xf32, #tpu.memory_space<vmem>>, vector<1x16xf32>,
    %swap3A_301 = vector.shape_cast %swap3A_300 : vector<1x16xf32> to vector<16xf32>
    %swap3A_302 = vector.shape_cast %broadcast_in_dim3A_296 : vector<16xf32> to vector<1x16xf32>
    tpu.vector_store %arg12[%swap3A_298, %swap3A_299], %swap3A_302 {strides = array<i32>} : memref<8x128xf32, #tpu.memory_space<vmem>>, vector<1x16xf32>,
    %broadcast_in_dim3A_303 = arith.constant 0.000000e+00 : f32
    %broadcast_in_dim3A_304 = vector.broadcast %broadcast_in_dim3A_303 : f32 to vector<16xf32>
    %swap3A_305 = arith.constant 4 : i32
    %swap3A_306 = arith.index_cast %swap3A_305 : i32 to index
    %swap3A_307 = arith.constant 96 : index
    %swap3A_308 = tpu.vector_load %arg12[%swap3A_306, %swap3A_307] {strides = array<i32>} : memref<8x128xf32, #tpu.memory_space<vmem>>, vector<1x16xf32>,
    %swap3A_309 = vector.shape_cast %swap3A_308 : vector<1x16xf32> to vector<16xf32>
    %swap3A_310 = vector.shape_cast %broadcast_in_dim3A_304 : vector<16xf32> to vector<1x16xf32>
    tpu.vector_store %arg12[%swap3A_306, %swap3A_307], %swap3A_310 {strides = array<i32>} : memref<8x128xf32, #tpu.memory_space<vmem>>, vector<1x16xf32>,
    %broadcast_in_dim3A_311 = arith.constant 0.000000e+00 : f32
    %broadcast_in_dim3A_312 = vector.broadcast %broadcast_in_dim3A_311 : f32 to vector<16xf32>
    %swap3A_313 = arith.constant 4 : i32
    %swap3A_314 = arith.index_cast %swap3A_313 : i32 to index
    %swap3A_315 = arith.constant 112 : index
    %swap3A_316 = tpu.vector_load %arg12[%swap3A_314, %swap3A_315] {strides = array<i32>} : memref<8x128xf32, #tpu.memory_space<vmem>>, vector<1x16xf32>,
    %swap3A_317 = vector.shape_cast %swap3A_316 : vector<1x16xf32> to vector<16xf32>
    %swap3A_318 = vector.shape_cast %broadcast_in_dim3A_312 : vector<16xf32> to vector<1x16xf32>
    tpu.vector_store %arg12[%swap3A_314, %swap3A_315], %swap3A_318 {strides = array<i32>} : memref<8x128xf32, #tpu.memory_space<vmem>>, vector<1x16xf32>,
    %broadcast_in_dim3A_319 = arith.constant 0.000000e+00 : f32
    %broadcast_in_dim3A_320 = vector.broadcast %broadcast_in_dim3A_319 : f32 to vector<16xf32>
    %swap3A_321 = arith.constant 5 : i32
    %swap3A_322 = arith.index_cast %swap3A_321 : i32 to index
    %swap3A_323 = arith.constant 0 : index
    %swap3A_324 = tpu.vector_load %arg12[%swap3A_322, %swap3A_323] {strides = array<i32>} : memref<8x128xf32, #tpu.memory_space<vmem>>, vector<1x16xf32>,
    %swap3A_325 = vector.shape_cast %swap3A_324 : vector<1x16xf32> to vector<16xf32>
    %swap3A_326 = vector.shape_cast %broadcast_in_dim3A_320 : vector<16xf32> to vector<1x16xf32>
    tpu.vector_store %arg12[%swap3A_322, %swap3A_323], %swap3A_326 {strides = array<i32>} : memref<8x128xf32, #tpu.memory_space<vmem>>, vector<1x16xf32>,
    %broadcast_in_dim3A_327 = arith.constant 0.000000e+00 : f32
    %broadcast_in_dim3A_328 = vector.broadcast %broadcast_in_dim3A_327 : f32 to vector<16xf32>
    %swap3A_329 = arith.constant 5 : i32
    %swap3A_330 = arith.index_cast %swap3A_329 : i32 to index
    %swap3A_331 = arith.constant 16 : index
    %swap3A_332 = tpu.vector_load %arg12[%swap3A_330, %swap3A_331] {strides = array<i32>} : memref<8x128xf32, #tpu.memory_space<vmem>>, vector<1x16xf32>,
    %swap3A_333 = vector.shape_cast %swap3A_332 : vector<1x16xf32> to vector<16xf32>
    %swap3A_334 = vector.shape_cast %broadcast_in_dim3A_328 : vector<16xf32> to vector<1x16xf32>
    tpu.vector_store %arg12[%swap3A_330, %swap3A_331], %swap3A_334 {strides = array<i32>} : memref<8x128xf32, #tpu.memory_space<vmem>>, vector<1x16xf32>,
    %broadcast_in_dim3A_335 = arith.constant 0.000000e+00 : f32
    %broadcast_in_dim3A_336 = vector.broadcast %broadcast_in_dim3A_335 : f32 to vector<16xf32>
    %swap3A_337 = arith.constant 5 : i32
    %swap3A_338 = arith.index_cast %swap3A_337 : i32 to index
    %swap3A_339 = arith.constant 32 : index
    %swap3A_340 = tpu.vector_load %arg12[%swap3A_338, %swap3A_339] {strides = array<i32>} : memref<8x128xf32, #tpu.memory_space<vmem>>, vector<1x16xf32>,
    %swap3A_341 = vector.shape_cast %swap3A_340 : vector<1x16xf32> to vector<16xf32>
    %swap3A_342 = vector.shape_cast %broadcast_in_dim3A_336 : vector<16xf32> to vector<1x16xf32>
    tpu.vector_store %arg12[%swap3A_338, %swap3A_339], %swap3A_342 {strides = array<i32>} : memref<8x128xf32, #tpu.memory_space<vmem>>, vector<1x16xf32>,
    %broadcast_in_dim3A_343 = arith.constant 0.000000e+00 : f32
    %broadcast_in_dim3A_344 = vector.broadcast %broadcast_in_dim3A_343 : f32 to vector<16xf32>
    %swap3A_345 = arith.constant 5 : i32
    %swap3A_346 = arith.index_cast %swap3A_345 : i32 to index
    %swap3A_347 = arith.constant 48 : index
    %swap3A_348 = tpu.vector_load %arg12[%swap3A_346, %swap3A_347] {strides = array<i32>} : memref<8x128xf32, #tpu.memory_space<vmem>>, vector<1x16xf32>,
    %swap3A_349 = vector.shape_cast %swap3A_348 : vector<1x16xf32> to vector<16xf32>
    %swap3A_350 = vector.shape_cast %broadcast_in_dim3A_344 : vector<16xf32> to vector<1x16xf32>
    tpu.vector_store %arg12[%swap3A_346, %swap3A_347], %swap3A_350 {strides = array<i32>} : memref<8x128xf32, #tpu.memory_space<vmem>>, vector<1x16xf32>,
    %broadcast_in_dim3A_351 = arith.constant 0.000000e+00 : f32
    %broadcast_in_dim3A_352 = vector.broadcast %broadcast_in_dim3A_351 : f32 to vector<16xf32>
    %swap3A_353 = arith.constant 5 : i32
    %swap3A_354 = arith.index_cast %swap3A_353 : i32 to index
    %swap3A_355 = arith.constant 64 : index
    %swap3A_356 = tpu.vector_load %arg12[%swap3A_354, %swap3A_355] {strides = array<i32>} : memref<8x128xf32, #tpu.memory_space<vmem>>, vector<1x16xf32>,
    %swap3A_357 = vector.shape_cast %swap3A_356 : vector<1x16xf32> to vector<16xf32>
    %swap3A_358 = vector.shape_cast %broadcast_in_dim3A_352 : vector<16xf32> to vector<1x16xf32>
    tpu.vector_store %arg12[%swap3A_354, %swap3A_355], %swap3A_358 {strides = array<i32>} : memref<8x128xf32, #tpu.memory_space<vmem>>, vector<1x16xf32>,
    %broadcast_in_dim3A_359 = arith.constant 0.000000e+00 : f32
    %broadcast_in_dim3A_360 = vector.broadcast %broadcast_in_dim3A_359 : f32 to vector<16xf32>
    %swap3A_361 = arith.constant 5 : i32
    %swap3A_362 = arith.index_cast %swap3A_361 : i32 to index
    %swap3A_363 = arith.constant 80 : index
    %swap3A_364 = tpu.vector_load %arg12[%swap3A_362, %swap3A_363] {strides = array<i32>} : memref<8x128xf32, #tpu.memory_space<vmem>>, vector<1x16xf32>,
    %swap3A_365 = vector.shape_cast %swap3A_364 : vector<1x16xf32> to vector<16xf32>
    %swap3A_366 = vector.shape_cast %broadcast_in_dim3A_360 : vector<16xf32> to vector<1x16xf32>
    tpu.vector_store %arg12[%swap3A_362, %swap3A_363], %swap3A_366 {strides = array<i32>} : memref<8x128xf32, #tpu.memory_space<vmem>>, vector<1x16xf32>,
    %broadcast_in_dim3A_367 = arith.constant 0.000000e+00 : f32
    %broadcast_in_dim3A_368 = vector.broadcast %broadcast_in_dim3A_367 : f32 to vector<16xf32>
    %swap3A_369 = arith.constant 5 : i32
    %swap3A_370 = arith.index_cast %swap3A_369 : i32 to index
    %swap3A_371 = arith.constant 96 : index
    %swap3A_372 = tpu.vector_load %arg12[%swap3A_370, %swap3A_371] {strides = array<i32>} : memref<8x128xf32, #tpu.memory_space<vmem>>, vector<1x16xf32>,
    %swap3A_373 = vector.shape_cast %swap3A_372 : vector<1x16xf32> to vector<16xf32>
    %swap3A_374 = vector.shape_cast %broadcast_in_dim3A_368 : vector<16xf32> to vector<1x16xf32>
    tpu.vector_store %arg12[%swap3A_370, %swap3A_371], %swap3A_374 {strides = array<i32>} : memref<8x128xf32, #tpu.memory_space<vmem>>, vector<1x16xf32>,
    %broadcast_in_dim3A_375 = arith.constant 0.000000e+00 : f32
    %broadcast_in_dim3A_376 = vector.broadcast %broadcast_in_dim3A_375 : f32 to vector<16xf32>
    %swap3A_377 = arith.constant 5 : i32
    %swap3A_378 = arith.index_cast %swap3A_377 : i32 to index
    %swap3A_379 = arith.constant 112 : index
    %swap3A_380 = tpu.vector_load %arg12[%swap3A_378, %swap3A_379] {strides = array<i32>} : memref<8x128xf32, #tpu.memory_space<vmem>>, vector<1x16xf32>,
    %swap3A_381 = vector.shape_cast %swap3A_380 : vector<1x16xf32> to vector<16xf32>
    %swap3A_382 = vector.shape_cast %broadcast_in_dim3A_376 : vector<16xf32> to vector<1x16xf32>
    tpu.vector_store %arg12[%swap3A_378, %swap3A_379], %swap3A_382 {strides = array<i32>} : memref<8x128xf32, #tpu.memory_space<vmem>>, vector<1x16xf32>,
    %broadcast_in_dim3A_383 = arith.constant 0.000000e+00 : f32
    %broadcast_in_dim3A_384 = vector.broadcast %broadcast_in_dim3A_383 : f32 to vector<16xf32>
    %swap3A_385 = arith.constant 6 : i32
    %swap3A_386 = arith.index_cast %swap3A_385 : i32 to index
    %swap3A_387 = arith.constant 0 : index
    %swap3A_388 = tpu.vector_load %arg12[%swap3A_386, %swap3A_387] {strides = array<i32>} : memref<8x128xf32, #tpu.memory_space<vmem>>, vector<1x16xf32>,
    %swap3A_389 = vector.shape_cast %swap3A_388 : vector<1x16xf32> to vector<16xf32>
    %swap3A_390 = vector.shape_cast %broadcast_in_dim3A_384 : vector<16xf32> to vector<1x16xf32>
    tpu.vector_store %arg12[%swap3A_386, %swap3A_387], %swap3A_390 {strides = array<i32>} : memref<8x128xf32, #tpu.memory_space<vmem>>, vector<1x16xf32>,
    %broadcast_in_dim3A_391 = arith.constant 0.000000e+00 : f32
    %broadcast_in_dim3A_392 = vector.broadcast %broadcast_in_dim3A_391 : f32 to vector<16xf32>
    %swap3A_393 = arith.constant 6 : i32
    %swap3A_394 = arith.index_cast %swap3A_393 : i32 to index
    %swap3A_395 = arith.constant 16 : index
    %swap3A_396 = tpu.vector_load %arg12[%swap3A_394, %swap3A_395] {strides = array<i32>} : memref<8x128xf32, #tpu.memory_space<vmem>>, vector<1x16xf32>,
    %swap3A_397 = vector.shape_cast %swap3A_396 : vector<1x16xf32> to vector<16xf32>
    %swap3A_398 = vector.shape_cast %broadcast_in_dim3A_392 : vector<16xf32> to vector<1x16xf32>
    tpu.vector_store %arg12[%swap3A_394, %swap3A_395], %swap3A_398 {strides = array<i32>} : memref<8x128xf32, #tpu.memory_space<vmem>>, vector<1x16xf32>,
    %broadcast_in_dim3A_399 = arith.constant 0.000000e+00 : f32
    %broadcast_in_dim3A_400 = vector.broadcast %broadcast_in_dim3A_399 : f32 to vector<16xf32>
    %swap3A_401 = arith.constant 6 : i32
    %swap3A_402 = arith.index_cast %swap3A_401 : i32 to index
    %swap3A_403 = arith.constant 32 : index
    %swap3A_404 = tpu.vector_load %arg12[%swap3A_402, %swap3A_403] {strides = array<i32>} : memref<8x128xf32, #tpu.memory_space<vmem>>, vector<1x16xf32>,
    %swap3A_405 = vector.shape_cast %swap3A_404 : vector<1x16xf32> to vector<16xf32>
    %swap3A_406 = vector.shape_cast %broadcast_in_dim3A_400 : vector<16xf32> to vector<1x16xf32>
    tpu.vector_store %arg12[%swap3A_402, %swap3A_403], %swap3A_406 {strides = array<i32>} : memref<8x128xf32, #tpu.memory_space<vmem>>, vector<1x16xf32>,
    %broadcast_in_dim3A_407 = arith.constant 0.000000e+00 : f32
    %broadcast_in_dim3A_408 = vector.broadcast %broadcast_in_dim3A_407 : f32 to vector<16xf32>
    %swap3A_409 = arith.constant 6 : i32
    %swap3A_410 = arith.index_cast %swap3A_409 : i32 to index
    %swap3A_411 = arith.constant 48 : index
    %swap3A_412 = tpu.vector_load %arg12[%swap3A_410, %swap3A_411] {strides = array<i32>} : memref<8x128xf32, #tpu.memory_space<vmem>>, vector<1x16xf32>,
    %swap3A_413 = vector.shape_cast %swap3A_412 : vector<1x16xf32> to vector<16xf32>
    %swap3A_414 = vector.shape_cast %broadcast_in_dim3A_408 : vector<16xf32> to vector<1x16xf32>
    tpu.vector_store %arg12[%swap3A_410, %swap3A_411], %swap3A_414 {strides = array<i32>} : memref<8x128xf32, #tpu.memory_space<vmem>>, vector<1x16xf32>,
    %broadcast_in_dim3A_415 = arith.constant 0.000000e+00 : f32
    %broadcast_in_dim3A_416 = vector.broadcast %broadcast_in_dim3A_415 : f32 to vector<16xf32>
    %swap3A_417 = arith.constant 6 : i32
    %swap3A_418 = arith.index_cast %swap3A_417 : i32 to index
    %swap3A_419 = arith.constant 64 : index
    %swap3A_420 = tpu.vector_load %arg12[%swap3A_418, %swap3A_419] {strides = array<i32>} : memref<8x128xf32, #tpu.memory_space<vmem>>, vector<1x16xf32>,
    %swap3A_421 = vector.shape_cast %swap3A_420 : vector<1x16xf32> to vector<16xf32>
    %swap3A_422 = vector.shape_cast %broadcast_in_dim3A_416 : vector<16xf32> to vector<1x16xf32>
    tpu.vector_store %arg12[%swap3A_418, %swap3A_419], %swap3A_422 {strides = array<i32>} : memref<8x128xf32, #tpu.memory_space<vmem>>, vector<1x16xf32>,
    %broadcast_in_dim3A_423 = arith.constant 0.000000e+00 : f32
    %broadcast_in_dim3A_424 = vector.broadcast %broadcast_in_dim3A_423 : f32 to vector<16xf32>
    %swap3A_425 = arith.constant 6 : i32
    %swap3A_426 = arith.index_cast %swap3A_425 : i32 to index
    %swap3A_427 = arith.constant 80 : index
    %swap3A_428 = tpu.vector_load %arg12[%swap3A_426, %swap3A_427] {strides = array<i32>} : memref<8x128xf32, #tpu.memory_space<vmem>>, vector<1x16xf32>,
    %swap3A_429 = vector.shape_cast %swap3A_428 : vector<1x16xf32> to vector<16xf32>
    %swap3A_430 = vector.shape_cast %broadcast_in_dim3A_424 : vector<16xf32> to vector<1x16xf32>
    tpu.vector_store %arg12[%swap3A_426, %swap3A_427], %swap3A_430 {strides = array<i32>} : memref<8x128xf32, #tpu.memory_space<vmem>>, vector<1x16xf32>,
    %broadcast_in_dim3A_431 = arith.constant 0.000000e+00 : f32
    %broadcast_in_dim3A_432 = vector.broadcast %broadcast_in_dim3A_431 : f32 to vector<16xf32>
    %swap3A_433 = arith.constant 6 : i32
    %swap3A_434 = arith.index_cast %swap3A_433 : i32 to index
    %swap3A_435 = arith.constant 96 : index
    %swap3A_436 = tpu.vector_load %arg12[%swap3A_434, %swap3A_435] {strides = array<i32>} : memref<8x128xf32, #tpu.memory_space<vmem>>, vector<1x16xf32>,
    %swap3A_437 = vector.shape_cast %swap3A_436 : vector<1x16xf32> to vector<16xf32>
    %swap3A_438 = vector.shape_cast %broadcast_in_dim3A_432 : vector<16xf32> to vector<1x16xf32>
    tpu.vector_store %arg12[%swap3A_434, %swap3A_435], %swap3A_438 {strides = array<i32>} : memref<8x128xf32, #tpu.memory_space<vmem>>, vector<1x16xf32>,
    %broadcast_in_dim3A_439 = arith.constant 0.000000e+00 : f32
    %broadcast_in_dim3A_440 = vector.broadcast %broadcast_in_dim3A_439 : f32 to vector<16xf32>
    %swap3A_441 = arith.constant 6 : i32
    %swap3A_442 = arith.index_cast %swap3A_441 : i32 to index
    %swap3A_443 = arith.constant 112 : index
    %swap3A_444 = tpu.vector_load %arg12[%swap3A_442, %swap3A_443] {strides = array<i32>} : memref<8x128xf32, #tpu.memory_space<vmem>>, vector<1x16xf32>,
    %swap3A_445 = vector.shape_cast %swap3A_444 : vector<1x16xf32> to vector<16xf32>
    %swap3A_446 = vector.shape_cast %broadcast_in_dim3A_440 : vector<16xf32> to vector<1x16xf32>
    tpu.vector_store %arg12[%swap3A_442, %swap3A_443], %swap3A_446 {strides = array<i32>} : memref<8x128xf32, #tpu.memory_space<vmem>>, vector<1x16xf32>,
    %broadcast_in_dim3A_447 = arith.constant 0.000000e+00 : f32
    %broadcast_in_dim3A_448 = vector.broadcast %broadcast_in_dim3A_447 : f32 to vector<16xf32>
    %swap3A_449 = arith.constant 7 : i32
    %swap3A_450 = arith.index_cast %swap3A_449 : i32 to index
    %swap3A_451 = arith.constant 0 : index
    %swap3A_452 = tpu.vector_load %arg12[%swap3A_450, %swap3A_451] {strides = array<i32>} : memref<8x128xf32, #tpu.memory_space<vmem>>, vector<1x16xf32>,
    %swap3A_453 = vector.shape_cast %swap3A_452 : vector<1x16xf32> to vector<16xf32>
    %swap3A_454 = vector.shape_cast %broadcast_in_dim3A_448 : vector<16xf32> to vector<1x16xf32>
    tpu.vector_store %arg12[%swap3A_450, %swap3A_451], %swap3A_454 {strides = array<i32>} : memref<8x128xf32, #tpu.memory_space<vmem>>, vector<1x16xf32>,
    %broadcast_in_dim3A_455 = arith.constant 0.000000e+00 : f32
    %broadcast_in_dim3A_456 = vector.broadcast %broadcast_in_dim3A_455 : f32 to vector<16xf32>
    %swap3A_457 = arith.constant 7 : i32
    %swap3A_458 = arith.index_cast %swap3A_457 : i32 to index
    %swap3A_459 = arith.constant 16 : index
    %swap3A_460 = tpu.vector_load %arg12[%swap3A_458, %swap3A_459] {strides = array<i32>} : memref<8x128xf32, #tpu.memory_space<vmem>>, vector<1x16xf32>,
    %swap3A_461 = vector.shape_cast %swap3A_460 : vector<1x16xf32> to vector<16xf32>
    %swap3A_462 = vector.shape_cast %broadcast_in_dim3A_456 : vector<16xf32> to vector<1x16xf32>
    tpu.vector_store %arg12[%swap3A_458, %swap3A_459], %swap3A_462 {strides = array<i32>} : memref<8x128xf32, #tpu.memory_space<vmem>>, vector<1x16xf32>,
    %broadcast_in_dim3A_463 = arith.constant 0.000000e+00 : f32
    %broadcast_in_dim3A_464 = vector.broadcast %broadcast_in_dim3A_463 : f32 to vector<16xf32>
    %swap3A_465 = arith.constant 7 : i32
    %swap3A_466 = arith.index_cast %swap3A_465 : i32 to index
    %swap3A_467 = arith.constant 32 : index
    %swap3A_468 = tpu.vector_load %arg12[%swap3A_466, %swap3A_467] {strides = array<i32>} : memref<8x128xf32, #tpu.memory_space<vmem>>, vector<1x16xf32>,
    %swap3A_469 = vector.shape_cast %swap3A_468 : vector<1x16xf32> to vector<16xf32>
    %swap3A_470 = vector.shape_cast %broadcast_in_dim3A_464 : vector<16xf32> to vector<1x16xf32>
    tpu.vector_store %arg12[%swap3A_466, %swap3A_467], %swap3A_470 {strides = array<i32>} : memref<8x128xf32, #tpu.memory_space<vmem>>, vector<1x16xf32>,
    %broadcast_in_dim3A_471 = arith.constant 0.000000e+00 : f32
    %broadcast_in_dim3A_472 = vector.broadcast %broadcast_in_dim3A_471 : f32 to vector<16xf32>
    %swap3A_473 = arith.constant 7 : i32
    %swap3A_474 = arith.index_cast %swap3A_473 : i32 to index
    %swap3A_475 = arith.constant 48 : index
    %swap3A_476 = tpu.vector_load %arg12[%swap3A_474, %swap3A_475] {strides = array<i32>} : memref<8x128xf32, #tpu.memory_space<vmem>>, vector<1x16xf32>,
    %swap3A_477 = vector.shape_cast %swap3A_476 : vector<1x16xf32> to vector<16xf32>
    %swap3A_478 = vector.shape_cast %broadcast_in_dim3A_472 : vector<16xf32> to vector<1x16xf32>
    tpu.vector_store %arg12[%swap3A_474, %swap3A_475], %swap3A_478 {strides = array<i32>} : memref<8x128xf32, #tpu.memory_space<vmem>>, vector<1x16xf32>,
    %broadcast_in_dim3A_479 = arith.constant 0.000000e+00 : f32
    %broadcast_in_dim3A_480 = vector.broadcast %broadcast_in_dim3A_479 : f32 to vector<16xf32>
    %swap3A_481 = arith.constant 7 : i32
    %swap3A_482 = arith.index_cast %swap3A_481 : i32 to index
    %swap3A_483 = arith.constant 64 : index
    %swap3A_484 = tpu.vector_load %arg12[%swap3A_482, %swap3A_483] {strides = array<i32>} : memref<8x128xf32, #tpu.memory_space<vmem>>, vector<1x16xf32>,
    %swap3A_485 = vector.shape_cast %swap3A_484 : vector<1x16xf32> to vector<16xf32>
    %swap3A_486 = vector.shape_cast %broadcast_in_dim3A_480 : vector<16xf32> to vector<1x16xf32>
    tpu.vector_store %arg12[%swap3A_482, %swap3A_483], %swap3A_486 {strides = array<i32>} : memref<8x128xf32, #tpu.memory_space<vmem>>, vector<1x16xf32>,
    %broadcast_in_dim3A_487 = arith.constant 0.000000e+00 : f32
    %broadcast_in_dim3A_488 = vector.broadcast %broadcast_in_dim3A_487 : f32 to vector<16xf32>
    %swap3A_489 = arith.constant 7 : i32
    %swap3A_490 = arith.index_cast %swap3A_489 : i32 to index
    %swap3A_491 = arith.constant 80 : index
    %swap3A_492 = tpu.vector_load %arg12[%swap3A_490, %swap3A_491] {strides = array<i32>} : memref<8x128xf32, #tpu.memory_space<vmem>>, vector<1x16xf32>,
    %swap3A_493 = vector.shape_cast %swap3A_492 : vector<1x16xf32> to vector<16xf32>
    %swap3A_494 = vector.shape_cast %broadcast_in_dim3A_488 : vector<16xf32> to vector<1x16xf32>
    tpu.vector_store %arg12[%swap3A_490, %swap3A_491], %swap3A_494 {strides = array<i32>} : memref<8x128xf32, #tpu.memory_space<vmem>>, vector<1x16xf32>,
    %broadcast_in_dim3A_495 = arith.constant 0.000000e+00 : f32
    %broadcast_in_dim3A_496 = vector.broadcast %broadcast_in_dim3A_495 : f32 to vector<16xf32>
    %swap3A_497 = arith.constant 7 : i32
    %swap3A_498 = arith.index_cast %swap3A_497 : i32 to index
    %swap3A_499 = arith.constant 96 : index
    %swap3A_500 = tpu.vector_load %arg12[%swap3A_498, %swap3A_499] {strides = array<i32>} : memref<8x128xf32, #tpu.memory_space<vmem>>, vector<1x16xf32>,
    %swap3A_501 = vector.shape_cast %swap3A_500 : vector<1x16xf32> to vector<16xf32>
    %swap3A_502 = vector.shape_cast %broadcast_in_dim3A_496 : vector<16xf32> to vector<1x16xf32>
    tpu.vector_store %arg12[%swap3A_498, %swap3A_499], %swap3A_502 {strides = array<i32>} : memref<8x128xf32, #tpu.memory_space<vmem>>, vector<1x16xf32>,
    %broadcast_in_dim3A_503 = arith.constant 0.000000e+00 : f32
    %broadcast_in_dim3A_504 = vector.broadcast %broadcast_in_dim3A_503 : f32 to vector<16xf32>
    %swap3A_505 = arith.constant 7 : i32
    %swap3A_506 = arith.index_cast %swap3A_505 : i32 to index
    %swap3A_507 = arith.constant 112 : index
    %swap3A_508 = tpu.vector_load %arg12[%swap3A_506, %swap3A_507] {strides = array<i32>} : memref<8x128xf32, #tpu.memory_space<vmem>>, vector<1x16xf32>,
    %swap3A_509 = vector.shape_cast %swap3A_508 : vector<1x16xf32> to vector<16xf32>
    %swap3A_510 = vector.shape_cast %broadcast_in_dim3A_504 : vector<16xf32> to vector<1x16xf32>
    tpu.vector_store %arg12[%swap3A_506, %swap3A_507], %swap3A_510 {strides = array<i32>} : memref<8x128xf32, #tpu.memory_space<vmem>>, vector<1x16xf32>,
    %scan3A = arith.constant 0 : i32
    %scan3A_511 = arith.constant 80 : i32
    %scan3A_512 = arith.addi %scan3A, %scan3A_511 : i32
    %scan3A_513 = arith.constant 1 : i32
    scf.for %scan3A_550 = %scan3A to %scan3A_512 step %scan3A_513  : i32 {
      %mul3A_551 = arith.constant 1 : i32
      %mul3A_552 = arith.muli %scan3A_550, %mul3A_551 : i32
      %add3A_553 = arith.constant 0 : i32
      %add3A_554 = arith.addi %add3A_553, %mul3A_552 : i32
      %mul3A_555 = arith.constant 640 : i32
      %mul3A_556 = arith.muli %arg1, %mul3A_555 : i32
      %mul3A_557 = arith.constant 8 : i32
      %mul3A_558 = arith.muli %add3A_554, %mul3A_557 : i32
      %add3A_559 = arith.addi %mul3A_556, %mul3A_558 : i32
      "tpu.region"() ({
        %run_scoped3A = tpu.sem_alloc : memref<!tpu.dma_semaphore, #tpu.memory_space<semaphore_mem>>
        %dma_start3A = arith.constant 0 : i32
        %dma_start3A_560 = tpu.memref_slice %arg13[%add3A_559, %dma_start3A] : memref<10240x128xf32, #tpu.memory_space<vmem_shared>> -> memref<8x128xf32, #tpu.memory_space<vmem_shared>>
        %dma_start3A_561 = arith.constant 0 : i32
        %dma_start3A_562 = tpu.memref_slice %arg13[%add3A_559, %dma_start3A_561] : memref<10240x128xf32, #tpu.memory_space<vmem_shared>> -> memref<8x128xf32, #tpu.memory_space<vmem_shared>>
        tpu.enqueue_dma source(%arg12 : memref<8x128xf32, #tpu.memory_space<vmem>>) target(%dma_start3A_562 : memref<8x128xf32, #tpu.memory_space<vmem_shared>>) target_semaphore(%run_scoped3A : memref<!tpu.dma_semaphore, #tpu.memory_space<semaphore_mem>>)
        %dma_wait3A = arith.constant 0 : i32
        %dma_wait3A_563 = tpu.memref_slice %arg13[%add3A_559, %dma_wait3A] : memref<10240x128xf32, #tpu.memory_space<vmem_shared>> -> memref<8x128xf32, #tpu.memory_space<vmem_shared>>
        %dma_wait3A_564 = arith.constant 0 : i32
        %dma_wait3A_565 = tpu.memref_slice %arg13[%add3A_559, %dma_wait3A_564] : memref<10240x128xf32, #tpu.memory_space<vmem_shared>> -> memref<8x128xf32, #tpu.memory_space<vmem_shared>>
        tpu.wait_dma2 semaphore(%run_scoped3A : memref<!tpu.dma_semaphore, #tpu.memory_space<semaphore_mem>>) src(%arg12 : memref<8x128xf32, #tpu.memory_space<vmem>>) dst(%dma_wait3A_565 : memref<8x128xf32, #tpu.memory_space<vmem_shared>>)
        tpu.yield
      }) : () -> ()
    }
    %scan3A_514 = arith.constant 80 : i32
    %barrier3A = arith.constant 0 : index
    tpu.barrier barrier_id(%barrier3A)
    %eq3A = arith.constant 0 : i32
    %eq3A_515 = arith.cmpi eq, %arg0, %eq3A : i32
    %jit3A = arith.constant 72 : i32
    %jit3A_516 = arith.constant 8 : i32
    %select_n3A = arith.select %eq3A_515, %jit3A, %jit3A_516 : i32
    %eq3A_517 = arith.constant 0 : i32
    %eq3A_518 = arith.cmpi eq, %arg0, %eq3A_517 : i32
    %mul3A_519 = arith.constant 72 : i32
    %mul3A_520 = arith.muli %arg1, %mul3A_519 : i32
    %mul3A_521 = arith.constant 8 : i32
    %mul3A_522 = arith.muli %arg1, %mul3A_521 : i32
    %add3A_523 = arith.constant 1152 : i32
    %add3A_524 = arith.addi %add3A_523, %mul3A_522 : i32
    %select_n3A_525 = arith.select %eq3A_518, %mul3A_520, %add3A_524 : i32
    %sub3A = arith.constant 0 : i32
    %sub3A_526 = arith.subi %select_n3A, %sub3A : i32
    %sub3A_527 = arith.constant 1 : i32
    %sub3A_528 = arith.constant 1 : i32
    %sub3A_529 = arith.subi %sub3A_527, %sub3A_528 : i32
    %add3A_530 = arith.addi %sub3A_526, %sub3A_529 : i32
    %div3A = arith.constant 1 : i32
    %div3A_531 = arith.divsi %add3A_530, %div3A : i32
    %while3A = arith.constant 1 : i32
    %while3A_532 = arith.constant 0 : i32
    %while3A_533 = arith.constant 0 : i32
    %while3A_534 = arith.subi %div3A_531, %while3A_533 : i32
    %while3A_535 = arith.addi %while3A_533, %while3A_534 : i32
    %while3A_536 = arith.constant 1 : i32
    %while3A_537 = arith.divsi %while3A_534, %while3A_536 : i32
    %while3A_538 = arith.muli %while3A_537, %while3A_536 : i32
    %while3A_539 = arith.addi %while3A_533, %while3A_538 : i32
    %while3A_540 = arith.constant 1 : i32
    scf.for %while3A_550 = %while3A_533 to %while3A_539 step %while3A_540  : i32 {
      %mul3A_551 = arith.muli %while3A_550, %while3A : i32
      %add3A_552 = arith.addi %while3A_532, %mul3A_551 : i32
      %add3A_553 = arith.addi %select_n3A_525, %add3A_552 : i32
      "tpu.region"() ({
        %run_scoped3A_671 = tpu.sem_alloc : memref<!tpu.dma_semaphore, #tpu.memory_space<semaphore_mem>>
        %dma_start3A_672 = arith.constant 0 : i32
        %dma_start3A_673 = arith.constant 0 : i32
        %dma_start3A_674 = tpu.memref_slice %arg3[%add3A_553, %dma_start3A_672, %dma_start3A_673] : memref<1280x8x32xi32, #tpu.memory_space<hbm>> -> memref<1x8x32xi32, #tpu.memory_space<hbm>>
        %dma_start3A_675 = tpu.memref_squeeze %dma_start3A_674 : memref<1x8x32xi32, #tpu.memory_space<hbm>> -> memref<8x32xi32, #tpu.memory_space<hbm>>
        %dma_start3A_676 = arith.constant 0 : i32
        %dma_start3A_677 = arith.constant 0 : i32
        %dma_start3A_678 = tpu.memref_slice %arg3[%add3A_553, %dma_start3A_676, %dma_start3A_677] : memref<1280x8x32xi32, #tpu.memory_space<hbm>> -> memref<1x8x32xi32, #tpu.memory_space<hbm>>
        %dma_start3A_679 = tpu.memref_squeeze %dma_start3A_678 : memref<1x8x32xi32, #tpu.memory_space<hbm>> -> memref<8x32xi32, #tpu.memory_space<hbm>>
        tpu.enqueue_dma source(%dma_start3A_679 : memref<8x32xi32, #tpu.memory_space<hbm>>) target(%arg6 : memref<8x32xi32, #tpu.memory_space<vmem>>) target_semaphore(%run_scoped3A_671 : memref<!tpu.dma_semaphore, #tpu.memory_space<semaphore_mem>>)
        %dma_wait3A_680 = arith.constant 0 : i32
        %dma_wait3A_681 = arith.constant 0 : i32
        %dma_wait3A_682 = tpu.memref_slice %arg3[%add3A_553, %dma_wait3A_680, %dma_wait3A_681] : memref<1280x8x32xi32, #tpu.memory_space<hbm>> -> memref<1x8x32xi32, #tpu.memory_space<hbm>>
        %dma_wait3A_683 = tpu.memref_squeeze %dma_wait3A_682 : memref<1x8x32xi32, #tpu.memory_space<hbm>> -> memref<8x32xi32, #tpu.memory_space<hbm>>
        %dma_wait3A_684 = arith.constant 0 : i32
        %dma_wait3A_685 = arith.constant 0 : i32
        %dma_wait3A_686 = tpu.memref_slice %arg3[%add3A_553, %dma_wait3A_684, %dma_wait3A_685] : memref<1280x8x32xi32, #tpu.memory_space<hbm>> -> memref<1x8x32xi32, #tpu.memory_space<hbm>>
        %dma_wait3A_687 = tpu.memref_squeeze %dma_wait3A_686 : memref<1x8x32xi32, #tpu.memory_space<hbm>> -> memref<8x32xi32, #tpu.memory_space<hbm>>
        tpu.wait_dma2 semaphore(%run_scoped3A_671 : memref<!tpu.dma_semaphore, #tpu.memory_space<semaphore_mem>>) src(%dma_wait3A_687 : memref<8x32xi32, #tpu.memory_space<hbm>>) dst(%arg6 : memref<8x32xi32, #tpu.memory_space<vmem>>)
        tpu.yield
      }) : () -> ()
      "tpu.region"() ({
        %run_scoped3A_671 = tpu.sem_alloc : memref<!tpu.dma_semaphore, #tpu.memory_space<semaphore_mem>>
        %dma_start3A_672 = arith.constant 0 : i32
        %dma_start3A_673 = arith.constant 0 : i32
        %dma_start3A_674 = tpu.memref_slice %arg4[%add3A_553, %dma_start3A_672, %dma_start3A_673] : memref<1280x8x32xi32, #tpu.memory_space<hbm>> -> memref<1x8x32xi32, #tpu.memory_space<hbm>>
        %dma_start3A_675 = tpu.memref_squeeze %dma_start3A_674 : memref<1x8x32xi32, #tpu.memory_space<hbm>> -> memref<8x32xi32, #tpu.memory_space<hbm>>
        %dma_start3A_676 = arith.constant 0 : i32
        %dma_start3A_677 = arith.constant 0 : i32
        %dma_start3A_678 = tpu.memref_slice %arg4[%add3A_553, %dma_start3A_676, %dma_start3A_677] : memref<1280x8x32xi32, #tpu.memory_space<hbm>> -> memref<1x8x32xi32, #tpu.memory_space<hbm>>
        %dma_start3A_679 = tpu.memref_squeeze %dma_start3A_678 : memref<1x8x32xi32, #tpu.memory_space<hbm>> -> memref<8x32xi32, #tpu.memory_space<hbm>>
        tpu.enqueue_dma source(%dma_start3A_679 : memref<8x32xi32, #tpu.memory_space<hbm>>) target(%arg7 : memref<8x32xi32, #tpu.memory_space<vmem>>) target_semaphore(%run_scoped3A_671 : memref<!tpu.dma_semaphore, #tpu.memory_space<semaphore_mem>>)
        %dma_wait3A_680 = arith.constant 0 : i32
        %dma_wait3A_681 = arith.constant 0 : i32
        %dma_wait3A_682 = tpu.memref_slice %arg4[%add3A_553, %dma_wait3A_680, %dma_wait3A_681] : memref<1280x8x32xi32, #tpu.memory_space<hbm>> -> memref<1x8x32xi32, #tpu.memory_space<hbm>>
        %dma_wait3A_683 = tpu.memref_squeeze %dma_wait3A_682 : memref<1x8x32xi32, #tpu.memory_space<hbm>> -> memref<8x32xi32, #tpu.memory_space<hbm>>
        %dma_wait3A_684 = arith.constant 0 : i32
        %dma_wait3A_685 = arith.constant 0 : i32
        %dma_wait3A_686 = tpu.memref_slice %arg4[%add3A_553, %dma_wait3A_684, %dma_wait3A_685] : memref<1280x8x32xi32, #tpu.memory_space<hbm>> -> memref<1x8x32xi32, #tpu.memory_space<hbm>>
        %dma_wait3A_687 = tpu.memref_squeeze %dma_wait3A_686 : memref<1x8x32xi32, #tpu.memory_space<hbm>> -> memref<8x32xi32, #tpu.memory_space<hbm>>
        tpu.wait_dma2 semaphore(%run_scoped3A_671 : memref<!tpu.dma_semaphore, #tpu.memory_space<semaphore_mem>>) src(%dma_wait3A_687 : memref<8x32xi32, #tpu.memory_space<hbm>>) dst(%arg7 : memref<8x32xi32, #tpu.memory_space<vmem>>)
        tpu.yield
      }) : () -> ()
      %dma_start3A = arith.constant 0 : i32
      %dma_start3A_554 = arith.constant 0 : i32
      %dma_start3A_555 = tpu.memref_slice %arg6[%dma_start3A, %dma_start3A_554] : memref<8x32xi32, #tpu.memory_space<vmem>> -> memref<1x32xi32, #tpu.memory_space<vmem>>
      %dma_start3A_556 = tpu.memref_squeeze %dma_start3A_555 : memref<1x32xi32, #tpu.memory_space<vmem>> -> memref<32xi32, #tpu.memory_space<vmem>>
      %dma_start3A_557 = arith.constant 0 : i32
      %dma_start3A_558 = arith.constant 0 : i32
      %dma_start3A_559 = tpu.memref_slice %arg2[%dma_start3A_557, %dma_start3A_558] : memref<10240x128xf32, #tpu.memory_space<hbm>> -> memref<10240x128xf32, #tpu.memory_space<hbm>>
      tpu.enqueue_indirect_dma source(%dma_start3A_559 : memref<10240x128xf32, #tpu.memory_space<hbm>>) target(%arg8 : memref<32x128xf32, #tpu.memory_space<vmem>>) offsets(%dma_start3A_556 : memref<32xi32, #tpu.memory_space<vmem>>) semaphore(%arg14 : memref<!tpu.dma_semaphore, #tpu.memory_space<semaphore_mem>>)
      %dma_start3A_560 = arith.constant 1 : i32
      %dma_start3A_561 = arith.constant 0 : i32
      %dma_start3A_562 = tpu.memref_slice %arg6[%dma_start3A_560, %dma_start3A_561] : memref<8x32xi32, #tpu.memory_space<vmem>> -> memref<1x32xi32, #tpu.memory_space<vmem>>
      %dma_start3A_563 = tpu.memref_squeeze %dma_start3A_562 : memref<1x32xi32, #tpu.memory_space<vmem>> -> memref<32xi32, #tpu.memory_space<vmem>>
      %dma_start3A_564 = arith.constant 0 : i32
      %dma_start3A_565 = arith.constant 0 : i32
      %dma_start3A_566 = tpu.memref_slice %arg2[%dma_start3A_564, %dma_start3A_565] : memref<10240x128xf32, #tpu.memory_space<hbm>> -> memref<10240x128xf32, #tpu.memory_space<hbm>>
      tpu.enqueue_indirect_dma source(%dma_start3A_566 : memref<10240x128xf32, #tpu.memory_space<hbm>>) target(%arg9 : memref<32x128xf32, #tpu.memory_space<vmem>>) offsets(%dma_start3A_563 : memref<32xi32, #tpu.memory_space<vmem>>) semaphore(%arg14 : memref<!tpu.dma_semaphore, #tpu.memory_space<semaphore_mem>>)
      %dma_start3A_567 = arith.constant 2 : i32
      %dma_start3A_568 = arith.constant 0 : i32
      %dma_start3A_569 = tpu.memref_slice %arg6[%dma_start3A_567, %dma_start3A_568] : memref<8x32xi32, #tpu.memory_space<vmem>> -> memref<1x32xi32, #tpu.memory_space<vmem>>
      %dma_start3A_570 = tpu.memref_squeeze %dma_start3A_569 : memref<1x32xi32, #tpu.memory_space<vmem>> -> memref<32xi32, #tpu.memory_space<vmem>>
      %dma_start3A_571 = arith.constant 0 : i32
      %dma_start3A_572 = arith.constant 0 : i32
      %dma_start3A_573 = tpu.memref_slice %arg2[%dma_start3A_571, %dma_start3A_572] : memref<10240x128xf32, #tpu.memory_space<hbm>> -> memref<10240x128xf32, #tpu.memory_space<hbm>>
      tpu.enqueue_indirect_dma source(%dma_start3A_573 : memref<10240x128xf32, #tpu.memory_space<hbm>>) target(%arg10 : memref<32x128xf32, #tpu.memory_space<vmem>>) offsets(%dma_start3A_570 : memref<32xi32, #tpu.memory_space<vmem>>) semaphore(%arg14 : memref<!tpu.dma_semaphore, #tpu.memory_space<semaphore_mem>>)
      %dma_start3A_574 = arith.constant 3 : i32
      %dma_start3A_575 = arith.constant 0 : i32
      %dma_start3A_576 = tpu.memref_slice %arg6[%dma_start3A_574, %dma_start3A_575] : memref<8x32xi32, #tpu.memory_space<vmem>> -> memref<1x32xi32, #tpu.memory_space<vmem>>
      %dma_start3A_577 = tpu.memref_squeeze %dma_start3A_576 : memref<1x32xi32, #tpu.memory_space<vmem>> -> memref<32xi32, #tpu.memory_space<vmem>>
      %dma_start3A_578 = arith.constant 0 : i32
      %dma_start3A_579 = arith.constant 0 : i32
      %dma_start3A_580 = tpu.memref_slice %arg2[%dma_start3A_578, %dma_start3A_579] : memref<10240x128xf32, #tpu.memory_space<hbm>> -> memref<10240x128xf32, #tpu.memory_space<hbm>>
      tpu.enqueue_indirect_dma source(%dma_start3A_580 : memref<10240x128xf32, #tpu.memory_space<hbm>>) target(%arg11 : memref<32x128xf32, #tpu.memory_space<vmem>>) offsets(%dma_start3A_577 : memref<32xi32, #tpu.memory_space<vmem>>) semaphore(%arg14 : memref<!tpu.dma_semaphore, #tpu.memory_space<semaphore_mem>>)
      %dma_wait3A = arith.constant 0 : i32
      %dma_wait3A_581 = arith.constant 0 : i32
      %dma_wait3A_582 = tpu.memref_slice %arg6[%dma_wait3A, %dma_wait3A_581] : memref<8x32xi32, #tpu.memory_space<vmem>> -> memref<1x32xi32, #tpu.memory_space<vmem>>
      %dma_wait3A_583 = tpu.memref_squeeze %dma_wait3A_582 : memref<1x32xi32, #tpu.memory_space<vmem>> -> memref<32xi32, #tpu.memory_space<vmem>>
      %dma_wait3A_584 = arith.constant 0 : i32
      %dma_wait3A_585 = arith.constant 0 : i32
      %dma_wait3A_586 = tpu.memref_slice %arg2[%dma_wait3A_584, %dma_wait3A_585] : memref<10240x128xf32, #tpu.memory_space<hbm>> -> memref<10240x128xf32, #tpu.memory_space<hbm>>
      tpu.wait_indirect_dma semaphore(%arg14 : memref<!tpu.dma_semaphore, #tpu.memory_space<semaphore_mem>>) src(%dma_wait3A_586 : memref<10240x128xf32, #tpu.memory_space<hbm>>) dst(%arg8 : memref<32x128xf32, #tpu.memory_space<vmem>>)
      %dma_wait3A_587 = arith.constant 1 : i32
      %dma_wait3A_588 = arith.constant 0 : i32
      %dma_wait3A_589 = tpu.memref_slice %arg6[%dma_wait3A_587, %dma_wait3A_588] : memref<8x32xi32, #tpu.memory_space<vmem>> -> memref<1x32xi32, #tpu.memory_space<vmem>>
      %dma_wait3A_590 = tpu.memref_squeeze %dma_wait3A_589 : memref<1x32xi32, #tpu.memory_space<vmem>> -> memref<32xi32, #tpu.memory_space<vmem>>
      %dma_wait3A_591 = arith.constant 0 : i32
      %dma_wait3A_592 = arith.constant 0 : i32
      %dma_wait3A_593 = tpu.memref_slice %arg2[%dma_wait3A_591, %dma_wait3A_592] : memref<10240x128xf32, #tpu.memory_space<hbm>> -> memref<10240x128xf32, #tpu.memory_space<hbm>>
      tpu.wait_indirect_dma semaphore(%arg14 : memref<!tpu.dma_semaphore, #tpu.memory_space<semaphore_mem>>) src(%dma_wait3A_593 : memref<10240x128xf32, #tpu.memory_space<hbm>>) dst(%arg9 : memref<32x128xf32, #tpu.memory_space<vmem>>)
      %dma_wait3A_594 = arith.constant 2 : i32
      %dma_wait3A_595 = arith.constant 0 : i32
      %dma_wait3A_596 = tpu.memref_slice %arg6[%dma_wait3A_594, %dma_wait3A_595] : memref<8x32xi32, #tpu.memory_space<vmem>> -> memref<1x32xi32, #tpu.memory_space<vmem>>
      %dma_wait3A_597 = tpu.memref_squeeze %dma_wait3A_596 : memref<1x32xi32, #tpu.memory_space<vmem>> -> memref<32xi32, #tpu.memory_space<vmem>>
      %dma_wait3A_598 = arith.constant 0 : i32
      %dma_wait3A_599 = arith.constant 0 : i32
      %dma_wait3A_600 = tpu.memref_slice %arg2[%dma_wait3A_598, %dma_wait3A_599] : memref<10240x128xf32, #tpu.memory_space<hbm>> -> memref<10240x128xf32, #tpu.memory_space<hbm>>
      tpu.wait_indirect_dma semaphore(%arg14 : memref<!tpu.dma_semaphore, #tpu.memory_space<semaphore_mem>>) src(%dma_wait3A_600 : memref<10240x128xf32, #tpu.memory_space<hbm>>) dst(%arg10 : memref<32x128xf32, #tpu.memory_space<vmem>>)
      %dma_wait3A_601 = arith.constant 3 : i32
      %dma_wait3A_602 = arith.constant 0 : i32
      %dma_wait3A_603 = tpu.memref_slice %arg6[%dma_wait3A_601, %dma_wait3A_602] : memref<8x32xi32, #tpu.memory_space<vmem>> -> memref<1x32xi32, #tpu.memory_space<vmem>>
      %dma_wait3A_604 = tpu.memref_squeeze %dma_wait3A_603 : memref<1x32xi32, #tpu.memory_space<vmem>> -> memref<32xi32, #tpu.memory_space<vmem>>
      %dma_wait3A_605 = arith.constant 0 : i32
      %dma_wait3A_606 = arith.constant 0 : i32
      %dma_wait3A_607 = tpu.memref_slice %arg2[%dma_wait3A_605, %dma_wait3A_606] : memref<10240x128xf32, #tpu.memory_space<hbm>> -> memref<10240x128xf32, #tpu.memory_space<hbm>>
      tpu.wait_indirect_dma semaphore(%arg14 : memref<!tpu.dma_semaphore, #tpu.memory_space<semaphore_mem>>) src(%dma_wait3A_607 : memref<10240x128xf32, #tpu.memory_space<hbm>>) dst(%arg11 : memref<32x128xf32, #tpu.memory_space<vmem>>)
      %dma_start3A_608 = arith.constant 4 : i32
      %dma_start3A_609 = arith.constant 0 : i32
      %dma_start3A_610 = tpu.memref_slice %arg6[%dma_start3A_608, %dma_start3A_609] : memref<8x32xi32, #tpu.memory_space<vmem>> -> memref<1x32xi32, #tpu.memory_space<vmem>>
      %dma_start3A_611 = tpu.memref_squeeze %dma_start3A_610 : memref<1x32xi32, #tpu.memory_space<vmem>> -> memref<32xi32, #tpu.memory_space<vmem>>
      %dma_start3A_612 = arith.constant 0 : i32
      %dma_start3A_613 = arith.constant 0 : i32
      %dma_start3A_614 = tpu.memref_slice %arg2[%dma_start3A_612, %dma_start3A_613] : memref<10240x128xf32, #tpu.memory_space<hbm>> -> memref<10240x128xf32, #tpu.memory_space<hbm>>
      tpu.enqueue_indirect_dma source(%dma_start3A_614 : memref<10240x128xf32, #tpu.memory_space<hbm>>) target(%arg8 : memref<32x128xf32, #tpu.memory_space<vmem>>) offsets(%dma_start3A_611 : memref<32xi32, #tpu.memory_space<vmem>>) semaphore(%arg14 : memref<!tpu.dma_semaphore, #tpu.memory_space<semaphore_mem>>)
      %dma_start3A_615 = arith.constant 5 : i32
      %dma_start3A_616 = arith.constant 0 : i32
      %dma_start3A_617 = tpu.memref_slice %arg6[%dma_start3A_615, %dma_start3A_616] : memref<8x32xi32, #tpu.memory_space<vmem>> -> memref<1x32xi32, #tpu.memory_space<vmem>>
      %dma_start3A_618 = tpu.memref_squeeze %dma_start3A_617 : memref<1x32xi32, #tpu.memory_space<vmem>> -> memref<32xi32, #tpu.memory_space<vmem>>
      %dma_start3A_619 = arith.constant 0 : i32
      %dma_start3A_620 = arith.constant 0 : i32
      %dma_start3A_621 = tpu.memref_slice %arg2[%dma_start3A_619, %dma_start3A_620] : memref<10240x128xf32, #tpu.memory_space<hbm>> -> memref<10240x128xf32, #tpu.memory_space<hbm>>
      tpu.enqueue_indirect_dma source(%dma_start3A_621 : memref<10240x128xf32, #tpu.memory_space<hbm>>) target(%arg9 : memref<32x128xf32, #tpu.memory_space<vmem>>) offsets(%dma_start3A_618 : memref<32xi32, #tpu.memory_space<vmem>>) semaphore(%arg14 : memref<!tpu.dma_semaphore, #tpu.memory_space<semaphore_mem>>)
      %dma_start3A_622 = arith.constant 6 : i32
      %dma_start3A_623 = arith.constant 0 : i32
      %dma_start3A_624 = tpu.memref_slice %arg6[%dma_start3A_622, %dma_start3A_623] : memref<8x32xi32, #tpu.memory_space<vmem>> -> memref<1x32xi32, #tpu.memory_space<vmem>>
      %dma_start3A_625 = tpu.memref_squeeze %dma_start3A_624 : memref<1x32xi32, #tpu.memory_space<vmem>> -> memref<32xi32, #tpu.memory_space<vmem>>
      %dma_start3A_626 = arith.constant 0 : i32
      %dma_start3A_627 = arith.constant 0 : i32
      %dma_start3A_628 = tpu.memref_slice %arg2[%dma_start3A_626, %dma_start3A_627] : memref<10240x128xf32, #tpu.memory_space<hbm>> -> memref<10240x128xf32, #tpu.memory_space<hbm>>
      tpu.enqueue_indirect_dma source(%dma_start3A_628 : memref<10240x128xf32, #tpu.memory_space<hbm>>) target(%arg10 : memref<32x128xf32, #tpu.memory_space<vmem>>) offsets(%dma_start3A_625 : memref<32xi32, #tpu.memory_space<vmem>>) semaphore(%arg14 : memref<!tpu.dma_semaphore, #tpu.memory_space<semaphore_mem>>)
      %dma_start3A_629 = arith.constant 7 : i32
      %dma_start3A_630 = arith.constant 0 : i32
      %dma_start3A_631 = tpu.memref_slice %arg6[%dma_start3A_629, %dma_start3A_630] : memref<8x32xi32, #tpu.memory_space<vmem>> -> memref<1x32xi32, #tpu.memory_space<vmem>>
      %dma_start3A_632 = tpu.memref_squeeze %dma_start3A_631 : memref<1x32xi32, #tpu.memory_space<vmem>> -> memref<32xi32, #tpu.memory_space<vmem>>
      %dma_start3A_633 = arith.constant 0 : i32
      %dma_start3A_634 = arith.constant 0 : i32
      %dma_start3A_635 = tpu.memref_slice %arg2[%dma_start3A_633, %dma_start3A_634] : memref<10240x128xf32, #tpu.memory_space<hbm>> -> memref<10240x128xf32, #tpu.memory_space<hbm>>
      tpu.enqueue_indirect_dma source(%dma_start3A_635 : memref<10240x128xf32, #tpu.memory_space<hbm>>) target(%arg11 : memref<32x128xf32, #tpu.memory_space<vmem>>) offsets(%dma_start3A_632 : memref<32xi32, #tpu.memory_space<vmem>>) semaphore(%arg14 : memref<!tpu.dma_semaphore, #tpu.memory_space<semaphore_mem>>)
      %run_scoped3A = arith.constant 0 : i32
      "tpu.region"() ({
        %run_scoped3A_671 = tpu.sem_alloc : memref<!tpu.dma_semaphore, #tpu.memory_space<semaphore_mem>>
        %dma_start3A_672 = arith.constant 0 : i32
        %dma_start3A_673 = tpu.memref_slice %arg7[%run_scoped3A, %dma_start3A_672] : memref<8x32xi32, #tpu.memory_space<vmem>> -> memref<1x32xi32, #tpu.memory_space<vmem>>
        %dma_start3A_674 = tpu.memref_squeeze %dma_start3A_673 : memref<1x32xi32, #tpu.memory_space<vmem>> -> memref<32xi32, #tpu.memory_space<vmem>>
        %dma_start3A_675 = arith.constant 0 : i32
        %dma_start3A_676 = arith.constant 0 : i32
        %dma_start3A_677 = tpu.memref_slice %arg13[%dma_start3A_675, %dma_start3A_676] : memref<10240x128xf32, #tpu.memory_space<vmem_shared>> -> memref<10240x128xf32, #tpu.memory_space<vmem_shared>>
        tpu.enqueue_indirect_dma source(%arg8 : memref<32x128xf32, #tpu.memory_space<vmem>>) target(%dma_start3A_677 : memref<10240x128xf32, #tpu.memory_space<vmem_shared>>) offsets(%dma_start3A_674 : memref<32xi32, #tpu.memory_space<vmem>>) semaphore(%run_scoped3A_671 : memref<!tpu.dma_semaphore, #tpu.memory_space<semaphore_mem>>) {add = true}
        %dma_wait3A_678 = arith.constant 0 : i32
        %dma_wait3A_679 = tpu.memref_slice %arg7[%run_scoped3A, %dma_wait3A_678] : memref<8x32xi32, #tpu.memory_space<vmem>> -> memref<1x32xi32, #tpu.memory_space<vmem>>
        %dma_wait3A_680 = tpu.memref_squeeze %dma_wait3A_679 : memref<1x32xi32, #tpu.memory_space<vmem>> -> memref<32xi32, #tpu.memory_space<vmem>>
        %dma_wait3A_681 = arith.constant 0 : i32
        %dma_wait3A_682 = arith.constant 0 : i32
        %dma_wait3A_683 = tpu.memref_slice %arg13[%dma_wait3A_681, %dma_wait3A_682] : memref<10240x128xf32, #tpu.memory_space<vmem_shared>> -> memref<10240x128xf32, #tpu.memory_space<vmem_shared>>
        tpu.wait_indirect_dma semaphore(%run_scoped3A_671 : memref<!tpu.dma_semaphore, #tpu.memory_space<semaphore_mem>>) src(%arg8 : memref<32x128xf32, #tpu.memory_space<vmem>>) dst(%dma_wait3A_683 : memref<10240x128xf32, #tpu.memory_space<vmem_shared>>)
        tpu.yield
      }) : () -> ()
      %run_scoped3A_636 = arith.constant 1 : i32
      "tpu.region"() ({
        %run_scoped3A_671 = tpu.sem_alloc : memref<!tpu.dma_semaphore, #tpu.memory_space<semaphore_mem>>
        %dma_start3A_672 = arith.constant 0 : i32
        %dma_start3A_673 = tpu.memref_slice %arg7[%run_scoped3A_636, %dma_start3A_672] : memref<8x32xi32, #tpu.memory_space<vmem>> -> memref<1x32xi32, #tpu.memory_space<vmem>>
        %dma_start3A_674 = tpu.memref_squeeze %dma_start3A_673 : memref<1x32xi32, #tpu.memory_space<vmem>> -> memref<32xi32, #tpu.memory_space<vmem>>
        %dma_start3A_675 = arith.constant 0 : i32
        %dma_start3A_676 = arith.constant 0 : i32
        %dma_start3A_677 = tpu.memref_slice %arg13[%dma_start3A_675, %dma_start3A_676] : memref<10240x128xf32, #tpu.memory_space<vmem_shared>> -> memref<10240x128xf32, #tpu.memory_space<vmem_shared>>
        tpu.enqueue_indirect_dma source(%arg9 : memref<32x128xf32, #tpu.memory_space<vmem>>) target(%dma_start3A_677 : memref<10240x128xf32, #tpu.memory_space<vmem_shared>>) offsets(%dma_start3A_674 : memref<32xi32, #tpu.memory_space<vmem>>) semaphore(%run_scoped3A_671 : memref<!tpu.dma_semaphore, #tpu.memory_space<semaphore_mem>>) {add = true}
        %dma_wait3A_678 = arith.constant 0 : i32
        %dma_wait3A_679 = tpu.memref_slice %arg7[%run_scoped3A_636, %dma_wait3A_678] : memref<8x32xi32, #tpu.memory_space<vmem>> -> memref<1x32xi32, #tpu.memory_space<vmem>>
        %dma_wait3A_680 = tpu.memref_squeeze %dma_wait3A_679 : memref<1x32xi32, #tpu.memory_space<vmem>> -> memref<32xi32, #tpu.memory_space<vmem>>
        %dma_wait3A_681 = arith.constant 0 : i32
        %dma_wait3A_682 = arith.constant 0 : i32
        %dma_wait3A_683 = tpu.memref_slice %arg13[%dma_wait3A_681, %dma_wait3A_682] : memref<10240x128xf32, #tpu.memory_space<vmem_shared>> -> memref<10240x128xf32, #tpu.memory_space<vmem_shared>>
        tpu.wait_indirect_dma semaphore(%run_scoped3A_671 : memref<!tpu.dma_semaphore, #tpu.memory_space<semaphore_mem>>) src(%arg9 : memref<32x128xf32, #tpu.memory_space<vmem>>) dst(%dma_wait3A_683 : memref<10240x128xf32, #tpu.memory_space<vmem_shared>>)
        tpu.yield
      }) : () -> ()
      %run_scoped3A_637 = arith.constant 2 : i32
      "tpu.region"() ({
        %run_scoped3A_671 = tpu.sem_alloc : memref<!tpu.dma_semaphore, #tpu.memory_space<semaphore_mem>>
        %dma_start3A_672 = arith.constant 0 : i32
        %dma_start3A_673 = tpu.memref_slice %arg7[%run_scoped3A_637, %dma_start3A_672] : memref<8x32xi32, #tpu.memory_space<vmem>> -> memref<1x32xi32, #tpu.memory_space<vmem>>
        %dma_start3A_674 = tpu.memref_squeeze %dma_start3A_673 : memref<1x32xi32, #tpu.memory_space<vmem>> -> memref<32xi32, #tpu.memory_space<vmem>>
        %dma_start3A_675 = arith.constant 0 : i32
        %dma_start3A_676 = arith.constant 0 : i32
        %dma_start3A_677 = tpu.memref_slice %arg13[%dma_start3A_675, %dma_start3A_676] : memref<10240x128xf32, #tpu.memory_space<vmem_shared>> -> memref<10240x128xf32, #tpu.memory_space<vmem_shared>>
        tpu.enqueue_indirect_dma source(%arg10 : memref<32x128xf32, #tpu.memory_space<vmem>>) target(%dma_start3A_677 : memref<10240x128xf32, #tpu.memory_space<vmem_shared>>) offsets(%dma_start3A_674 : memref<32xi32, #tpu.memory_space<vmem>>) semaphore(%run_scoped3A_671 : memref<!tpu.dma_semaphore, #tpu.memory_space<semaphore_mem>>) {add = true}
        %dma_wait3A_678 = arith.constant 0 : i32
        %dma_wait3A_679 = tpu.memref_slice %arg7[%run_scoped3A_637, %dma_wait3A_678] : memref<8x32xi32, #tpu.memory_space<vmem>> -> memref<1x32xi32, #tpu.memory_space<vmem>>
        %dma_wait3A_680 = tpu.memref_squeeze %dma_wait3A_679 : memref<1x32xi32, #tpu.memory_space<vmem>> -> memref<32xi32, #tpu.memory_space<vmem>>
        %dma_wait3A_681 = arith.constant 0 : i32
        %dma_wait3A_682 = arith.constant 0 : i32
        %dma_wait3A_683 = tpu.memref_slice %arg13[%dma_wait3A_681, %dma_wait3A_682] : memref<10240x128xf32, #tpu.memory_space<vmem_shared>> -> memref<10240x128xf32, #tpu.memory_space<vmem_shared>>
        tpu.wait_indirect_dma semaphore(%run_scoped3A_671 : memref<!tpu.dma_semaphore, #tpu.memory_space<semaphore_mem>>) src(%arg10 : memref<32x128xf32, #tpu.memory_space<vmem>>) dst(%dma_wait3A_683 : memref<10240x128xf32, #tpu.memory_space<vmem_shared>>)
        tpu.yield
      }) : () -> ()
      %run_scoped3A_638 = arith.constant 3 : i32
      "tpu.region"() ({
        %run_scoped3A_671 = tpu.sem_alloc : memref<!tpu.dma_semaphore, #tpu.memory_space<semaphore_mem>>
        %dma_start3A_672 = arith.constant 0 : i32
        %dma_start3A_673 = tpu.memref_slice %arg7[%run_scoped3A_638, %dma_start3A_672] : memref<8x32xi32, #tpu.memory_space<vmem>> -> memref<1x32xi32, #tpu.memory_space<vmem>>
        %dma_start3A_674 = tpu.memref_squeeze %dma_start3A_673 : memref<1x32xi32, #tpu.memory_space<vmem>> -> memref<32xi32, #tpu.memory_space<vmem>>
        %dma_start3A_675 = arith.constant 0 : i32
        %dma_start3A_676 = arith.constant 0 : i32
        %dma_start3A_677 = tpu.memref_slice %arg13[%dma_start3A_675, %dma_start3A_676] : memref<10240x128xf32, #tpu.memory_space<vmem_shared>> -> memref<10240x128xf32, #tpu.memory_space<vmem_shared>>
        tpu.enqueue_indirect_dma source(%arg11 : memref<32x128xf32, #tpu.memory_space<vmem>>) target(%dma_start3A_677 : memref<10240x128xf32, #tpu.memory_space<vmem_shared>>) offsets(%dma_start3A_674 : memref<32xi32, #tpu.memory_space<vmem>>) semaphore(%run_scoped3A_671 : memref<!tpu.dma_semaphore, #tpu.memory_space<semaphore_mem>>) {add = true}
        %dma_wait3A_678 = arith.constant 0 : i32
        %dma_wait3A_679 = tpu.memref_slice %arg7[%run_scoped3A_638, %dma_wait3A_678] : memref<8x32xi32, #tpu.memory_space<vmem>> -> memref<1x32xi32, #tpu.memory_space<vmem>>
        %dma_wait3A_680 = tpu.memref_squeeze %dma_wait3A_679 : memref<1x32xi32, #tpu.memory_space<vmem>> -> memref<32xi32, #tpu.memory_space<vmem>>
        %dma_wait3A_681 = arith.constant 0 : i32
        %dma_wait3A_682 = arith.constant 0 : i32
        %dma_wait3A_683 = tpu.memref_slice %arg13[%dma_wait3A_681, %dma_wait3A_682] : memref<10240x128xf32, #tpu.memory_space<vmem_shared>> -> memref<10240x128xf32, #tpu.memory_space<vmem_shared>>
        tpu.wait_indirect_dma semaphore(%run_scoped3A_671 : memref<!tpu.dma_semaphore, #tpu.memory_space<semaphore_mem>>) src(%arg11 : memref<32x128xf32, #tpu.memory_space<vmem>>) dst(%dma_wait3A_683 : memref<10240x128xf32, #tpu.memory_space<vmem_shared>>)
        tpu.yield
      }) : () -> ()
      %dma_wait3A_639 = arith.constant 4 : i32
      %dma_wait3A_640 = arith.constant 0 : i32
      %dma_wait3A_641 = tpu.memref_slice %arg6[%dma_wait3A_639, %dma_wait3A_640] : memref<8x32xi32, #tpu.memory_space<vmem>> -> memref<1x32xi32, #tpu.memory_space<vmem>>
      %dma_wait3A_642 = tpu.memref_squeeze %dma_wait3A_641 : memref<1x32xi32, #tpu.memory_space<vmem>> -> memref<32xi32, #tpu.memory_space<vmem>>
      %dma_wait3A_643 = arith.constant 0 : i32
      %dma_wait3A_644 = arith.constant 0 : i32
      %dma_wait3A_645 = tpu.memref_slice %arg2[%dma_wait3A_643, %dma_wait3A_644] : memref<10240x128xf32, #tpu.memory_space<hbm>> -> memref<10240x128xf32, #tpu.memory_space<hbm>>
      tpu.wait_indirect_dma semaphore(%arg14 : memref<!tpu.dma_semaphore, #tpu.memory_space<semaphore_mem>>) src(%dma_wait3A_645 : memref<10240x128xf32, #tpu.memory_space<hbm>>) dst(%arg8 : memref<32x128xf32, #tpu.memory_space<vmem>>)
      %dma_wait3A_646 = arith.constant 5 : i32
      %dma_wait3A_647 = arith.constant 0 : i32
      %dma_wait3A_648 = tpu.memref_slice %arg6[%dma_wait3A_646, %dma_wait3A_647] : memref<8x32xi32, #tpu.memory_space<vmem>> -> memref<1x32xi32, #tpu.memory_space<vmem>>
      %dma_wait3A_649 = tpu.memref_squeeze %dma_wait3A_648 : memref<1x32xi32, #tpu.memory_space<vmem>> -> memref<32xi32, #tpu.memory_space<vmem>>
      %dma_wait3A_650 = arith.constant 0 : i32
      %dma_wait3A_651 = arith.constant 0 : i32
      %dma_wait3A_652 = tpu.memref_slice %arg2[%dma_wait3A_650, %dma_wait3A_651] : memref<10240x128xf32, #tpu.memory_space<hbm>> -> memref<10240x128xf32, #tpu.memory_space<hbm>>
      tpu.wait_indirect_dma semaphore(%arg14 : memref<!tpu.dma_semaphore, #tpu.memory_space<semaphore_mem>>) src(%dma_wait3A_652 : memref<10240x128xf32, #tpu.memory_space<hbm>>) dst(%arg9 : memref<32x128xf32, #tpu.memory_space<vmem>>)
      %dma_wait3A_653 = arith.constant 6 : i32
      %dma_wait3A_654 = arith.constant 0 : i32
      %dma_wait3A_655 = tpu.memref_slice %arg6[%dma_wait3A_653, %dma_wait3A_654] : memref<8x32xi32, #tpu.memory_space<vmem>> -> memref<1x32xi32, #tpu.memory_space<vmem>>
      %dma_wait3A_656 = tpu.memref_squeeze %dma_wait3A_655 : memref<1x32xi32, #tpu.memory_space<vmem>> -> memref<32xi32, #tpu.memory_space<vmem>>
      %dma_wait3A_657 = arith.constant 0 : i32
      %dma_wait3A_658 = arith.constant 0 : i32
      %dma_wait3A_659 = tpu.memref_slice %arg2[%dma_wait3A_657, %dma_wait3A_658] : memref<10240x128xf32, #tpu.memory_space<hbm>> -> memref<10240x128xf32, #tpu.memory_space<hbm>>
      tpu.wait_indirect_dma semaphore(%arg14 : memref<!tpu.dma_semaphore, #tpu.memory_space<semaphore_mem>>) src(%dma_wait3A_659 : memref<10240x128xf32, #tpu.memory_space<hbm>>) dst(%arg10 : memref<32x128xf32, #tpu.memory_space<vmem>>)
      %dma_wait3A_660 = arith.constant 7 : i32
      %dma_wait3A_661 = arith.constant 0 : i32
      %dma_wait3A_662 = tpu.memref_slice %arg6[%dma_wait3A_660, %dma_wait3A_661] : memref<8x32xi32, #tpu.memory_space<vmem>> -> memref<1x32xi32, #tpu.memory_space<vmem>>
      %dma_wait3A_663 = tpu.memref_squeeze %dma_wait3A_662 : memref<1x32xi32, #tpu.memory_space<vmem>> -> memref<32xi32, #tpu.memory_space<vmem>>
      %dma_wait3A_664 = arith.constant 0 : i32
      %dma_wait3A_665 = arith.constant 0 : i32
      %dma_wait3A_666 = tpu.memref_slice %arg2[%dma_wait3A_664, %dma_wait3A_665] : memref<10240x128xf32, #tpu.memory_space<hbm>> -> memref<10240x128xf32, #tpu.memory_space<hbm>>
      tpu.wait_indirect_dma semaphore(%arg14 : memref<!tpu.dma_semaphore, #tpu.memory_space<semaphore_mem>>) src(%dma_wait3A_666 : memref<10240x128xf32, #tpu.memory_space<hbm>>) dst(%arg11 : memref<32x128xf32, #tpu.memory_space<vmem>>)
      %run_scoped3A_667 = arith.constant 4 : i32
      "tpu.region"() ({
        %run_scoped3A_671 = tpu.sem_alloc : memref<!tpu.dma_semaphore, #tpu.memory_space<semaphore_mem>>
        %dma_start3A_672 = arith.constant 0 : i32
        %dma_start3A_673 = tpu.memref_slice %arg7[%run_scoped3A_667, %dma_start3A_672] : memref<8x32xi32, #tpu.memory_space<vmem>> -> memref<1x32xi32, #tpu.memory_space<vmem>>
        %dma_start3A_674 = tpu.memref_squeeze %dma_start3A_673 : memref<1x32xi32, #tpu.memory_space<vmem>> -> memref<32xi32, #tpu.memory_space<vmem>>
        %dma_start3A_675 = arith.constant 0 : i32
        %dma_start3A_676 = arith.constant 0 : i32
        %dma_start3A_677 = tpu.memref_slice %arg13[%dma_start3A_675, %dma_start3A_676] : memref<10240x128xf32, #tpu.memory_space<vmem_shared>> -> memref<10240x128xf32, #tpu.memory_space<vmem_shared>>
        tpu.enqueue_indirect_dma source(%arg8 : memref<32x128xf32, #tpu.memory_space<vmem>>) target(%dma_start3A_677 : memref<10240x128xf32, #tpu.memory_space<vmem_shared>>) offsets(%dma_start3A_674 : memref<32xi32, #tpu.memory_space<vmem>>) semaphore(%run_scoped3A_671 : memref<!tpu.dma_semaphore, #tpu.memory_space<semaphore_mem>>) {add = true}
        %dma_wait3A_678 = arith.constant 0 : i32
        %dma_wait3A_679 = tpu.memref_slice %arg7[%run_scoped3A_667, %dma_wait3A_678] : memref<8x32xi32, #tpu.memory_space<vmem>> -> memref<1x32xi32, #tpu.memory_space<vmem>>
        %dma_wait3A_680 = tpu.memref_squeeze %dma_wait3A_679 : memref<1x32xi32, #tpu.memory_space<vmem>> -> memref<32xi32, #tpu.memory_space<vmem>>
        %dma_wait3A_681 = arith.constant 0 : i32
        %dma_wait3A_682 = arith.constant 0 : i32
        %dma_wait3A_683 = tpu.memref_slice %arg13[%dma_wait3A_681, %dma_wait3A_682] : memref<10240x128xf32, #tpu.memory_space<vmem_shared>> -> memref<10240x128xf32, #tpu.memory_space<vmem_shared>>
        tpu.wait_indirect_dma semaphore(%run_scoped3A_671 : memref<!tpu.dma_semaphore, #tpu.memory_space<semaphore_mem>>) src(%arg8 : memref<32x128xf32, #tpu.memory_space<vmem>>) dst(%dma_wait3A_683 : memref<10240x128xf32, #tpu.memory_space<vmem_shared>>)
        tpu.yield
      }) : () -> ()
      %run_scoped3A_668 = arith.constant 5 : i32
      "tpu.region"() ({
        %run_scoped3A_671 = tpu.sem_alloc : memref<!tpu.dma_semaphore, #tpu.memory_space<semaphore_mem>>
        %dma_start3A_672 = arith.constant 0 : i32
        %dma_start3A_673 = tpu.memref_slice %arg7[%run_scoped3A_668, %dma_start3A_672] : memref<8x32xi32, #tpu.memory_space<vmem>> -> memref<1x32xi32, #tpu.memory_space<vmem>>
        %dma_start3A_674 = tpu.memref_squeeze %dma_start3A_673 : memref<1x32xi32, #tpu.memory_space<vmem>> -> memref<32xi32, #tpu.memory_space<vmem>>
        %dma_start3A_675 = arith.constant 0 : i32
        %dma_start3A_676 = arith.constant 0 : i32
        %dma_start3A_677 = tpu.memref_slice %arg13[%dma_start3A_675, %dma_start3A_676] : memref<10240x128xf32, #tpu.memory_space<vmem_shared>> -> memref<10240x128xf32, #tpu.memory_space<vmem_shared>>
        tpu.enqueue_indirect_dma source(%arg9 : memref<32x128xf32, #tpu.memory_space<vmem>>) target(%dma_start3A_677 : memref<10240x128xf32, #tpu.memory_space<vmem_shared>>) offsets(%dma_start3A_674 : memref<32xi32, #tpu.memory_space<vmem>>) semaphore(%run_scoped3A_671 : memref<!tpu.dma_semaphore, #tpu.memory_space<semaphore_mem>>) {add = true}
        %dma_wait3A_678 = arith.constant 0 : i32
        %dma_wait3A_679 = tpu.memref_slice %arg7[%run_scoped3A_668, %dma_wait3A_678] : memref<8x32xi32, #tpu.memory_space<vmem>> -> memref<1x32xi32, #tpu.memory_space<vmem>>
        %dma_wait3A_680 = tpu.memref_squeeze %dma_wait3A_679 : memref<1x32xi32, #tpu.memory_space<vmem>> -> memref<32xi32, #tpu.memory_space<vmem>>
        %dma_wait3A_681 = arith.constant 0 : i32
        %dma_wait3A_682 = arith.constant 0 : i32
        %dma_wait3A_683 = tpu.memref_slice %arg13[%dma_wait3A_681, %dma_wait3A_682] : memref<10240x128xf32, #tpu.memory_space<vmem_shared>> -> memref<10240x128xf32, #tpu.memory_space<vmem_shared>>
        tpu.wait_indirect_dma semaphore(%run_scoped3A_671 : memref<!tpu.dma_semaphore, #tpu.memory_space<semaphore_mem>>) src(%arg9 : memref<32x128xf32, #tpu.memory_space<vmem>>) dst(%dma_wait3A_683 : memref<10240x128xf32, #tpu.memory_space<vmem_shared>>)
        tpu.yield
      }) : () -> ()
      %run_scoped3A_669 = arith.constant 6 : i32
      "tpu.region"() ({
        %run_scoped3A_671 = tpu.sem_alloc : memref<!tpu.dma_semaphore, #tpu.memory_space<semaphore_mem>>
        %dma_start3A_672 = arith.constant 0 : i32
        %dma_start3A_673 = tpu.memref_slice %arg7[%run_scoped3A_669, %dma_start3A_672] : memref<8x32xi32, #tpu.memory_space<vmem>> -> memref<1x32xi32, #tpu.memory_space<vmem>>
        %dma_start3A_674 = tpu.memref_squeeze %dma_start3A_673 : memref<1x32xi32, #tpu.memory_space<vmem>> -> memref<32xi32, #tpu.memory_space<vmem>>
        %dma_start3A_675 = arith.constant 0 : i32
        %dma_start3A_676 = arith.constant 0 : i32
        %dma_start3A_677 = tpu.memref_slice %arg13[%dma_start3A_675, %dma_start3A_676] : memref<10240x128xf32, #tpu.memory_space<vmem_shared>> -> memref<10240x128xf32, #tpu.memory_space<vmem_shared>>
        tpu.enqueue_indirect_dma source(%arg10 : memref<32x128xf32, #tpu.memory_space<vmem>>) target(%dma_start3A_677 : memref<10240x128xf32, #tpu.memory_space<vmem_shared>>) offsets(%dma_start3A_674 : memref<32xi32, #tpu.memory_space<vmem>>) semaphore(%run_scoped3A_671 : memref<!tpu.dma_semaphore, #tpu.memory_space<semaphore_mem>>) {add = true}
        %dma_wait3A_678 = arith.constant 0 : i32
        %dma_wait3A_679 = tpu.memref_slice %arg7[%run_scoped3A_669, %dma_wait3A_678] : memref<8x32xi32, #tpu.memory_space<vmem>> -> memref<1x32xi32, #tpu.memory_space<vmem>>
        %dma_wait3A_680 = tpu.memref_squeeze %dma_wait3A_679 : memref<1x32xi32, #tpu.memory_space<vmem>> -> memref<32xi32, #tpu.memory_space<vmem>>
        %dma_wait3A_681 = arith.constant 0 : i32
        %dma_wait3A_682 = arith.constant 0 : i32
        %dma_wait3A_683 = tpu.memref_slice %arg13[%dma_wait3A_681, %dma_wait3A_682] : memref<10240x128xf32, #tpu.memory_space<vmem_shared>> -> memref<10240x128xf32, #tpu.memory_space<vmem_shared>>
        tpu.wait_indirect_dma semaphore(%run_scoped3A_671 : memref<!tpu.dma_semaphore, #tpu.memory_space<semaphore_mem>>) src(%arg10 : memref<32x128xf32, #tpu.memory_space<vmem>>) dst(%dma_wait3A_683 : memref<10240x128xf32, #tpu.memory_space<vmem_shared>>)
        tpu.yield
      }) : () -> ()
      %run_scoped3A_670 = arith.constant 7 : i32
      "tpu.region"() ({
        %run_scoped3A_671 = tpu.sem_alloc : memref<!tpu.dma_semaphore, #tpu.memory_space<semaphore_mem>>
        %dma_start3A_672 = arith.constant 0 : i32
        %dma_start3A_673 = tpu.memref_slice %arg7[%run_scoped3A_670, %dma_start3A_672] : memref<8x32xi32, #tpu.memory_space<vmem>> -> memref<1x32xi32, #tpu.memory_space<vmem>>
        %dma_start3A_674 = tpu.memref_squeeze %dma_start3A_673 : memref<1x32xi32, #tpu.memory_space<vmem>> -> memref<32xi32, #tpu.memory_space<vmem>>
        %dma_start3A_675 = arith.constant 0 : i32
        %dma_start3A_676 = arith.constant 0 : i32
        %dma_start3A_677 = tpu.memref_slice %arg13[%dma_start3A_675, %dma_start3A_676] : memref<10240x128xf32, #tpu.memory_space<vmem_shared>> -> memref<10240x128xf32, #tpu.memory_space<vmem_shared>>
        tpu.enqueue_indirect_dma source(%arg11 : memref<32x128xf32, #tpu.memory_space<vmem>>) target(%dma_start3A_677 : memref<10240x128xf32, #tpu.memory_space<vmem_shared>>) offsets(%dma_start3A_674 : memref<32xi32, #tpu.memory_space<vmem>>) semaphore(%run_scoped3A_671 : memref<!tpu.dma_semaphore, #tpu.memory_space<semaphore_mem>>) {add = true}
        %dma_wait3A_678 = arith.constant 0 : i32
        %dma_wait3A_679 = tpu.memref_slice %arg7[%run_scoped3A_670, %dma_wait3A_678] : memref<8x32xi32, #tpu.memory_space<vmem>> -> memref<1x32xi32, #tpu.memory_space<vmem>>
        %dma_wait3A_680 = tpu.memref_squeeze %dma_wait3A_679 : memref<1x32xi32, #tpu.memory_space<vmem>> -> memref<32xi32, #tpu.memory_space<vmem>>
        %dma_wait3A_681 = arith.constant 0 : i32
        %dma_wait3A_682 = arith.constant 0 : i32
        %dma_wait3A_683 = tpu.memref_slice %arg13[%dma_wait3A_681, %dma_wait3A_682] : memref<10240x128xf32, #tpu.memory_space<vmem_shared>> -> memref<10240x128xf32, #tpu.memory_space<vmem_shared>>
        tpu.wait_indirect_dma semaphore(%run_scoped3A_671 : memref<!tpu.dma_semaphore, #tpu.memory_space<semaphore_mem>>) src(%arg11 : memref<32x128xf32, #tpu.memory_space<vmem>>) dst(%dma_wait3A_683 : memref<10240x128xf32, #tpu.memory_space<vmem_shared>>)
        tpu.yield
      }) : () -> ()
    }
    %while3A_541 = arith.constant 1 : i32
    scf.for %while3A_550 = %while3A_539 to %while3A_535 step %while3A_541  : i32 {
      %mul3A_551 = arith.muli %while3A_550, %while3A : i32
      %add3A_552 = arith.addi %while3A_532, %mul3A_551 : i32
      %add3A_553 = arith.addi %select_n3A_525, %add3A_552 : i32
      "tpu.region"() ({
        %run_scoped3A_671 = tpu.sem_alloc : memref<!tpu.dma_semaphore, #tpu.memory_space<semaphore_mem>>
        %dma_start3A_672 = arith.constant 0 : i32
        %dma_start3A_673 = arith.constant 0 : i32
        %dma_start3A_674 = tpu.memref_slice %arg3[%add3A_553, %dma_start3A_672, %dma_start3A_673] : memref<1280x8x32xi32, #tpu.memory_space<hbm>> -> memref<1x8x32xi32, #tpu.memory_space<hbm>>
        %dma_start3A_675 = tpu.memref_squeeze %dma_start3A_674 : memref<1x8x32xi32, #tpu.memory_space<hbm>> -> memref<8x32xi32, #tpu.memory_space<hbm>>
        %dma_start3A_676 = arith.constant 0 : i32
        %dma_start3A_677 = arith.constant 0 : i32
        %dma_start3A_678 = tpu.memref_slice %arg3[%add3A_553, %dma_start3A_676, %dma_start3A_677] : memref<1280x8x32xi32, #tpu.memory_space<hbm>> -> memref<1x8x32xi32, #tpu.memory_space<hbm>>
        %dma_start3A_679 = tpu.memref_squeeze %dma_start3A_678 : memref<1x8x32xi32, #tpu.memory_space<hbm>> -> memref<8x32xi32, #tpu.memory_space<hbm>>
        tpu.enqueue_dma source(%dma_start3A_679 : memref<8x32xi32, #tpu.memory_space<hbm>>) target(%arg6 : memref<8x32xi32, #tpu.memory_space<vmem>>) target_semaphore(%run_scoped3A_671 : memref<!tpu.dma_semaphore, #tpu.memory_space<semaphore_mem>>)
        %dma_wait3A_680 = arith.constant 0 : i32
        %dma_wait3A_681 = arith.constant 0 : i32
        %dma_wait3A_682 = tpu.memref_slice %arg3[%add3A_553, %dma_wait3A_680, %dma_wait3A_681] : memref<1280x8x32xi32, #tpu.memory_space<hbm>> -> memref<1x8x32xi32, #tpu.memory_space<hbm>>
        %dma_wait3A_683 = tpu.memref_squeeze %dma_wait3A_682 : memref<1x8x32xi32, #tpu.memory_space<hbm>> -> memref<8x32xi32, #tpu.memory_space<hbm>>
        %dma_wait3A_684 = arith.constant 0 : i32
        %dma_wait3A_685 = arith.constant 0 : i32
        %dma_wait3A_686 = tpu.memref_slice %arg3[%add3A_553, %dma_wait3A_684, %dma_wait3A_685] : memref<1280x8x32xi32, #tpu.memory_space<hbm>> -> memref<1x8x32xi32, #tpu.memory_space<hbm>>
        %dma_wait3A_687 = tpu.memref_squeeze %dma_wait3A_686 : memref<1x8x32xi32, #tpu.memory_space<hbm>> -> memref<8x32xi32, #tpu.memory_space<hbm>>
        tpu.wait_dma2 semaphore(%run_scoped3A_671 : memref<!tpu.dma_semaphore, #tpu.memory_space<semaphore_mem>>) src(%dma_wait3A_687 : memref<8x32xi32, #tpu.memory_space<hbm>>) dst(%arg6 : memref<8x32xi32, #tpu.memory_space<vmem>>)
        tpu.yield
      }) : () -> ()
      "tpu.region"() ({
        %run_scoped3A_671 = tpu.sem_alloc : memref<!tpu.dma_semaphore, #tpu.memory_space<semaphore_mem>>
        %dma_start3A_672 = arith.constant 0 : i32
        %dma_start3A_673 = arith.constant 0 : i32
        %dma_start3A_674 = tpu.memref_slice %arg4[%add3A_553, %dma_start3A_672, %dma_start3A_673] : memref<1280x8x32xi32, #tpu.memory_space<hbm>> -> memref<1x8x32xi32, #tpu.memory_space<hbm>>
        %dma_start3A_675 = tpu.memref_squeeze %dma_start3A_674 : memref<1x8x32xi32, #tpu.memory_space<hbm>> -> memref<8x32xi32, #tpu.memory_space<hbm>>
        %dma_start3A_676 = arith.constant 0 : i32
        %dma_start3A_677 = arith.constant 0 : i32
        %dma_start3A_678 = tpu.memref_slice %arg4[%add3A_553, %dma_start3A_676, %dma_start3A_677] : memref<1280x8x32xi32, #tpu.memory_space<hbm>> -> memref<1x8x32xi32, #tpu.memory_space<hbm>>
        %dma_start3A_679 = tpu.memref_squeeze %dma_start3A_678 : memref<1x8x32xi32, #tpu.memory_space<hbm>> -> memref<8x32xi32, #tpu.memory_space<hbm>>
        tpu.enqueue_dma source(%dma_start3A_679 : memref<8x32xi32, #tpu.memory_space<hbm>>) target(%arg7 : memref<8x32xi32, #tpu.memory_space<vmem>>) target_semaphore(%run_scoped3A_671 : memref<!tpu.dma_semaphore, #tpu.memory_space<semaphore_mem>>)
        %dma_wait3A_680 = arith.constant 0 : i32
        %dma_wait3A_681 = arith.constant 0 : i32
        %dma_wait3A_682 = tpu.memref_slice %arg4[%add3A_553, %dma_wait3A_680, %dma_wait3A_681] : memref<1280x8x32xi32, #tpu.memory_space<hbm>> -> memref<1x8x32xi32, #tpu.memory_space<hbm>>
        %dma_wait3A_683 = tpu.memref_squeeze %dma_wait3A_682 : memref<1x8x32xi32, #tpu.memory_space<hbm>> -> memref<8x32xi32, #tpu.memory_space<hbm>>
        %dma_wait3A_684 = arith.constant 0 : i32
        %dma_wait3A_685 = arith.constant 0 : i32
        %dma_wait3A_686 = tpu.memref_slice %arg4[%add3A_553, %dma_wait3A_684, %dma_wait3A_685] : memref<1280x8x32xi32, #tpu.memory_space<hbm>> -> memref<1x8x32xi32, #tpu.memory_space<hbm>>
        %dma_wait3A_687 = tpu.memref_squeeze %dma_wait3A_686 : memref<1x8x32xi32, #tpu.memory_space<hbm>> -> memref<8x32xi32, #tpu.memory_space<hbm>>
        tpu.wait_dma2 semaphore(%run_scoped3A_671 : memref<!tpu.dma_semaphore, #tpu.memory_space<semaphore_mem>>) src(%dma_wait3A_687 : memref<8x32xi32, #tpu.memory_space<hbm>>) dst(%arg7 : memref<8x32xi32, #tpu.memory_space<vmem>>)
        tpu.yield
      }) : () -> ()
      %dma_start3A = arith.constant 0 : i32
      %dma_start3A_554 = arith.constant 0 : i32
      %dma_start3A_555 = tpu.memref_slice %arg6[%dma_start3A, %dma_start3A_554] : memref<8x32xi32, #tpu.memory_space<vmem>> -> memref<1x32xi32, #tpu.memory_space<vmem>>
      %dma_start3A_556 = tpu.memref_squeeze %dma_start3A_555 : memref<1x32xi32, #tpu.memory_space<vmem>> -> memref<32xi32, #tpu.memory_space<vmem>>
      %dma_start3A_557 = arith.constant 0 : i32
      %dma_start3A_558 = arith.constant 0 : i32
      %dma_start3A_559 = tpu.memref_slice %arg2[%dma_start3A_557, %dma_start3A_558] : memref<10240x128xf32, #tpu.memory_space<hbm>> -> memref<10240x128xf32, #tpu.memory_space<hbm>>
      tpu.enqueue_indirect_dma source(%dma_start3A_559 : memref<10240x128xf32, #tpu.memory_space<hbm>>) target(%arg8 : memref<32x128xf32, #tpu.memory_space<vmem>>) offsets(%dma_start3A_556 : memref<32xi32, #tpu.memory_space<vmem>>) semaphore(%arg14 : memref<!tpu.dma_semaphore, #tpu.memory_space<semaphore_mem>>)
      %dma_start3A_560 = arith.constant 1 : i32
      %dma_start3A_561 = arith.constant 0 : i32
      %dma_start3A_562 = tpu.memref_slice %arg6[%dma_start3A_560, %dma_start3A_561] : memref<8x32xi32, #tpu.memory_space<vmem>> -> memref<1x32xi32, #tpu.memory_space<vmem>>
      %dma_start3A_563 = tpu.memref_squeeze %dma_start3A_562 : memref<1x32xi32, #tpu.memory_space<vmem>> -> memref<32xi32, #tpu.memory_space<vmem>>
      %dma_start3A_564 = arith.constant 0 : i32
      %dma_start3A_565 = arith.constant 0 : i32
      %dma_start3A_566 = tpu.memref_slice %arg2[%dma_start3A_564, %dma_start3A_565] : memref<10240x128xf32, #tpu.memory_space<hbm>> -> memref<10240x128xf32, #tpu.memory_space<hbm>>
      tpu.enqueue_indirect_dma source(%dma_start3A_566 : memref<10240x128xf32, #tpu.memory_space<hbm>>) target(%arg9 : memref<32x128xf32, #tpu.memory_space<vmem>>) offsets(%dma_start3A_563 : memref<32xi32, #tpu.memory_space<vmem>>) semaphore(%arg14 : memref<!tpu.dma_semaphore, #tpu.memory_space<semaphore_mem>>)
      %dma_start3A_567 = arith.constant 2 : i32
      %dma_start3A_568 = arith.constant 0 : i32
      %dma_start3A_569 = tpu.memref_slice %arg6[%dma_start3A_567, %dma_start3A_568] : memref<8x32xi32, #tpu.memory_space<vmem>> -> memref<1x32xi32, #tpu.memory_space<vmem>>
      %dma_start3A_570 = tpu.memref_squeeze %dma_start3A_569 : memref<1x32xi32, #tpu.memory_space<vmem>> -> memref<32xi32, #tpu.memory_space<vmem>>
      %dma_start3A_571 = arith.constant 0 : i32
      %dma_start3A_572 = arith.constant 0 : i32
      %dma_start3A_573 = tpu.memref_slice %arg2[%dma_start3A_571, %dma_start3A_572] : memref<10240x128xf32, #tpu.memory_space<hbm>> -> memref<10240x128xf32, #tpu.memory_space<hbm>>
      tpu.enqueue_indirect_dma source(%dma_start3A_573 : memref<10240x128xf32, #tpu.memory_space<hbm>>) target(%arg10 : memref<32x128xf32, #tpu.memory_space<vmem>>) offsets(%dma_start3A_570 : memref<32xi32, #tpu.memory_space<vmem>>) semaphore(%arg14 : memref<!tpu.dma_semaphore, #tpu.memory_space<semaphore_mem>>)
      %dma_start3A_574 = arith.constant 3 : i32
      %dma_start3A_575 = arith.constant 0 : i32
      %dma_start3A_576 = tpu.memref_slice %arg6[%dma_start3A_574, %dma_start3A_575] : memref<8x32xi32, #tpu.memory_space<vmem>> -> memref<1x32xi32, #tpu.memory_space<vmem>>
      %dma_start3A_577 = tpu.memref_squeeze %dma_start3A_576 : memref<1x32xi32, #tpu.memory_space<vmem>> -> memref<32xi32, #tpu.memory_space<vmem>>
      %dma_start3A_578 = arith.constant 0 : i32
      %dma_start3A_579 = arith.constant 0 : i32
      %dma_start3A_580 = tpu.memref_slice %arg2[%dma_start3A_578, %dma_start3A_579] : memref<10240x128xf32, #tpu.memory_space<hbm>> -> memref<10240x128xf32, #tpu.memory_space<hbm>>
      tpu.enqueue_indirect_dma source(%dma_start3A_580 : memref<10240x128xf32, #tpu.memory_space<hbm>>) target(%arg11 : memref<32x128xf32, #tpu.memory_space<vmem>>) offsets(%dma_start3A_577 : memref<32xi32, #tpu.memory_space<vmem>>) semaphore(%arg14 : memref<!tpu.dma_semaphore, #tpu.memory_space<semaphore_mem>>)
      %dma_wait3A = arith.constant 0 : i32
      %dma_wait3A_581 = arith.constant 0 : i32
      %dma_wait3A_582 = tpu.memref_slice %arg6[%dma_wait3A, %dma_wait3A_581] : memref<8x32xi32, #tpu.memory_space<vmem>> -> memref<1x32xi32, #tpu.memory_space<vmem>>
      %dma_wait3A_583 = tpu.memref_squeeze %dma_wait3A_582 : memref<1x32xi32, #tpu.memory_space<vmem>> -> memref<32xi32, #tpu.memory_space<vmem>>
      %dma_wait3A_584 = arith.constant 0 : i32
      %dma_wait3A_585 = arith.constant 0 : i32
      %dma_wait3A_586 = tpu.memref_slice %arg2[%dma_wait3A_584, %dma_wait3A_585] : memref<10240x128xf32, #tpu.memory_space<hbm>> -> memref<10240x128xf32, #tpu.memory_space<hbm>>
      tpu.wait_indirect_dma semaphore(%arg14 : memref<!tpu.dma_semaphore, #tpu.memory_space<semaphore_mem>>) src(%dma_wait3A_586 : memref<10240x128xf32, #tpu.memory_space<hbm>>) dst(%arg8 : memref<32x128xf32, #tpu.memory_space<vmem>>)
      %dma_wait3A_587 = arith.constant 1 : i32
      %dma_wait3A_588 = arith.constant 0 : i32
      %dma_wait3A_589 = tpu.memref_slice %arg6[%dma_wait3A_587, %dma_wait3A_588] : memref<8x32xi32, #tpu.memory_space<vmem>> -> memref<1x32xi32, #tpu.memory_space<vmem>>
      %dma_wait3A_590 = tpu.memref_squeeze %dma_wait3A_589 : memref<1x32xi32, #tpu.memory_space<vmem>> -> memref<32xi32, #tpu.memory_space<vmem>>
      %dma_wait3A_591 = arith.constant 0 : i32
      %dma_wait3A_592 = arith.constant 0 : i32
      %dma_wait3A_593 = tpu.memref_slice %arg2[%dma_wait3A_591, %dma_wait3A_592] : memref<10240x128xf32, #tpu.memory_space<hbm>> -> memref<10240x128xf32, #tpu.memory_space<hbm>>
      tpu.wait_indirect_dma semaphore(%arg14 : memref<!tpu.dma_semaphore, #tpu.memory_space<semaphore_mem>>) src(%dma_wait3A_593 : memref<10240x128xf32, #tpu.memory_space<hbm>>) dst(%arg9 : memref<32x128xf32, #tpu.memory_space<vmem>>)
      %dma_wait3A_594 = arith.constant 2 : i32
      %dma_wait3A_595 = arith.constant 0 : i32
      %dma_wait3A_596 = tpu.memref_slice %arg6[%dma_wait3A_594, %dma_wait3A_595] : memref<8x32xi32, #tpu.memory_space<vmem>> -> memref<1x32xi32, #tpu.memory_space<vmem>>
      %dma_wait3A_597 = tpu.memref_squeeze %dma_wait3A_596 : memref<1x32xi32, #tpu.memory_space<vmem>> -> memref<32xi32, #tpu.memory_space<vmem>>
      %dma_wait3A_598 = arith.constant 0 : i32
      %dma_wait3A_599 = arith.constant 0 : i32
      %dma_wait3A_600 = tpu.memref_slice %arg2[%dma_wait3A_598, %dma_wait3A_599] : memref<10240x128xf32, #tpu.memory_space<hbm>> -> memref<10240x128xf32, #tpu.memory_space<hbm>>
      tpu.wait_indirect_dma semaphore(%arg14 : memref<!tpu.dma_semaphore, #tpu.memory_space<semaphore_mem>>) src(%dma_wait3A_600 : memref<10240x128xf32, #tpu.memory_space<hbm>>) dst(%arg10 : memref<32x128xf32, #tpu.memory_space<vmem>>)
      %dma_wait3A_601 = arith.constant 3 : i32
      %dma_wait3A_602 = arith.constant 0 : i32
      %dma_wait3A_603 = tpu.memref_slice %arg6[%dma_wait3A_601, %dma_wait3A_602] : memref<8x32xi32, #tpu.memory_space<vmem>> -> memref<1x32xi32, #tpu.memory_space<vmem>>
      %dma_wait3A_604 = tpu.memref_squeeze %dma_wait3A_603 : memref<1x32xi32, #tpu.memory_space<vmem>> -> memref<32xi32, #tpu.memory_space<vmem>>
      %dma_wait3A_605 = arith.constant 0 : i32
      %dma_wait3A_606 = arith.constant 0 : i32
      %dma_wait3A_607 = tpu.memref_slice %arg2[%dma_wait3A_605, %dma_wait3A_606] : memref<10240x128xf32, #tpu.memory_space<hbm>> -> memref<10240x128xf32, #tpu.memory_space<hbm>>
      tpu.wait_indirect_dma semaphore(%arg14 : memref<!tpu.dma_semaphore, #tpu.memory_space<semaphore_mem>>) src(%dma_wait3A_607 : memref<10240x128xf32, #tpu.memory_space<hbm>>) dst(%arg11 : memref<32x128xf32, #tpu.memory_space<vmem>>)
      %dma_start3A_608 = arith.constant 4 : i32
      %dma_start3A_609 = arith.constant 0 : i32
      %dma_start3A_610 = tpu.memref_slice %arg6[%dma_start3A_608, %dma_start3A_609] : memref<8x32xi32, #tpu.memory_space<vmem>> -> memref<1x32xi32, #tpu.memory_space<vmem>>
      %dma_start3A_611 = tpu.memref_squeeze %dma_start3A_610 : memref<1x32xi32, #tpu.memory_space<vmem>> -> memref<32xi32, #tpu.memory_space<vmem>>
      %dma_start3A_612 = arith.constant 0 : i32
      %dma_start3A_613 = arith.constant 0 : i32
      %dma_start3A_614 = tpu.memref_slice %arg2[%dma_start3A_612, %dma_start3A_613] : memref<10240x128xf32, #tpu.memory_space<hbm>> -> memref<10240x128xf32, #tpu.memory_space<hbm>>
      tpu.enqueue_indirect_dma source(%dma_start3A_614 : memref<10240x128xf32, #tpu.memory_space<hbm>>) target(%arg8 : memref<32x128xf32, #tpu.memory_space<vmem>>) offsets(%dma_start3A_611 : memref<32xi32, #tpu.memory_space<vmem>>) semaphore(%arg14 : memref<!tpu.dma_semaphore, #tpu.memory_space<semaphore_mem>>)
      %dma_start3A_615 = arith.constant 5 : i32
      %dma_start3A_616 = arith.constant 0 : i32
      %dma_start3A_617 = tpu.memref_slice %arg6[%dma_start3A_615, %dma_start3A_616] : memref<8x32xi32, #tpu.memory_space<vmem>> -> memref<1x32xi32, #tpu.memory_space<vmem>>
      %dma_start3A_618 = tpu.memref_squeeze %dma_start3A_617 : memref<1x32xi32, #tpu.memory_space<vmem>> -> memref<32xi32, #tpu.memory_space<vmem>>
      %dma_start3A_619 = arith.constant 0 : i32
      %dma_start3A_620 = arith.constant 0 : i32
      %dma_start3A_621 = tpu.memref_slice %arg2[%dma_start3A_619, %dma_start3A_620] : memref<10240x128xf32, #tpu.memory_space<hbm>> -> memref<10240x128xf32, #tpu.memory_space<hbm>>
      tpu.enqueue_indirect_dma source(%dma_start3A_621 : memref<10240x128xf32, #tpu.memory_space<hbm>>) target(%arg9 : memref<32x128xf32, #tpu.memory_space<vmem>>) offsets(%dma_start3A_618 : memref<32xi32, #tpu.memory_space<vmem>>) semaphore(%arg14 : memref<!tpu.dma_semaphore, #tpu.memory_space<semaphore_mem>>)
      %dma_start3A_622 = arith.constant 6 : i32
      %dma_start3A_623 = arith.constant 0 : i32
      %dma_start3A_624 = tpu.memref_slice %arg6[%dma_start3A_622, %dma_start3A_623] : memref<8x32xi32, #tpu.memory_space<vmem>> -> memref<1x32xi32, #tpu.memory_space<vmem>>
      %dma_start3A_625 = tpu.memref_squeeze %dma_start3A_624 : memref<1x32xi32, #tpu.memory_space<vmem>> -> memref<32xi32, #tpu.memory_space<vmem>>
      %dma_start3A_626 = arith.constant 0 : i32
      %dma_start3A_627 = arith.constant 0 : i32
      %dma_start3A_628 = tpu.memref_slice %arg2[%dma_start3A_626, %dma_start3A_627] : memref<10240x128xf32, #tpu.memory_space<hbm>> -> memref<10240x128xf32, #tpu.memory_space<hbm>>
      tpu.enqueue_indirect_dma source(%dma_start3A_628 : memref<10240x128xf32, #tpu.memory_space<hbm>>) target(%arg10 : memref<32x128xf32, #tpu.memory_space<vmem>>) offsets(%dma_start3A_625 : memref<32xi32, #tpu.memory_space<vmem>>) semaphore(%arg14 : memref<!tpu.dma_semaphore, #tpu.memory_space<semaphore_mem>>)
      %dma_start3A_629 = arith.constant 7 : i32
      %dma_start3A_630 = arith.constant 0 : i32
      %dma_start3A_631 = tpu.memref_slice %arg6[%dma_start3A_629, %dma_start3A_630] : memref<8x32xi32, #tpu.memory_space<vmem>> -> memref<1x32xi32, #tpu.memory_space<vmem>>
      %dma_start3A_632 = tpu.memref_squeeze %dma_start3A_631 : memref<1x32xi32, #tpu.memory_space<vmem>> -> memref<32xi32, #tpu.memory_space<vmem>>
      %dma_start3A_633 = arith.constant 0 : i32
      %dma_start3A_634 = arith.constant 0 : i32
      %dma_start3A_635 = tpu.memref_slice %arg2[%dma_start3A_633, %dma_start3A_634] : memref<10240x128xf32, #tpu.memory_space<hbm>> -> memref<10240x128xf32, #tpu.memory_space<hbm>>
      tpu.enqueue_indirect_dma source(%dma_start3A_635 : memref<10240x128xf32, #tpu.memory_space<hbm>>) target(%arg11 : memref<32x128xf32, #tpu.memory_space<vmem>>) offsets(%dma_start3A_632 : memref<32xi32, #tpu.memory_space<vmem>>) semaphore(%arg14 : memref<!tpu.dma_semaphore, #tpu.memory_space<semaphore_mem>>)
      %run_scoped3A = arith.constant 0 : i32
      "tpu.region"() ({
        %run_scoped3A_671 = tpu.sem_alloc : memref<!tpu.dma_semaphore, #tpu.memory_space<semaphore_mem>>
        %dma_start3A_672 = arith.constant 0 : i32
        %dma_start3A_673 = tpu.memref_slice %arg7[%run_scoped3A, %dma_start3A_672] : memref<8x32xi32, #tpu.memory_space<vmem>> -> memref<1x32xi32, #tpu.memory_space<vmem>>
        %dma_start3A_674 = tpu.memref_squeeze %dma_start3A_673 : memref<1x32xi32, #tpu.memory_space<vmem>> -> memref<32xi32, #tpu.memory_space<vmem>>
        %dma_start3A_675 = arith.constant 0 : i32
        %dma_start3A_676 = arith.constant 0 : i32
        %dma_start3A_677 = tpu.memref_slice %arg13[%dma_start3A_675, %dma_start3A_676] : memref<10240x128xf32, #tpu.memory_space<vmem_shared>> -> memref<10240x128xf32, #tpu.memory_space<vmem_shared>>
        tpu.enqueue_indirect_dma source(%arg8 : memref<32x128xf32, #tpu.memory_space<vmem>>) target(%dma_start3A_677 : memref<10240x128xf32, #tpu.memory_space<vmem_shared>>) offsets(%dma_start3A_674 : memref<32xi32, #tpu.memory_space<vmem>>) semaphore(%run_scoped3A_671 : memref<!tpu.dma_semaphore, #tpu.memory_space<semaphore_mem>>) {add = true}
        %dma_wait3A_678 = arith.constant 0 : i32
        %dma_wait3A_679 = tpu.memref_slice %arg7[%run_scoped3A, %dma_wait3A_678] : memref<8x32xi32, #tpu.memory_space<vmem>> -> memref<1x32xi32, #tpu.memory_space<vmem>>
        %dma_wait3A_680 = tpu.memref_squeeze %dma_wait3A_679 : memref<1x32xi32, #tpu.memory_space<vmem>> -> memref<32xi32, #tpu.memory_space<vmem>>
        %dma_wait3A_681 = arith.constant 0 : i32
        %dma_wait3A_682 = arith.constant 0 : i32
        %dma_wait3A_683 = tpu.memref_slice %arg13[%dma_wait3A_681, %dma_wait3A_682] : memref<10240x128xf32, #tpu.memory_space<vmem_shared>> -> memref<10240x128xf32, #tpu.memory_space<vmem_shared>>
        tpu.wait_indirect_dma semaphore(%run_scoped3A_671 : memref<!tpu.dma_semaphore, #tpu.memory_space<semaphore_mem>>) src(%arg8 : memref<32x128xf32, #tpu.memory_space<vmem>>) dst(%dma_wait3A_683 : memref<10240x128xf32, #tpu.memory_space<vmem_shared>>)
        tpu.yield
      }) : () -> ()
      %run_scoped3A_636 = arith.constant 1 : i32
      "tpu.region"() ({
        %run_scoped3A_671 = tpu.sem_alloc : memref<!tpu.dma_semaphore, #tpu.memory_space<semaphore_mem>>
        %dma_start3A_672 = arith.constant 0 : i32
        %dma_start3A_673 = tpu.memref_slice %arg7[%run_scoped3A_636, %dma_start3A_672] : memref<8x32xi32, #tpu.memory_space<vmem>> -> memref<1x32xi32, #tpu.memory_space<vmem>>
        %dma_start3A_674 = tpu.memref_squeeze %dma_start3A_673 : memref<1x32xi32, #tpu.memory_space<vmem>> -> memref<32xi32, #tpu.memory_space<vmem>>
        %dma_start3A_675 = arith.constant 0 : i32
        %dma_start3A_676 = arith.constant 0 : i32
        %dma_start3A_677 = tpu.memref_slice %arg13[%dma_start3A_675, %dma_start3A_676] : memref<10240x128xf32, #tpu.memory_space<vmem_shared>> -> memref<10240x128xf32, #tpu.memory_space<vmem_shared>>
        tpu.enqueue_indirect_dma source(%arg9 : memref<32x128xf32, #tpu.memory_space<vmem>>) target(%dma_start3A_677 : memref<10240x128xf32, #tpu.memory_space<vmem_shared>>) offsets(%dma_start3A_674 : memref<32xi32, #tpu.memory_space<vmem>>) semaphore(%run_scoped3A_671 : memref<!tpu.dma_semaphore, #tpu.memory_space<semaphore_mem>>) {add = true}
        %dma_wait3A_678 = arith.constant 0 : i32
        %dma_wait3A_679 = tpu.memref_slice %arg7[%run_scoped3A_636, %dma_wait3A_678] : memref<8x32xi32, #tpu.memory_space<vmem>> -> memref<1x32xi32, #tpu.memory_space<vmem>>
        %dma_wait3A_680 = tpu.memref_squeeze %dma_wait3A_679 : memref<1x32xi32, #tpu.memory_space<vmem>> -> memref<32xi32, #tpu.memory_space<vmem>>
        %dma_wait3A_681 = arith.constant 0 : i32
        %dma_wait3A_682 = arith.constant 0 : i32
        %dma_wait3A_683 = tpu.memref_slice %arg13[%dma_wait3A_681, %dma_wait3A_682] : memref<10240x128xf32, #tpu.memory_space<vmem_shared>> -> memref<10240x128xf32, #tpu.memory_space<vmem_shared>>
        tpu.wait_indirect_dma semaphore(%run_scoped3A_671 : memref<!tpu.dma_semaphore, #tpu.memory_space<semaphore_mem>>) src(%arg9 : memref<32x128xf32, #tpu.memory_space<vmem>>) dst(%dma_wait3A_683 : memref<10240x128xf32, #tpu.memory_space<vmem_shared>>)
        tpu.yield
      }) : () -> ()
      %run_scoped3A_637 = arith.constant 2 : i32
      "tpu.region"() ({
        %run_scoped3A_671 = tpu.sem_alloc : memref<!tpu.dma_semaphore, #tpu.memory_space<semaphore_mem>>
        %dma_start3A_672 = arith.constant 0 : i32
        %dma_start3A_673 = tpu.memref_slice %arg7[%run_scoped3A_637, %dma_start3A_672] : memref<8x32xi32, #tpu.memory_space<vmem>> -> memref<1x32xi32, #tpu.memory_space<vmem>>
        %dma_start3A_674 = tpu.memref_squeeze %dma_start3A_673 : memref<1x32xi32, #tpu.memory_space<vmem>> -> memref<32xi32, #tpu.memory_space<vmem>>
        %dma_start3A_675 = arith.constant 0 : i32
        %dma_start3A_676 = arith.constant 0 : i32
        %dma_start3A_677 = tpu.memref_slice %arg13[%dma_start3A_675, %dma_start3A_676] : memref<10240x128xf32, #tpu.memory_space<vmem_shared>> -> memref<10240x128xf32, #tpu.memory_space<vmem_shared>>
        tpu.enqueue_indirect_dma source(%arg10 : memref<32x128xf32, #tpu.memory_space<vmem>>) target(%dma_start3A_677 : memref<10240x128xf32, #tpu.memory_space<vmem_shared>>) offsets(%dma_start3A_674 : memref<32xi32, #tpu.memory_space<vmem>>) semaphore(%run_scoped3A_671 : memref<!tpu.dma_semaphore, #tpu.memory_space<semaphore_mem>>) {add = true}
        %dma_wait3A_678 = arith.constant 0 : i32
        %dma_wait3A_679 = tpu.memref_slice %arg7[%run_scoped3A_637, %dma_wait3A_678] : memref<8x32xi32, #tpu.memory_space<vmem>> -> memref<1x32xi32, #tpu.memory_space<vmem>>
        %dma_wait3A_680 = tpu.memref_squeeze %dma_wait3A_679 : memref<1x32xi32, #tpu.memory_space<vmem>> -> memref<32xi32, #tpu.memory_space<vmem>>
        %dma_wait3A_681 = arith.constant 0 : i32
        %dma_wait3A_682 = arith.constant 0 : i32
        %dma_wait3A_683 = tpu.memref_slice %arg13[%dma_wait3A_681, %dma_wait3A_682] : memref<10240x128xf32, #tpu.memory_space<vmem_shared>> -> memref<10240x128xf32, #tpu.memory_space<vmem_shared>>
        tpu.wait_indirect_dma semaphore(%run_scoped3A_671 : memref<!tpu.dma_semaphore, #tpu.memory_space<semaphore_mem>>) src(%arg10 : memref<32x128xf32, #tpu.memory_space<vmem>>) dst(%dma_wait3A_683 : memref<10240x128xf32, #tpu.memory_space<vmem_shared>>)
        tpu.yield
      }) : () -> ()
      %run_scoped3A_638 = arith.constant 3 : i32
      "tpu.region"() ({
        %run_scoped3A_671 = tpu.sem_alloc : memref<!tpu.dma_semaphore, #tpu.memory_space<semaphore_mem>>
        %dma_start3A_672 = arith.constant 0 : i32
        %dma_start3A_673 = tpu.memref_slice %arg7[%run_scoped3A_638, %dma_start3A_672] : memref<8x32xi32, #tpu.memory_space<vmem>> -> memref<1x32xi32, #tpu.memory_space<vmem>>
        %dma_start3A_674 = tpu.memref_squeeze %dma_start3A_673 : memref<1x32xi32, #tpu.memory_space<vmem>> -> memref<32xi32, #tpu.memory_space<vmem>>
        %dma_start3A_675 = arith.constant 0 : i32
        %dma_start3A_676 = arith.constant 0 : i32
        %dma_start3A_677 = tpu.memref_slice %arg13[%dma_start3A_675, %dma_start3A_676] : memref<10240x128xf32, #tpu.memory_space<vmem_shared>> -> memref<10240x128xf32, #tpu.memory_space<vmem_shared>>
        tpu.enqueue_indirect_dma source(%arg11 : memref<32x128xf32, #tpu.memory_space<vmem>>) target(%dma_start3A_677 : memref<10240x128xf32, #tpu.memory_space<vmem_shared>>) offsets(%dma_start3A_674 : memref<32xi32, #tpu.memory_space<vmem>>) semaphore(%run_scoped3A_671 : memref<!tpu.dma_semaphore, #tpu.memory_space<semaphore_mem>>) {add = true}
        %dma_wait3A_678 = arith.constant 0 : i32
        %dma_wait3A_679 = tpu.memref_slice %arg7[%run_scoped3A_638, %dma_wait3A_678] : memref<8x32xi32, #tpu.memory_space<vmem>> -> memref<1x32xi32, #tpu.memory_space<vmem>>
        %dma_wait3A_680 = tpu.memref_squeeze %dma_wait3A_679 : memref<1x32xi32, #tpu.memory_space<vmem>> -> memref<32xi32, #tpu.memory_space<vmem>>
        %dma_wait3A_681 = arith.constant 0 : i32
        %dma_wait3A_682 = arith.constant 0 : i32
        %dma_wait3A_683 = tpu.memref_slice %arg13[%dma_wait3A_681, %dma_wait3A_682] : memref<10240x128xf32, #tpu.memory_space<vmem_shared>> -> memref<10240x128xf32, #tpu.memory_space<vmem_shared>>
        tpu.wait_indirect_dma semaphore(%run_scoped3A_671 : memref<!tpu.dma_semaphore, #tpu.memory_space<semaphore_mem>>) src(%arg11 : memref<32x128xf32, #tpu.memory_space<vmem>>) dst(%dma_wait3A_683 : memref<10240x128xf32, #tpu.memory_space<vmem_shared>>)
        tpu.yield
      }) : () -> ()
      %dma_wait3A_639 = arith.constant 4 : i32
      %dma_wait3A_640 = arith.constant 0 : i32
      %dma_wait3A_641 = tpu.memref_slice %arg6[%dma_wait3A_639, %dma_wait3A_640] : memref<8x32xi32, #tpu.memory_space<vmem>> -> memref<1x32xi32, #tpu.memory_space<vmem>>
      %dma_wait3A_642 = tpu.memref_squeeze %dma_wait3A_641 : memref<1x32xi32, #tpu.memory_space<vmem>> -> memref<32xi32, #tpu.memory_space<vmem>>
      %dma_wait3A_643 = arith.constant 0 : i32
      %dma_wait3A_644 = arith.constant 0 : i32
      %dma_wait3A_645 = tpu.memref_slice %arg2[%dma_wait3A_643, %dma_wait3A_644] : memref<10240x128xf32, #tpu.memory_space<hbm>> -> memref<10240x128xf32, #tpu.memory_space<hbm>>
      tpu.wait_indirect_dma semaphore(%arg14 : memref<!tpu.dma_semaphore, #tpu.memory_space<semaphore_mem>>) src(%dma_wait3A_645 : memref<10240x128xf32, #tpu.memory_space<hbm>>) dst(%arg8 : memref<32x128xf32, #tpu.memory_space<vmem>>)
      %dma_wait3A_646 = arith.constant 5 : i32
      %dma_wait3A_647 = arith.constant 0 : i32
      %dma_wait3A_648 = tpu.memref_slice %arg6[%dma_wait3A_646, %dma_wait3A_647] : memref<8x32xi32, #tpu.memory_space<vmem>> -> memref<1x32xi32, #tpu.memory_space<vmem>>
      %dma_wait3A_649 = tpu.memref_squeeze %dma_wait3A_648 : memref<1x32xi32, #tpu.memory_space<vmem>> -> memref<32xi32, #tpu.memory_space<vmem>>
      %dma_wait3A_650 = arith.constant 0 : i32
      %dma_wait3A_651 = arith.constant 0 : i32
      %dma_wait3A_652 = tpu.memref_slice %arg2[%dma_wait3A_650, %dma_wait3A_651] : memref<10240x128xf32, #tpu.memory_space<hbm>> -> memref<10240x128xf32, #tpu.memory_space<hbm>>
      tpu.wait_indirect_dma semaphore(%arg14 : memref<!tpu.dma_semaphore, #tpu.memory_space<semaphore_mem>>) src(%dma_wait3A_652 : memref<10240x128xf32, #tpu.memory_space<hbm>>) dst(%arg9 : memref<32x128xf32, #tpu.memory_space<vmem>>)
      %dma_wait3A_653 = arith.constant 6 : i32
      %dma_wait3A_654 = arith.constant 0 : i32
      %dma_wait3A_655 = tpu.memref_slice %arg6[%dma_wait3A_653, %dma_wait3A_654] : memref<8x32xi32, #tpu.memory_space<vmem>> -> memref<1x32xi32, #tpu.memory_space<vmem>>
      %dma_wait3A_656 = tpu.memref_squeeze %dma_wait3A_655 : memref<1x32xi32, #tpu.memory_space<vmem>> -> memref<32xi32, #tpu.memory_space<vmem>>
      %dma_wait3A_657 = arith.constant 0 : i32
      %dma_wait3A_658 = arith.constant 0 : i32
      %dma_wait3A_659 = tpu.memref_slice %arg2[%dma_wait3A_657, %dma_wait3A_658] : memref<10240x128xf32, #tpu.memory_space<hbm>> -> memref<10240x128xf32, #tpu.memory_space<hbm>>
      tpu.wait_indirect_dma semaphore(%arg14 : memref<!tpu.dma_semaphore, #tpu.memory_space<semaphore_mem>>) src(%dma_wait3A_659 : memref<10240x128xf32, #tpu.memory_space<hbm>>) dst(%arg10 : memref<32x128xf32, #tpu.memory_space<vmem>>)
      %dma_wait3A_660 = arith.constant 7 : i32
      %dma_wait3A_661 = arith.constant 0 : i32
      %dma_wait3A_662 = tpu.memref_slice %arg6[%dma_wait3A_660, %dma_wait3A_661] : memref<8x32xi32, #tpu.memory_space<vmem>> -> memref<1x32xi32, #tpu.memory_space<vmem>>
      %dma_wait3A_663 = tpu.memref_squeeze %dma_wait3A_662 : memref<1x32xi32, #tpu.memory_space<vmem>> -> memref<32xi32, #tpu.memory_space<vmem>>
      %dma_wait3A_664 = arith.constant 0 : i32
      %dma_wait3A_665 = arith.constant 0 : i32
      %dma_wait3A_666 = tpu.memref_slice %arg2[%dma_wait3A_664, %dma_wait3A_665] : memref<10240x128xf32, #tpu.memory_space<hbm>> -> memref<10240x128xf32, #tpu.memory_space<hbm>>
      tpu.wait_indirect_dma semaphore(%arg14 : memref<!tpu.dma_semaphore, #tpu.memory_space<semaphore_mem>>) src(%dma_wait3A_666 : memref<10240x128xf32, #tpu.memory_space<hbm>>) dst(%arg11 : memref<32x128xf32, #tpu.memory_space<vmem>>)
      %run_scoped3A_667 = arith.constant 4 : i32
      "tpu.region"() ({
        %run_scoped3A_671 = tpu.sem_alloc : memref<!tpu.dma_semaphore, #tpu.memory_space<semaphore_mem>>
        %dma_start3A_672 = arith.constant 0 : i32
        %dma_start3A_673 = tpu.memref_slice %arg7[%run_scoped3A_667, %dma_start3A_672] : memref<8x32xi32, #tpu.memory_space<vmem>> -> memref<1x32xi32, #tpu.memory_space<vmem>>
        %dma_start3A_674 = tpu.memref_squeeze %dma_start3A_673 : memref<1x32xi32, #tpu.memory_space<vmem>> -> memref<32xi32, #tpu.memory_space<vmem>>
        %dma_start3A_675 = arith.constant 0 : i32
        %dma_start3A_676 = arith.constant 0 : i32
        %dma_start3A_677 = tpu.memref_slice %arg13[%dma_start3A_675, %dma_start3A_676] : memref<10240x128xf32, #tpu.memory_space<vmem_shared>> -> memref<10240x128xf32, #tpu.memory_space<vmem_shared>>
        tpu.enqueue_indirect_dma source(%arg8 : memref<32x128xf32, #tpu.memory_space<vmem>>) target(%dma_start3A_677 : memref<10240x128xf32, #tpu.memory_space<vmem_shared>>) offsets(%dma_start3A_674 : memref<32xi32, #tpu.memory_space<vmem>>) semaphore(%run_scoped3A_671 : memref<!tpu.dma_semaphore, #tpu.memory_space<semaphore_mem>>) {add = true}
        %dma_wait3A_678 = arith.constant 0 : i32
        %dma_wait3A_679 = tpu.memref_slice %arg7[%run_scoped3A_667, %dma_wait3A_678] : memref<8x32xi32, #tpu.memory_space<vmem>> -> memref<1x32xi32, #tpu.memory_space<vmem>>
        %dma_wait3A_680 = tpu.memref_squeeze %dma_wait3A_679 : memref<1x32xi32, #tpu.memory_space<vmem>> -> memref<32xi32, #tpu.memory_space<vmem>>
        %dma_wait3A_681 = arith.constant 0 : i32
        %dma_wait3A_682 = arith.constant 0 : i32
        %dma_wait3A_683 = tpu.memref_slice %arg13[%dma_wait3A_681, %dma_wait3A_682] : memref<10240x128xf32, #tpu.memory_space<vmem_shared>> -> memref<10240x128xf32, #tpu.memory_space<vmem_shared>>
        tpu.wait_indirect_dma semaphore(%run_scoped3A_671 : memref<!tpu.dma_semaphore, #tpu.memory_space<semaphore_mem>>) src(%arg8 : memref<32x128xf32, #tpu.memory_space<vmem>>) dst(%dma_wait3A_683 : memref<10240x128xf32, #tpu.memory_space<vmem_shared>>)
        tpu.yield
      }) : () -> ()
      %run_scoped3A_668 = arith.constant 5 : i32
      "tpu.region"() ({
        %run_scoped3A_671 = tpu.sem_alloc : memref<!tpu.dma_semaphore, #tpu.memory_space<semaphore_mem>>
        %dma_start3A_672 = arith.constant 0 : i32
        %dma_start3A_673 = tpu.memref_slice %arg7[%run_scoped3A_668, %dma_start3A_672] : memref<8x32xi32, #tpu.memory_space<vmem>> -> memref<1x32xi32, #tpu.memory_space<vmem>>
        %dma_start3A_674 = tpu.memref_squeeze %dma_start3A_673 : memref<1x32xi32, #tpu.memory_space<vmem>> -> memref<32xi32, #tpu.memory_space<vmem>>
        %dma_start3A_675 = arith.constant 0 : i32
        %dma_start3A_676 = arith.constant 0 : i32
        %dma_start3A_677 = tpu.memref_slice %arg13[%dma_start3A_675, %dma_start3A_676] : memref<10240x128xf32, #tpu.memory_space<vmem_shared>> -> memref<10240x128xf32, #tpu.memory_space<vmem_shared>>
        tpu.enqueue_indirect_dma source(%arg9 : memref<32x128xf32, #tpu.memory_space<vmem>>) target(%dma_start3A_677 : memref<10240x128xf32, #tpu.memory_space<vmem_shared>>) offsets(%dma_start3A_674 : memref<32xi32, #tpu.memory_space<vmem>>) semaphore(%run_scoped3A_671 : memref<!tpu.dma_semaphore, #tpu.memory_space<semaphore_mem>>) {add = true}
        %dma_wait3A_678 = arith.constant 0 : i32
        %dma_wait3A_679 = tpu.memref_slice %arg7[%run_scoped3A_668, %dma_wait3A_678] : memref<8x32xi32, #tpu.memory_space<vmem>> -> memref<1x32xi32, #tpu.memory_space<vmem>>
        %dma_wait3A_680 = tpu.memref_squeeze %dma_wait3A_679 : memref<1x32xi32, #tpu.memory_space<vmem>> -> memref<32xi32, #tpu.memory_space<vmem>>
        %dma_wait3A_681 = arith.constant 0 : i32
        %dma_wait3A_682 = arith.constant 0 : i32
        %dma_wait3A_683 = tpu.memref_slice %arg13[%dma_wait3A_681, %dma_wait3A_682] : memref<10240x128xf32, #tpu.memory_space<vmem_shared>> -> memref<10240x128xf32, #tpu.memory_space<vmem_shared>>
        tpu.wait_indirect_dma semaphore(%run_scoped3A_671 : memref<!tpu.dma_semaphore, #tpu.memory_space<semaphore_mem>>) src(%arg9 : memref<32x128xf32, #tpu.memory_space<vmem>>) dst(%dma_wait3A_683 : memref<10240x128xf32, #tpu.memory_space<vmem_shared>>)
        tpu.yield
      }) : () -> ()
      %run_scoped3A_669 = arith.constant 6 : i32
      "tpu.region"() ({
        %run_scoped3A_671 = tpu.sem_alloc : memref<!tpu.dma_semaphore, #tpu.memory_space<semaphore_mem>>
        %dma_start3A_672 = arith.constant 0 : i32
        %dma_start3A_673 = tpu.memref_slice %arg7[%run_scoped3A_669, %dma_start3A_672] : memref<8x32xi32, #tpu.memory_space<vmem>> -> memref<1x32xi32, #tpu.memory_space<vmem>>
        %dma_start3A_674 = tpu.memref_squeeze %dma_start3A_673 : memref<1x32xi32, #tpu.memory_space<vmem>> -> memref<32xi32, #tpu.memory_space<vmem>>
        %dma_start3A_675 = arith.constant 0 : i32
        %dma_start3A_676 = arith.constant 0 : i32
        %dma_start3A_677 = tpu.memref_slice %arg13[%dma_start3A_675, %dma_start3A_676] : memref<10240x128xf32, #tpu.memory_space<vmem_shared>> -> memref<10240x128xf32, #tpu.memory_space<vmem_shared>>
        tpu.enqueue_indirect_dma source(%arg10 : memref<32x128xf32, #tpu.memory_space<vmem>>) target(%dma_start3A_677 : memref<10240x128xf32, #tpu.memory_space<vmem_shared>>) offsets(%dma_start3A_674 : memref<32xi32, #tpu.memory_space<vmem>>) semaphore(%run_scoped3A_671 : memref<!tpu.dma_semaphore, #tpu.memory_space<semaphore_mem>>) {add = true}
        %dma_wait3A_678 = arith.constant 0 : i32
        %dma_wait3A_679 = tpu.memref_slice %arg7[%run_scoped3A_669, %dma_wait3A_678] : memref<8x32xi32, #tpu.memory_space<vmem>> -> memref<1x32xi32, #tpu.memory_space<vmem>>
        %dma_wait3A_680 = tpu.memref_squeeze %dma_wait3A_679 : memref<1x32xi32, #tpu.memory_space<vmem>> -> memref<32xi32, #tpu.memory_space<vmem>>
        %dma_wait3A_681 = arith.constant 0 : i32
        %dma_wait3A_682 = arith.constant 0 : i32
        %dma_wait3A_683 = tpu.memref_slice %arg13[%dma_wait3A_681, %dma_wait3A_682] : memref<10240x128xf32, #tpu.memory_space<vmem_shared>> -> memref<10240x128xf32, #tpu.memory_space<vmem_shared>>
        tpu.wait_indirect_dma semaphore(%run_scoped3A_671 : memref<!tpu.dma_semaphore, #tpu.memory_space<semaphore_mem>>) src(%arg10 : memref<32x128xf32, #tpu.memory_space<vmem>>) dst(%dma_wait3A_683 : memref<10240x128xf32, #tpu.memory_space<vmem_shared>>)
        tpu.yield
      }) : () -> ()
      %run_scoped3A_670 = arith.constant 7 : i32
      "tpu.region"() ({
        %run_scoped3A_671 = tpu.sem_alloc : memref<!tpu.dma_semaphore, #tpu.memory_space<semaphore_mem>>
        %dma_start3A_672 = arith.constant 0 : i32
        %dma_start3A_673 = tpu.memref_slice %arg7[%run_scoped3A_670, %dma_start3A_672] : memref<8x32xi32, #tpu.memory_space<vmem>> -> memref<1x32xi32, #tpu.memory_space<vmem>>
        %dma_start3A_674 = tpu.memref_squeeze %dma_start3A_673 : memref<1x32xi32, #tpu.memory_space<vmem>> -> memref<32xi32, #tpu.memory_space<vmem>>
        %dma_start3A_675 = arith.constant 0 : i32
        %dma_start3A_676 = arith.constant 0 : i32
        %dma_start3A_677 = tpu.memref_slice %arg13[%dma_start3A_675, %dma_start3A_676] : memref<10240x128xf32, #tpu.memory_space<vmem_shared>> -> memref<10240x128xf32, #tpu.memory_space<vmem_shared>>
        tpu.enqueue_indirect_dma source(%arg11 : memref<32x128xf32, #tpu.memory_space<vmem>>) target(%dma_start3A_677 : memref<10240x128xf32, #tpu.memory_space<vmem_shared>>) offsets(%dma_start3A_674 : memref<32xi32, #tpu.memory_space<vmem>>) semaphore(%run_scoped3A_671 : memref<!tpu.dma_semaphore, #tpu.memory_space<semaphore_mem>>) {add = true}
        %dma_wait3A_678 = arith.constant 0 : i32
        %dma_wait3A_679 = tpu.memref_slice %arg7[%run_scoped3A_670, %dma_wait3A_678] : memref<8x32xi32, #tpu.memory_space<vmem>> -> memref<1x32xi32, #tpu.memory_space<vmem>>
        %dma_wait3A_680 = tpu.memref_squeeze %dma_wait3A_679 : memref<1x32xi32, #tpu.memory_space<vmem>> -> memref<32xi32, #tpu.memory_space<vmem>>
        %dma_wait3A_681 = arith.constant 0 : i32
        %dma_wait3A_682 = arith.constant 0 : i32
        %dma_wait3A_683 = tpu.memref_slice %arg13[%dma_wait3A_681, %dma_wait3A_682] : memref<10240x128xf32, #tpu.memory_space<vmem_shared>> -> memref<10240x128xf32, #tpu.memory_space<vmem_shared>>
        tpu.wait_indirect_dma semaphore(%run_scoped3A_671 : memref<!tpu.dma_semaphore, #tpu.memory_space<semaphore_mem>>) src(%arg11 : memref<32x128xf32, #tpu.memory_space<vmem>>) dst(%dma_wait3A_683 : memref<10240x128xf32, #tpu.memory_space<vmem_shared>>)
        tpu.yield
      }) : () -> ()
    }
    %barrier3A_542 = arith.constant 0 : index
    tpu.barrier barrier_id(%barrier3A_542)
    %mul3A_543 = arith.constant 640 : i32
    %mul3A_544 = arith.muli %arg1, %mul3A_543 : i32
    %mul3A_545 = arith.constant 10240 : i32
    %mul3A_546 = arith.muli %arg0, %mul3A_545 : i32
    %mul3A_547 = arith.constant 640 : i32
    %mul3A_548 = arith.muli %arg1, %mul3A_547 : i32
    %add3A_549 = arith.addi %mul3A_546, %mul3A_548 : i32
    "tpu.region"() ({
      %run_scoped3A = tpu.sem_alloc : memref<!tpu.dma_semaphore, #tpu.memory_space<semaphore_mem>>
      %dma_start3A = arith.constant 0 : i32
      %dma_start3A_550 = tpu.memref_slice %arg5[%add3A_549, %dma_start3A] : memref<20480x128xf32, #tpu.memory_space<hbm>> -> memref<640x128xf32, #tpu.memory_space<hbm>>
      %dma_start3A_551 = arith.constant 0 : i32
      %dma_start3A_552 = tpu.memref_slice %arg13[%mul3A_544, %dma_start3A_551] : memref<10240x128xf32, #tpu.memory_space<vmem_shared>> -> memref<640x128xf32, #tpu.memory_space<vmem_shared>>
      tpu.enqueue_dma source(%dma_start3A_552 : memref<640x128xf32, #tpu.memory_space<vmem_shared>>) target(%dma_start3A_550 : memref<640x128xf32, #tpu.memory_space<hbm>>) target_semaphore(%run_scoped3A : memref<!tpu.dma_semaphore, #tpu.memory_space<semaphore_mem>>)
      %dma_wait3A = arith.constant 0 : i32
      %dma_wait3A_553 = tpu.memref_slice %arg5[%add3A_549, %dma_wait3A] : memref<20480x128xf32, #tpu.memory_space<hbm>> -> memref<640x128xf32, #tpu.memory_space<hbm>>
      %dma_wait3A_554 = arith.constant 0 : i32
      %dma_wait3A_555 = tpu.memref_slice %arg13[%mul3A_544, %dma_wait3A_554] : memref<10240x128xf32, #tpu.memory_space<vmem_shared>> -> memref<640x128xf32, #tpu.memory_space<vmem_shared>>
      tpu.wait_dma2 semaphore(%run_scoped3A : memref<!tpu.dma_semaphore, #tpu.memory_space<semaphore_mem>>) src(%dma_wait3A_555 : memref<640x128xf32, #tpu.memory_space<vmem_shared>>) dst(%dma_wait3A_553 : memref<640x128xf32, #tpu.memory_space<hbm>>)
      tpu.yield
    }) : () -> ()
    return
  }
}

#map = affine_map<(d0, d1) -> (0, 0)>
#map1 = affine_map<(d0, d1) -> (0, 0, 0)>
module attributes {stable_mosaic.version = 14 : i64} {
  func.func @_agg_body(%arg0: i32, %arg1: i32, %arg2: memref<10240x128xf32, #tpu.memory_space<hbm>>, %arg3: memref<1280x8x32xi32, #tpu.memory_space<hbm>>, %arg4: memref<1280x8x32xi32, #tpu.memory_space<hbm>>, %arg5: memref<20480x128xf32, #tpu.memory_space<hbm>>, %arg6: memref<8x32xi32, #tpu.memory_space<vmem>>, %arg7: memref<8x32xi32, #tpu.memory_space<vmem>>, %arg8: memref<32x128xf32, #tpu.memory_space<vmem>>, %arg9: memref<32x128xf32, #tpu.memory_space<vmem>>, %arg10: memref<32x128xf32, #tpu.memory_space<vmem>>, %arg11: memref<32x128xf32, #tpu.memory_space<vmem>>, %arg12: memref<8x128xf32, #tpu.memory_space<vmem>>, %arg13: memref<10240x128xf32, #tpu.memory_space<vmem_shared>>, %arg14: memref<!tpu.dma_semaphore, #tpu.memory_space<semaphore_mem>>) attributes {dimension_semantics = [#tpu.dimension_semantics<core_parallel>, #tpu.dimension_semantics<subcore_parallel>], iteration_bounds = array<i64: 2, 16>, scalar_prefetch = 0 : i64, scratch_operands = 9 : i64, tpu.core_type = #tpu.core_type<sc_vector_subcore>, window_params = [{transform_indices = #map}, {transform_indices = #map1}, {transform_indices = #map1}, {transform_indices = #map}]} {
    %mul3A = arith.constant 16 : i32
    %mul3A_0 = arith.muli %arg0, %mul3A : i32
    %add3A = arith.addi %mul3A_0, %arg1 : i32
    %broadcast_in_dim3A = arith.constant 0.000000e+00 : f32
    %broadcast_in_dim3A_1 = vector.broadcast %broadcast_in_dim3A : f32 to vector<16xf32>
    %swap3A = arith.constant 0 : i32
    %swap3A_2 = arith.index_cast %swap3A : i32 to index
    %swap3A_3 = arith.constant 0 : index
    %swap3A_4 = tpu.vector_load %arg12[%swap3A_2, %swap3A_3] {strides = array<i32>} : memref<8x128xf32, #tpu.memory_space<vmem>>, vector<1x16xf32>,
    %swap3A_5 = vector.shape_cast %swap3A_4 : vector<1x16xf32> to vector<16xf32>
    %swap3A_6 = vector.shape_cast %broadcast_in_dim3A_1 : vector<16xf32> to vector<1x16xf32>
    tpu.vector_store %arg12[%swap3A_2, %swap3A_3], %swap3A_6 {strides = array<i32>} : memref<8x128xf32, #tpu.memory_space<vmem>>, vector<1x16xf32>,
    %broadcast_in_dim3A_7 = arith.constant 0.000000e+00 : f32
    %broadcast_in_dim3A_8 = vector.broadcast %broadcast_in_dim3A_7 : f32 to vector<16xf32>
    %swap3A_9 = arith.constant 0 : i32
    %swap3A_10 = arith.index_cast %swap3A_9 : i32 to index
    %swap3A_11 = arith.constant 16 : index
    %swap3A_12 = tpu.vector_load %arg12[%swap3A_10, %swap3A_11] {strides = array<i32>} : memref<8x128xf32, #tpu.memory_space<vmem>>, vector<1x16xf32>,
    %swap3A_13 = vector.shape_cast %swap3A_12 : vector<1x16xf32> to vector<16xf32>
    %swap3A_14 = vector.shape_cast %broadcast_in_dim3A_8 : vector<16xf32> to vector<1x16xf32>
    tpu.vector_store %arg12[%swap3A_10, %swap3A_11], %swap3A_14 {strides = array<i32>} : memref<8x128xf32, #tpu.memory_space<vmem>>, vector<1x16xf32>,
    %broadcast_in_dim3A_15 = arith.constant 0.000000e+00 : f32
    %broadcast_in_dim3A_16 = vector.broadcast %broadcast_in_dim3A_15 : f32 to vector<16xf32>
    %swap3A_17 = arith.constant 0 : i32
    %swap3A_18 = arith.index_cast %swap3A_17 : i32 to index
    %swap3A_19 = arith.constant 32 : index
    %swap3A_20 = tpu.vector_load %arg12[%swap3A_18, %swap3A_19] {strides = array<i32>} : memref<8x128xf32, #tpu.memory_space<vmem>>, vector<1x16xf32>,
    %swap3A_21 = vector.shape_cast %swap3A_20 : vector<1x16xf32> to vector<16xf32>
    %swap3A_22 = vector.shape_cast %broadcast_in_dim3A_16 : vector<16xf32> to vector<1x16xf32>
    tpu.vector_store %arg12[%swap3A_18, %swap3A_19], %swap3A_22 {strides = array<i32>} : memref<8x128xf32, #tpu.memory_space<vmem>>, vector<1x16xf32>,
    %broadcast_in_dim3A_23 = arith.constant 0.000000e+00 : f32
    %broadcast_in_dim3A_24 = vector.broadcast %broadcast_in_dim3A_23 : f32 to vector<16xf32>
    %swap3A_25 = arith.constant 0 : i32
    %swap3A_26 = arith.index_cast %swap3A_25 : i32 to index
    %swap3A_27 = arith.constant 48 : index
    %swap3A_28 = tpu.vector_load %arg12[%swap3A_26, %swap3A_27] {strides = array<i32>} : memref<8x128xf32, #tpu.memory_space<vmem>>, vector<1x16xf32>,
    %swap3A_29 = vector.shape_cast %swap3A_28 : vector<1x16xf32> to vector<16xf32>
    %swap3A_30 = vector.shape_cast %broadcast_in_dim3A_24 : vector<16xf32> to vector<1x16xf32>
    tpu.vector_store %arg12[%swap3A_26, %swap3A_27], %swap3A_30 {strides = array<i32>} : memref<8x128xf32, #tpu.memory_space<vmem>>, vector<1x16xf32>,
    %broadcast_in_dim3A_31 = arith.constant 0.000000e+00 : f32
    %broadcast_in_dim3A_32 = vector.broadcast %broadcast_in_dim3A_31 : f32 to vector<16xf32>
    %swap3A_33 = arith.constant 0 : i32
    %swap3A_34 = arith.index_cast %swap3A_33 : i32 to index
    %swap3A_35 = arith.constant 64 : index
    %swap3A_36 = tpu.vector_load %arg12[%swap3A_34, %swap3A_35] {strides = array<i32>} : memref<8x128xf32, #tpu.memory_space<vmem>>, vector<1x16xf32>,
    %swap3A_37 = vector.shape_cast %swap3A_36 : vector<1x16xf32> to vector<16xf32>
    %swap3A_38 = vector.shape_cast %broadcast_in_dim3A_32 : vector<16xf32> to vector<1x16xf32>
    tpu.vector_store %arg12[%swap3A_34, %swap3A_35], %swap3A_38 {strides = array<i32>} : memref<8x128xf32, #tpu.memory_space<vmem>>, vector<1x16xf32>,
    %broadcast_in_dim3A_39 = arith.constant 0.000000e+00 : f32
    %broadcast_in_dim3A_40 = vector.broadcast %broadcast_in_dim3A_39 : f32 to vector<16xf32>
    %swap3A_41 = arith.constant 0 : i32
    %swap3A_42 = arith.index_cast %swap3A_41 : i32 to index
    %swap3A_43 = arith.constant 80 : index
    %swap3A_44 = tpu.vector_load %arg12[%swap3A_42, %swap3A_43] {strides = array<i32>} : memref<8x128xf32, #tpu.memory_space<vmem>>, vector<1x16xf32>,
    %swap3A_45 = vector.shape_cast %swap3A_44 : vector<1x16xf32> to vector<16xf32>
    %swap3A_46 = vector.shape_cast %broadcast_in_dim3A_40 : vector<16xf32> to vector<1x16xf32>
    tpu.vector_store %arg12[%swap3A_42, %swap3A_43], %swap3A_46 {strides = array<i32>} : memref<8x128xf32, #tpu.memory_space<vmem>>, vector<1x16xf32>,
    %broadcast_in_dim3A_47 = arith.constant 0.000000e+00 : f32
    %broadcast_in_dim3A_48 = vector.broadcast %broadcast_in_dim3A_47 : f32 to vector<16xf32>
    %swap3A_49 = arith.constant 0 : i32
    %swap3A_50 = arith.index_cast %swap3A_49 : i32 to index
    %swap3A_51 = arith.constant 96 : index
    %swap3A_52 = tpu.vector_load %arg12[%swap3A_50, %swap3A_51] {strides = array<i32>} : memref<8x128xf32, #tpu.memory_space<vmem>>, vector<1x16xf32>,
    %swap3A_53 = vector.shape_cast %swap3A_52 : vector<1x16xf32> to vector<16xf32>
    %swap3A_54 = vector.shape_cast %broadcast_in_dim3A_48 : vector<16xf32> to vector<1x16xf32>
    tpu.vector_store %arg12[%swap3A_50, %swap3A_51], %swap3A_54 {strides = array<i32>} : memref<8x128xf32, #tpu.memory_space<vmem>>, vector<1x16xf32>,
    %broadcast_in_dim3A_55 = arith.constant 0.000000e+00 : f32
    %broadcast_in_dim3A_56 = vector.broadcast %broadcast_in_dim3A_55 : f32 to vector<16xf32>
    %swap3A_57 = arith.constant 0 : i32
    %swap3A_58 = arith.index_cast %swap3A_57 : i32 to index
    %swap3A_59 = arith.constant 112 : index
    %swap3A_60 = tpu.vector_load %arg12[%swap3A_58, %swap3A_59] {strides = array<i32>} : memref<8x128xf32, #tpu.memory_space<vmem>>, vector<1x16xf32>,
    %swap3A_61 = vector.shape_cast %swap3A_60 : vector<1x16xf32> to vector<16xf32>
    %swap3A_62 = vector.shape_cast %broadcast_in_dim3A_56 : vector<16xf32> to vector<1x16xf32>
    tpu.vector_store %arg12[%swap3A_58, %swap3A_59], %swap3A_62 {strides = array<i32>} : memref<8x128xf32, #tpu.memory_space<vmem>>, vector<1x16xf32>,
    %broadcast_in_dim3A_63 = arith.constant 0.000000e+00 : f32
    %broadcast_in_dim3A_64 = vector.broadcast %broadcast_in_dim3A_63 : f32 to vector<16xf32>
    %swap3A_65 = arith.constant 1 : i32
    %swap3A_66 = arith.index_cast %swap3A_65 : i32 to index
    %swap3A_67 = arith.constant 0 : index
    %swap3A_68 = tpu.vector_load %arg12[%swap3A_66, %swap3A_67] {strides = array<i32>} : memref<8x128xf32, #tpu.memory_space<vmem>>, vector<1x16xf32>,
    %swap3A_69 = vector.shape_cast %swap3A_68 : vector<1x16xf32> to vector<16xf32>
    %swap3A_70 = vector.shape_cast %broadcast_in_dim3A_64 : vector<16xf32> to vector<1x16xf32>
    tpu.vector_store %arg12[%swap3A_66, %swap3A_67], %swap3A_70 {strides = array<i32>} : memref<8x128xf32, #tpu.memory_space<vmem>>, vector<1x16xf32>,
    %broadcast_in_dim3A_71 = arith.constant 0.000000e+00 : f32
    %broadcast_in_dim3A_72 = vector.broadcast %broadcast_in_dim3A_71 : f32 to vector<16xf32>
    %swap3A_73 = arith.constant 1 : i32
    %swap3A_74 = arith.index_cast %swap3A_73 : i32 to index
    %swap3A_75 = arith.constant 16 : index
    %swap3A_76 = tpu.vector_load %arg12[%swap3A_74, %swap3A_75] {strides = array<i32>} : memref<8x128xf32, #tpu.memory_space<vmem>>, vector<1x16xf32>,
    %swap3A_77 = vector.shape_cast %swap3A_76 : vector<1x16xf32> to vector<16xf32>
    %swap3A_78 = vector.shape_cast %broadcast_in_dim3A_72 : vector<16xf32> to vector<1x16xf32>
    tpu.vector_store %arg12[%swap3A_74, %swap3A_75], %swap3A_78 {strides = array<i32>} : memref<8x128xf32, #tpu.memory_space<vmem>>, vector<1x16xf32>,
    %broadcast_in_dim3A_79 = arith.constant 0.000000e+00 : f32
    %broadcast_in_dim3A_80 = vector.broadcast %broadcast_in_dim3A_79 : f32 to vector<16xf32>
    %swap3A_81 = arith.constant 1 : i32
    %swap3A_82 = arith.index_cast %swap3A_81 : i32 to index
    %swap3A_83 = arith.constant 32 : index
    %swap3A_84 = tpu.vector_load %arg12[%swap3A_82, %swap3A_83] {strides = array<i32>} : memref<8x128xf32, #tpu.memory_space<vmem>>, vector<1x16xf32>,
    %swap3A_85 = vector.shape_cast %swap3A_84 : vector<1x16xf32> to vector<16xf32>
    %swap3A_86 = vector.shape_cast %broadcast_in_dim3A_80 : vector<16xf32> to vector<1x16xf32>
    tpu.vector_store %arg12[%swap3A_82, %swap3A_83], %swap3A_86 {strides = array<i32>} : memref<8x128xf32, #tpu.memory_space<vmem>>, vector<1x16xf32>,
    %broadcast_in_dim3A_87 = arith.constant 0.000000e+00 : f32
    %broadcast_in_dim3A_88 = vector.broadcast %broadcast_in_dim3A_87 : f32 to vector<16xf32>
    %swap3A_89 = arith.constant 1 : i32
    %swap3A_90 = arith.index_cast %swap3A_89 : i32 to index
    %swap3A_91 = arith.constant 48 : index
    %swap3A_92 = tpu.vector_load %arg12[%swap3A_90, %swap3A_91] {strides = array<i32>} : memref<8x128xf32, #tpu.memory_space<vmem>>, vector<1x16xf32>,
    %swap3A_93 = vector.shape_cast %swap3A_92 : vector<1x16xf32> to vector<16xf32>
    %swap3A_94 = vector.shape_cast %broadcast_in_dim3A_88 : vector<16xf32> to vector<1x16xf32>
    tpu.vector_store %arg12[%swap3A_90, %swap3A_91], %swap3A_94 {strides = array<i32>} : memref<8x128xf32, #tpu.memory_space<vmem>>, vector<1x16xf32>,
    %broadcast_in_dim3A_95 = arith.constant 0.000000e+00 : f32
    %broadcast_in_dim3A_96 = vector.broadcast %broadcast_in_dim3A_95 : f32 to vector<16xf32>
    %swap3A_97 = arith.constant 1 : i32
    %swap3A_98 = arith.index_cast %swap3A_97 : i32 to index
    %swap3A_99 = arith.constant 64 : index
    %swap3A_100 = tpu.vector_load %arg12[%swap3A_98, %swap3A_99] {strides = array<i32>} : memref<8x128xf32, #tpu.memory_space<vmem>>, vector<1x16xf32>,
    %swap3A_101 = vector.shape_cast %swap3A_100 : vector<1x16xf32> to vector<16xf32>
    %swap3A_102 = vector.shape_cast %broadcast_in_dim3A_96 : vector<16xf32> to vector<1x16xf32>
    tpu.vector_store %arg12[%swap3A_98, %swap3A_99], %swap3A_102 {strides = array<i32>} : memref<8x128xf32, #tpu.memory_space<vmem>>, vector<1x16xf32>,
    %broadcast_in_dim3A_103 = arith.constant 0.000000e+00 : f32
    %broadcast_in_dim3A_104 = vector.broadcast %broadcast_in_dim3A_103 : f32 to vector<16xf32>
    %swap3A_105 = arith.constant 1 : i32
    %swap3A_106 = arith.index_cast %swap3A_105 : i32 to index
    %swap3A_107 = arith.constant 80 : index
    %swap3A_108 = tpu.vector_load %arg12[%swap3A_106, %swap3A_107] {strides = array<i32>} : memref<8x128xf32, #tpu.memory_space<vmem>>, vector<1x16xf32>,
    %swap3A_109 = vector.shape_cast %swap3A_108 : vector<1x16xf32> to vector<16xf32>
    %swap3A_110 = vector.shape_cast %broadcast_in_dim3A_104 : vector<16xf32> to vector<1x16xf32>
    tpu.vector_store %arg12[%swap3A_106, %swap3A_107], %swap3A_110 {strides = array<i32>} : memref<8x128xf32, #tpu.memory_space<vmem>>, vector<1x16xf32>,
    %broadcast_in_dim3A_111 = arith.constant 0.000000e+00 : f32
    %broadcast_in_dim3A_112 = vector.broadcast %broadcast_in_dim3A_111 : f32 to vector<16xf32>
    %swap3A_113 = arith.constant 1 : i32
    %swap3A_114 = arith.index_cast %swap3A_113 : i32 to index
    %swap3A_115 = arith.constant 96 : index
    %swap3A_116 = tpu.vector_load %arg12[%swap3A_114, %swap3A_115] {strides = array<i32>} : memref<8x128xf32, #tpu.memory_space<vmem>>, vector<1x16xf32>,
    %swap3A_117 = vector.shape_cast %swap3A_116 : vector<1x16xf32> to vector<16xf32>
    %swap3A_118 = vector.shape_cast %broadcast_in_dim3A_112 : vector<16xf32> to vector<1x16xf32>
    tpu.vector_store %arg12[%swap3A_114, %swap3A_115], %swap3A_118 {strides = array<i32>} : memref<8x128xf32, #tpu.memory_space<vmem>>, vector<1x16xf32>,
    %broadcast_in_dim3A_119 = arith.constant 0.000000e+00 : f32
    %broadcast_in_dim3A_120 = vector.broadcast %broadcast_in_dim3A_119 : f32 to vector<16xf32>
    %swap3A_121 = arith.constant 1 : i32
    %swap3A_122 = arith.index_cast %swap3A_121 : i32 to index
    %swap3A_123 = arith.constant 112 : index
    %swap3A_124 = tpu.vector_load %arg12[%swap3A_122, %swap3A_123] {strides = array<i32>} : memref<8x128xf32, #tpu.memory_space<vmem>>, vector<1x16xf32>,
    %swap3A_125 = vector.shape_cast %swap3A_124 : vector<1x16xf32> to vector<16xf32>
    %swap3A_126 = vector.shape_cast %broadcast_in_dim3A_120 : vector<16xf32> to vector<1x16xf32>
    tpu.vector_store %arg12[%swap3A_122, %swap3A_123], %swap3A_126 {strides = array<i32>} : memref<8x128xf32, #tpu.memory_space<vmem>>, vector<1x16xf32>,
    %broadcast_in_dim3A_127 = arith.constant 0.000000e+00 : f32
    %broadcast_in_dim3A_128 = vector.broadcast %broadcast_in_dim3A_127 : f32 to vector<16xf32>
    %swap3A_129 = arith.constant 2 : i32
    %swap3A_130 = arith.index_cast %swap3A_129 : i32 to index
    %swap3A_131 = arith.constant 0 : index
    %swap3A_132 = tpu.vector_load %arg12[%swap3A_130, %swap3A_131] {strides = array<i32>} : memref<8x128xf32, #tpu.memory_space<vmem>>, vector<1x16xf32>,
    %swap3A_133 = vector.shape_cast %swap3A_132 : vector<1x16xf32> to vector<16xf32>
    %swap3A_134 = vector.shape_cast %broadcast_in_dim3A_128 : vector<16xf32> to vector<1x16xf32>
    tpu.vector_store %arg12[%swap3A_130, %swap3A_131], %swap3A_134 {strides = array<i32>} : memref<8x128xf32, #tpu.memory_space<vmem>>, vector<1x16xf32>,
    %broadcast_in_dim3A_135 = arith.constant 0.000000e+00 : f32
    %broadcast_in_dim3A_136 = vector.broadcast %broadcast_in_dim3A_135 : f32 to vector<16xf32>
    %swap3A_137 = arith.constant 2 : i32
    %swap3A_138 = arith.index_cast %swap3A_137 : i32 to index
    %swap3A_139 = arith.constant 16 : index
    %swap3A_140 = tpu.vector_load %arg12[%swap3A_138, %swap3A_139] {strides = array<i32>} : memref<8x128xf32, #tpu.memory_space<vmem>>, vector<1x16xf32>,
    %swap3A_141 = vector.shape_cast %swap3A_140 : vector<1x16xf32> to vector<16xf32>
    %swap3A_142 = vector.shape_cast %broadcast_in_dim3A_136 : vector<16xf32> to vector<1x16xf32>
    tpu.vector_store %arg12[%swap3A_138, %swap3A_139], %swap3A_142 {strides = array<i32>} : memref<8x128xf32, #tpu.memory_space<vmem>>, vector<1x16xf32>,
    %broadcast_in_dim3A_143 = arith.constant 0.000000e+00 : f32
    %broadcast_in_dim3A_144 = vector.broadcast %broadcast_in_dim3A_143 : f32 to vector<16xf32>
    %swap3A_145 = arith.constant 2 : i32
    %swap3A_146 = arith.index_cast %swap3A_145 : i32 to index
    %swap3A_147 = arith.constant 32 : index
    %swap3A_148 = tpu.vector_load %arg12[%swap3A_146, %swap3A_147] {strides = array<i32>} : memref<8x128xf32, #tpu.memory_space<vmem>>, vector<1x16xf32>,
    %swap3A_149 = vector.shape_cast %swap3A_148 : vector<1x16xf32> to vector<16xf32>
    %swap3A_150 = vector.shape_cast %broadcast_in_dim3A_144 : vector<16xf32> to vector<1x16xf32>
    tpu.vector_store %arg12[%swap3A_146, %swap3A_147], %swap3A_150 {strides = array<i32>} : memref<8x128xf32, #tpu.memory_space<vmem>>, vector<1x16xf32>,
    %broadcast_in_dim3A_151 = arith.constant 0.000000e+00 : f32
    %broadcast_in_dim3A_152 = vector.broadcast %broadcast_in_dim3A_151 : f32 to vector<16xf32>
    %swap3A_153 = arith.constant 2 : i32
    %swap3A_154 = arith.index_cast %swap3A_153 : i32 to index
    %swap3A_155 = arith.constant 48 : index
    %swap3A_156 = tpu.vector_load %arg12[%swap3A_154, %swap3A_155] {strides = array<i32>} : memref<8x128xf32, #tpu.memory_space<vmem>>, vector<1x16xf32>,
    %swap3A_157 = vector.shape_cast %swap3A_156 : vector<1x16xf32> to vector<16xf32>
    %swap3A_158 = vector.shape_cast %broadcast_in_dim3A_152 : vector<16xf32> to vector<1x16xf32>
    tpu.vector_store %arg12[%swap3A_154, %swap3A_155], %swap3A_158 {strides = array<i32>} : memref<8x128xf32, #tpu.memory_space<vmem>>, vector<1x16xf32>,
    %broadcast_in_dim3A_159 = arith.constant 0.000000e+00 : f32
    %broadcast_in_dim3A_160 = vector.broadcast %broadcast_in_dim3A_159 : f32 to vector<16xf32>
    %swap3A_161 = arith.constant 2 : i32
    %swap3A_162 = arith.index_cast %swap3A_161 : i32 to index
    %swap3A_163 = arith.constant 64 : index
    %swap3A_164 = tpu.vector_load %arg12[%swap3A_162, %swap3A_163] {strides = array<i32>} : memref<8x128xf32, #tpu.memory_space<vmem>>, vector<1x16xf32>,
    %swap3A_165 = vector.shape_cast %swap3A_164 : vector<1x16xf32> to vector<16xf32>
    %swap3A_166 = vector.shape_cast %broadcast_in_dim3A_160 : vector<16xf32> to vector<1x16xf32>
    tpu.vector_store %arg12[%swap3A_162, %swap3A_163], %swap3A_166 {strides = array<i32>} : memref<8x128xf32, #tpu.memory_space<vmem>>, vector<1x16xf32>,
    %broadcast_in_dim3A_167 = arith.constant 0.000000e+00 : f32
    %broadcast_in_dim3A_168 = vector.broadcast %broadcast_in_dim3A_167 : f32 to vector<16xf32>
    %swap3A_169 = arith.constant 2 : i32
    %swap3A_170 = arith.index_cast %swap3A_169 : i32 to index
    %swap3A_171 = arith.constant 80 : index
    %swap3A_172 = tpu.vector_load %arg12[%swap3A_170, %swap3A_171] {strides = array<i32>} : memref<8x128xf32, #tpu.memory_space<vmem>>, vector<1x16xf32>,
    %swap3A_173 = vector.shape_cast %swap3A_172 : vector<1x16xf32> to vector<16xf32>
    %swap3A_174 = vector.shape_cast %broadcast_in_dim3A_168 : vector<16xf32> to vector<1x16xf32>
    tpu.vector_store %arg12[%swap3A_170, %swap3A_171], %swap3A_174 {strides = array<i32>} : memref<8x128xf32, #tpu.memory_space<vmem>>, vector<1x16xf32>,
    %broadcast_in_dim3A_175 = arith.constant 0.000000e+00 : f32
    %broadcast_in_dim3A_176 = vector.broadcast %broadcast_in_dim3A_175 : f32 to vector<16xf32>
    %swap3A_177 = arith.constant 2 : i32
    %swap3A_178 = arith.index_cast %swap3A_177 : i32 to index
    %swap3A_179 = arith.constant 96 : index
    %swap3A_180 = tpu.vector_load %arg12[%swap3A_178, %swap3A_179] {strides = array<i32>} : memref<8x128xf32, #tpu.memory_space<vmem>>, vector<1x16xf32>,
    %swap3A_181 = vector.shape_cast %swap3A_180 : vector<1x16xf32> to vector<16xf32>
    %swap3A_182 = vector.shape_cast %broadcast_in_dim3A_176 : vector<16xf32> to vector<1x16xf32>
    tpu.vector_store %arg12[%swap3A_178, %swap3A_179], %swap3A_182 {strides = array<i32>} : memref<8x128xf32, #tpu.memory_space<vmem>>, vector<1x16xf32>,
    %broadcast_in_dim3A_183 = arith.constant 0.000000e+00 : f32
    %broadcast_in_dim3A_184 = vector.broadcast %broadcast_in_dim3A_183 : f32 to vector<16xf32>
    %swap3A_185 = arith.constant 2 : i32
    %swap3A_186 = arith.index_cast %swap3A_185 : i32 to index
    %swap3A_187 = arith.constant 112 : index
    %swap3A_188 = tpu.vector_load %arg12[%swap3A_186, %swap3A_187] {strides = array<i32>} : memref<8x128xf32, #tpu.memory_space<vmem>>, vector<1x16xf32>,
    %swap3A_189 = vector.shape_cast %swap3A_188 : vector<1x16xf32> to vector<16xf32>
    %swap3A_190 = vector.shape_cast %broadcast_in_dim3A_184 : vector<16xf32> to vector<1x16xf32>
    tpu.vector_store %arg12[%swap3A_186, %swap3A_187], %swap3A_190 {strides = array<i32>} : memref<8x128xf32, #tpu.memory_space<vmem>>, vector<1x16xf32>,
    %broadcast_in_dim3A_191 = arith.constant 0.000000e+00 : f32
    %broadcast_in_dim3A_192 = vector.broadcast %broadcast_in_dim3A_191 : f32 to vector<16xf32>
    %swap3A_193 = arith.constant 3 : i32
    %swap3A_194 = arith.index_cast %swap3A_193 : i32 to index
    %swap3A_195 = arith.constant 0 : index
    %swap3A_196 = tpu.vector_load %arg12[%swap3A_194, %swap3A_195] {strides = array<i32>} : memref<8x128xf32, #tpu.memory_space<vmem>>, vector<1x16xf32>,
    %swap3A_197 = vector.shape_cast %swap3A_196 : vector<1x16xf32> to vector<16xf32>
    %swap3A_198 = vector.shape_cast %broadcast_in_dim3A_192 : vector<16xf32> to vector<1x16xf32>
    tpu.vector_store %arg12[%swap3A_194, %swap3A_195], %swap3A_198 {strides = array<i32>} : memref<8x128xf32, #tpu.memory_space<vmem>>, vector<1x16xf32>,
    %broadcast_in_dim3A_199 = arith.constant 0.000000e+00 : f32
    %broadcast_in_dim3A_200 = vector.broadcast %broadcast_in_dim3A_199 : f32 to vector<16xf32>
    %swap3A_201 = arith.constant 3 : i32
    %swap3A_202 = arith.index_cast %swap3A_201 : i32 to index
    %swap3A_203 = arith.constant 16 : index
    %swap3A_204 = tpu.vector_load %arg12[%swap3A_202, %swap3A_203] {strides = array<i32>} : memref<8x128xf32, #tpu.memory_space<vmem>>, vector<1x16xf32>,
    %swap3A_205 = vector.shape_cast %swap3A_204 : vector<1x16xf32> to vector<16xf32>
    %swap3A_206 = vector.shape_cast %broadcast_in_dim3A_200 : vector<16xf32> to vector<1x16xf32>
    tpu.vector_store %arg12[%swap3A_202, %swap3A_203], %swap3A_206 {strides = array<i32>} : memref<8x128xf32, #tpu.memory_space<vmem>>, vector<1x16xf32>,
    %broadcast_in_dim3A_207 = arith.constant 0.000000e+00 : f32
    %broadcast_in_dim3A_208 = vector.broadcast %broadcast_in_dim3A_207 : f32 to vector<16xf32>
    %swap3A_209 = arith.constant 3 : i32
    %swap3A_210 = arith.index_cast %swap3A_209 : i32 to index
    %swap3A_211 = arith.constant 32 : index
    %swap3A_212 = tpu.vector_load %arg12[%swap3A_210, %swap3A_211] {strides = array<i32>} : memref<8x128xf32, #tpu.memory_space<vmem>>, vector<1x16xf32>,
    %swap3A_213 = vector.shape_cast %swap3A_212 : vector<1x16xf32> to vector<16xf32>
    %swap3A_214 = vector.shape_cast %broadcast_in_dim3A_208 : vector<16xf32> to vector<1x16xf32>
    tpu.vector_store %arg12[%swap3A_210, %swap3A_211], %swap3A_214 {strides = array<i32>} : memref<8x128xf32, #tpu.memory_space<vmem>>, vector<1x16xf32>,
    %broadcast_in_dim3A_215 = arith.constant 0.000000e+00 : f32
    %broadcast_in_dim3A_216 = vector.broadcast %broadcast_in_dim3A_215 : f32 to vector<16xf32>
    %swap3A_217 = arith.constant 3 : i32
    %swap3A_218 = arith.index_cast %swap3A_217 : i32 to index
    %swap3A_219 = arith.constant 48 : index
    %swap3A_220 = tpu.vector_load %arg12[%swap3A_218, %swap3A_219] {strides = array<i32>} : memref<8x128xf32, #tpu.memory_space<vmem>>, vector<1x16xf32>,
    %swap3A_221 = vector.shape_cast %swap3A_220 : vector<1x16xf32> to vector<16xf32>
    %swap3A_222 = vector.shape_cast %broadcast_in_dim3A_216 : vector<16xf32> to vector<1x16xf32>
    tpu.vector_store %arg12[%swap3A_218, %swap3A_219], %swap3A_222 {strides = array<i32>} : memref<8x128xf32, #tpu.memory_space<vmem>>, vector<1x16xf32>,
    %broadcast_in_dim3A_223 = arith.constant 0.000000e+00 : f32
    %broadcast_in_dim3A_224 = vector.broadcast %broadcast_in_dim3A_223 : f32 to vector<16xf32>
    %swap3A_225 = arith.constant 3 : i32
    %swap3A_226 = arith.index_cast %swap3A_225 : i32 to index
    %swap3A_227 = arith.constant 64 : index
    %swap3A_228 = tpu.vector_load %arg12[%swap3A_226, %swap3A_227] {strides = array<i32>} : memref<8x128xf32, #tpu.memory_space<vmem>>, vector<1x16xf32>,
    %swap3A_229 = vector.shape_cast %swap3A_228 : vector<1x16xf32> to vector<16xf32>
    %swap3A_230 = vector.shape_cast %broadcast_in_dim3A_224 : vector<16xf32> to vector<1x16xf32>
    tpu.vector_store %arg12[%swap3A_226, %swap3A_227], %swap3A_230 {strides = array<i32>} : memref<8x128xf32, #tpu.memory_space<vmem>>, vector<1x16xf32>,
    %broadcast_in_dim3A_231 = arith.constant 0.000000e+00 : f32
    %broadcast_in_dim3A_232 = vector.broadcast %broadcast_in_dim3A_231 : f32 to vector<16xf32>
    %swap3A_233 = arith.constant 3 : i32
    %swap3A_234 = arith.index_cast %swap3A_233 : i32 to index
    %swap3A_235 = arith.constant 80 : index
    %swap3A_236 = tpu.vector_load %arg12[%swap3A_234, %swap3A_235] {strides = array<i32>} : memref<8x128xf32, #tpu.memory_space<vmem>>, vector<1x16xf32>,
    %swap3A_237 = vector.shape_cast %swap3A_236 : vector<1x16xf32> to vector<16xf32>
    %swap3A_238 = vector.shape_cast %broadcast_in_dim3A_232 : vector<16xf32> to vector<1x16xf32>
    tpu.vector_store %arg12[%swap3A_234, %swap3A_235], %swap3A_238 {strides = array<i32>} : memref<8x128xf32, #tpu.memory_space<vmem>>, vector<1x16xf32>,
    %broadcast_in_dim3A_239 = arith.constant 0.000000e+00 : f32
    %broadcast_in_dim3A_240 = vector.broadcast %broadcast_in_dim3A_239 : f32 to vector<16xf32>
    %swap3A_241 = arith.constant 3 : i32
    %swap3A_242 = arith.index_cast %swap3A_241 : i32 to index
    %swap3A_243 = arith.constant 96 : index
    %swap3A_244 = tpu.vector_load %arg12[%swap3A_242, %swap3A_243] {strides = array<i32>} : memref<8x128xf32, #tpu.memory_space<vmem>>, vector<1x16xf32>,
    %swap3A_245 = vector.shape_cast %swap3A_244 : vector<1x16xf32> to vector<16xf32>
    %swap3A_246 = vector.shape_cast %broadcast_in_dim3A_240 : vector<16xf32> to vector<1x16xf32>
    tpu.vector_store %arg12[%swap3A_242, %swap3A_243], %swap3A_246 {strides = array<i32>} : memref<8x128xf32, #tpu.memory_space<vmem>>, vector<1x16xf32>,
    %broadcast_in_dim3A_247 = arith.constant 0.000000e+00 : f32
    %broadcast_in_dim3A_248 = vector.broadcast %broadcast_in_dim3A_247 : f32 to vector<16xf32>
    %swap3A_249 = arith.constant 3 : i32
    %swap3A_250 = arith.index_cast %swap3A_249 : i32 to index
    %swap3A_251 = arith.constant 112 : index
    %swap3A_252 = tpu.vector_load %arg12[%swap3A_250, %swap3A_251] {strides = array<i32>} : memref<8x128xf32, #tpu.memory_space<vmem>>, vector<1x16xf32>,
    %swap3A_253 = vector.shape_cast %swap3A_252 : vector<1x16xf32> to vector<16xf32>
    %swap3A_254 = vector.shape_cast %broadcast_in_dim3A_248 : vector<16xf32> to vector<1x16xf32>
    tpu.vector_store %arg12[%swap3A_250, %swap3A_251], %swap3A_254 {strides = array<i32>} : memref<8x128xf32, #tpu.memory_space<vmem>>, vector<1x16xf32>,
    %broadcast_in_dim3A_255 = arith.constant 0.000000e+00 : f32
    %broadcast_in_dim3A_256 = vector.broadcast %broadcast_in_dim3A_255 : f32 to vector<16xf32>
    %swap3A_257 = arith.constant 4 : i32
    %swap3A_258 = arith.index_cast %swap3A_257 : i32 to index
    %swap3A_259 = arith.constant 0 : index
    %swap3A_260 = tpu.vector_load %arg12[%swap3A_258, %swap3A_259] {strides = array<i32>} : memref<8x128xf32, #tpu.memory_space<vmem>>, vector<1x16xf32>,
    %swap3A_261 = vector.shape_cast %swap3A_260 : vector<1x16xf32> to vector<16xf32>
    %swap3A_262 = vector.shape_cast %broadcast_in_dim3A_256 : vector<16xf32> to vector<1x16xf32>
    tpu.vector_store %arg12[%swap3A_258, %swap3A_259], %swap3A_262 {strides = array<i32>} : memref<8x128xf32, #tpu.memory_space<vmem>>, vector<1x16xf32>,
    %broadcast_in_dim3A_263 = arith.constant 0.000000e+00 : f32
    %broadcast_in_dim3A_264 = vector.broadcast %broadcast_in_dim3A_263 : f32 to vector<16xf32>
    %swap3A_265 = arith.constant 4 : i32
    %swap3A_266 = arith.index_cast %swap3A_265 : i32 to index
    %swap3A_267 = arith.constant 16 : index
    %swap3A_268 = tpu.vector_load %arg12[%swap3A_266, %swap3A_267] {strides = array<i32>} : memref<8x128xf32, #tpu.memory_space<vmem>>, vector<1x16xf32>,
    %swap3A_269 = vector.shape_cast %swap3A_268 : vector<1x16xf32> to vector<16xf32>
    %swap3A_270 = vector.shape_cast %broadcast_in_dim3A_264 : vector<16xf32> to vector<1x16xf32>
    tpu.vector_store %arg12[%swap3A_266, %swap3A_267], %swap3A_270 {strides = array<i32>} : memref<8x128xf32, #tpu.memory_space<vmem>>, vector<1x16xf32>,
    %broadcast_in_dim3A_271 = arith.constant 0.000000e+00 : f32
    %broadcast_in_dim3A_272 = vector.broadcast %broadcast_in_dim3A_271 : f32 to vector<16xf32>
    %swap3A_273 = arith.constant 4 : i32
    %swap3A_274 = arith.index_cast %swap3A_273 : i32 to index
    %swap3A_275 = arith.constant 32 : index
    %swap3A_276 = tpu.vector_load %arg12[%swap3A_274, %swap3A_275] {strides = array<i32>} : memref<8x128xf32, #tpu.memory_space<vmem>>, vector<1x16xf32>,
    %swap3A_277 = vector.shape_cast %swap3A_276 : vector<1x16xf32> to vector<16xf32>
    %swap3A_278 = vector.shape_cast %broadcast_in_dim3A_272 : vector<16xf32> to vector<1x16xf32>
    tpu.vector_store %arg12[%swap3A_274, %swap3A_275], %swap3A_278 {strides = array<i32>} : memref<8x128xf32, #tpu.memory_space<vmem>>, vector<1x16xf32>,
    %broadcast_in_dim3A_279 = arith.constant 0.000000e+00 : f32
    %broadcast_in_dim3A_280 = vector.broadcast %broadcast_in_dim3A_279 : f32 to vector<16xf32>
    %swap3A_281 = arith.constant 4 : i32
    %swap3A_282 = arith.index_cast %swap3A_281 : i32 to index
    %swap3A_283 = arith.constant 48 : index
    %swap3A_284 = tpu.vector_load %arg12[%swap3A_282, %swap3A_283] {strides = array<i32>} : memref<8x128xf32, #tpu.memory_space<vmem>>, vector<1x16xf32>,
    %swap3A_285 = vector.shape_cast %swap3A_284 : vector<1x16xf32> to vector<16xf32>
    %swap3A_286 = vector.shape_cast %broadcast_in_dim3A_280 : vector<16xf32> to vector<1x16xf32>
    tpu.vector_store %arg12[%swap3A_282, %swap3A_283], %swap3A_286 {strides = array<i32>} : memref<8x128xf32, #tpu.memory_space<vmem>>, vector<1x16xf32>,
    %broadcast_in_dim3A_287 = arith.constant 0.000000e+00 : f32
    %broadcast_in_dim3A_288 = vector.broadcast %broadcast_in_dim3A_287 : f32 to vector<16xf32>
    %swap3A_289 = arith.constant 4 : i32
    %swap3A_290 = arith.index_cast %swap3A_289 : i32 to index
    %swap3A_291 = arith.constant 64 : index
    %swap3A_292 = tpu.vector_load %arg12[%swap3A_290, %swap3A_291] {strides = array<i32>} : memref<8x128xf32, #tpu.memory_space<vmem>>, vector<1x16xf32>,
    %swap3A_293 = vector.shape_cast %swap3A_292 : vector<1x16xf32> to vector<16xf32>
    %swap3A_294 = vector.shape_cast %broadcast_in_dim3A_288 : vector<16xf32> to vector<1x16xf32>
    tpu.vector_store %arg12[%swap3A_290, %swap3A_291], %swap3A_294 {strides = array<i32>} : memref<8x128xf32, #tpu.memory_space<vmem>>, vector<1x16xf32>,
    %broadcast_in_dim3A_295 = arith.constant 0.000000e+00 : f32
    %broadcast_in_dim3A_296 = vector.broadcast %broadcast_in_dim3A_295 : f32 to vector<16xf32>
    %swap3A_297 = arith.constant 4 : i32
    %swap3A_298 = arith.index_cast %swap3A_297 : i32 to index
    %swap3A_299 = arith.constant 80 : index
    %swap3A_300 = tpu.vector_load %arg12[%swap3A_298, %swap3A_299] {strides = array<i32>} : memref<8x128xf32, #tpu.memory_space<vmem>>, vector<1x16xf32>,
    %swap3A_301 = vector.shape_cast %swap3A_300 : vector<1x16xf32> to vector<16xf32>
    %swap3A_302 = vector.shape_cast %broadcast_in_dim3A_296 : vector<16xf32> to vector<1x16xf32>
    tpu.vector_store %arg12[%swap3A_298, %swap3A_299], %swap3A_302 {strides = array<i32>} : memref<8x128xf32, #tpu.memory_space<vmem>>, vector<1x16xf32>,
    %broadcast_in_dim3A_303 = arith.constant 0.000000e+00 : f32
    %broadcast_in_dim3A_304 = vector.broadcast %broadcast_in_dim3A_303 : f32 to vector<16xf32>
    %swap3A_305 = arith.constant 4 : i32
    %swap3A_306 = arith.index_cast %swap3A_305 : i32 to index
    %swap3A_307 = arith.constant 96 : index
    %swap3A_308 = tpu.vector_load %arg12[%swap3A_306, %swap3A_307] {strides = array<i32>} : memref<8x128xf32, #tpu.memory_space<vmem>>, vector<1x16xf32>,
    %swap3A_309 = vector.shape_cast %swap3A_308 : vector<1x16xf32> to vector<16xf32>
    %swap3A_310 = vector.shape_cast %broadcast_in_dim3A_304 : vector<16xf32> to vector<1x16xf32>
    tpu.vector_store %arg12[%swap3A_306, %swap3A_307], %swap3A_310 {strides = array<i32>} : memref<8x128xf32, #tpu.memory_space<vmem>>, vector<1x16xf32>,
    %broadcast_in_dim3A_311 = arith.constant 0.000000e+00 : f32
    %broadcast_in_dim3A_312 = vector.broadcast %broadcast_in_dim3A_311 : f32 to vector<16xf32>
    %swap3A_313 = arith.constant 4 : i32
    %swap3A_314 = arith.index_cast %swap3A_313 : i32 to index
    %swap3A_315 = arith.constant 112 : index
    %swap3A_316 = tpu.vector_load %arg12[%swap3A_314, %swap3A_315] {strides = array<i32>} : memref<8x128xf32, #tpu.memory_space<vmem>>, vector<1x16xf32>,
    %swap3A_317 = vector.shape_cast %swap3A_316 : vector<1x16xf32> to vector<16xf32>
    %swap3A_318 = vector.shape_cast %broadcast_in_dim3A_312 : vector<16xf32> to vector<1x16xf32>
    tpu.vector_store %arg12[%swap3A_314, %swap3A_315], %swap3A_318 {strides = array<i32>} : memref<8x128xf32, #tpu.memory_space<vmem>>, vector<1x16xf32>,
    %broadcast_in_dim3A_319 = arith.constant 0.000000e+00 : f32
    %broadcast_in_dim3A_320 = vector.broadcast %broadcast_in_dim3A_319 : f32 to vector<16xf32>
    %swap3A_321 = arith.constant 5 : i32
    %swap3A_322 = arith.index_cast %swap3A_321 : i32 to index
    %swap3A_323 = arith.constant 0 : index
    %swap3A_324 = tpu.vector_load %arg12[%swap3A_322, %swap3A_323] {strides = array<i32>} : memref<8x128xf32, #tpu.memory_space<vmem>>, vector<1x16xf32>,
    %swap3A_325 = vector.shape_cast %swap3A_324 : vector<1x16xf32> to vector<16xf32>
    %swap3A_326 = vector.shape_cast %broadcast_in_dim3A_320 : vector<16xf32> to vector<1x16xf32>
    tpu.vector_store %arg12[%swap3A_322, %swap3A_323], %swap3A_326 {strides = array<i32>} : memref<8x128xf32, #tpu.memory_space<vmem>>, vector<1x16xf32>,
    %broadcast_in_dim3A_327 = arith.constant 0.000000e+00 : f32
    %broadcast_in_dim3A_328 = vector.broadcast %broadcast_in_dim3A_327 : f32 to vector<16xf32>
    %swap3A_329 = arith.constant 5 : i32
    %swap3A_330 = arith.index_cast %swap3A_329 : i32 to index
    %swap3A_331 = arith.constant 16 : index
    %swap3A_332 = tpu.vector_load %arg12[%swap3A_330, %swap3A_331] {strides = array<i32>} : memref<8x128xf32, #tpu.memory_space<vmem>>, vector<1x16xf32>,
    %swap3A_333 = vector.shape_cast %swap3A_332 : vector<1x16xf32> to vector<16xf32>
    %swap3A_334 = vector.shape_cast %broadcast_in_dim3A_328 : vector<16xf32> to vector<1x16xf32>
    tpu.vector_store %arg12[%swap3A_330, %swap3A_331], %swap3A_334 {strides = array<i32>} : memref<8x128xf32, #tpu.memory_space<vmem>>, vector<1x16xf32>,
    %broadcast_in_dim3A_335 = arith.constant 0.000000e+00 : f32
    %broadcast_in_dim3A_336 = vector.broadcast %broadcast_in_dim3A_335 : f32 to vector<16xf32>
    %swap3A_337 = arith.constant 5 : i32
    %swap3A_338 = arith.index_cast %swap3A_337 : i32 to index
    %swap3A_339 = arith.constant 32 : index
    %swap3A_340 = tpu.vector_load %arg12[%swap3A_338, %swap3A_339] {strides = array<i32>} : memref<8x128xf32, #tpu.memory_space<vmem>>, vector<1x16xf32>,
    %swap3A_341 = vector.shape_cast %swap3A_340 : vector<1x16xf32> to vector<16xf32>
    %swap3A_342 = vector.shape_cast %broadcast_in_dim3A_336 : vector<16xf32> to vector<1x16xf32>
    tpu.vector_store %arg12[%swap3A_338, %swap3A_339], %swap3A_342 {strides = array<i32>} : memref<8x128xf32, #tpu.memory_space<vmem>>, vector<1x16xf32>,
    %broadcast_in_dim3A_343 = arith.constant 0.000000e+00 : f32
    %broadcast_in_dim3A_344 = vector.broadcast %broadcast_in_dim3A_343 : f32 to vector<16xf32>
    %swap3A_345 = arith.constant 5 : i32
    %swap3A_346 = arith.index_cast %swap3A_345 : i32 to index
    %swap3A_347 = arith.constant 48 : index
    %swap3A_348 = tpu.vector_load %arg12[%swap3A_346, %swap3A_347] {strides = array<i32>} : memref<8x128xf32, #tpu.memory_space<vmem>>, vector<1x16xf32>,
    %swap3A_349 = vector.shape_cast %swap3A_348 : vector<1x16xf32> to vector<16xf32>
    %swap3A_350 = vector.shape_cast %broadcast_in_dim3A_344 : vector<16xf32> to vector<1x16xf32>
    tpu.vector_store %arg12[%swap3A_346, %swap3A_347], %swap3A_350 {strides = array<i32>} : memref<8x128xf32, #tpu.memory_space<vmem>>, vector<1x16xf32>,
    %broadcast_in_dim3A_351 = arith.constant 0.000000e+00 : f32
    %broadcast_in_dim3A_352 = vector.broadcast %broadcast_in_dim3A_351 : f32 to vector<16xf32>
    %swap3A_353 = arith.constant 5 : i32
    %swap3A_354 = arith.index_cast %swap3A_353 : i32 to index
    %swap3A_355 = arith.constant 64 : index
    %swap3A_356 = tpu.vector_load %arg12[%swap3A_354, %swap3A_355] {strides = array<i32>} : memref<8x128xf32, #tpu.memory_space<vmem>>, vector<1x16xf32>,
    %swap3A_357 = vector.shape_cast %swap3A_356 : vector<1x16xf32> to vector<16xf32>
    %swap3A_358 = vector.shape_cast %broadcast_in_dim3A_352 : vector<16xf32> to vector<1x16xf32>
    tpu.vector_store %arg12[%swap3A_354, %swap3A_355], %swap3A_358 {strides = array<i32>} : memref<8x128xf32, #tpu.memory_space<vmem>>, vector<1x16xf32>,
    %broadcast_in_dim3A_359 = arith.constant 0.000000e+00 : f32
    %broadcast_in_dim3A_360 = vector.broadcast %broadcast_in_dim3A_359 : f32 to vector<16xf32>
    %swap3A_361 = arith.constant 5 : i32
    %swap3A_362 = arith.index_cast %swap3A_361 : i32 to index
    %swap3A_363 = arith.constant 80 : index
    %swap3A_364 = tpu.vector_load %arg12[%swap3A_362, %swap3A_363] {strides = array<i32>} : memref<8x128xf32, #tpu.memory_space<vmem>>, vector<1x16xf32>,
    %swap3A_365 = vector.shape_cast %swap3A_364 : vector<1x16xf32> to vector<16xf32>
    %swap3A_366 = vector.shape_cast %broadcast_in_dim3A_360 : vector<16xf32> to vector<1x16xf32>
    tpu.vector_store %arg12[%swap3A_362, %swap3A_363], %swap3A_366 {strides = array<i32>} : memref<8x128xf32, #tpu.memory_space<vmem>>, vector<1x16xf32>,
    %broadcast_in_dim3A_367 = arith.constant 0.000000e+00 : f32
    %broadcast_in_dim3A_368 = vector.broadcast %broadcast_in_dim3A_367 : f32 to vector<16xf32>
    %swap3A_369 = arith.constant 5 : i32
    %swap3A_370 = arith.index_cast %swap3A_369 : i32 to index
    %swap3A_371 = arith.constant 96 : index
    %swap3A_372 = tpu.vector_load %arg12[%swap3A_370, %swap3A_371] {strides = array<i32>} : memref<8x128xf32, #tpu.memory_space<vmem>>, vector<1x16xf32>,
    %swap3A_373 = vector.shape_cast %swap3A_372 : vector<1x16xf32> to vector<16xf32>
    %swap3A_374 = vector.shape_cast %broadcast_in_dim3A_368 : vector<16xf32> to vector<1x16xf32>
    tpu.vector_store %arg12[%swap3A_370, %swap3A_371], %swap3A_374 {strides = array<i32>} : memref<8x128xf32, #tpu.memory_space<vmem>>, vector<1x16xf32>,
    %broadcast_in_dim3A_375 = arith.constant 0.000000e+00 : f32
    %broadcast_in_dim3A_376 = vector.broadcast %broadcast_in_dim3A_375 : f32 to vector<16xf32>
    %swap3A_377 = arith.constant 5 : i32
    %swap3A_378 = arith.index_cast %swap3A_377 : i32 to index
    %swap3A_379 = arith.constant 112 : index
    %swap3A_380 = tpu.vector_load %arg12[%swap3A_378, %swap3A_379] {strides = array<i32>} : memref<8x128xf32, #tpu.memory_space<vmem>>, vector<1x16xf32>,
    %swap3A_381 = vector.shape_cast %swap3A_380 : vector<1x16xf32> to vector<16xf32>
    %swap3A_382 = vector.shape_cast %broadcast_in_dim3A_376 : vector<16xf32> to vector<1x16xf32>
    tpu.vector_store %arg12[%swap3A_378, %swap3A_379], %swap3A_382 {strides = array<i32>} : memref<8x128xf32, #tpu.memory_space<vmem>>, vector<1x16xf32>,
    %broadcast_in_dim3A_383 = arith.constant 0.000000e+00 : f32
    %broadcast_in_dim3A_384 = vector.broadcast %broadcast_in_dim3A_383 : f32 to vector<16xf32>
    %swap3A_385 = arith.constant 6 : i32
    %swap3A_386 = arith.index_cast %swap3A_385 : i32 to index
    %swap3A_387 = arith.constant 0 : index
    %swap3A_388 = tpu.vector_load %arg12[%swap3A_386, %swap3A_387] {strides = array<i32>} : memref<8x128xf32, #tpu.memory_space<vmem>>, vector<1x16xf32>,
    %swap3A_389 = vector.shape_cast %swap3A_388 : vector<1x16xf32> to vector<16xf32>
    %swap3A_390 = vector.shape_cast %broadcast_in_dim3A_384 : vector<16xf32> to vector<1x16xf32>
    tpu.vector_store %arg12[%swap3A_386, %swap3A_387], %swap3A_390 {strides = array<i32>} : memref<8x128xf32, #tpu.memory_space<vmem>>, vector<1x16xf32>,
    %broadcast_in_dim3A_391 = arith.constant 0.000000e+00 : f32
    %broadcast_in_dim3A_392 = vector.broadcast %broadcast_in_dim3A_391 : f32 to vector<16xf32>
    %swap3A_393 = arith.constant 6 : i32
    %swap3A_394 = arith.index_cast %swap3A_393 : i32 to index
    %swap3A_395 = arith.constant 16 : index
    %swap3A_396 = tpu.vector_load %arg12[%swap3A_394, %swap3A_395] {strides = array<i32>} : memref<8x128xf32, #tpu.memory_space<vmem>>, vector<1x16xf32>,
    %swap3A_397 = vector.shape_cast %swap3A_396 : vector<1x16xf32> to vector<16xf32>
    %swap3A_398 = vector.shape_cast %broadcast_in_dim3A_392 : vector<16xf32> to vector<1x16xf32>
    tpu.vector_store %arg12[%swap3A_394, %swap3A_395], %swap3A_398 {strides = array<i32>} : memref<8x128xf32, #tpu.memory_space<vmem>>, vector<1x16xf32>,
    %broadcast_in_dim3A_399 = arith.constant 0.000000e+00 : f32
    %broadcast_in_dim3A_400 = vector.broadcast %broadcast_in_dim3A_399 : f32 to vector<16xf32>
    %swap3A_401 = arith.constant 6 : i32
    %swap3A_402 = arith.index_cast %swap3A_401 : i32 to index
    %swap3A_403 = arith.constant 32 : index
    %swap3A_404 = tpu.vector_load %arg12[%swap3A_402, %swap3A_403] {strides = array<i32>} : memref<8x128xf32, #tpu.memory_space<vmem>>, vector<1x16xf32>,
    %swap3A_405 = vector.shape_cast %swap3A_404 : vector<1x16xf32> to vector<16xf32>
    %swap3A_406 = vector.shape_cast %broadcast_in_dim3A_400 : vector<16xf32> to vector<1x16xf32>
    tpu.vector_store %arg12[%swap3A_402, %swap3A_403], %swap3A_406 {strides = array<i32>} : memref<8x128xf32, #tpu.memory_space<vmem>>, vector<1x16xf32>,
    %broadcast_in_dim3A_407 = arith.constant 0.000000e+00 : f32
    %broadcast_in_dim3A_408 = vector.broadcast %broadcast_in_dim3A_407 : f32 to vector<16xf32>
    %swap3A_409 = arith.constant 6 : i32
    %swap3A_410 = arith.index_cast %swap3A_409 : i32 to index
    %swap3A_411 = arith.constant 48 : index
    %swap3A_412 = tpu.vector_load %arg12[%swap3A_410, %swap3A_411] {strides = array<i32>} : memref<8x128xf32, #tpu.memory_space<vmem>>, vector<1x16xf32>,
    %swap3A_413 = vector.shape_cast %swap3A_412 : vector<1x16xf32> to vector<16xf32>
    %swap3A_414 = vector.shape_cast %broadcast_in_dim3A_408 : vector<16xf32> to vector<1x16xf32>
    tpu.vector_store %arg12[%swap3A_410, %swap3A_411], %swap3A_414 {strides = array<i32>} : memref<8x128xf32, #tpu.memory_space<vmem>>, vector<1x16xf32>,
    %broadcast_in_dim3A_415 = arith.constant 0.000000e+00 : f32
    %broadcast_in_dim3A_416 = vector.broadcast %broadcast_in_dim3A_415 : f32 to vector<16xf32>
    %swap3A_417 = arith.constant 6 : i32
    %swap3A_418 = arith.index_cast %swap3A_417 : i32 to index
    %swap3A_419 = arith.constant 64 : index
    %swap3A_420 = tpu.vector_load %arg12[%swap3A_418, %swap3A_419] {strides = array<i32>} : memref<8x128xf32, #tpu.memory_space<vmem>>, vector<1x16xf32>,
    %swap3A_421 = vector.shape_cast %swap3A_420 : vector<1x16xf32> to vector<16xf32>
    %swap3A_422 = vector.shape_cast %broadcast_in_dim3A_416 : vector<16xf32> to vector<1x16xf32>
    tpu.vector_store %arg12[%swap3A_418, %swap3A_419], %swap3A_422 {strides = array<i32>} : memref<8x128xf32, #tpu.memory_space<vmem>>, vector<1x16xf32>,
    %broadcast_in_dim3A_423 = arith.constant 0.000000e+00 : f32
    %broadcast_in_dim3A_424 = vector.broadcast %broadcast_in_dim3A_423 : f32 to vector<16xf32>
    %swap3A_425 = arith.constant 6 : i32
    %swap3A_426 = arith.index_cast %swap3A_425 : i32 to index
    %swap3A_427 = arith.constant 80 : index
    %swap3A_428 = tpu.vector_load %arg12[%swap3A_426, %swap3A_427] {strides = array<i32>} : memref<8x128xf32, #tpu.memory_space<vmem>>, vector<1x16xf32>,
    %swap3A_429 = vector.shape_cast %swap3A_428 : vector<1x16xf32> to vector<16xf32>
    %swap3A_430 = vector.shape_cast %broadcast_in_dim3A_424 : vector<16xf32> to vector<1x16xf32>
    tpu.vector_store %arg12[%swap3A_426, %swap3A_427], %swap3A_430 {strides = array<i32>} : memref<8x128xf32, #tpu.memory_space<vmem>>, vector<1x16xf32>,
    %broadcast_in_dim3A_431 = arith.constant 0.000000e+00 : f32
    %broadcast_in_dim3A_432 = vector.broadcast %broadcast_in_dim3A_431 : f32 to vector<16xf32>
    %swap3A_433 = arith.constant 6 : i32
    %swap3A_434 = arith.index_cast %swap3A_433 : i32 to index
    %swap3A_435 = arith.constant 96 : index
    %swap3A_436 = tpu.vector_load %arg12[%swap3A_434, %swap3A_435] {strides = array<i32>} : memref<8x128xf32, #tpu.memory_space<vmem>>, vector<1x16xf32>,
    %swap3A_437 = vector.shape_cast %swap3A_436 : vector<1x16xf32> to vector<16xf32>
    %swap3A_438 = vector.shape_cast %broadcast_in_dim3A_432 : vector<16xf32> to vector<1x16xf32>
    tpu.vector_store %arg12[%swap3A_434, %swap3A_435], %swap3A_438 {strides = array<i32>} : memref<8x128xf32, #tpu.memory_space<vmem>>, vector<1x16xf32>,
    %broadcast_in_dim3A_439 = arith.constant 0.000000e+00 : f32
    %broadcast_in_dim3A_440 = vector.broadcast %broadcast_in_dim3A_439 : f32 to vector<16xf32>
    %swap3A_441 = arith.constant 6 : i32
    %swap3A_442 = arith.index_cast %swap3A_441 : i32 to index
    %swap3A_443 = arith.constant 112 : index
    %swap3A_444 = tpu.vector_load %arg12[%swap3A_442, %swap3A_443] {strides = array<i32>} : memref<8x128xf32, #tpu.memory_space<vmem>>, vector<1x16xf32>,
    %swap3A_445 = vector.shape_cast %swap3A_444 : vector<1x16xf32> to vector<16xf32>
    %swap3A_446 = vector.shape_cast %broadcast_in_dim3A_440 : vector<16xf32> to vector<1x16xf32>
    tpu.vector_store %arg12[%swap3A_442, %swap3A_443], %swap3A_446 {strides = array<i32>} : memref<8x128xf32, #tpu.memory_space<vmem>>, vector<1x16xf32>,
    %broadcast_in_dim3A_447 = arith.constant 0.000000e+00 : f32
    %broadcast_in_dim3A_448 = vector.broadcast %broadcast_in_dim3A_447 : f32 to vector<16xf32>
    %swap3A_449 = arith.constant 7 : i32
    %swap3A_450 = arith.index_cast %swap3A_449 : i32 to index
    %swap3A_451 = arith.constant 0 : index
    %swap3A_452 = tpu.vector_load %arg12[%swap3A_450, %swap3A_451] {strides = array<i32>} : memref<8x128xf32, #tpu.memory_space<vmem>>, vector<1x16xf32>,
    %swap3A_453 = vector.shape_cast %swap3A_452 : vector<1x16xf32> to vector<16xf32>
    %swap3A_454 = vector.shape_cast %broadcast_in_dim3A_448 : vector<16xf32> to vector<1x16xf32>
    tpu.vector_store %arg12[%swap3A_450, %swap3A_451], %swap3A_454 {strides = array<i32>} : memref<8x128xf32, #tpu.memory_space<vmem>>, vector<1x16xf32>,
    %broadcast_in_dim3A_455 = arith.constant 0.000000e+00 : f32
    %broadcast_in_dim3A_456 = vector.broadcast %broadcast_in_dim3A_455 : f32 to vector<16xf32>
    %swap3A_457 = arith.constant 7 : i32
    %swap3A_458 = arith.index_cast %swap3A_457 : i32 to index
    %swap3A_459 = arith.constant 16 : index
    %swap3A_460 = tpu.vector_load %arg12[%swap3A_458, %swap3A_459] {strides = array<i32>} : memref<8x128xf32, #tpu.memory_space<vmem>>, vector<1x16xf32>,
    %swap3A_461 = vector.shape_cast %swap3A_460 : vector<1x16xf32> to vector<16xf32>
    %swap3A_462 = vector.shape_cast %broadcast_in_dim3A_456 : vector<16xf32> to vector<1x16xf32>
    tpu.vector_store %arg12[%swap3A_458, %swap3A_459], %swap3A_462 {strides = array<i32>} : memref<8x128xf32, #tpu.memory_space<vmem>>, vector<1x16xf32>,
    %broadcast_in_dim3A_463 = arith.constant 0.000000e+00 : f32
    %broadcast_in_dim3A_464 = vector.broadcast %broadcast_in_dim3A_463 : f32 to vector<16xf32>
    %swap3A_465 = arith.constant 7 : i32
    %swap3A_466 = arith.index_cast %swap3A_465 : i32 to index
    %swap3A_467 = arith.constant 32 : index
    %swap3A_468 = tpu.vector_load %arg12[%swap3A_466, %swap3A_467] {strides = array<i32>} : memref<8x128xf32, #tpu.memory_space<vmem>>, vector<1x16xf32>,
    %swap3A_469 = vector.shape_cast %swap3A_468 : vector<1x16xf32> to vector<16xf32>
    %swap3A_470 = vector.shape_cast %broadcast_in_dim3A_464 : vector<16xf32> to vector<1x16xf32>
    tpu.vector_store %arg12[%swap3A_466, %swap3A_467], %swap3A_470 {strides = array<i32>} : memref<8x128xf32, #tpu.memory_space<vmem>>, vector<1x16xf32>,
    %broadcast_in_dim3A_471 = arith.constant 0.000000e+00 : f32
    %broadcast_in_dim3A_472 = vector.broadcast %broadcast_in_dim3A_471 : f32 to vector<16xf32>
    %swap3A_473 = arith.constant 7 : i32
    %swap3A_474 = arith.index_cast %swap3A_473 : i32 to index
    %swap3A_475 = arith.constant 48 : index
    %swap3A_476 = tpu.vector_load %arg12[%swap3A_474, %swap3A_475] {strides = array<i32>} : memref<8x128xf32, #tpu.memory_space<vmem>>, vector<1x16xf32>,
    %swap3A_477 = vector.shape_cast %swap3A_476 : vector<1x16xf32> to vector<16xf32>
    %swap3A_478 = vector.shape_cast %broadcast_in_dim3A_472 : vector<16xf32> to vector<1x16xf32>
    tpu.vector_store %arg12[%swap3A_474, %swap3A_475], %swap3A_478 {strides = array<i32>} : memref<8x128xf32, #tpu.memory_space<vmem>>, vector<1x16xf32>,
    %broadcast_in_dim3A_479 = arith.constant 0.000000e+00 : f32
    %broadcast_in_dim3A_480 = vector.broadcast %broadcast_in_dim3A_479 : f32 to vector<16xf32>
    %swap3A_481 = arith.constant 7 : i32
    %swap3A_482 = arith.index_cast %swap3A_481 : i32 to index
    %swap3A_483 = arith.constant 64 : index
    %swap3A_484 = tpu.vector_load %arg12[%swap3A_482, %swap3A_483] {strides = array<i32>} : memref<8x128xf32, #tpu.memory_space<vmem>>, vector<1x16xf32>,
    %swap3A_485 = vector.shape_cast %swap3A_484 : vector<1x16xf32> to vector<16xf32>
    %swap3A_486 = vector.shape_cast %broadcast_in_dim3A_480 : vector<16xf32> to vector<1x16xf32>
    tpu.vector_store %arg12[%swap3A_482, %swap3A_483], %swap3A_486 {strides = array<i32>} : memref<8x128xf32, #tpu.memory_space<vmem>>, vector<1x16xf32>,
    %broadcast_in_dim3A_487 = arith.constant 0.000000e+00 : f32
    %broadcast_in_dim3A_488 = vector.broadcast %broadcast_in_dim3A_487 : f32 to vector<16xf32>
    %swap3A_489 = arith.constant 7 : i32
    %swap3A_490 = arith.index_cast %swap3A_489 : i32 to index
    %swap3A_491 = arith.constant 80 : index
    %swap3A_492 = tpu.vector_load %arg12[%swap3A_490, %swap3A_491] {strides = array<i32>} : memref<8x128xf32, #tpu.memory_space<vmem>>, vector<1x16xf32>,
    %swap3A_493 = vector.shape_cast %swap3A_492 : vector<1x16xf32> to vector<16xf32>
    %swap3A_494 = vector.shape_cast %broadcast_in_dim3A_488 : vector<16xf32> to vector<1x16xf32>
    tpu.vector_store %arg12[%swap3A_490, %swap3A_491], %swap3A_494 {strides = array<i32>} : memref<8x128xf32, #tpu.memory_space<vmem>>, vector<1x16xf32>,
    %broadcast_in_dim3A_495 = arith.constant 0.000000e+00 : f32
    %broadcast_in_dim3A_496 = vector.broadcast %broadcast_in_dim3A_495 : f32 to vector<16xf32>
    %swap3A_497 = arith.constant 7 : i32
    %swap3A_498 = arith.index_cast %swap3A_497 : i32 to index
    %swap3A_499 = arith.constant 96 : index
    %swap3A_500 = tpu.vector_load %arg12[%swap3A_498, %swap3A_499] {strides = array<i32>} : memref<8x128xf32, #tpu.memory_space<vmem>>, vector<1x16xf32>,
    %swap3A_501 = vector.shape_cast %swap3A_500 : vector<1x16xf32> to vector<16xf32>
    %swap3A_502 = vector.shape_cast %broadcast_in_dim3A_496 : vector<16xf32> to vector<1x16xf32>
    tpu.vector_store %arg12[%swap3A_498, %swap3A_499], %swap3A_502 {strides = array<i32>} : memref<8x128xf32, #tpu.memory_space<vmem>>, vector<1x16xf32>,
    %broadcast_in_dim3A_503 = arith.constant 0.000000e+00 : f32
    %broadcast_in_dim3A_504 = vector.broadcast %broadcast_in_dim3A_503 : f32 to vector<16xf32>
    %swap3A_505 = arith.constant 7 : i32
    %swap3A_506 = arith.index_cast %swap3A_505 : i32 to index
    %swap3A_507 = arith.constant 112 : index
    %swap3A_508 = tpu.vector_load %arg12[%swap3A_506, %swap3A_507] {strides = array<i32>} : memref<8x128xf32, #tpu.memory_space<vmem>>, vector<1x16xf32>,
    %swap3A_509 = vector.shape_cast %swap3A_508 : vector<1x16xf32> to vector<16xf32>
    %swap3A_510 = vector.shape_cast %broadcast_in_dim3A_504 : vector<16xf32> to vector<1x16xf32>
    tpu.vector_store %arg12[%swap3A_506, %swap3A_507], %swap3A_510 {strides = array<i32>} : memref<8x128xf32, #tpu.memory_space<vmem>>, vector<1x16xf32>,
    %scan3A = arith.constant 0 : i32
    %scan3A_511 = arith.constant 80 : i32
    %scan3A_512 = arith.addi %scan3A, %scan3A_511 : i32
    %scan3A_513 = arith.constant 1 : i32
    scf.for %scan3A_550 = %scan3A to %scan3A_512 step %scan3A_513  : i32 {
      %mul3A_551 = arith.constant 1 : i32
      %mul3A_552 = arith.muli %scan3A_550, %mul3A_551 : i32
      %add3A_553 = arith.constant 0 : i32
      %add3A_554 = arith.addi %add3A_553, %mul3A_552 : i32
      %mul3A_555 = arith.constant 640 : i32
      %mul3A_556 = arith.muli %arg1, %mul3A_555 : i32
      %mul3A_557 = arith.constant 8 : i32
      %mul3A_558 = arith.muli %add3A_554, %mul3A_557 : i32
      %add3A_559 = arith.addi %mul3A_556, %mul3A_558 : i32
      "tpu.region"() ({
        %run_scoped3A = tpu.sem_alloc : memref<!tpu.dma_semaphore, #tpu.memory_space<semaphore_mem>>
        %dma_start3A = arith.constant 0 : i32
        %dma_start3A_560 = tpu.memref_slice %arg13[%add3A_559, %dma_start3A] : memref<10240x128xf32, #tpu.memory_space<vmem_shared>> -> memref<8x128xf32, #tpu.memory_space<vmem_shared>>
        %dma_start3A_561 = arith.constant 0 : i32
        %dma_start3A_562 = tpu.memref_slice %arg13[%add3A_559, %dma_start3A_561] : memref<10240x128xf32, #tpu.memory_space<vmem_shared>> -> memref<8x128xf32, #tpu.memory_space<vmem_shared>>
        tpu.enqueue_dma source(%arg12 : memref<8x128xf32, #tpu.memory_space<vmem>>) target(%dma_start3A_562 : memref<8x128xf32, #tpu.memory_space<vmem_shared>>) target_semaphore(%run_scoped3A : memref<!tpu.dma_semaphore, #tpu.memory_space<semaphore_mem>>)
        %dma_wait3A = arith.constant 0 : i32
        %dma_wait3A_563 = tpu.memref_slice %arg13[%add3A_559, %dma_wait3A] : memref<10240x128xf32, #tpu.memory_space<vmem_shared>> -> memref<8x128xf32, #tpu.memory_space<vmem_shared>>
        %dma_wait3A_564 = arith.constant 0 : i32
        %dma_wait3A_565 = tpu.memref_slice %arg13[%add3A_559, %dma_wait3A_564] : memref<10240x128xf32, #tpu.memory_space<vmem_shared>> -> memref<8x128xf32, #tpu.memory_space<vmem_shared>>
        tpu.wait_dma2 semaphore(%run_scoped3A : memref<!tpu.dma_semaphore, #tpu.memory_space<semaphore_mem>>) src(%arg12 : memref<8x128xf32, #tpu.memory_space<vmem>>) dst(%dma_wait3A_565 : memref<8x128xf32, #tpu.memory_space<vmem_shared>>)
        tpu.yield
      }) : () -> ()
    }
    %scan3A_514 = arith.constant 80 : i32
    %barrier3A = arith.constant 0 : index
    tpu.barrier barrier_id(%barrier3A)
    %eq3A = arith.constant 0 : i32
    %eq3A_515 = arith.cmpi eq, %arg0, %eq3A : i32
    %jit3A = arith.constant 72 : i32
    %jit3A_516 = arith.constant 8 : i32
    %select_n3A = arith.select %eq3A_515, %jit3A, %jit3A_516 : i32
    %eq3A_517 = arith.constant 0 : i32
    %eq3A_518 = arith.cmpi eq, %arg0, %eq3A_517 : i32
    %mul3A_519 = arith.constant 72 : i32
    %mul3A_520 = arith.muli %arg1, %mul3A_519 : i32
    %mul3A_521 = arith.constant 8 : i32
    %mul3A_522 = arith.muli %arg1, %mul3A_521 : i32
    %add3A_523 = arith.constant 1152 : i32
    %add3A_524 = arith.addi %add3A_523, %mul3A_522 : i32
    %select_n3A_525 = arith.select %eq3A_518, %mul3A_520, %add3A_524 : i32
    %sub3A = arith.constant 0 : i32
    %sub3A_526 = arith.subi %select_n3A, %sub3A : i32
    %sub3A_527 = arith.constant 1 : i32
    %sub3A_528 = arith.constant 1 : i32
    %sub3A_529 = arith.subi %sub3A_527, %sub3A_528 : i32
    %add3A_530 = arith.addi %sub3A_526, %sub3A_529 : i32
    %div3A = arith.constant 1 : i32
    %div3A_531 = arith.divsi %add3A_530, %div3A : i32
    %while3A = arith.constant 1 : i32
    %while3A_532 = arith.constant 0 : i32
    %while3A_533 = arith.constant 0 : i32
    %while3A_534 = arith.subi %div3A_531, %while3A_533 : i32
    %while3A_535 = arith.addi %while3A_533, %while3A_534 : i32
    %while3A_536 = arith.constant 1 : i32
    %while3A_537 = arith.divsi %while3A_534, %while3A_536 : i32
    %while3A_538 = arith.muli %while3A_537, %while3A_536 : i32
    %while3A_539 = arith.addi %while3A_533, %while3A_538 : i32
    %while3A_540 = arith.constant 1 : i32
    scf.for %while3A_550 = %while3A_533 to %while3A_539 step %while3A_540  : i32 {
      %mul3A_551 = arith.muli %while3A_550, %while3A : i32
      %add3A_552 = arith.addi %while3A_532, %mul3A_551 : i32
      %add3A_553 = arith.addi %select_n3A_525, %add3A_552 : i32
      "tpu.region"() ({
        %run_scoped3A_671 = tpu.sem_alloc : memref<!tpu.dma_semaphore, #tpu.memory_space<semaphore_mem>>
        %dma_start3A_672 = arith.constant 0 : i32
        %dma_start3A_673 = arith.constant 0 : i32
        %dma_start3A_674 = tpu.memref_slice %arg3[%add3A_553, %dma_start3A_672, %dma_start3A_673] : memref<1280x8x32xi32, #tpu.memory_space<hbm>> -> memref<1x8x32xi32, #tpu.memory_space<hbm>>
        %dma_start3A_675 = tpu.memref_squeeze %dma_start3A_674 : memref<1x8x32xi32, #tpu.memory_space<hbm>> -> memref<8x32xi32, #tpu.memory_space<hbm>>
        %dma_start3A_676 = arith.constant 0 : i32
        %dma_start3A_677 = arith.constant 0 : i32
        %dma_start3A_678 = tpu.memref_slice %arg3[%add3A_553, %dma_start3A_676, %dma_start3A_677] : memref<1280x8x32xi32, #tpu.memory_space<hbm>> -> memref<1x8x32xi32, #tpu.memory_space<hbm>>
        %dma_start3A_679 = tpu.memref_squeeze %dma_start3A_678 : memref<1x8x32xi32, #tpu.memory_space<hbm>> -> memref<8x32xi32, #tpu.memory_space<hbm>>
        tpu.enqueue_dma source(%dma_start3A_679 : memref<8x32xi32, #tpu.memory_space<hbm>>) target(%arg6 : memref<8x32xi32, #tpu.memory_space<vmem>>) target_semaphore(%run_scoped3A_671 : memref<!tpu.dma_semaphore, #tpu.memory_space<semaphore_mem>>)
        %dma_wait3A_680 = arith.constant 0 : i32
        %dma_wait3A_681 = arith.constant 0 : i32
        %dma_wait3A_682 = tpu.memref_slice %arg3[%add3A_553, %dma_wait3A_680, %dma_wait3A_681] : memref<1280x8x32xi32, #tpu.memory_space<hbm>> -> memref<1x8x32xi32, #tpu.memory_space<hbm>>
        %dma_wait3A_683 = tpu.memref_squeeze %dma_wait3A_682 : memref<1x8x32xi32, #tpu.memory_space<hbm>> -> memref<8x32xi32, #tpu.memory_space<hbm>>
        %dma_wait3A_684 = arith.constant 0 : i32
        %dma_wait3A_685 = arith.constant 0 : i32
        %dma_wait3A_686 = tpu.memref_slice %arg3[%add3A_553, %dma_wait3A_684, %dma_wait3A_685] : memref<1280x8x32xi32, #tpu.memory_space<hbm>> -> memref<1x8x32xi32, #tpu.memory_space<hbm>>
        %dma_wait3A_687 = tpu.memref_squeeze %dma_wait3A_686 : memref<1x8x32xi32, #tpu.memory_space<hbm>> -> memref<8x32xi32, #tpu.memory_space<hbm>>
        tpu.wait_dma2 semaphore(%run_scoped3A_671 : memref<!tpu.dma_semaphore, #tpu.memory_space<semaphore_mem>>) src(%dma_wait3A_687 : memref<8x32xi32, #tpu.memory_space<hbm>>) dst(%arg6 : memref<8x32xi32, #tpu.memory_space<vmem>>)
        tpu.yield
      }) : () -> ()
      "tpu.region"() ({
        %run_scoped3A_671 = tpu.sem_alloc : memref<!tpu.dma_semaphore, #tpu.memory_space<semaphore_mem>>
        %dma_start3A_672 = arith.constant 0 : i32
        %dma_start3A_673 = arith.constant 0 : i32
        %dma_start3A_674 = tpu.memref_slice %arg4[%add3A_553, %dma_start3A_672, %dma_start3A_673] : memref<1280x8x32xi32, #tpu.memory_space<hbm>> -> memref<1x8x32xi32, #tpu.memory_space<hbm>>
        %dma_start3A_675 = tpu.memref_squeeze %dma_start3A_674 : memref<1x8x32xi32, #tpu.memory_space<hbm>> -> memref<8x32xi32, #tpu.memory_space<hbm>>
        %dma_start3A_676 = arith.constant 0 : i32
        %dma_start3A_677 = arith.constant 0 : i32
        %dma_start3A_678 = tpu.memref_slice %arg4[%add3A_553, %dma_start3A_676, %dma_start3A_677] : memref<1280x8x32xi32, #tpu.memory_space<hbm>> -> memref<1x8x32xi32, #tpu.memory_space<hbm>>
        %dma_start3A_679 = tpu.memref_squeeze %dma_start3A_678 : memref<1x8x32xi32, #tpu.memory_space<hbm>> -> memref<8x32xi32, #tpu.memory_space<hbm>>
        tpu.enqueue_dma source(%dma_start3A_679 : memref<8x32xi32, #tpu.memory_space<hbm>>) target(%arg7 : memref<8x32xi32, #tpu.memory_space<vmem>>) target_semaphore(%run_scoped3A_671 : memref<!tpu.dma_semaphore, #tpu.memory_space<semaphore_mem>>)
        %dma_wait3A_680 = arith.constant 0 : i32
        %dma_wait3A_681 = arith.constant 0 : i32
        %dma_wait3A_682 = tpu.memref_slice %arg4[%add3A_553, %dma_wait3A_680, %dma_wait3A_681] : memref<1280x8x32xi32, #tpu.memory_space<hbm>> -> memref<1x8x32xi32, #tpu.memory_space<hbm>>
        %dma_wait3A_683 = tpu.memref_squeeze %dma_wait3A_682 : memref<1x8x32xi32, #tpu.memory_space<hbm>> -> memref<8x32xi32, #tpu.memory_space<hbm>>
        %dma_wait3A_684 = arith.constant 0 : i32
        %dma_wait3A_685 = arith.constant 0 : i32
        %dma_wait3A_686 = tpu.memref_slice %arg4[%add3A_553, %dma_wait3A_684, %dma_wait3A_685] : memref<1280x8x32xi32, #tpu.memory_space<hbm>> -> memref<1x8x32xi32, #tpu.memory_space<hbm>>
        %dma_wait3A_687 = tpu.memref_squeeze %dma_wait3A_686 : memref<1x8x32xi32, #tpu.memory_space<hbm>> -> memref<8x32xi32, #tpu.memory_space<hbm>>
        tpu.wait_dma2 semaphore(%run_scoped3A_671 : memref<!tpu.dma_semaphore, #tpu.memory_space<semaphore_mem>>) src(%dma_wait3A_687 : memref<8x32xi32, #tpu.memory_space<hbm>>) dst(%arg7 : memref<8x32xi32, #tpu.memory_space<vmem>>)
        tpu.yield
      }) : () -> ()
      %dma_start3A = arith.constant 0 : i32
      %dma_start3A_554 = arith.constant 0 : i32
      %dma_start3A_555 = tpu.memref_slice %arg6[%dma_start3A, %dma_start3A_554] : memref<8x32xi32, #tpu.memory_space<vmem>> -> memref<1x32xi32, #tpu.memory_space<vmem>>
      %dma_start3A_556 = tpu.memref_squeeze %dma_start3A_555 : memref<1x32xi32, #tpu.memory_space<vmem>> -> memref<32xi32, #tpu.memory_space<vmem>>
      %dma_start3A_557 = arith.constant 0 : i32
      %dma_start3A_558 = arith.constant 0 : i32
      %dma_start3A_559 = tpu.memref_slice %arg2[%dma_start3A_557, %dma_start3A_558] : memref<10240x128xf32, #tpu.memory_space<hbm>> -> memref<10240x128xf32, #tpu.memory_space<hbm>>
      tpu.enqueue_indirect_dma source(%dma_start3A_559 : memref<10240x128xf32, #tpu.memory_space<hbm>>) target(%arg8 : memref<32x128xf32, #tpu.memory_space<vmem>>) offsets(%dma_start3A_556 : memref<32xi32, #tpu.memory_space<vmem>>) semaphore(%arg14 : memref<!tpu.dma_semaphore, #tpu.memory_space<semaphore_mem>>)
      %dma_start3A_560 = arith.constant 1 : i32
      %dma_start3A_561 = arith.constant 0 : i32
      %dma_start3A_562 = tpu.memref_slice %arg6[%dma_start3A_560, %dma_start3A_561] : memref<8x32xi32, #tpu.memory_space<vmem>> -> memref<1x32xi32, #tpu.memory_space<vmem>>
      %dma_start3A_563 = tpu.memref_squeeze %dma_start3A_562 : memref<1x32xi32, #tpu.memory_space<vmem>> -> memref<32xi32, #tpu.memory_space<vmem>>
      %dma_start3A_564 = arith.constant 0 : i32
      %dma_start3A_565 = arith.constant 0 : i32
      %dma_start3A_566 = tpu.memref_slice %arg2[%dma_start3A_564, %dma_start3A_565] : memref<10240x128xf32, #tpu.memory_space<hbm>> -> memref<10240x128xf32, #tpu.memory_space<hbm>>
      tpu.enqueue_indirect_dma source(%dma_start3A_566 : memref<10240x128xf32, #tpu.memory_space<hbm>>) target(%arg9 : memref<32x128xf32, #tpu.memory_space<vmem>>) offsets(%dma_start3A_563 : memref<32xi32, #tpu.memory_space<vmem>>) semaphore(%arg14 : memref<!tpu.dma_semaphore, #tpu.memory_space<semaphore_mem>>)
      %dma_start3A_567 = arith.constant 2 : i32
      %dma_start3A_568 = arith.constant 0 : i32
      %dma_start3A_569 = tpu.memref_slice %arg6[%dma_start3A_567, %dma_start3A_568] : memref<8x32xi32, #tpu.memory_space<vmem>> -> memref<1x32xi32, #tpu.memory_space<vmem>>
      %dma_start3A_570 = tpu.memref_squeeze %dma_start3A_569 : memref<1x32xi32, #tpu.memory_space<vmem>> -> memref<32xi32, #tpu.memory_space<vmem>>
      %dma_start3A_571 = arith.constant 0 : i32
      %dma_start3A_572 = arith.constant 0 : i32
      %dma_start3A_573 = tpu.memref_slice %arg2[%dma_start3A_571, %dma_start3A_572] : memref<10240x128xf32, #tpu.memory_space<hbm>> -> memref<10240x128xf32, #tpu.memory_space<hbm>>
      tpu.enqueue_indirect_dma source(%dma_start3A_573 : memref<10240x128xf32, #tpu.memory_space<hbm>>) target(%arg10 : memref<32x128xf32, #tpu.memory_space<vmem>>) offsets(%dma_start3A_570 : memref<32xi32, #tpu.memory_space<vmem>>) semaphore(%arg14 : memref<!tpu.dma_semaphore, #tpu.memory_space<semaphore_mem>>)
      %dma_start3A_574 = arith.constant 3 : i32
      %dma_start3A_575 = arith.constant 0 : i32
      %dma_start3A_576 = tpu.memref_slice %arg6[%dma_start3A_574, %dma_start3A_575] : memref<8x32xi32, #tpu.memory_space<vmem>> -> memref<1x32xi32, #tpu.memory_space<vmem>>
      %dma_start3A_577 = tpu.memref_squeeze %dma_start3A_576 : memref<1x32xi32, #tpu.memory_space<vmem>> -> memref<32xi32, #tpu.memory_space<vmem>>
      %dma_start3A_578 = arith.constant 0 : i32
      %dma_start3A_579 = arith.constant 0 : i32
      %dma_start3A_580 = tpu.memref_slice %arg2[%dma_start3A_578, %dma_start3A_579] : memref<10240x128xf32, #tpu.memory_space<hbm>> -> memref<10240x128xf32, #tpu.memory_space<hbm>>
      tpu.enqueue_indirect_dma source(%dma_start3A_580 : memref<10240x128xf32, #tpu.memory_space<hbm>>) target(%arg11 : memref<32x128xf32, #tpu.memory_space<vmem>>) offsets(%dma_start3A_577 : memref<32xi32, #tpu.memory_space<vmem>>) semaphore(%arg14 : memref<!tpu.dma_semaphore, #tpu.memory_space<semaphore_mem>>)
      %dma_wait3A = arith.constant 0 : i32
      %dma_wait3A_581 = arith.constant 0 : i32
      %dma_wait3A_582 = tpu.memref_slice %arg6[%dma_wait3A, %dma_wait3A_581] : memref<8x32xi32, #tpu.memory_space<vmem>> -> memref<1x32xi32, #tpu.memory_space<vmem>>
      %dma_wait3A_583 = tpu.memref_squeeze %dma_wait3A_582 : memref<1x32xi32, #tpu.memory_space<vmem>> -> memref<32xi32, #tpu.memory_space<vmem>>
      %dma_wait3A_584 = arith.constant 0 : i32
      %dma_wait3A_585 = arith.constant 0 : i32
      %dma_wait3A_586 = tpu.memref_slice %arg2[%dma_wait3A_584, %dma_wait3A_585] : memref<10240x128xf32, #tpu.memory_space<hbm>> -> memref<10240x128xf32, #tpu.memory_space<hbm>>
      tpu.wait_indirect_dma semaphore(%arg14 : memref<!tpu.dma_semaphore, #tpu.memory_space<semaphore_mem>>) src(%dma_wait3A_586 : memref<10240x128xf32, #tpu.memory_space<hbm>>) dst(%arg8 : memref<32x128xf32, #tpu.memory_space<vmem>>)
      %dma_wait3A_587 = arith.constant 1 : i32
      %dma_wait3A_588 = arith.constant 0 : i32
      %dma_wait3A_589 = tpu.memref_slice %arg6[%dma_wait3A_587, %dma_wait3A_588] : memref<8x32xi32, #tpu.memory_space<vmem>> -> memref<1x32xi32, #tpu.memory_space<vmem>>
      %dma_wait3A_590 = tpu.memref_squeeze %dma_wait3A_589 : memref<1x32xi32, #tpu.memory_space<vmem>> -> memref<32xi32, #tpu.memory_space<vmem>>
      %dma_wait3A_591 = arith.constant 0 : i32
      %dma_wait3A_592 = arith.constant 0 : i32
      %dma_wait3A_593 = tpu.memref_slice %arg2[%dma_wait3A_591, %dma_wait3A_592] : memref<10240x128xf32, #tpu.memory_space<hbm>> -> memref<10240x128xf32, #tpu.memory_space<hbm>>
      tpu.wait_indirect_dma semaphore(%arg14 : memref<!tpu.dma_semaphore, #tpu.memory_space<semaphore_mem>>) src(%dma_wait3A_593 : memref<10240x128xf32, #tpu.memory_space<hbm>>) dst(%arg9 : memref<32x128xf32, #tpu.memory_space<vmem>>)
      %dma_wait3A_594 = arith.constant 2 : i32
      %dma_wait3A_595 = arith.constant 0 : i32
      %dma_wait3A_596 = tpu.memref_slice %arg6[%dma_wait3A_594, %dma_wait3A_595] : memref<8x32xi32, #tpu.memory_space<vmem>> -> memref<1x32xi32, #tpu.memory_space<vmem>>
      %dma_wait3A_597 = tpu.memref_squeeze %dma_wait3A_596 : memref<1x32xi32, #tpu.memory_space<vmem>> -> memref<32xi32, #tpu.memory_space<vmem>>
      %dma_wait3A_598 = arith.constant 0 : i32
      %dma_wait3A_599 = arith.constant 0 : i32
      %dma_wait3A_600 = tpu.memref_slice %arg2[%dma_wait3A_598, %dma_wait3A_599] : memref<10240x128xf32, #tpu.memory_space<hbm>> -> memref<10240x128xf32, #tpu.memory_space<hbm>>
      tpu.wait_indirect_dma semaphore(%arg14 : memref<!tpu.dma_semaphore, #tpu.memory_space<semaphore_mem>>) src(%dma_wait3A_600 : memref<10240x128xf32, #tpu.memory_space<hbm>>) dst(%arg10 : memref<32x128xf32, #tpu.memory_space<vmem>>)
      %dma_wait3A_601 = arith.constant 3 : i32
      %dma_wait3A_602 = arith.constant 0 : i32
      %dma_wait3A_603 = tpu.memref_slice %arg6[%dma_wait3A_601, %dma_wait3A_602] : memref<8x32xi32, #tpu.memory_space<vmem>> -> memref<1x32xi32, #tpu.memory_space<vmem>>
      %dma_wait3A_604 = tpu.memref_squeeze %dma_wait3A_603 : memref<1x32xi32, #tpu.memory_space<vmem>> -> memref<32xi32, #tpu.memory_space<vmem>>
      %dma_wait3A_605 = arith.constant 0 : i32
      %dma_wait3A_606 = arith.constant 0 : i32
      %dma_wait3A_607 = tpu.memref_slice %arg2[%dma_wait3A_605, %dma_wait3A_606] : memref<10240x128xf32, #tpu.memory_space<hbm>> -> memref<10240x128xf32, #tpu.memory_space<hbm>>
      tpu.wait_indirect_dma semaphore(%arg14 : memref<!tpu.dma_semaphore, #tpu.memory_space<semaphore_mem>>) src(%dma_wait3A_607 : memref<10240x128xf32, #tpu.memory_space<hbm>>) dst(%arg11 : memref<32x128xf32, #tpu.memory_space<vmem>>)
      %dma_start3A_608 = arith.constant 4 : i32
      %dma_start3A_609 = arith.constant 0 : i32
      %dma_start3A_610 = tpu.memref_slice %arg6[%dma_start3A_608, %dma_start3A_609] : memref<8x32xi32, #tpu.memory_space<vmem>> -> memref<1x32xi32, #tpu.memory_space<vmem>>
      %dma_start3A_611 = tpu.memref_squeeze %dma_start3A_610 : memref<1x32xi32, #tpu.memory_space<vmem>> -> memref<32xi32, #tpu.memory_space<vmem>>
      %dma_start3A_612 = arith.constant 0 : i32
      %dma_start3A_613 = arith.constant 0 : i32
      %dma_start3A_614 = tpu.memref_slice %arg2[%dma_start3A_612, %dma_start3A_613] : memref<10240x128xf32, #tpu.memory_space<hbm>> -> memref<10240x128xf32, #tpu.memory_space<hbm>>
      tpu.enqueue_indirect_dma source(%dma_start3A_614 : memref<10240x128xf32, #tpu.memory_space<hbm>>) target(%arg8 : memref<32x128xf32, #tpu.memory_space<vmem>>) offsets(%dma_start3A_611 : memref<32xi32, #tpu.memory_space<vmem>>) semaphore(%arg14 : memref<!tpu.dma_semaphore, #tpu.memory_space<semaphore_mem>>)
      %dma_start3A_615 = arith.constant 5 : i32
      %dma_start3A_616 = arith.constant 0 : i32
      %dma_start3A_617 = tpu.memref_slice %arg6[%dma_start3A_615, %dma_start3A_616] : memref<8x32xi32, #tpu.memory_space<vmem>> -> memref<1x32xi32, #tpu.memory_space<vmem>>
      %dma_start3A_618 = tpu.memref_squeeze %dma_start3A_617 : memref<1x32xi32, #tpu.memory_space<vmem>> -> memref<32xi32, #tpu.memory_space<vmem>>
      %dma_start3A_619 = arith.constant 0 : i32
      %dma_start3A_620 = arith.constant 0 : i32
      %dma_start3A_621 = tpu.memref_slice %arg2[%dma_start3A_619, %dma_start3A_620] : memref<10240x128xf32, #tpu.memory_space<hbm>> -> memref<10240x128xf32, #tpu.memory_space<hbm>>
      tpu.enqueue_indirect_dma source(%dma_start3A_621 : memref<10240x128xf32, #tpu.memory_space<hbm>>) target(%arg9 : memref<32x128xf32, #tpu.memory_space<vmem>>) offsets(%dma_start3A_618 : memref<32xi32, #tpu.memory_space<vmem>>) semaphore(%arg14 : memref<!tpu.dma_semaphore, #tpu.memory_space<semaphore_mem>>)
      %dma_start3A_622 = arith.constant 6 : i32
      %dma_start3A_623 = arith.constant 0 : i32
      %dma_start3A_624 = tpu.memref_slice %arg6[%dma_start3A_622, %dma_start3A_623] : memref<8x32xi32, #tpu.memory_space<vmem>> -> memref<1x32xi32, #tpu.memory_space<vmem>>
      %dma_start3A_625 = tpu.memref_squeeze %dma_start3A_624 : memref<1x32xi32, #tpu.memory_space<vmem>> -> memref<32xi32, #tpu.memory_space<vmem>>
      %dma_start3A_626 = arith.constant 0 : i32
      %dma_start3A_627 = arith.constant 0 : i32
      %dma_start3A_628 = tpu.memref_slice %arg2[%dma_start3A_626, %dma_start3A_627] : memref<10240x128xf32, #tpu.memory_space<hbm>> -> memref<10240x128xf32, #tpu.memory_space<hbm>>
      tpu.enqueue_indirect_dma source(%dma_start3A_628 : memref<10240x128xf32, #tpu.memory_space<hbm>>) target(%arg10 : memref<32x128xf32, #tpu.memory_space<vmem>>) offsets(%dma_start3A_625 : memref<32xi32, #tpu.memory_space<vmem>>) semaphore(%arg14 : memref<!tpu.dma_semaphore, #tpu.memory_space<semaphore_mem>>)
      %dma_start3A_629 = arith.constant 7 : i32
      %dma_start3A_630 = arith.constant 0 : i32
      %dma_start3A_631 = tpu.memref_slice %arg6[%dma_start3A_629, %dma_start3A_630] : memref<8x32xi32, #tpu.memory_space<vmem>> -> memref<1x32xi32, #tpu.memory_space<vmem>>
      %dma_start3A_632 = tpu.memref_squeeze %dma_start3A_631 : memref<1x32xi32, #tpu.memory_space<vmem>> -> memref<32xi32, #tpu.memory_space<vmem>>
      %dma_start3A_633 = arith.constant 0 : i32
      %dma_start3A_634 = arith.constant 0 : i32
      %dma_start3A_635 = tpu.memref_slice %arg2[%dma_start3A_633, %dma_start3A_634] : memref<10240x128xf32, #tpu.memory_space<hbm>> -> memref<10240x128xf32, #tpu.memory_space<hbm>>
      tpu.enqueue_indirect_dma source(%dma_start3A_635 : memref<10240x128xf32, #tpu.memory_space<hbm>>) target(%arg11 : memref<32x128xf32, #tpu.memory_space<vmem>>) offsets(%dma_start3A_632 : memref<32xi32, #tpu.memory_space<vmem>>) semaphore(%arg14 : memref<!tpu.dma_semaphore, #tpu.memory_space<semaphore_mem>>)
      %run_scoped3A = arith.constant 0 : i32
      "tpu.region"() ({
        %run_scoped3A_671 = tpu.sem_alloc : memref<!tpu.dma_semaphore, #tpu.memory_space<semaphore_mem>>
        %dma_start3A_672 = arith.constant 0 : i32
        %dma_start3A_673 = tpu.memref_slice %arg7[%run_scoped3A, %dma_start3A_672] : memref<8x32xi32, #tpu.memory_space<vmem>> -> memref<1x32xi32, #tpu.memory_space<vmem>>
        %dma_start3A_674 = tpu.memref_squeeze %dma_start3A_673 : memref<1x32xi32, #tpu.memory_space<vmem>> -> memref<32xi32, #tpu.memory_space<vmem>>
        %dma_start3A_675 = arith.constant 0 : i32
        %dma_start3A_676 = arith.constant 0 : i32
        %dma_start3A_677 = tpu.memref_slice %arg13[%dma_start3A_675, %dma_start3A_676] : memref<10240x128xf32, #tpu.memory_space<vmem_shared>> -> memref<10240x128xf32, #tpu.memory_space<vmem_shared>>
        tpu.enqueue_indirect_dma source(%arg8 : memref<32x128xf32, #tpu.memory_space<vmem>>) target(%dma_start3A_677 : memref<10240x128xf32, #tpu.memory_space<vmem_shared>>) offsets(%dma_start3A_674 : memref<32xi32, #tpu.memory_space<vmem>>) semaphore(%run_scoped3A_671 : memref<!tpu.dma_semaphore, #tpu.memory_space<semaphore_mem>>) {add = true}
        %dma_wait3A_678 = arith.constant 0 : i32
        %dma_wait3A_679 = tpu.memref_slice %arg7[%run_scoped3A, %dma_wait3A_678] : memref<8x32xi32, #tpu.memory_space<vmem>> -> memref<1x32xi32, #tpu.memory_space<vmem>>
        %dma_wait3A_680 = tpu.memref_squeeze %dma_wait3A_679 : memref<1x32xi32, #tpu.memory_space<vmem>> -> memref<32xi32, #tpu.memory_space<vmem>>
        %dma_wait3A_681 = arith.constant 0 : i32
        %dma_wait3A_682 = arith.constant 0 : i32
        %dma_wait3A_683 = tpu.memref_slice %arg13[%dma_wait3A_681, %dma_wait3A_682] : memref<10240x128xf32, #tpu.memory_space<vmem_shared>> -> memref<10240x128xf32, #tpu.memory_space<vmem_shared>>
        tpu.wait_indirect_dma semaphore(%run_scoped3A_671 : memref<!tpu.dma_semaphore, #tpu.memory_space<semaphore_mem>>) src(%arg8 : memref<32x128xf32, #tpu.memory_space<vmem>>) dst(%dma_wait3A_683 : memref<10240x128xf32, #tpu.memory_space<vmem_shared>>)
        tpu.yield
      }) : () -> ()
      %run_scoped3A_636 = arith.constant 1 : i32
      "tpu.region"() ({
        %run_scoped3A_671 = tpu.sem_alloc : memref<!tpu.dma_semaphore, #tpu.memory_space<semaphore_mem>>
        %dma_start3A_672 = arith.constant 0 : i32
        %dma_start3A_673 = tpu.memref_slice %arg7[%run_scoped3A_636, %dma_start3A_672] : memref<8x32xi32, #tpu.memory_space<vmem>> -> memref<1x32xi32, #tpu.memory_space<vmem>>
        %dma_start3A_674 = tpu.memref_squeeze %dma_start3A_673 : memref<1x32xi32, #tpu.memory_space<vmem>> -> memref<32xi32, #tpu.memory_space<vmem>>
        %dma_start3A_675 = arith.constant 0 : i32
        %dma_start3A_676 = arith.constant 0 : i32
        %dma_start3A_677 = tpu.memref_slice %arg13[%dma_start3A_675, %dma_start3A_676] : memref<10240x128xf32, #tpu.memory_space<vmem_shared>> -> memref<10240x128xf32, #tpu.memory_space<vmem_shared>>
        tpu.enqueue_indirect_dma source(%arg9 : memref<32x128xf32, #tpu.memory_space<vmem>>) target(%dma_start3A_677 : memref<10240x128xf32, #tpu.memory_space<vmem_shared>>) offsets(%dma_start3A_674 : memref<32xi32, #tpu.memory_space<vmem>>) semaphore(%run_scoped3A_671 : memref<!tpu.dma_semaphore, #tpu.memory_space<semaphore_mem>>) {add = true}
        %dma_wait3A_678 = arith.constant 0 : i32
        %dma_wait3A_679 = tpu.memref_slice %arg7[%run_scoped3A_636, %dma_wait3A_678] : memref<8x32xi32, #tpu.memory_space<vmem>> -> memref<1x32xi32, #tpu.memory_space<vmem>>
        %dma_wait3A_680 = tpu.memref_squeeze %dma_wait3A_679 : memref<1x32xi32, #tpu.memory_space<vmem>> -> memref<32xi32, #tpu.memory_space<vmem>>
        %dma_wait3A_681 = arith.constant 0 : i32
        %dma_wait3A_682 = arith.constant 0 : i32
        %dma_wait3A_683 = tpu.memref_slice %arg13[%dma_wait3A_681, %dma_wait3A_682] : memref<10240x128xf32, #tpu.memory_space<vmem_shared>> -> memref<10240x128xf32, #tpu.memory_space<vmem_shared>>
        tpu.wait_indirect_dma semaphore(%run_scoped3A_671 : memref<!tpu.dma_semaphore, #tpu.memory_space<semaphore_mem>>) src(%arg9 : memref<32x128xf32, #tpu.memory_space<vmem>>) dst(%dma_wait3A_683 : memref<10240x128xf32, #tpu.memory_space<vmem_shared>>)
        tpu.yield
      }) : () -> ()
      %run_scoped3A_637 = arith.constant 2 : i32
      "tpu.region"() ({
        %run_scoped3A_671 = tpu.sem_alloc : memref<!tpu.dma_semaphore, #tpu.memory_space<semaphore_mem>>
        %dma_start3A_672 = arith.constant 0 : i32
        %dma_start3A_673 = tpu.memref_slice %arg7[%run_scoped3A_637, %dma_start3A_672] : memref<8x32xi32, #tpu.memory_space<vmem>> -> memref<1x32xi32, #tpu.memory_space<vmem>>
        %dma_start3A_674 = tpu.memref_squeeze %dma_start3A_673 : memref<1x32xi32, #tpu.memory_space<vmem>> -> memref<32xi32, #tpu.memory_space<vmem>>
        %dma_start3A_675 = arith.constant 0 : i32
        %dma_start3A_676 = arith.constant 0 : i32
        %dma_start3A_677 = tpu.memref_slice %arg13[%dma_start3A_675, %dma_start3A_676] : memref<10240x128xf32, #tpu.memory_space<vmem_shared>> -> memref<10240x128xf32, #tpu.memory_space<vmem_shared>>
        tpu.enqueue_indirect_dma source(%arg10 : memref<32x128xf32, #tpu.memory_space<vmem>>) target(%dma_start3A_677 : memref<10240x128xf32, #tpu.memory_space<vmem_shared>>) offsets(%dma_start3A_674 : memref<32xi32, #tpu.memory_space<vmem>>) semaphore(%run_scoped3A_671 : memref<!tpu.dma_semaphore, #tpu.memory_space<semaphore_mem>>) {add = true}
        %dma_wait3A_678 = arith.constant 0 : i32
        %dma_wait3A_679 = tpu.memref_slice %arg7[%run_scoped3A_637, %dma_wait3A_678] : memref<8x32xi32, #tpu.memory_space<vmem>> -> memref<1x32xi32, #tpu.memory_space<vmem>>
        %dma_wait3A_680 = tpu.memref_squeeze %dma_wait3A_679 : memref<1x32xi32, #tpu.memory_space<vmem>> -> memref<32xi32, #tpu.memory_space<vmem>>
        %dma_wait3A_681 = arith.constant 0 : i32
        %dma_wait3A_682 = arith.constant 0 : i32
        %dma_wait3A_683 = tpu.memref_slice %arg13[%dma_wait3A_681, %dma_wait3A_682] : memref<10240x128xf32, #tpu.memory_space<vmem_shared>> -> memref<10240x128xf32, #tpu.memory_space<vmem_shared>>
        tpu.wait_indirect_dma semaphore(%run_scoped3A_671 : memref<!tpu.dma_semaphore, #tpu.memory_space<semaphore_mem>>) src(%arg10 : memref<32x128xf32, #tpu.memory_space<vmem>>) dst(%dma_wait3A_683 : memref<10240x128xf32, #tpu.memory_space<vmem_shared>>)
        tpu.yield
      }) : () -> ()
      %run_scoped3A_638 = arith.constant 3 : i32
      "tpu.region"() ({
        %run_scoped3A_671 = tpu.sem_alloc : memref<!tpu.dma_semaphore, #tpu.memory_space<semaphore_mem>>
        %dma_start3A_672 = arith.constant 0 : i32
        %dma_start3A_673 = tpu.memref_slice %arg7[%run_scoped3A_638, %dma_start3A_672] : memref<8x32xi32, #tpu.memory_space<vmem>> -> memref<1x32xi32, #tpu.memory_space<vmem>>
        %dma_start3A_674 = tpu.memref_squeeze %dma_start3A_673 : memref<1x32xi32, #tpu.memory_space<vmem>> -> memref<32xi32, #tpu.memory_space<vmem>>
        %dma_start3A_675 = arith.constant 0 : i32
        %dma_start3A_676 = arith.constant 0 : i32
        %dma_start3A_677 = tpu.memref_slice %arg13[%dma_start3A_675, %dma_start3A_676] : memref<10240x128xf32, #tpu.memory_space<vmem_shared>> -> memref<10240x128xf32, #tpu.memory_space<vmem_shared>>
        tpu.enqueue_indirect_dma source(%arg11 : memref<32x128xf32, #tpu.memory_space<vmem>>) target(%dma_start3A_677 : memref<10240x128xf32, #tpu.memory_space<vmem_shared>>) offsets(%dma_start3A_674 : memref<32xi32, #tpu.memory_space<vmem>>) semaphore(%run_scoped3A_671 : memref<!tpu.dma_semaphore, #tpu.memory_space<semaphore_mem>>) {add = true}
        %dma_wait3A_678 = arith.constant 0 : i32
        %dma_wait3A_679 = tpu.memref_slice %arg7[%run_scoped3A_638, %dma_wait3A_678] : memref<8x32xi32, #tpu.memory_space<vmem>> -> memref<1x32xi32, #tpu.memory_space<vmem>>
        %dma_wait3A_680 = tpu.memref_squeeze %dma_wait3A_679 : memref<1x32xi32, #tpu.memory_space<vmem>> -> memref<32xi32, #tpu.memory_space<vmem>>
        %dma_wait3A_681 = arith.constant 0 : i32
        %dma_wait3A_682 = arith.constant 0 : i32
        %dma_wait3A_683 = tpu.memref_slice %arg13[%dma_wait3A_681, %dma_wait3A_682] : memref<10240x128xf32, #tpu.memory_space<vmem_shared>> -> memref<10240x128xf32, #tpu.memory_space<vmem_shared>>
        tpu.wait_indirect_dma semaphore(%run_scoped3A_671 : memref<!tpu.dma_semaphore, #tpu.memory_space<semaphore_mem>>) src(%arg11 : memref<32x128xf32, #tpu.memory_space<vmem>>) dst(%dma_wait3A_683 : memref<10240x128xf32, #tpu.memory_space<vmem_shared>>)
        tpu.yield
      }) : () -> ()
      %dma_wait3A_639 = arith.constant 4 : i32
      %dma_wait3A_640 = arith.constant 0 : i32
      %dma_wait3A_641 = tpu.memref_slice %arg6[%dma_wait3A_639, %dma_wait3A_640] : memref<8x32xi32, #tpu.memory_space<vmem>> -> memref<1x32xi32, #tpu.memory_space<vmem>>
      %dma_wait3A_642 = tpu.memref_squeeze %dma_wait3A_641 : memref<1x32xi32, #tpu.memory_space<vmem>> -> memref<32xi32, #tpu.memory_space<vmem>>
      %dma_wait3A_643 = arith.constant 0 : i32
      %dma_wait3A_644 = arith.constant 0 : i32
      %dma_wait3A_645 = tpu.memref_slice %arg2[%dma_wait3A_643, %dma_wait3A_644] : memref<10240x128xf32, #tpu.memory_space<hbm>> -> memref<10240x128xf32, #tpu.memory_space<hbm>>
      tpu.wait_indirect_dma semaphore(%arg14 : memref<!tpu.dma_semaphore, #tpu.memory_space<semaphore_mem>>) src(%dma_wait3A_645 : memref<10240x128xf32, #tpu.memory_space<hbm>>) dst(%arg8 : memref<32x128xf32, #tpu.memory_space<vmem>>)
      %dma_wait3A_646 = arith.constant 5 : i32
      %dma_wait3A_647 = arith.constant 0 : i32
      %dma_wait3A_648 = tpu.memref_slice %arg6[%dma_wait3A_646, %dma_wait3A_647] : memref<8x32xi32, #tpu.memory_space<vmem>> -> memref<1x32xi32, #tpu.memory_space<vmem>>
      %dma_wait3A_649 = tpu.memref_squeeze %dma_wait3A_648 : memref<1x32xi32, #tpu.memory_space<vmem>> -> memref<32xi32, #tpu.memory_space<vmem>>
      %dma_wait3A_650 = arith.constant 0 : i32
      %dma_wait3A_651 = arith.constant 0 : i32
      %dma_wait3A_652 = tpu.memref_slice %arg2[%dma_wait3A_650, %dma_wait3A_651] : memref<10240x128xf32, #tpu.memory_space<hbm>> -> memref<10240x128xf32, #tpu.memory_space<hbm>>
      tpu.wait_indirect_dma semaphore(%arg14 : memref<!tpu.dma_semaphore, #tpu.memory_space<semaphore_mem>>) src(%dma_wait3A_652 : memref<10240x128xf32, #tpu.memory_space<hbm>>) dst(%arg9 : memref<32x128xf32, #tpu.memory_space<vmem>>)
      %dma_wait3A_653 = arith.constant 6 : i32
      %dma_wait3A_654 = arith.constant 0 : i32
      %dma_wait3A_655 = tpu.memref_slice %arg6[%dma_wait3A_653, %dma_wait3A_654] : memref<8x32xi32, #tpu.memory_space<vmem>> -> memref<1x32xi32, #tpu.memory_space<vmem>>
      %dma_wait3A_656 = tpu.memref_squeeze %dma_wait3A_655 : memref<1x32xi32, #tpu.memory_space<vmem>> -> memref<32xi32, #tpu.memory_space<vmem>>
      %dma_wait3A_657 = arith.constant 0 : i32
      %dma_wait3A_658 = arith.constant 0 : i32
      %dma_wait3A_659 = tpu.memref_slice %arg2[%dma_wait3A_657, %dma_wait3A_658] : memref<10240x128xf32, #tpu.memory_space<hbm>> -> memref<10240x128xf32, #tpu.memory_space<hbm>>
      tpu.wait_indirect_dma semaphore(%arg14 : memref<!tpu.dma_semaphore, #tpu.memory_space<semaphore_mem>>) src(%dma_wait3A_659 : memref<10240x128xf32, #tpu.memory_space<hbm>>) dst(%arg10 : memref<32x128xf32, #tpu.memory_space<vmem>>)
      %dma_wait3A_660 = arith.constant 7 : i32
      %dma_wait3A_661 = arith.constant 0 : i32
      %dma_wait3A_662 = tpu.memref_slice %arg6[%dma_wait3A_660, %dma_wait3A_661] : memref<8x32xi32, #tpu.memory_space<vmem>> -> memref<1x32xi32, #tpu.memory_space<vmem>>
      %dma_wait3A_663 = tpu.memref_squeeze %dma_wait3A_662 : memref<1x32xi32, #tpu.memory_space<vmem>> -> memref<32xi32, #tpu.memory_space<vmem>>
      %dma_wait3A_664 = arith.constant 0 : i32
      %dma_wait3A_665 = arith.constant 0 : i32
      %dma_wait3A_666 = tpu.memref_slice %arg2[%dma_wait3A_664, %dma_wait3A_665] : memref<10240x128xf32, #tpu.memory_space<hbm>> -> memref<10240x128xf32, #tpu.memory_space<hbm>>
      tpu.wait_indirect_dma semaphore(%arg14 : memref<!tpu.dma_semaphore, #tpu.memory_space<semaphore_mem>>) src(%dma_wait3A_666 : memref<10240x128xf32, #tpu.memory_space<hbm>>) dst(%arg11 : memref<32x128xf32, #tpu.memory_space<vmem>>)
      %run_scoped3A_667 = arith.constant 4 : i32
      "tpu.region"() ({
        %run_scoped3A_671 = tpu.sem_alloc : memref<!tpu.dma_semaphore, #tpu.memory_space<semaphore_mem>>
        %dma_start3A_672 = arith.constant 0 : i32
        %dma_start3A_673 = tpu.memref_slice %arg7[%run_scoped3A_667, %dma_start3A_672] : memref<8x32xi32, #tpu.memory_space<vmem>> -> memref<1x32xi32, #tpu.memory_space<vmem>>
        %dma_start3A_674 = tpu.memref_squeeze %dma_start3A_673 : memref<1x32xi32, #tpu.memory_space<vmem>> -> memref<32xi32, #tpu.memory_space<vmem>>
        %dma_start3A_675 = arith.constant 0 : i32
        %dma_start3A_676 = arith.constant 0 : i32
        %dma_start3A_677 = tpu.memref_slice %arg13[%dma_start3A_675, %dma_start3A_676] : memref<10240x128xf32, #tpu.memory_space<vmem_shared>> -> memref<10240x128xf32, #tpu.memory_space<vmem_shared>>
        tpu.enqueue_indirect_dma source(%arg8 : memref<32x128xf32, #tpu.memory_space<vmem>>) target(%dma_start3A_677 : memref<10240x128xf32, #tpu.memory_space<vmem_shared>>) offsets(%dma_start3A_674 : memref<32xi32, #tpu.memory_space<vmem>>) semaphore(%run_scoped3A_671 : memref<!tpu.dma_semaphore, #tpu.memory_space<semaphore_mem>>) {add = true}
        %dma_wait3A_678 = arith.constant 0 : i32
        %dma_wait3A_679 = tpu.memref_slice %arg7[%run_scoped3A_667, %dma_wait3A_678] : memref<8x32xi32, #tpu.memory_space<vmem>> -> memref<1x32xi32, #tpu.memory_space<vmem>>
        %dma_wait3A_680 = tpu.memref_squeeze %dma_wait3A_679 : memref<1x32xi32, #tpu.memory_space<vmem>> -> memref<32xi32, #tpu.memory_space<vmem>>
        %dma_wait3A_681 = arith.constant 0 : i32
        %dma_wait3A_682 = arith.constant 0 : i32
        %dma_wait3A_683 = tpu.memref_slice %arg13[%dma_wait3A_681, %dma_wait3A_682] : memref<10240x128xf32, #tpu.memory_space<vmem_shared>> -> memref<10240x128xf32, #tpu.memory_space<vmem_shared>>
        tpu.wait_indirect_dma semaphore(%run_scoped3A_671 : memref<!tpu.dma_semaphore, #tpu.memory_space<semaphore_mem>>) src(%arg8 : memref<32x128xf32, #tpu.memory_space<vmem>>) dst(%dma_wait3A_683 : memref<10240x128xf32, #tpu.memory_space<vmem_shared>>)
        tpu.yield
      }) : () -> ()
      %run_scoped3A_668 = arith.constant 5 : i32
      "tpu.region"() ({
        %run_scoped3A_671 = tpu.sem_alloc : memref<!tpu.dma_semaphore, #tpu.memory_space<semaphore_mem>>
        %dma_start3A_672 = arith.constant 0 : i32
        %dma_start3A_673 = tpu.memref_slice %arg7[%run_scoped3A_668, %dma_start3A_672] : memref<8x32xi32, #tpu.memory_space<vmem>> -> memref<1x32xi32, #tpu.memory_space<vmem>>
        %dma_start3A_674 = tpu.memref_squeeze %dma_start3A_673 : memref<1x32xi32, #tpu.memory_space<vmem>> -> memref<32xi32, #tpu.memory_space<vmem>>
        %dma_start3A_675 = arith.constant 0 : i32
        %dma_start3A_676 = arith.constant 0 : i32
        %dma_start3A_677 = tpu.memref_slice %arg13[%dma_start3A_675, %dma_start3A_676] : memref<10240x128xf32, #tpu.memory_space<vmem_shared>> -> memref<10240x128xf32, #tpu.memory_space<vmem_shared>>
        tpu.enqueue_indirect_dma source(%arg9 : memref<32x128xf32, #tpu.memory_space<vmem>>) target(%dma_start3A_677 : memref<10240x128xf32, #tpu.memory_space<vmem_shared>>) offsets(%dma_start3A_674 : memref<32xi32, #tpu.memory_space<vmem>>) semaphore(%run_scoped3A_671 : memref<!tpu.dma_semaphore, #tpu.memory_space<semaphore_mem>>) {add = true}
        %dma_wait3A_678 = arith.constant 0 : i32
        %dma_wait3A_679 = tpu.memref_slice %arg7[%run_scoped3A_668, %dma_wait3A_678] : memref<8x32xi32, #tpu.memory_space<vmem>> -> memref<1x32xi32, #tpu.memory_space<vmem>>
        %dma_wait3A_680 = tpu.memref_squeeze %dma_wait3A_679 : memref<1x32xi32, #tpu.memory_space<vmem>> -> memref<32xi32, #tpu.memory_space<vmem>>
        %dma_wait3A_681 = arith.constant 0 : i32
        %dma_wait3A_682 = arith.constant 0 : i32
        %dma_wait3A_683 = tpu.memref_slice %arg13[%dma_wait3A_681, %dma_wait3A_682] : memref<10240x128xf32, #tpu.memory_space<vmem_shared>> -> memref<10240x128xf32, #tpu.memory_space<vmem_shared>>
        tpu.wait_indirect_dma semaphore(%run_scoped3A_671 : memref<!tpu.dma_semaphore, #tpu.memory_space<semaphore_mem>>) src(%arg9 : memref<32x128xf32, #tpu.memory_space<vmem>>) dst(%dma_wait3A_683 : memref<10240x128xf32, #tpu.memory_space<vmem_shared>>)
        tpu.yield
      }) : () -> ()
      %run_scoped3A_669 = arith.constant 6 : i32
      "tpu.region"() ({
        %run_scoped3A_671 = tpu.sem_alloc : memref<!tpu.dma_semaphore, #tpu.memory_space<semaphore_mem>>
        %dma_start3A_672 = arith.constant 0 : i32
        %dma_start3A_673 = tpu.memref_slice %arg7[%run_scoped3A_669, %dma_start3A_672] : memref<8x32xi32, #tpu.memory_space<vmem>> -> memref<1x32xi32, #tpu.memory_space<vmem>>
        %dma_start3A_674 = tpu.memref_squeeze %dma_start3A_673 : memref<1x32xi32, #tpu.memory_space<vmem>> -> memref<32xi32, #tpu.memory_space<vmem>>
        %dma_start3A_675 = arith.constant 0 : i32
        %dma_start3A_676 = arith.constant 0 : i32
        %dma_start3A_677 = tpu.memref_slice %arg13[%dma_start3A_675, %dma_start3A_676] : memref<10240x128xf32, #tpu.memory_space<vmem_shared>> -> memref<10240x128xf32, #tpu.memory_space<vmem_shared>>
        tpu.enqueue_indirect_dma source(%arg10 : memref<32x128xf32, #tpu.memory_space<vmem>>) target(%dma_start3A_677 : memref<10240x128xf32, #tpu.memory_space<vmem_shared>>) offsets(%dma_start3A_674 : memref<32xi32, #tpu.memory_space<vmem>>) semaphore(%run_scoped3A_671 : memref<!tpu.dma_semaphore, #tpu.memory_space<semaphore_mem>>) {add = true}
        %dma_wait3A_678 = arith.constant 0 : i32
        %dma_wait3A_679 = tpu.memref_slice %arg7[%run_scoped3A_669, %dma_wait3A_678] : memref<8x32xi32, #tpu.memory_space<vmem>> -> memref<1x32xi32, #tpu.memory_space<vmem>>
        %dma_wait3A_680 = tpu.memref_squeeze %dma_wait3A_679 : memref<1x32xi32, #tpu.memory_space<vmem>> -> memref<32xi32, #tpu.memory_space<vmem>>
        %dma_wait3A_681 = arith.constant 0 : i32
        %dma_wait3A_682 = arith.constant 0 : i32
        %dma_wait3A_683 = tpu.memref_slice %arg13[%dma_wait3A_681, %dma_wait3A_682] : memref<10240x128xf32, #tpu.memory_space<vmem_shared>> -> memref<10240x128xf32, #tpu.memory_space<vmem_shared>>
        tpu.wait_indirect_dma semaphore(%run_scoped3A_671 : memref<!tpu.dma_semaphore, #tpu.memory_space<semaphore_mem>>) src(%arg10 : memref<32x128xf32, #tpu.memory_space<vmem>>) dst(%dma_wait3A_683 : memref<10240x128xf32, #tpu.memory_space<vmem_shared>>)
        tpu.yield
      }) : () -> ()
      %run_scoped3A_670 = arith.constant 7 : i32
      "tpu.region"() ({
        %run_scoped3A_671 = tpu.sem_alloc : memref<!tpu.dma_semaphore, #tpu.memory_space<semaphore_mem>>
        %dma_start3A_672 = arith.constant 0 : i32
        %dma_start3A_673 = tpu.memref_slice %arg7[%run_scoped3A_670, %dma_start3A_672] : memref<8x32xi32, #tpu.memory_space<vmem>> -> memref<1x32xi32, #tpu.memory_space<vmem>>
        %dma_start3A_674 = tpu.memref_squeeze %dma_start3A_673 : memref<1x32xi32, #tpu.memory_space<vmem>> -> memref<32xi32, #tpu.memory_space<vmem>>
        %dma_start3A_675 = arith.constant 0 : i32
        %dma_start3A_676 = arith.constant 0 : i32
        %dma_start3A_677 = tpu.memref_slice %arg13[%dma_start3A_675, %dma_start3A_676] : memref<10240x128xf32, #tpu.memory_space<vmem_shared>> -> memref<10240x128xf32, #tpu.memory_space<vmem_shared>>
        tpu.enqueue_indirect_dma source(%arg11 : memref<32x128xf32, #tpu.memory_space<vmem>>) target(%dma_start3A_677 : memref<10240x128xf32, #tpu.memory_space<vmem_shared>>) offsets(%dma_start3A_674 : memref<32xi32, #tpu.memory_space<vmem>>) semaphore(%run_scoped3A_671 : memref<!tpu.dma_semaphore, #tpu.memory_space<semaphore_mem>>) {add = true}
        %dma_wait3A_678 = arith.constant 0 : i32
        %dma_wait3A_679 = tpu.memref_slice %arg7[%run_scoped3A_670, %dma_wait3A_678] : memref<8x32xi32, #tpu.memory_space<vmem>> -> memref<1x32xi32, #tpu.memory_space<vmem>>
        %dma_wait3A_680 = tpu.memref_squeeze %dma_wait3A_679 : memref<1x32xi32, #tpu.memory_space<vmem>> -> memref<32xi32, #tpu.memory_space<vmem>>
        %dma_wait3A_681 = arith.constant 0 : i32
        %dma_wait3A_682 = arith.constant 0 : i32
        %dma_wait3A_683 = tpu.memref_slice %arg13[%dma_wait3A_681, %dma_wait3A_682] : memref<10240x128xf32, #tpu.memory_space<vmem_shared>> -> memref<10240x128xf32, #tpu.memory_space<vmem_shared>>
        tpu.wait_indirect_dma semaphore(%run_scoped3A_671 : memref<!tpu.dma_semaphore, #tpu.memory_space<semaphore_mem>>) src(%arg11 : memref<32x128xf32, #tpu.memory_space<vmem>>) dst(%dma_wait3A_683 : memref<10240x128xf32, #tpu.memory_space<vmem_shared>>)
        tpu.yield
      }) : () -> ()
    }
    %while3A_541 = arith.constant 1 : i32
    scf.for %while3A_550 = %while3A_539 to %while3A_535 step %while3A_541  : i32 {
      %mul3A_551 = arith.muli %while3A_550, %while3A : i32
      %add3A_552 = arith.addi %while3A_532, %mul3A_551 : i32
      %add3A_553 = arith.addi %select_n3A_525, %add3A_552 : i32
      "tpu.region"() ({
        %run_scoped3A_671 = tpu.sem_alloc : memref<!tpu.dma_semaphore, #tpu.memory_space<semaphore_mem>>
        %dma_start3A_672 = arith.constant 0 : i32
        %dma_start3A_673 = arith.constant 0 : i32
        %dma_start3A_674 = tpu.memref_slice %arg3[%add3A_553, %dma_start3A_672, %dma_start3A_673] : memref<1280x8x32xi32, #tpu.memory_space<hbm>> -> memref<1x8x32xi32, #tpu.memory_space<hbm>>
        %dma_start3A_675 = tpu.memref_squeeze %dma_start3A_674 : memref<1x8x32xi32, #tpu.memory_space<hbm>> -> memref<8x32xi32, #tpu.memory_space<hbm>>
        %dma_start3A_676 = arith.constant 0 : i32
        %dma_start3A_677 = arith.constant 0 : i32
        %dma_start3A_678 = tpu.memref_slice %arg3[%add3A_553, %dma_start3A_676, %dma_start3A_677] : memref<1280x8x32xi32, #tpu.memory_space<hbm>> -> memref<1x8x32xi32, #tpu.memory_space<hbm>>
        %dma_start3A_679 = tpu.memref_squeeze %dma_start3A_678 : memref<1x8x32xi32, #tpu.memory_space<hbm>> -> memref<8x32xi32, #tpu.memory_space<hbm>>
        tpu.enqueue_dma source(%dma_start3A_679 : memref<8x32xi32, #tpu.memory_space<hbm>>) target(%arg6 : memref<8x32xi32, #tpu.memory_space<vmem>>) target_semaphore(%run_scoped3A_671 : memref<!tpu.dma_semaphore, #tpu.memory_space<semaphore_mem>>)
        %dma_wait3A_680 = arith.constant 0 : i32
        %dma_wait3A_681 = arith.constant 0 : i32
        %dma_wait3A_682 = tpu.memref_slice %arg3[%add3A_553, %dma_wait3A_680, %dma_wait3A_681] : memref<1280x8x32xi32, #tpu.memory_space<hbm>> -> memref<1x8x32xi32, #tpu.memory_space<hbm>>
        %dma_wait3A_683 = tpu.memref_squeeze %dma_wait3A_682 : memref<1x8x32xi32, #tpu.memory_space<hbm>> -> memref<8x32xi32, #tpu.memory_space<hbm>>
        %dma_wait3A_684 = arith.constant 0 : i32
        %dma_wait3A_685 = arith.constant 0 : i32
        %dma_wait3A_686 = tpu.memref_slice %arg3[%add3A_553, %dma_wait3A_684, %dma_wait3A_685] : memref<1280x8x32xi32, #tpu.memory_space<hbm>> -> memref<1x8x32xi32, #tpu.memory_space<hbm>>
        %dma_wait3A_687 = tpu.memref_squeeze %dma_wait3A_686 : memref<1x8x32xi32, #tpu.memory_space<hbm>> -> memref<8x32xi32, #tpu.memory_space<hbm>>
        tpu.wait_dma2 semaphore(%run_scoped3A_671 : memref<!tpu.dma_semaphore, #tpu.memory_space<semaphore_mem>>) src(%dma_wait3A_687 : memref<8x32xi32, #tpu.memory_space<hbm>>) dst(%arg6 : memref<8x32xi32, #tpu.memory_space<vmem>>)
        tpu.yield
      }) : () -> ()
      "tpu.region"() ({
        %run_scoped3A_671 = tpu.sem_alloc : memref<!tpu.dma_semaphore, #tpu.memory_space<semaphore_mem>>
        %dma_start3A_672 = arith.constant 0 : i32
        %dma_start3A_673 = arith.constant 0 : i32
        %dma_start3A_674 = tpu.memref_slice %arg4[%add3A_553, %dma_start3A_672, %dma_start3A_673] : memref<1280x8x32xi32, #tpu.memory_space<hbm>> -> memref<1x8x32xi32, #tpu.memory_space<hbm>>
        %dma_start3A_675 = tpu.memref_squeeze %dma_start3A_674 : memref<1x8x32xi32, #tpu.memory_space<hbm>> -> memref<8x32xi32, #tpu.memory_space<hbm>>
        %dma_start3A_676 = arith.constant 0 : i32
        %dma_start3A_677 = arith.constant 0 : i32
        %dma_start3A_678 = tpu.memref_slice %arg4[%add3A_553, %dma_start3A_676, %dma_start3A_677] : memref<1280x8x32xi32, #tpu.memory_space<hbm>> -> memref<1x8x32xi32, #tpu.memory_space<hbm>>
        %dma_start3A_679 = tpu.memref_squeeze %dma_start3A_678 : memref<1x8x32xi32, #tpu.memory_space<hbm>> -> memref<8x32xi32, #tpu.memory_space<hbm>>
        tpu.enqueue_dma source(%dma_start3A_679 : memref<8x32xi32, #tpu.memory_space<hbm>>) target(%arg7 : memref<8x32xi32, #tpu.memory_space<vmem>>) target_semaphore(%run_scoped3A_671 : memref<!tpu.dma_semaphore, #tpu.memory_space<semaphore_mem>>)
        %dma_wait3A_680 = arith.constant 0 : i32
        %dma_wait3A_681 = arith.constant 0 : i32
        %dma_wait3A_682 = tpu.memref_slice %arg4[%add3A_553, %dma_wait3A_680, %dma_wait3A_681] : memref<1280x8x32xi32, #tpu.memory_space<hbm>> -> memref<1x8x32xi32, #tpu.memory_space<hbm>>
        %dma_wait3A_683 = tpu.memref_squeeze %dma_wait3A_682 : memref<1x8x32xi32, #tpu.memory_space<hbm>> -> memref<8x32xi32, #tpu.memory_space<hbm>>
        %dma_wait3A_684 = arith.constant 0 : i32
        %dma_wait3A_685 = arith.constant 0 : i32
        %dma_wait3A_686 = tpu.memref_slice %arg4[%add3A_553, %dma_wait3A_684, %dma_wait3A_685] : memref<1280x8x32xi32, #tpu.memory_space<hbm>> -> memref<1x8x32xi32, #tpu.memory_space<hbm>>
        %dma_wait3A_687 = tpu.memref_squeeze %dma_wait3A_686 : memref<1x8x32xi32, #tpu.memory_space<hbm>> -> memref<8x32xi32, #tpu.memory_space<hbm>>
        tpu.wait_dma2 semaphore(%run_scoped3A_671 : memref<!tpu.dma_semaphore, #tpu.memory_space<semaphore_mem>>) src(%dma_wait3A_687 : memref<8x32xi32, #tpu.memory_space<hbm>>) dst(%arg7 : memref<8x32xi32, #tpu.memory_space<vmem>>)
        tpu.yield
      }) : () -> ()
      %dma_start3A = arith.constant 0 : i32
      %dma_start3A_554 = arith.constant 0 : i32
      %dma_start3A_555 = tpu.memref_slice %arg6[%dma_start3A, %dma_start3A_554] : memref<8x32xi32, #tpu.memory_space<vmem>> -> memref<1x32xi32, #tpu.memory_space<vmem>>
      %dma_start3A_556 = tpu.memref_squeeze %dma_start3A_555 : memref<1x32xi32, #tpu.memory_space<vmem>> -> memref<32xi32, #tpu.memory_space<vmem>>
      %dma_start3A_557 = arith.constant 0 : i32
      %dma_start3A_558 = arith.constant 0 : i32
      %dma_start3A_559 = tpu.memref_slice %arg2[%dma_start3A_557, %dma_start3A_558] : memref<10240x128xf32, #tpu.memory_space<hbm>> -> memref<10240x128xf32, #tpu.memory_space<hbm>>
      tpu.enqueue_indirect_dma source(%dma_start3A_559 : memref<10240x128xf32, #tpu.memory_space<hbm>>) target(%arg8 : memref<32x128xf32, #tpu.memory_space<vmem>>) offsets(%dma_start3A_556 : memref<32xi32, #tpu.memory_space<vmem>>) semaphore(%arg14 : memref<!tpu.dma_semaphore, #tpu.memory_space<semaphore_mem>>)
      %dma_start3A_560 = arith.constant 1 : i32
      %dma_start3A_561 = arith.constant 0 : i32
      %dma_start3A_562 = tpu.memref_slice %arg6[%dma_start3A_560, %dma_start3A_561] : memref<8x32xi32, #tpu.memory_space<vmem>> -> memref<1x32xi32, #tpu.memory_space<vmem>>
      %dma_start3A_563 = tpu.memref_squeeze %dma_start3A_562 : memref<1x32xi32, #tpu.memory_space<vmem>> -> memref<32xi32, #tpu.memory_space<vmem>>
      %dma_start3A_564 = arith.constant 0 : i32
      %dma_start3A_565 = arith.constant 0 : i32
      %dma_start3A_566 = tpu.memref_slice %arg2[%dma_start3A_564, %dma_start3A_565] : memref<10240x128xf32, #tpu.memory_space<hbm>> -> memref<10240x128xf32, #tpu.memory_space<hbm>>
      tpu.enqueue_indirect_dma source(%dma_start3A_566 : memref<10240x128xf32, #tpu.memory_space<hbm>>) target(%arg9 : memref<32x128xf32, #tpu.memory_space<vmem>>) offsets(%dma_start3A_563 : memref<32xi32, #tpu.memory_space<vmem>>) semaphore(%arg14 : memref<!tpu.dma_semaphore, #tpu.memory_space<semaphore_mem>>)
      %dma_start3A_567 = arith.constant 2 : i32
      %dma_start3A_568 = arith.constant 0 : i32
      %dma_start3A_569 = tpu.memref_slice %arg6[%dma_start3A_567, %dma_start3A_568] : memref<8x32xi32, #tpu.memory_space<vmem>> -> memref<1x32xi32, #tpu.memory_space<vmem>>
      %dma_start3A_570 = tpu.memref_squeeze %dma_start3A_569 : memref<1x32xi32, #tpu.memory_space<vmem>> -> memref<32xi32, #tpu.memory_space<vmem>>
      %dma_start3A_571 = arith.constant 0 : i32
      %dma_start3A_572 = arith.constant 0 : i32
      %dma_start3A_573 = tpu.memref_slice %arg2[%dma_start3A_571, %dma_start3A_572] : memref<10240x128xf32, #tpu.memory_space<hbm>> -> memref<10240x128xf32, #tpu.memory_space<hbm>>
      tpu.enqueue_indirect_dma source(%dma_start3A_573 : memref<10240x128xf32, #tpu.memory_space<hbm>>) target(%arg10 : memref<32x128xf32, #tpu.memory_space<vmem>>) offsets(%dma_start3A_570 : memref<32xi32, #tpu.memory_space<vmem>>) semaphore(%arg14 : memref<!tpu.dma_semaphore, #tpu.memory_space<semaphore_mem>>)
      %dma_start3A_574 = arith.constant 3 : i32
      %dma_start3A_575 = arith.constant 0 : i32
      %dma_start3A_576 = tpu.memref_slice %arg6[%dma_start3A_574, %dma_start3A_575] : memref<8x32xi32, #tpu.memory_space<vmem>> -> memref<1x32xi32, #tpu.memory_space<vmem>>
      %dma_start3A_577 = tpu.memref_squeeze %dma_start3A_576 : memref<1x32xi32, #tpu.memory_space<vmem>> -> memref<32xi32, #tpu.memory_space<vmem>>
      %dma_start3A_578 = arith.constant 0 : i32
      %dma_start3A_579 = arith.constant 0 : i32
      %dma_start3A_580 = tpu.memref_slice %arg2[%dma_start3A_578, %dma_start3A_579] : memref<10240x128xf32, #tpu.memory_space<hbm>> -> memref<10240x128xf32, #tpu.memory_space<hbm>>
      tpu.enqueue_indirect_dma source(%dma_start3A_580 : memref<10240x128xf32, #tpu.memory_space<hbm>>) target(%arg11 : memref<32x128xf32, #tpu.memory_space<vmem>>) offsets(%dma_start3A_577 : memref<32xi32, #tpu.memory_space<vmem>>) semaphore(%arg14 : memref<!tpu.dma_semaphore, #tpu.memory_space<semaphore_mem>>)
      %dma_wait3A = arith.constant 0 : i32
      %dma_wait3A_581 = arith.constant 0 : i32
      %dma_wait3A_582 = tpu.memref_slice %arg6[%dma_wait3A, %dma_wait3A_581] : memref<8x32xi32, #tpu.memory_space<vmem>> -> memref<1x32xi32, #tpu.memory_space<vmem>>
      %dma_wait3A_583 = tpu.memref_squeeze %dma_wait3A_582 : memref<1x32xi32, #tpu.memory_space<vmem>> -> memref<32xi32, #tpu.memory_space<vmem>>
      %dma_wait3A_584 = arith.constant 0 : i32
      %dma_wait3A_585 = arith.constant 0 : i32
      %dma_wait3A_586 = tpu.memref_slice %arg2[%dma_wait3A_584, %dma_wait3A_585] : memref<10240x128xf32, #tpu.memory_space<hbm>> -> memref<10240x128xf32, #tpu.memory_space<hbm>>
      tpu.wait_indirect_dma semaphore(%arg14 : memref<!tpu.dma_semaphore, #tpu.memory_space<semaphore_mem>>) src(%dma_wait3A_586 : memref<10240x128xf32, #tpu.memory_space<hbm>>) dst(%arg8 : memref<32x128xf32, #tpu.memory_space<vmem>>)
      %dma_wait3A_587 = arith.constant 1 : i32
      %dma_wait3A_588 = arith.constant 0 : i32
      %dma_wait3A_589 = tpu.memref_slice %arg6[%dma_wait3A_587, %dma_wait3A_588] : memref<8x32xi32, #tpu.memory_space<vmem>> -> memref<1x32xi32, #tpu.memory_space<vmem>>
      %dma_wait3A_590 = tpu.memref_squeeze %dma_wait3A_589 : memref<1x32xi32, #tpu.memory_space<vmem>> -> memref<32xi32, #tpu.memory_space<vmem>>
      %dma_wait3A_591 = arith.constant 0 : i32
      %dma_wait3A_592 = arith.constant 0 : i32
      %dma_wait3A_593 = tpu.memref_slice %arg2[%dma_wait3A_591, %dma_wait3A_592] : memref<10240x128xf32, #tpu.memory_space<hbm>> -> memref<10240x128xf32, #tpu.memory_space<hbm>>
      tpu.wait_indirect_dma semaphore(%arg14 : memref<!tpu.dma_semaphore, #tpu.memory_space<semaphore_mem>>) src(%dma_wait3A_593 : memref<10240x128xf32, #tpu.memory_space<hbm>>) dst(%arg9 : memref<32x128xf32, #tpu.memory_space<vmem>>)
      %dma_wait3A_594 = arith.constant 2 : i32
      %dma_wait3A_595 = arith.constant 0 : i32
      %dma_wait3A_596 = tpu.memref_slice %arg6[%dma_wait3A_594, %dma_wait3A_595] : memref<8x32xi32, #tpu.memory_space<vmem>> -> memref<1x32xi32, #tpu.memory_space<vmem>>
      %dma_wait3A_597 = tpu.memref_squeeze %dma_wait3A_596 : memref<1x32xi32, #tpu.memory_space<vmem>> -> memref<32xi32, #tpu.memory_space<vmem>>
      %dma_wait3A_598 = arith.constant 0 : i32
      %dma_wait3A_599 = arith.constant 0 : i32
      %dma_wait3A_600 = tpu.memref_slice %arg2[%dma_wait3A_598, %dma_wait3A_599] : memref<10240x128xf32, #tpu.memory_space<hbm>> -> memref<10240x128xf32, #tpu.memory_space<hbm>>
      tpu.wait_indirect_dma semaphore(%arg14 : memref<!tpu.dma_semaphore, #tpu.memory_space<semaphore_mem>>) src(%dma_wait3A_600 : memref<10240x128xf32, #tpu.memory_space<hbm>>) dst(%arg10 : memref<32x128xf32, #tpu.memory_space<vmem>>)
      %dma_wait3A_601 = arith.constant 3 : i32
      %dma_wait3A_602 = arith.constant 0 : i32
      %dma_wait3A_603 = tpu.memref_slice %arg6[%dma_wait3A_601, %dma_wait3A_602] : memref<8x32xi32, #tpu.memory_space<vmem>> -> memref<1x32xi32, #tpu.memory_space<vmem>>
      %dma_wait3A_604 = tpu.memref_squeeze %dma_wait3A_603 : memref<1x32xi32, #tpu.memory_space<vmem>> -> memref<32xi32, #tpu.memory_space<vmem>>
      %dma_wait3A_605 = arith.constant 0 : i32
      %dma_wait3A_606 = arith.constant 0 : i32
      %dma_wait3A_607 = tpu.memref_slice %arg2[%dma_wait3A_605, %dma_wait3A_606] : memref<10240x128xf32, #tpu.memory_space<hbm>> -> memref<10240x128xf32, #tpu.memory_space<hbm>>
      tpu.wait_indirect_dma semaphore(%arg14 : memref<!tpu.dma_semaphore, #tpu.memory_space<semaphore_mem>>) src(%dma_wait3A_607 : memref<10240x128xf32, #tpu.memory_space<hbm>>) dst(%arg11 : memref<32x128xf32, #tpu.memory_space<vmem>>)
      %dma_start3A_608 = arith.constant 4 : i32
      %dma_start3A_609 = arith.constant 0 : i32
      %dma_start3A_610 = tpu.memref_slice %arg6[%dma_start3A_608, %dma_start3A_609] : memref<8x32xi32, #tpu.memory_space<vmem>> -> memref<1x32xi32, #tpu.memory_space<vmem>>
      %dma_start3A_611 = tpu.memref_squeeze %dma_start3A_610 : memref<1x32xi32, #tpu.memory_space<vmem>> -> memref<32xi32, #tpu.memory_space<vmem>>
      %dma_start3A_612 = arith.constant 0 : i32
      %dma_start3A_613 = arith.constant 0 : i32
      %dma_start3A_614 = tpu.memref_slice %arg2[%dma_start3A_612, %dma_start3A_613] : memref<10240x128xf32, #tpu.memory_space<hbm>> -> memref<10240x128xf32, #tpu.memory_space<hbm>>
      tpu.enqueue_indirect_dma source(%dma_start3A_614 : memref<10240x128xf32, #tpu.memory_space<hbm>>) target(%arg8 : memref<32x128xf32, #tpu.memory_space<vmem>>) offsets(%dma_start3A_611 : memref<32xi32, #tpu.memory_space<vmem>>) semaphore(%arg14 : memref<!tpu.dma_semaphore, #tpu.memory_space<semaphore_mem>>)
      %dma_start3A_615 = arith.constant 5 : i32
      %dma_start3A_616 = arith.constant 0 : i32
      %dma_start3A_617 = tpu.memref_slice %arg6[%dma_start3A_615, %dma_start3A_616] : memref<8x32xi32, #tpu.memory_space<vmem>> -> memref<1x32xi32, #tpu.memory_space<vmem>>
      %dma_start3A_618 = tpu.memref_squeeze %dma_start3A_617 : memref<1x32xi32, #tpu.memory_space<vmem>> -> memref<32xi32, #tpu.memory_space<vmem>>
      %dma_start3A_619 = arith.constant 0 : i32
      %dma_start3A_620 = arith.constant 0 : i32
      %dma_start3A_621 = tpu.memref_slice %arg2[%dma_start3A_619, %dma_start3A_620] : memref<10240x128xf32, #tpu.memory_space<hbm>> -> memref<10240x128xf32, #tpu.memory_space<hbm>>
      tpu.enqueue_indirect_dma source(%dma_start3A_621 : memref<10240x128xf32, #tpu.memory_space<hbm>>) target(%arg9 : memref<32x128xf32, #tpu.memory_space<vmem>>) offsets(%dma_start3A_618 : memref<32xi32, #tpu.memory_space<vmem>>) semaphore(%arg14 : memref<!tpu.dma_semaphore, #tpu.memory_space<semaphore_mem>>)
      %dma_start3A_622 = arith.constant 6 : i32
      %dma_start3A_623 = arith.constant 0 : i32
      %dma_start3A_624 = tpu.memref_slice %arg6[%dma_start3A_622, %dma_start3A_623] : memref<8x32xi32, #tpu.memory_space<vmem>> -> memref<1x32xi32, #tpu.memory_space<vmem>>
      %dma_start3A_625 = tpu.memref_squeeze %dma_start3A_624 : memref<1x32xi32, #tpu.memory_space<vmem>> -> memref<32xi32, #tpu.memory_space<vmem>>
      %dma_start3A_626 = arith.constant 0 : i32
      %dma_start3A_627 = arith.constant 0 : i32
      %dma_start3A_628 = tpu.memref_slice %arg2[%dma_start3A_626, %dma_start3A_627] : memref<10240x128xf32, #tpu.memory_space<hbm>> -> memref<10240x128xf32, #tpu.memory_space<hbm>>
      tpu.enqueue_indirect_dma source(%dma_start3A_628 : memref<10240x128xf32, #tpu.memory_space<hbm>>) target(%arg10 : memref<32x128xf32, #tpu.memory_space<vmem>>) offsets(%dma_start3A_625 : memref<32xi32, #tpu.memory_space<vmem>>) semaphore(%arg14 : memref<!tpu.dma_semaphore, #tpu.memory_space<semaphore_mem>>)
      %dma_start3A_629 = arith.constant 7 : i32
      %dma_start3A_630 = arith.constant 0 : i32
      %dma_start3A_631 = tpu.memref_slice %arg6[%dma_start3A_629, %dma_start3A_630] : memref<8x32xi32, #tpu.memory_space<vmem>> -> memref<1x32xi32, #tpu.memory_space<vmem>>
      %dma_start3A_632 = tpu.memref_squeeze %dma_start3A_631 : memref<1x32xi32, #tpu.memory_space<vmem>> -> memref<32xi32, #tpu.memory_space<vmem>>
      %dma_start3A_633 = arith.constant 0 : i32
      %dma_start3A_634 = arith.constant 0 : i32
      %dma_start3A_635 = tpu.memref_slice %arg2[%dma_start3A_633, %dma_start3A_634] : memref<10240x128xf32, #tpu.memory_space<hbm>> -> memref<10240x128xf32, #tpu.memory_space<hbm>>
      tpu.enqueue_indirect_dma source(%dma_start3A_635 : memref<10240x128xf32, #tpu.memory_space<hbm>>) target(%arg11 : memref<32x128xf32, #tpu.memory_space<vmem>>) offsets(%dma_start3A_632 : memref<32xi32, #tpu.memory_space<vmem>>) semaphore(%arg14 : memref<!tpu.dma_semaphore, #tpu.memory_space<semaphore_mem>>)
      %run_scoped3A = arith.constant 0 : i32
      "tpu.region"() ({
        %run_scoped3A_671 = tpu.sem_alloc : memref<!tpu.dma_semaphore, #tpu.memory_space<semaphore_mem>>
        %dma_start3A_672 = arith.constant 0 : i32
        %dma_start3A_673 = tpu.memref_slice %arg7[%run_scoped3A, %dma_start3A_672] : memref<8x32xi32, #tpu.memory_space<vmem>> -> memref<1x32xi32, #tpu.memory_space<vmem>>
        %dma_start3A_674 = tpu.memref_squeeze %dma_start3A_673 : memref<1x32xi32, #tpu.memory_space<vmem>> -> memref<32xi32, #tpu.memory_space<vmem>>
        %dma_start3A_675 = arith.constant 0 : i32
        %dma_start3A_676 = arith.constant 0 : i32
        %dma_start3A_677 = tpu.memref_slice %arg13[%dma_start3A_675, %dma_start3A_676] : memref<10240x128xf32, #tpu.memory_space<vmem_shared>> -> memref<10240x128xf32, #tpu.memory_space<vmem_shared>>
        tpu.enqueue_indirect_dma source(%arg8 : memref<32x128xf32, #tpu.memory_space<vmem>>) target(%dma_start3A_677 : memref<10240x128xf32, #tpu.memory_space<vmem_shared>>) offsets(%dma_start3A_674 : memref<32xi32, #tpu.memory_space<vmem>>) semaphore(%run_scoped3A_671 : memref<!tpu.dma_semaphore, #tpu.memory_space<semaphore_mem>>) {add = true}
        %dma_wait3A_678 = arith.constant 0 : i32
        %dma_wait3A_679 = tpu.memref_slice %arg7[%run_scoped3A, %dma_wait3A_678] : memref<8x32xi32, #tpu.memory_space<vmem>> -> memref<1x32xi32, #tpu.memory_space<vmem>>
        %dma_wait3A_680 = tpu.memref_squeeze %dma_wait3A_679 : memref<1x32xi32, #tpu.memory_space<vmem>> -> memref<32xi32, #tpu.memory_space<vmem>>
        %dma_wait3A_681 = arith.constant 0 : i32
        %dma_wait3A_682 = arith.constant 0 : i32
        %dma_wait3A_683 = tpu.memref_slice %arg13[%dma_wait3A_681, %dma_wait3A_682] : memref<10240x128xf32, #tpu.memory_space<vmem_shared>> -> memref<10240x128xf32, #tpu.memory_space<vmem_shared>>
        tpu.wait_indirect_dma semaphore(%run_scoped3A_671 : memref<!tpu.dma_semaphore, #tpu.memory_space<semaphore_mem>>) src(%arg8 : memref<32x128xf32, #tpu.memory_space<vmem>>) dst(%dma_wait3A_683 : memref<10240x128xf32, #tpu.memory_space<vmem_shared>>)
        tpu.yield
      }) : () -> ()
      %run_scoped3A_636 = arith.constant 1 : i32
      "tpu.region"() ({
        %run_scoped3A_671 = tpu.sem_alloc : memref<!tpu.dma_semaphore, #tpu.memory_space<semaphore_mem>>
        %dma_start3A_672 = arith.constant 0 : i32
        %dma_start3A_673 = tpu.memref_slice %arg7[%run_scoped3A_636, %dma_start3A_672] : memref<8x32xi32, #tpu.memory_space<vmem>> -> memref<1x32xi32, #tpu.memory_space<vmem>>
        %dma_start3A_674 = tpu.memref_squeeze %dma_start3A_673 : memref<1x32xi32, #tpu.memory_space<vmem>> -> memref<32xi32, #tpu.memory_space<vmem>>
        %dma_start3A_675 = arith.constant 0 : i32
        %dma_start3A_676 = arith.constant 0 : i32
        %dma_start3A_677 = tpu.memref_slice %arg13[%dma_start3A_675, %dma_start3A_676] : memref<10240x128xf32, #tpu.memory_space<vmem_shared>> -> memref<10240x128xf32, #tpu.memory_space<vmem_shared>>
        tpu.enqueue_indirect_dma source(%arg9 : memref<32x128xf32, #tpu.memory_space<vmem>>) target(%dma_start3A_677 : memref<10240x128xf32, #tpu.memory_space<vmem_shared>>) offsets(%dma_start3A_674 : memref<32xi32, #tpu.memory_space<vmem>>) semaphore(%run_scoped3A_671 : memref<!tpu.dma_semaphore, #tpu.memory_space<semaphore_mem>>) {add = true}
        %dma_wait3A_678 = arith.constant 0 : i32
        %dma_wait3A_679 = tpu.memref_slice %arg7[%run_scoped3A_636, %dma_wait3A_678] : memref<8x32xi32, #tpu.memory_space<vmem>> -> memref<1x32xi32, #tpu.memory_space<vmem>>
        %dma_wait3A_680 = tpu.memref_squeeze %dma_wait3A_679 : memref<1x32xi32, #tpu.memory_space<vmem>> -> memref<32xi32, #tpu.memory_space<vmem>>
        %dma_wait3A_681 = arith.constant 0 : i32
        %dma_wait3A_682 = arith.constant 0 : i32
        %dma_wait3A_683 = tpu.memref_slice %arg13[%dma_wait3A_681, %dma_wait3A_682] : memref<10240x128xf32, #tpu.memory_space<vmem_shared>> -> memref<10240x128xf32, #tpu.memory_space<vmem_shared>>
        tpu.wait_indirect_dma semaphore(%run_scoped3A_671 : memref<!tpu.dma_semaphore, #tpu.memory_space<semaphore_mem>>) src(%arg9 : memref<32x128xf32, #tpu.memory_space<vmem>>) dst(%dma_wait3A_683 : memref<10240x128xf32, #tpu.memory_space<vmem_shared>>)
        tpu.yield
      }) : () -> ()
      %run_scoped3A_637 = arith.constant 2 : i32
      "tpu.region"() ({
        %run_scoped3A_671 = tpu.sem_alloc : memref<!tpu.dma_semaphore, #tpu.memory_space<semaphore_mem>>
        %dma_start3A_672 = arith.constant 0 : i32
        %dma_start3A_673 = tpu.memref_slice %arg7[%run_scoped3A_637, %dma_start3A_672] : memref<8x32xi32, #tpu.memory_space<vmem>> -> memref<1x32xi32, #tpu.memory_space<vmem>>
        %dma_start3A_674 = tpu.memref_squeeze %dma_start3A_673 : memref<1x32xi32, #tpu.memory_space<vmem>> -> memref<32xi32, #tpu.memory_space<vmem>>
        %dma_start3A_675 = arith.constant 0 : i32
        %dma_start3A_676 = arith.constant 0 : i32
        %dma_start3A_677 = tpu.memref_slice %arg13[%dma_start3A_675, %dma_start3A_676] : memref<10240x128xf32, #tpu.memory_space<vmem_shared>> -> memref<10240x128xf32, #tpu.memory_space<vmem_shared>>
        tpu.enqueue_indirect_dma source(%arg10 : memref<32x128xf32, #tpu.memory_space<vmem>>) target(%dma_start3A_677 : memref<10240x128xf32, #tpu.memory_space<vmem_shared>>) offsets(%dma_start3A_674 : memref<32xi32, #tpu.memory_space<vmem>>) semaphore(%run_scoped3A_671 : memref<!tpu.dma_semaphore, #tpu.memory_space<semaphore_mem>>) {add = true}
        %dma_wait3A_678 = arith.constant 0 : i32
        %dma_wait3A_679 = tpu.memref_slice %arg7[%run_scoped3A_637, %dma_wait3A_678] : memref<8x32xi32, #tpu.memory_space<vmem>> -> memref<1x32xi32, #tpu.memory_space<vmem>>
        %dma_wait3A_680 = tpu.memref_squeeze %dma_wait3A_679 : memref<1x32xi32, #tpu.memory_space<vmem>> -> memref<32xi32, #tpu.memory_space<vmem>>
        %dma_wait3A_681 = arith.constant 0 : i32
        %dma_wait3A_682 = arith.constant 0 : i32
        %dma_wait3A_683 = tpu.memref_slice %arg13[%dma_wait3A_681, %dma_wait3A_682] : memref<10240x128xf32, #tpu.memory_space<vmem_shared>> -> memref<10240x128xf32, #tpu.memory_space<vmem_shared>>
        tpu.wait_indirect_dma semaphore(%run_scoped3A_671 : memref<!tpu.dma_semaphore, #tpu.memory_space<semaphore_mem>>) src(%arg10 : memref<32x128xf32, #tpu.memory_space<vmem>>) dst(%dma_wait3A_683 : memref<10240x128xf32, #tpu.memory_space<vmem_shared>>)
        tpu.yield
      }) : () -> ()
      %run_scoped3A_638 = arith.constant 3 : i32
      "tpu.region"() ({
        %run_scoped3A_671 = tpu.sem_alloc : memref<!tpu.dma_semaphore, #tpu.memory_space<semaphore_mem>>
        %dma_start3A_672 = arith.constant 0 : i32
        %dma_start3A_673 = tpu.memref_slice %arg7[%run_scoped3A_638, %dma_start3A_672] : memref<8x32xi32, #tpu.memory_space<vmem>> -> memref<1x32xi32, #tpu.memory_space<vmem>>
        %dma_start3A_674 = tpu.memref_squeeze %dma_start3A_673 : memref<1x32xi32, #tpu.memory_space<vmem>> -> memref<32xi32, #tpu.memory_space<vmem>>
        %dma_start3A_675 = arith.constant 0 : i32
        %dma_start3A_676 = arith.constant 0 : i32
        %dma_start3A_677 = tpu.memref_slice %arg13[%dma_start3A_675, %dma_start3A_676] : memref<10240x128xf32, #tpu.memory_space<vmem_shared>> -> memref<10240x128xf32, #tpu.memory_space<vmem_shared>>
        tpu.enqueue_indirect_dma source(%arg11 : memref<32x128xf32, #tpu.memory_space<vmem>>) target(%dma_start3A_677 : memref<10240x128xf32, #tpu.memory_space<vmem_shared>>) offsets(%dma_start3A_674 : memref<32xi32, #tpu.memory_space<vmem>>) semaphore(%run_scoped3A_671 : memref<!tpu.dma_semaphore, #tpu.memory_space<semaphore_mem>>) {add = true}
        %dma_wait3A_678 = arith.constant 0 : i32
        %dma_wait3A_679 = tpu.memref_slice %arg7[%run_scoped3A_638, %dma_wait3A_678] : memref<8x32xi32, #tpu.memory_space<vmem>> -> memref<1x32xi32, #tpu.memory_space<vmem>>
        %dma_wait3A_680 = tpu.memref_squeeze %dma_wait3A_679 : memref<1x32xi32, #tpu.memory_space<vmem>> -> memref<32xi32, #tpu.memory_space<vmem>>
        %dma_wait3A_681 = arith.constant 0 : i32
        %dma_wait3A_682 = arith.constant 0 : i32
        %dma_wait3A_683 = tpu.memref_slice %arg13[%dma_wait3A_681, %dma_wait3A_682] : memref<10240x128xf32, #tpu.memory_space<vmem_shared>> -> memref<10240x128xf32, #tpu.memory_space<vmem_shared>>
        tpu.wait_indirect_dma semaphore(%run_scoped3A_671 : memref<!tpu.dma_semaphore, #tpu.memory_space<semaphore_mem>>) src(%arg11 : memref<32x128xf32, #tpu.memory_space<vmem>>) dst(%dma_wait3A_683 : memref<10240x128xf32, #tpu.memory_space<vmem_shared>>)
        tpu.yield
      }) : () -> ()
      %dma_wait3A_639 = arith.constant 4 : i32
      %dma_wait3A_640 = arith.constant 0 : i32
      %dma_wait3A_641 = tpu.memref_slice %arg6[%dma_wait3A_639, %dma_wait3A_640] : memref<8x32xi32, #tpu.memory_space<vmem>> -> memref<1x32xi32, #tpu.memory_space<vmem>>
      %dma_wait3A_642 = tpu.memref_squeeze %dma_wait3A_641 : memref<1x32xi32, #tpu.memory_space<vmem>> -> memref<32xi32, #tpu.memory_space<vmem>>
      %dma_wait3A_643 = arith.constant 0 : i32
      %dma_wait3A_644 = arith.constant 0 : i32
      %dma_wait3A_645 = tpu.memref_slice %arg2[%dma_wait3A_643, %dma_wait3A_644] : memref<10240x128xf32, #tpu.memory_space<hbm>> -> memref<10240x128xf32, #tpu.memory_space<hbm>>
      tpu.wait_indirect_dma semaphore(%arg14 : memref<!tpu.dma_semaphore, #tpu.memory_space<semaphore_mem>>) src(%dma_wait3A_645 : memref<10240x128xf32, #tpu.memory_space<hbm>>) dst(%arg8 : memref<32x128xf32, #tpu.memory_space<vmem>>)
      %dma_wait3A_646 = arith.constant 5 : i32
      %dma_wait3A_647 = arith.constant 0 : i32
      %dma_wait3A_648 = tpu.memref_slice %arg6[%dma_wait3A_646, %dma_wait3A_647] : memref<8x32xi32, #tpu.memory_space<vmem>> -> memref<1x32xi32, #tpu.memory_space<vmem>>
      %dma_wait3A_649 = tpu.memref_squeeze %dma_wait3A_648 : memref<1x32xi32, #tpu.memory_space<vmem>> -> memref<32xi32, #tpu.memory_space<vmem>>
      %dma_wait3A_650 = arith.constant 0 : i32
      %dma_wait3A_651 = arith.constant 0 : i32
      %dma_wait3A_652 = tpu.memref_slice %arg2[%dma_wait3A_650, %dma_wait3A_651] : memref<10240x128xf32, #tpu.memory_space<hbm>> -> memref<10240x128xf32, #tpu.memory_space<hbm>>
      tpu.wait_indirect_dma semaphore(%arg14 : memref<!tpu.dma_semaphore, #tpu.memory_space<semaphore_mem>>) src(%dma_wait3A_652 : memref<10240x128xf32, #tpu.memory_space<hbm>>) dst(%arg9 : memref<32x128xf32, #tpu.memory_space<vmem>>)
      %dma_wait3A_653 = arith.constant 6 : i32
      %dma_wait3A_654 = arith.constant 0 : i32
      %dma_wait3A_655 = tpu.memref_slice %arg6[%dma_wait3A_653, %dma_wait3A_654] : memref<8x32xi32, #tpu.memory_space<vmem>> -> memref<1x32xi32, #tpu.memory_space<vmem>>
      %dma_wait3A_656 = tpu.memref_squeeze %dma_wait3A_655 : memref<1x32xi32, #tpu.memory_space<vmem>> -> memref<32xi32, #tpu.memory_space<vmem>>
      %dma_wait3A_657 = arith.constant 0 : i32
      %dma_wait3A_658 = arith.constant 0 : i32
      %dma_wait3A_659 = tpu.memref_slice %arg2[%dma_wait3A_657, %dma_wait3A_658] : memref<10240x128xf32, #tpu.memory_space<hbm>> -> memref<10240x128xf32, #tpu.memory_space<hbm>>
      tpu.wait_indirect_dma semaphore(%arg14 : memref<!tpu.dma_semaphore, #tpu.memory_space<semaphore_mem>>) src(%dma_wait3A_659 : memref<10240x128xf32, #tpu.memory_space<hbm>>) dst(%arg10 : memref<32x128xf32, #tpu.memory_space<vmem>>)
      %dma_wait3A_660 = arith.constant 7 : i32
      %dma_wait3A_661 = arith.constant 0 : i32
      %dma_wait3A_662 = tpu.memref_slice %arg6[%dma_wait3A_660, %dma_wait3A_661] : memref<8x32xi32, #tpu.memory_space<vmem>> -> memref<1x32xi32, #tpu.memory_space<vmem>>
      %dma_wait3A_663 = tpu.memref_squeeze %dma_wait3A_662 : memref<1x32xi32, #tpu.memory_space<vmem>> -> memref<32xi32, #tpu.memory_space<vmem>>
      %dma_wait3A_664 = arith.constant 0 : i32
      %dma_wait3A_665 = arith.constant 0 : i32
      %dma_wait3A_666 = tpu.memref_slice %arg2[%dma_wait3A_664, %dma_wait3A_665] : memref<10240x128xf32, #tpu.memory_space<hbm>> -> memref<10240x128xf32, #tpu.memory_space<hbm>>
      tpu.wait_indirect_dma semaphore(%arg14 : memref<!tpu.dma_semaphore, #tpu.memory_space<semaphore_mem>>) src(%dma_wait3A_666 : memref<10240x128xf32, #tpu.memory_space<hbm>>) dst(%arg11 : memref<32x128xf32, #tpu.memory_space<vmem>>)
      %run_scoped3A_667 = arith.constant 4 : i32
      "tpu.region"() ({
        %run_scoped3A_671 = tpu.sem_alloc : memref<!tpu.dma_semaphore, #tpu.memory_space<semaphore_mem>>
        %dma_start3A_672 = arith.constant 0 : i32
        %dma_start3A_673 = tpu.memref_slice %arg7[%run_scoped3A_667, %dma_start3A_672] : memref<8x32xi32, #tpu.memory_space<vmem>> -> memref<1x32xi32, #tpu.memory_space<vmem>>
        %dma_start3A_674 = tpu.memref_squeeze %dma_start3A_673 : memref<1x32xi32, #tpu.memory_space<vmem>> -> memref<32xi32, #tpu.memory_space<vmem>>
        %dma_start3A_675 = arith.constant 0 : i32
        %dma_start3A_676 = arith.constant 0 : i32
        %dma_start3A_677 = tpu.memref_slice %arg13[%dma_start3A_675, %dma_start3A_676] : memref<10240x128xf32, #tpu.memory_space<vmem_shared>> -> memref<10240x128xf32, #tpu.memory_space<vmem_shared>>
        tpu.enqueue_indirect_dma source(%arg8 : memref<32x128xf32, #tpu.memory_space<vmem>>) target(%dma_start3A_677 : memref<10240x128xf32, #tpu.memory_space<vmem_shared>>) offsets(%dma_start3A_674 : memref<32xi32, #tpu.memory_space<vmem>>) semaphore(%run_scoped3A_671 : memref<!tpu.dma_semaphore, #tpu.memory_space<semaphore_mem>>) {add = true}
        %dma_wait3A_678 = arith.constant 0 : i32
        %dma_wait3A_679 = tpu.memref_slice %arg7[%run_scoped3A_667, %dma_wait3A_678] : memref<8x32xi32, #tpu.memory_space<vmem>> -> memref<1x32xi32, #tpu.memory_space<vmem>>
        %dma_wait3A_680 = tpu.memref_squeeze %dma_wait3A_679 : memref<1x32xi32, #tpu.memory_space<vmem>> -> memref<32xi32, #tpu.memory_space<vmem>>
        %dma_wait3A_681 = arith.constant 0 : i32
        %dma_wait3A_682 = arith.constant 0 : i32
        %dma_wait3A_683 = tpu.memref_slice %arg13[%dma_wait3A_681, %dma_wait3A_682] : memref<10240x128xf32, #tpu.memory_space<vmem_shared>> -> memref<10240x128xf32, #tpu.memory_space<vmem_shared>>
        tpu.wait_indirect_dma semaphore(%run_scoped3A_671 : memref<!tpu.dma_semaphore, #tpu.memory_space<semaphore_mem>>) src(%arg8 : memref<32x128xf32, #tpu.memory_space<vmem>>) dst(%dma_wait3A_683 : memref<10240x128xf32, #tpu.memory_space<vmem_shared>>)
        tpu.yield
      }) : () -> ()
      %run_scoped3A_668 = arith.constant 5 : i32
      "tpu.region"() ({
        %run_scoped3A_671 = tpu.sem_alloc : memref<!tpu.dma_semaphore, #tpu.memory_space<semaphore_mem>>
        %dma_start3A_672 = arith.constant 0 : i32
        %dma_start3A_673 = tpu.memref_slice %arg7[%run_scoped3A_668, %dma_start3A_672] : memref<8x32xi32, #tpu.memory_space<vmem>> -> memref<1x32xi32, #tpu.memory_space<vmem>>
        %dma_start3A_674 = tpu.memref_squeeze %dma_start3A_673 : memref<1x32xi32, #tpu.memory_space<vmem>> -> memref<32xi32, #tpu.memory_space<vmem>>
        %dma_start3A_675 = arith.constant 0 : i32
        %dma_start3A_676 = arith.constant 0 : i32
        %dma_start3A_677 = tpu.memref_slice %arg13[%dma_start3A_675, %dma_start3A_676] : memref<10240x128xf32, #tpu.memory_space<vmem_shared>> -> memref<10240x128xf32, #tpu.memory_space<vmem_shared>>
        tpu.enqueue_indirect_dma source(%arg9 : memref<32x128xf32, #tpu.memory_space<vmem>>) target(%dma_start3A_677 : memref<10240x128xf32, #tpu.memory_space<vmem_shared>>) offsets(%dma_start3A_674 : memref<32xi32, #tpu.memory_space<vmem>>) semaphore(%run_scoped3A_671 : memref<!tpu.dma_semaphore, #tpu.memory_space<semaphore_mem>>) {add = true}
        %dma_wait3A_678 = arith.constant 0 : i32
        %dma_wait3A_679 = tpu.memref_slice %arg7[%run_scoped3A_668, %dma_wait3A_678] : memref<8x32xi32, #tpu.memory_space<vmem>> -> memref<1x32xi32, #tpu.memory_space<vmem>>
        %dma_wait3A_680 = tpu.memref_squeeze %dma_wait3A_679 : memref<1x32xi32, #tpu.memory_space<vmem>> -> memref<32xi32, #tpu.memory_space<vmem>>
        %dma_wait3A_681 = arith.constant 0 : i32
        %dma_wait3A_682 = arith.constant 0 : i32
        %dma_wait3A_683 = tpu.memref_slice %arg13[%dma_wait3A_681, %dma_wait3A_682] : memref<10240x128xf32, #tpu.memory_space<vmem_shared>> -> memref<10240x128xf32, #tpu.memory_space<vmem_shared>>
        tpu.wait_indirect_dma semaphore(%run_scoped3A_671 : memref<!tpu.dma_semaphore, #tpu.memory_space<semaphore_mem>>) src(%arg9 : memref<32x128xf32, #tpu.memory_space<vmem>>) dst(%dma_wait3A_683 : memref<10240x128xf32, #tpu.memory_space<vmem_shared>>)
        tpu.yield
      }) : () -> ()
      %run_scoped3A_669 = arith.constant 6 : i32
      "tpu.region"() ({
        %run_scoped3A_671 = tpu.sem_alloc : memref<!tpu.dma_semaphore, #tpu.memory_space<semaphore_mem>>
        %dma_start3A_672 = arith.constant 0 : i32
        %dma_start3A_673 = tpu.memref_slice %arg7[%run_scoped3A_669, %dma_start3A_672] : memref<8x32xi32, #tpu.memory_space<vmem>> -> memref<1x32xi32, #tpu.memory_space<vmem>>
        %dma_start3A_674 = tpu.memref_squeeze %dma_start3A_673 : memref<1x32xi32, #tpu.memory_space<vmem>> -> memref<32xi32, #tpu.memory_space<vmem>>
        %dma_start3A_675 = arith.constant 0 : i32
        %dma_start3A_676 = arith.constant 0 : i32
        %dma_start3A_677 = tpu.memref_slice %arg13[%dma_start3A_675, %dma_start3A_676] : memref<10240x128xf32, #tpu.memory_space<vmem_shared>> -> memref<10240x128xf32, #tpu.memory_space<vmem_shared>>
        tpu.enqueue_indirect_dma source(%arg10 : memref<32x128xf32, #tpu.memory_space<vmem>>) target(%dma_start3A_677 : memref<10240x128xf32, #tpu.memory_space<vmem_shared>>) offsets(%dma_start3A_674 : memref<32xi32, #tpu.memory_space<vmem>>) semaphore(%run_scoped3A_671 : memref<!tpu.dma_semaphore, #tpu.memory_space<semaphore_mem>>) {add = true}
        %dma_wait3A_678 = arith.constant 0 : i32
        %dma_wait3A_679 = tpu.memref_slice %arg7[%run_scoped3A_669, %dma_wait3A_678] : memref<8x32xi32, #tpu.memory_space<vmem>> -> memref<1x32xi32, #tpu.memory_space<vmem>>
        %dma_wait3A_680 = tpu.memref_squeeze %dma_wait3A_679 : memref<1x32xi32, #tpu.memory_space<vmem>> -> memref<32xi32, #tpu.memory_space<vmem>>
        %dma_wait3A_681 = arith.constant 0 : i32
        %dma_wait3A_682 = arith.constant 0 : i32
        %dma_wait3A_683 = tpu.memref_slice %arg13[%dma_wait3A_681, %dma_wait3A_682] : memref<10240x128xf32, #tpu.memory_space<vmem_shared>> -> memref<10240x128xf32, #tpu.memory_space<vmem_shared>>
        tpu.wait_indirect_dma semaphore(%run_scoped3A_671 : memref<!tpu.dma_semaphore, #tpu.memory_space<semaphore_mem>>) src(%arg10 : memref<32x128xf32, #tpu.memory_space<vmem>>) dst(%dma_wait3A_683 : memref<10240x128xf32, #tpu.memory_space<vmem_shared>>)
        tpu.yield
      }) : () -> ()
      %run_scoped3A_670 = arith.constant 7 : i32
      "tpu.region"() ({
        %run_scoped3A_671 = tpu.sem_alloc : memref<!tpu.dma_semaphore, #tpu.memory_space<semaphore_mem>>
        %dma_start3A_672 = arith.constant 0 : i32
        %dma_start3A_673 = tpu.memref_slice %arg7[%run_scoped3A_670, %dma_start3A_672] : memref<8x32xi32, #tpu.memory_space<vmem>> -> memref<1x32xi32, #tpu.memory_space<vmem>>
        %dma_start3A_674 = tpu.memref_squeeze %dma_start3A_673 : memref<1x32xi32, #tpu.memory_space<vmem>> -> memref<32xi32, #tpu.memory_space<vmem>>
        %dma_start3A_675 = arith.constant 0 : i32
        %dma_start3A_676 = arith.constant 0 : i32
        %dma_start3A_677 = tpu.memref_slice %arg13[%dma_start3A_675, %dma_start3A_676] : memref<10240x128xf32, #tpu.memory_space<vmem_shared>> -> memref<10240x128xf32, #tpu.memory_space<vmem_shared>>
        tpu.enqueue_indirect_dma source(%arg11 : memref<32x128xf32, #tpu.memory_space<vmem>>) target(%dma_start3A_677 : memref<10240x128xf32, #tpu.memory_space<vmem_shared>>) offsets(%dma_start3A_674 : memref<32xi32, #tpu.memory_space<vmem>>) semaphore(%run_scoped3A_671 : memref<!tpu.dma_semaphore, #tpu.memory_space<semaphore_mem>>) {add = true}
        %dma_wait3A_678 = arith.constant 0 : i32
        %dma_wait3A_679 = tpu.memref_slice %arg7[%run_scoped3A_670, %dma_wait3A_678] : memref<8x32xi32, #tpu.memory_space<vmem>> -> memref<1x32xi32, #tpu.memory_space<vmem>>
        %dma_wait3A_680 = tpu.memref_squeeze %dma_wait3A_679 : memref<1x32xi32, #tpu.memory_space<vmem>> -> memref<32xi32, #tpu.memory_space<vmem>>
        %dma_wait3A_681 = arith.constant 0 : i32
        %dma_wait3A_682 = arith.constant 0 : i32
        %dma_wait3A_683 = tpu.memref_slice %arg13[%dma_wait3A_681, %dma_wait3A_682] : memref<10240x128xf32, #tpu.memory_space<vmem_shared>> -> memref<10240x128xf32, #tpu.memory_space<vmem_shared>>
        tpu.wait_indirect_dma semaphore(%run_scoped3A_671 : memref<!tpu.dma_semaphore, #tpu.memory_space<semaphore_mem>>) src(%arg11 : memref<32x128xf32, #tpu.memory_space<vmem>>) dst(%dma_wait3A_683 : memref<10240x128xf32, #tpu.memory_space<vmem_shared>>)
        tpu.yield
      }) : () -> ()
    }
    %barrier3A_542 = arith.constant 0 : index
    tpu.barrier barrier_id(%barrier3A_542)
    %mul3A_543 = arith.constant 640 : i32
    %mul3A_544 = arith.muli %arg1, %mul3A_543 : i32
    %mul3A_545 = arith.constant 10240 : i32
    %mul3A_546 = arith.muli %arg0, %mul3A_545 : i32
    %mul3A_547 = arith.constant 640 : i32
    %mul3A_548 = arith.muli %arg1, %mul3A_547 : i32
    %add3A_549 = arith.addi %mul3A_546, %mul3A_548 : i32
    "tpu.region"() ({
      %run_scoped3A = tpu.sem_alloc : memref<!tpu.dma_semaphore, #tpu.memory_space<semaphore_mem>>
      %dma_start3A = arith.constant 0 : i32
      %dma_start3A_550 = tpu.memref_slice %arg5[%add3A_549, %dma_start3A] : memref<20480x128xf32, #tpu.memory_space<hbm>> -> memref<640x128xf32, #tpu.memory_space<hbm>>
      %dma_start3A_551 = arith.constant 0 : i32
      %dma_start3A_552 = tpu.memref_slice %arg13[%mul3A_544, %dma_start3A_551] : memref<10240x128xf32, #tpu.memory_space<vmem_shared>> -> memref<640x128xf32, #tpu.memory_space<vmem_shared>>
      tpu.enqueue_dma source(%dma_start3A_552 : memref<640x128xf32, #tpu.memory_space<vmem_shared>>) target(%dma_start3A_550 : memref<640x128xf32, #tpu.memory_space<hbm>>) target_semaphore(%run_scoped3A : memref<!tpu.dma_semaphore, #tpu.memory_space<semaphore_mem>>)
      %dma_wait3A = arith.constant 0 : i32
      %dma_wait3A_553 = tpu.memref_slice %arg5[%add3A_549, %dma_wait3A] : memref<20480x128xf32, #tpu.memory_space<hbm>> -> memref<640x128xf32, #tpu.memory_space<hbm>>
      %dma_wait3A_554 = arith.constant 0 : i32
      %dma_wait3A_555 = tpu.memref_slice %arg13[%mul3A_544, %dma_wait3A_554] : memref<10240x128xf32, #tpu.memory_space<vmem_shared>> -> memref<640x128xf32, #tpu.memory_space<vmem_shared>>
      tpu.wait_dma2 semaphore(%run_scoped3A : memref<!tpu.dma_semaphore, #tpu.memory_space<semaphore_mem>>) src(%dma_wait3A_555 : memref<640x128xf32, #tpu.memory_space<vmem_shared>>) dst(%dma_wait3A_553 : memref<640x128xf32, #tpu.memory_space<hbm>>)
      tpu.yield
    }) : () -> ()
    return
  }
}

module attributes {stable_mosaic.version = 14 : i64} {
  func.func @_dense1_body(%arg0: i32, %arg1: memref<2x256x128xf32, #tpu.memory_space<vmem>>, %arg2: memref<2x256x128xf32, #tpu.memory_space<vmem>>, %arg3: memref<256x128xf32, #tpu.memory_space<vmem>>, %arg4: memref<128x256xf32, #tpu.memory_space<vmem>>, %arg5: memref<1x256xf32, #tpu.memory_space<vmem>>, %arg6: memref<128x256xf32, #tpu.memory_space<vmem>>, %arg7: memref<256x128xf32, #tpu.memory_space<vmem>>, %arg8: memref<256x128xf32, #tpu.memory_space<vmem>>, %arg9: memref<256x128xf32, #tpu.memory_space<vmem>>, %arg10: memref<256x128xf32, #tpu.memory_space<vmem>>) attributes {dimension_semantics = [#tpu.dimension_semantics<arbitrary>], iteration_bounds = array<i64: 40>, scalar_prefetch = 0 : i64, scratch_operands = 0 : i64, tpu.core_type = #tpu.core_type<tc>, window_params = [{transform_indices = @transform_0, window_bounds = array<i64: 2, 256, 128>}, {transform_indices = @transform_1, window_bounds = array<i64: 2, 256, 128>}, {transform_indices = @transform_2, window_bounds = array<i64: 256, 128>}, {pipeline_mode = #tpu.pipeline_mode<synchronous>, transform_indices = @transform_3, window_bounds = array<i64: 128, 256>}, {pipeline_mode = #tpu.pipeline_mode<synchronous>, transform_indices = @transform_4, window_bounds = array<i64: 1, 256>}, {pipeline_mode = #tpu.pipeline_mode<synchronous>, transform_indices = @transform_5, window_bounds = array<i64: 128, 256>}, {pipeline_mode = #tpu.pipeline_mode<synchronous>, transform_indices = @transform_6, window_bounds = array<i64: 256, 128>}, {pipeline_mode = #tpu.pipeline_mode<synchronous>, transform_indices = @transform_7, window_bounds = array<i64: 256, 128>}, {transform_indices = @transform_8, window_bounds = array<i64: 256, 128>}, {transform_indices = @transform_9, window_bounds = array<i64: 256, 128>}]} {
    %get3A = arith.constant 0 : index
    %get3A_0 = arith.constant 0 : index
    %get3A_1 = arith.constant 0 : index
    %get3A_2 = vector.load %arg1[%get3A, %get3A_0, %get3A_1] : memref<2x256x128xf32, #tpu.memory_space<vmem>>, vector<1x256x128xf32>
    %get3A_3 = vector.shape_cast %get3A_2 : vector<1x256x128xf32> to vector<256x128xf32>
    %get3A_4 = arith.constant 1 : index
    %get3A_5 = arith.constant 0 : index
    %get3A_6 = arith.constant 0 : index
    %get3A_7 = vector.load %arg1[%get3A_4, %get3A_5, %get3A_6] : memref<2x256x128xf32, #tpu.memory_space<vmem>>, vector<1x256x128xf32>
    %get3A_8 = vector.shape_cast %get3A_7 : vector<1x256x128xf32> to vector<256x128xf32>
    %add3A = arith.addf %get3A_3, %get3A_8 : vector<256x128xf32>
    %get3A_9 = arith.constant 0 : index
    %get3A_10 = arith.constant 0 : index
    %get3A_11 = arith.constant 0 : index
    %get3A_12 = vector.load %arg2[%get3A_9, %get3A_10, %get3A_11] : memref<2x256x128xf32, #tpu.memory_space<vmem>>, vector<1x256x1xf32>
    %get3A_13 = vector.shape_cast %get3A_12 : vector<1x256x1xf32> to vector<256x1xf32>
    %get3A_14 = arith.constant 1 : index
    %get3A_15 = arith.constant 0 : index
    %get3A_16 = arith.constant 0 : index
    %get3A_17 = vector.load %arg2[%get3A_14, %get3A_15, %get3A_16] : memref<2x256x128xf32, #tpu.memory_space<vmem>>, vector<1x256x1xf32>
    %get3A_18 = vector.shape_cast %get3A_17 : vector<1x256x1xf32> to vector<256x1xf32>
    %add3A_19 = arith.addf %get3A_13, %get3A_18 : vector<256x1xf32>
    %max3A = arith.constant 1.000000e+00 : f32
    %max3A_20 = vector.broadcast %max3A : f32 to vector<256x1xf32>
    %max3A_21 = arith.maximumf %add3A_19, %max3A_20 : vector<256x1xf32>
    %div3A = vector.broadcast %max3A_21 : vector<256x1xf32> to vector<256x128xf32>
    %div3A_22 = arith.divf %add3A, %div3A : vector<256x128xf32>
    %get3A_23 = arith.constant 0 : index
    %get3A_24 = arith.constant 0 : index
    %get3A_25 = vector.load %arg4[%get3A_23, %get3A_24] : memref<128x256xf32, #tpu.memory_space<vmem>>, vector<128x256xf32>
    %dot_general3A = arith.constant dense<0.000000e+00> : vector<256x256xf32>
    %dot_general3A_26 = tpu.matmul %div3A_22, %get3A_25, %dot_general3A {dimension_numbers = #tpu.dot_dimension_numbers<[1], [0], [0], [1], [0, 0, 1, 1], [], []>, transpose_lhs_hint = false} : vector<256x128xf32>, vector<128x256xf32>, vector<256x256xf32> -> vector<256x256xf32>
    %get3A_27 = arith.constant 0 : index
    %get3A_28 = arith.constant 0 : index
    %get3A_29 = vector.load %arg5[%get3A_27, %get3A_28] : memref<1x256xf32, #tpu.memory_space<vmem>>, vector<1x256xf32>
    %add3A_30 = vector.broadcast %get3A_29 : vector<1x256xf32> to vector<256x256xf32>
    %add3A_31 = arith.addf %dot_general3A_26, %add3A_30 : vector<256x256xf32>
    %get3A_32 = arith.constant 0 : index
    %get3A_33 = arith.constant 0 : index
    %get3A_34 = vector.load %arg3[%get3A_32, %get3A_33] : memref<256x128xf32, #tpu.memory_space<vmem>>, vector<256x128xf32>
    %get3A_35 = arith.constant 0 : index
    %get3A_36 = arith.constant 0 : index
    %get3A_37 = vector.load %arg6[%get3A_35, %get3A_36] : memref<128x256xf32, #tpu.memory_space<vmem>>, vector<128x256xf32>
    %dot_general3A_38 = arith.constant dense<0.000000e+00> : vector<256x256xf32>
    %dot_general3A_39 = tpu.matmul %get3A_34, %get3A_37, %dot_general3A_38 {dimension_numbers = #tpu.dot_dimension_numbers<[1], [0], [0], [1], [0, 0, 1, 1], [], []>, transpose_lhs_hint = false} : vector<256x128xf32>, vector<128x256xf32>, vector<256x256xf32> -> vector<256x256xf32>
    %add3A_40 = arith.addf %add3A_31, %dot_general3A_39 : vector<256x256xf32>
    %max3A_41 = arith.constant 0.000000e+00 : f32
    %max3A_42 = vector.broadcast %max3A_41 : f32 to vector<256x256xf32>
    %max3A_43 = arith.maximumf %add3A_40, %max3A_42 : vector<256x256xf32>
    %get3A_44 = arith.constant 0 : index
    %get3A_45 = arith.constant 0 : index
    %get3A_46 = vector.load %arg7[%get3A_44, %get3A_45] : memref<256x128xf32, #tpu.memory_space<vmem>>, vector<256x128xf32>
    %dot_general3A_47 = arith.constant dense<0.000000e+00> : vector<256x128xf32>
    %dot_general3A_48 = tpu.matmul %max3A_43, %get3A_46, %dot_general3A_47 {dimension_numbers = #tpu.dot_dimension_numbers<[1], [0], [0], [1], [0, 0, 1, 1], [], []>, transpose_lhs_hint = false} : vector<256x256xf32>, vector<256x128xf32>, vector<256x128xf32> -> vector<256x128xf32>
    %swap3A = arith.constant 0 : index
    %swap3A_49 = arith.constant 0 : index
    %swap3A_50 = vector.load %arg9[%swap3A, %swap3A_49] : memref<256x128xf32, #tpu.memory_space<vmem>>, vector<256x128xf32>
    tpu.vector_store %arg9[%swap3A, %swap3A_49], %dot_general3A_48 {strides = array<i32>} : memref<256x128xf32, #tpu.memory_space<vmem>>, vector<256x128xf32>,
    %get3A_51 = arith.constant 0 : index
    %get3A_52 = arith.constant 0 : index
    %get3A_53 = vector.load %arg8[%get3A_51, %get3A_52] : memref<256x128xf32, #tpu.memory_space<vmem>>, vector<256x128xf32>
    %dot_general3A_54 = arith.constant dense<0.000000e+00> : vector<256x128xf32>
    %dot_general3A_55 = tpu.matmul %max3A_43, %get3A_53, %dot_general3A_54 {dimension_numbers = #tpu.dot_dimension_numbers<[1], [0], [0], [1], [0, 0, 1, 1], [], []>, transpose_lhs_hint = false} : vector<256x256xf32>, vector<256x128xf32>, vector<256x128xf32> -> vector<256x128xf32>
    %swap3A_56 = arith.constant 0 : index
    %swap3A_57 = arith.constant 0 : index
    %swap3A_58 = vector.load %arg10[%swap3A_56, %swap3A_57] : memref<256x128xf32, #tpu.memory_space<vmem>>, vector<256x128xf32>
    tpu.vector_store %arg10[%swap3A_56, %swap3A_57], %dot_general3A_55 {strides = array<i32>} : memref<256x128xf32, #tpu.memory_space<vmem>>, vector<256x128xf32>,
    return
  }
  func.func @transform_0(%arg0: i32) -> (i32, i32, i32) {
    %c0_i32 = arith.constant 0 : i32
    %c0_i32_0 = arith.constant 0 : i32
    %c0_i32_1 = arith.constant 0 : i32
    return %c0_i32, %arg0, %c0_i32_0 : i32, i32, i32
  }
  func.func @transform_1(%arg0: i32) -> (i32, i32, i32) {
    %c0_i32 = arith.constant 0 : i32
    %c0_i32_0 = arith.constant 0 : i32
    %c0_i32_1 = arith.constant 0 : i32
    return %c0_i32, %arg0, %c0_i32_0 : i32, i32, i32
  }
  func.func @transform_2(%arg0: i32) -> (i32, i32) {
    %c0_i32 = arith.constant 0 : i32
    %c0_i32_0 = arith.constant 0 : i32
    return %arg0, %c0_i32 : i32, i32
  }
  func.func @transform_3(%arg0: i32) -> (i32, i32) {
    %c0_i32 = arith.constant 0 : i32
    %c0_i32_0 = arith.constant 0 : i32
    %c0_i32_1 = arith.constant 0 : i32
    return %c0_i32, %c0_i32_0 : i32, i32
  }
  func.func @transform_4(%arg0: i32) -> (i32, i32) {
    %c0_i32 = arith.constant 0 : i32
    %c0_i32_0 = arith.constant 0 : i32
    %c0_i32_1 = arith.constant 0 : i32
    return %c0_i32, %c0_i32_0 : i32, i32
  }
  func.func @transform_5(%arg0: i32) -> (i32, i32) {
    %c0_i32 = arith.constant 0 : i32
    %c0_i32_0 = arith.constant 0 : i32
    %c0_i32_1 = arith.constant 0 : i32
    return %c0_i32, %c0_i32_0 : i32, i32
  }
  func.func @transform_6(%arg0: i32) -> (i32, i32) {
    %c0_i32 = arith.constant 0 : i32
    %c0_i32_0 = arith.constant 0 : i32
    %c0_i32_1 = arith.constant 0 : i32
    return %c0_i32, %c0_i32_0 : i32, i32
  }
  func.func @transform_7(%arg0: i32) -> (i32, i32) {
    %c0_i32 = arith.constant 0 : i32
    %c0_i32_0 = arith.constant 0 : i32
    %c0_i32_1 = arith.constant 0 : i32
    return %c0_i32, %c0_i32_0 : i32, i32
  }
  func.func @transform_8(%arg0: i32) -> (i32, i32) {
    %c0_i32 = arith.constant 0 : i32
    %c0_i32_0 = arith.constant 0 : i32
    return %arg0, %c0_i32 : i32, i32
  }
  func.func @transform_9(%arg0: i32) -> (i32, i32) {
    %c0_i32 = arith.constant 0 : i32
    %c0_i32_0 = arith.constant 0 : i32
    return %arg0, %c0_i32 : i32, i32
  }
}

module attributes {stable_mosaic.version = 14 : i64} {
  func.func @_dense2_body(%arg0: i32, %arg1: memref<2x256x128xf32, #tpu.memory_space<vmem>>, %arg2: memref<2x256x128xf32, #tpu.memory_space<vmem>>, %arg3: memref<256x128xf32, #tpu.memory_space<vmem>>, %arg4: memref<1x128xf32, #tpu.memory_space<vmem>>, %arg5: memref<1x1x256xi32, #tpu.memory_space<vmem>>, %arg6: memref<64x128xf32, #tpu.memory_space<vmem>>, %arg7: memref<64x128xf32, #tpu.memory_space<vmem>>, %arg8: memref<64x128xf32, #tpu.memory_space<vmem>>) attributes {dimension_semantics = [#tpu.dimension_semantics<arbitrary>], iteration_bounds = array<i64: 40>, scalar_prefetch = 0 : i64, scratch_operands = 2 : i64, tpu.core_type = #tpu.core_type<tc>, window_params = [{transform_indices = @transform_0, window_bounds = array<i64: 2, 256, 128>}, {transform_indices = @transform_1, window_bounds = array<i64: 2, 256, 128>}, {transform_indices = @transform_2, window_bounds = array<i64: 256, 128>}, {pipeline_mode = #tpu.pipeline_mode<synchronous>, transform_indices = @transform_3, window_bounds = array<i64: 1, 128>}, {transform_indices = @transform_4, window_bounds = array<i64: 1, 1, 256>}, {pipeline_mode = #tpu.pipeline_mode<synchronous>, transform_indices = @transform_5, window_bounds = array<i64: 64, 128>}]} {
    %get3A = arith.constant 0 : index
    %get3A_0 = arith.constant 0 : index
    %get3A_1 = arith.constant 0 : index
    %get3A_2 = vector.load %arg1[%get3A, %get3A_0, %get3A_1] : memref<2x256x128xf32, #tpu.memory_space<vmem>>, vector<1x256x128xf32>
    %get3A_3 = vector.shape_cast %get3A_2 : vector<1x256x128xf32> to vector<256x128xf32>
    %get3A_4 = arith.constant 1 : index
    %get3A_5 = arith.constant 0 : index
    %get3A_6 = arith.constant 0 : index
    %get3A_7 = vector.load %arg1[%get3A_4, %get3A_5, %get3A_6] : memref<2x256x128xf32, #tpu.memory_space<vmem>>, vector<1x256x128xf32>
    %get3A_8 = vector.shape_cast %get3A_7 : vector<1x256x128xf32> to vector<256x128xf32>
    %add3A = arith.addf %get3A_3, %get3A_8 : vector<256x128xf32>
    %get3A_9 = arith.constant 0 : index
    %get3A_10 = arith.constant 0 : index
    %get3A_11 = arith.constant 0 : index
    %get3A_12 = vector.load %arg2[%get3A_9, %get3A_10, %get3A_11] : memref<2x256x128xf32, #tpu.memory_space<vmem>>, vector<1x256x1xf32>
    %get3A_13 = vector.shape_cast %get3A_12 : vector<1x256x1xf32> to vector<256x1xf32>
    %get3A_14 = arith.constant 1 : index
    %get3A_15 = arith.constant 0 : index
    %get3A_16 = arith.constant 0 : index
    %get3A_17 = vector.load %arg2[%get3A_14, %get3A_15, %get3A_16] : memref<2x256x128xf32, #tpu.memory_space<vmem>>, vector<1x256x1xf32>
    %get3A_18 = vector.shape_cast %get3A_17 : vector<1x256x1xf32> to vector<256x1xf32>
    %add3A_19 = arith.addf %get3A_13, %get3A_18 : vector<256x1xf32>
    %max3A = arith.constant 1.000000e+00 : f32
    %max3A_20 = vector.broadcast %max3A : f32 to vector<256x1xf32>
    %max3A_21 = arith.maximumf %add3A_19, %max3A_20 : vector<256x1xf32>
    %div3A = vector.broadcast %max3A_21 : vector<256x1xf32> to vector<256x128xf32>
    %div3A_22 = arith.divf %add3A, %div3A : vector<256x128xf32>
    %get3A_23 = arith.constant 0 : index
    %get3A_24 = arith.constant 0 : index
    %get3A_25 = vector.load %arg4[%get3A_23, %get3A_24] : memref<1x128xf32, #tpu.memory_space<vmem>>, vector<1x128xf32>
    %add3A_26 = vector.broadcast %get3A_25 : vector<1x128xf32> to vector<256x128xf32>
    %add3A_27 = arith.addf %div3A_22, %add3A_26 : vector<256x128xf32>
    %get3A_28 = arith.constant 0 : index
    %get3A_29 = arith.constant 0 : index
    %get3A_30 = vector.load %arg3[%get3A_28, %get3A_29] : memref<256x128xf32, #tpu.memory_space<vmem>>, vector<256x128xf32>
    %add3A_31 = arith.addf %add3A_27, %get3A_30 : vector<256x128xf32>
    %get3A_32 = arith.constant 0 : index
    %get3A_33 = arith.constant 0 : index
    %get3A_34 = arith.constant 0 : index
    %get3A_35 = vector.load %arg5[%get3A_32, %get3A_33, %get3A_34] : memref<1x1x256xi32, #tpu.memory_space<vmem>>, vector<1x1x256xi32>
    %get3A_36 = vector.shape_cast %get3A_35 : vector<1x1x256xi32> to vector<256xi32>
    %iota3A = tpu.iota {dimensions = array<i32: 1>} : vector<256x64xi32>
    %broadcast_in_dim3A = vector.shape_cast %get3A_36 : vector<256xi32> to vector<256x1xi32>
    %eq3A = vector.broadcast %broadcast_in_dim3A : vector<256x1xi32> to vector<256x64xi32>
    %eq3A_37 = arith.cmpi eq, %eq3A, %iota3A : vector<256x64xi32>
    %convert_element_type3A = arith.extui %eq3A_37 : vector<256x64xi1> to vector<256x64xi32>
    %convert_element_type3A_38 = arith.sitofp %convert_element_type3A : vector<256x64xi32> to vector<256x64xf32>
    %dot_general3A = arith.constant dense<0.000000e+00> : vector<64x128xf32>
    %dot_general3A_39 = tpu.matmul %convert_element_type3A_38, %add3A_31, %dot_general3A {dimension_numbers = #tpu.dot_dimension_numbers<[0], [0], [1], [1], [0, 1, 1, 1], [], []>, transpose_lhs_hint = false} : vector<256x64xf32>, vector<256x128xf32>, vector<64x128xf32> -> vector<64x128xf32>
    %broadcast_in_dim3A_40 = arith.constant 1.000000e+00 : f32
    %broadcast_in_dim3A_41 = vector.broadcast %broadcast_in_dim3A_40 : f32 to vector<256x128xf32>
    %dot_general3A_42 = arith.constant dense<0.000000e+00> : vector<64x128xf32>
    %dot_general3A_43 = tpu.matmul %convert_element_type3A_38, %broadcast_in_dim3A_41, %dot_general3A_42 {dimension_numbers = #tpu.dot_dimension_numbers<[0], [0], [1], [1], [0, 1, 1, 1], [], []>, transpose_lhs_hint = false} : vector<256x64xf32>, vector<256x128xf32>, vector<64x128xf32> -> vector<64x128xf32>
    %eq3A_44 = arith.constant 0 : i32
    %eq3A_45 = arith.cmpi eq, %arg0, %eq3A_44 : i32
    %convert_element_type3A_46 = arith.extui %eq3A_45 : i1 to i32
    %cond3A = arith.constant 0 : i32
    %cond3A_47 = arith.cmpi ne, %convert_element_type3A_46, %cond3A : i32
    scf.if %cond3A_47 {
      %broadcast_in_dim3A_66 = arith.constant 0.000000e+00 : f32
      %broadcast_in_dim3A_67 = vector.broadcast %broadcast_in_dim3A_66 : f32 to vector<64x128xf32>
      %swap3A_68 = arith.constant 0 : index
      %swap3A_69 = arith.constant 0 : index
      %swap3A_70 = vector.load %arg7[%swap3A_68, %swap3A_69] : memref<64x128xf32, #tpu.memory_space<vmem>>, vector<64x128xf32>
      tpu.vector_store %arg7[%swap3A_68, %swap3A_69], %broadcast_in_dim3A_67 {strides = array<i32>} : memref<64x128xf32, #tpu.memory_space<vmem>>, vector<64x128xf32>,
      %broadcast_in_dim3A_71 = arith.constant 0.000000e+00 : f32
      %broadcast_in_dim3A_72 = vector.broadcast %broadcast_in_dim3A_71 : f32 to vector<64x128xf32>
      %swap3A_73 = arith.constant 0 : index
      %swap3A_74 = arith.constant 0 : index
      %swap3A_75 = vector.load %arg8[%swap3A_73, %swap3A_74] : memref<64x128xf32, #tpu.memory_space<vmem>>, vector<64x128xf32>
      tpu.vector_store %arg8[%swap3A_73, %swap3A_74], %broadcast_in_dim3A_72 {strides = array<i32>} : memref<64x128xf32, #tpu.memory_space<vmem>>, vector<64x128xf32>,
    } else {
    }
    %get3A_48 = arith.constant 0 : index
    %get3A_49 = arith.constant 0 : index
    %get3A_50 = vector.load %arg7[%get3A_48, %get3A_49] : memref<64x128xf32, #tpu.memory_space<vmem>>, vector<64x128xf32>
    %add3A_51 = arith.addf %get3A_50, %dot_general3A_39 : vector<64x128xf32>
    %swap3A = arith.constant 0 : index
    %swap3A_52 = arith.constant 0 : index
    %swap3A_53 = vector.load %arg7[%swap3A, %swap3A_52] : memref<64x128xf32, #tpu.memory_space<vmem>>, vector<64x128xf32>
    tpu.vector_store %arg7[%swap3A, %swap3A_52], %add3A_51 {strides = array<i32>} : memref<64x128xf32, #tpu.memory_space<vmem>>, vector<64x128xf32>,
    %get3A_54 = arith.constant 0 : index
    %get3A_55 = arith.constant 0 : index
    %get3A_56 = vector.load %arg8[%get3A_54, %get3A_55] : memref<64x128xf32, #tpu.memory_space<vmem>>, vector<64x128xf32>
    %add3A_57 = arith.addf %get3A_56, %dot_general3A_43 : vector<64x128xf32>
    %swap3A_58 = arith.constant 0 : index
    %swap3A_59 = arith.constant 0 : index
    %swap3A_60 = vector.load %arg8[%swap3A_58, %swap3A_59] : memref<64x128xf32, #tpu.memory_space<vmem>>, vector<64x128xf32>
    tpu.vector_store %arg8[%swap3A_58, %swap3A_59], %add3A_57 {strides = array<i32>} : memref<64x128xf32, #tpu.memory_space<vmem>>, vector<64x128xf32>,
    %eq3A_61 = arith.constant 39 : i32
    %eq3A_62 = arith.cmpi eq, %arg0, %eq3A_61 : i32
    %convert_element_type3A_63 = arith.extui %eq3A_62 : i1 to i32
    %cond3A_64 = arith.constant 0 : i32
    %cond3A_65 = arith.cmpi ne, %convert_element_type3A_63, %cond3A_64 : i32
    scf.if %cond3A_65 {
      %get3A_66 = arith.constant 0 : index
      %get3A_67 = arith.constant 0 : index
      %get3A_68 = vector.load %arg7[%get3A_66, %get3A_67] : memref<64x128xf32, #tpu.memory_space<vmem>>, vector<64x128xf32>
      %get3A_69 = arith.constant 0 : index
      %get3A_70 = arith.constant 0 : index
      %get3A_71 = vector.load %arg8[%get3A_69, %get3A_70] : memref<64x128xf32, #tpu.memory_space<vmem>>, vector<64x128xf32>
      %max3A_72 = arith.constant 1.000000e+00 : f32
      %max3A_73 = vector.broadcast %max3A_72 : f32 to vector<64x128xf32>
      %max3A_74 = arith.maximumf %get3A_71, %max3A_73 : vector<64x128xf32>
      %div3A_75 = arith.divf %get3A_68, %max3A_74 : vector<64x128xf32>
      %swap3A_76 = arith.constant 0 : index
      %swap3A_77 = arith.constant 0 : index
      %swap3A_78 = vector.load %arg6[%swap3A_76, %swap3A_77] : memref<64x128xf32, #tpu.memory_space<vmem>>, vector<64x128xf32>
      tpu.vector_store %arg6[%swap3A_76, %swap3A_77], %div3A_75 {strides = array<i32>} : memref<64x128xf32, #tpu.memory_space<vmem>>, vector<64x128xf32>,
    } else {
    }
    return
  }
  func.func @transform_0(%arg0: i32) -> (i32, i32, i32) {
    %c0_i32 = arith.constant 0 : i32
    %c0_i32_0 = arith.constant 0 : i32
    %c0_i32_1 = arith.constant 0 : i32
    return %c0_i32, %arg0, %c0_i32_0 : i32, i32, i32
  }
  func.func @transform_1(%arg0: i32) -> (i32, i32, i32) {
    %c0_i32 = arith.constant 0 : i32
    %c0_i32_0 = arith.constant 0 : i32
    %c0_i32_1 = arith.constant 0 : i32
    return %c0_i32, %arg0, %c0_i32_0 : i32, i32, i32
  }
  func.func @transform_2(%arg0: i32) -> (i32, i32) {
    %c0_i32 = arith.constant 0 : i32
    %c0_i32_0 = arith.constant 0 : i32
    return %arg0, %c0_i32 : i32, i32
  }
  func.func @transform_3(%arg0: i32) -> (i32, i32) {
    %c0_i32 = arith.constant 0 : i32
    %c0_i32_0 = arith.constant 0 : i32
    %c0_i32_1 = arith.constant 0 : i32
    return %c0_i32, %c0_i32_0 : i32, i32
  }
  func.func @transform_4(%arg0: i32) -> (i32, i32, i32) {
    %c0_i32 = arith.constant 0 : i32
    %c0_i32_0 = arith.constant 0 : i32
    %c0_i32_1 = arith.constant 0 : i32
    return %arg0, %c0_i32, %c0_i32_0 : i32, i32, i32
  }
  func.func @transform_5(%arg0: i32) -> (i32, i32) {
    %c0_i32 = arith.constant 0 : i32
    %c0_i32_0 = arith.constant 0 : i32
    %c0_i32_1 = arith.constant 0 : i32
    return %c0_i32, %c0_i32_0 : i32, i32
  }
}

</mosaic_0001>

<sc_bundles>
// kernel: kernel.10.cloned.1.call-start
scs
__scs_entry_jumppad:
0x0: {  	(pc) =	sbr.rel $0x88, $3  }
0x1: {  	(tag) =	ssettag $0x0;
	lr =	simm.s32 $0x1  }
0x2: {  	[smem:$0x3F98] =	sst lr;
	_ =	strace $0xD0000000  }
0x3: {  	_ = 	snop  }
0x4: {  	_ = 	snop  }
0x5: {  	_ = 	snop  }
0x6: {  	_ = 	snop  }
0x7: {  	_ = 	snop  }
__scs_overlays_trampoline_lowered:
0x8: {  	[smem:$0x3FA7] =	sst s0  }
0x9: {  	[smem:$0x3FA8] =	sst s1  }
0xa: {  	[smem:$0x3FA9] =	sst s2  }
0xb: {  	[smem:$0x3FAA] =	sst s3  }
0xc: {  	[smem:$0x3FAB] =	sst s4  }
0xd: {  	[smem:$0x3FAC] =	sst s5  }
0xe: {  	[smem:$0x3FAD] =	sst s6  }
0xf: {  	[smem:$0x3FAE] =	sst s7  }
0x10: {  	[smem:$0x3FAF] =	sst s8  }
0x11: {  	[smem:$0x3FB0] =	sst s9;
	s0 =	simm.s32 @!p0 $0x0  }
0x12: {  	s1 =	sld [smem:$0x3F96];
	s0 =	simm.s32 @p0 $0x1  }
0x13: {  	[smem:$0x3FB1] =	sst s0;
	s0 =	simm.s32 @!p1 $0x0  }
0x14: {  	s2 =	sld [smem:$0x3F95];
	s0 =	simm.s32 @p1 $0x1  }
0x15: {  	[smem:$0x3FB2] =	sst s0;
	s0 =	simm.s32 @!p2 $0x0  }
0x16: {  	s3 =	sld [smem:$0x3FDB];
	s0 =	simm.s32 @p2 $0x1  }
0x17: {  	s4 =	simm.s32 $0x1BF5;
	[smem:$0x3FB4] =	sst s0  }
0x18: {  	s0 =	sld [smem:$0x3F97];
	_ =	swait.ge [sflag:s4], $0x0  }
0x19: {  	s7 =	sld [smem:$0x3F98]  }
0x1a: {  	s8 =	sadd.s32 $0xFFFFE003, lr  }
0x1b: {  	s9 =	sadd.s32 $0xFFFFFEF7, lr;
	s5 =	simm.s32 $0xFFFFFFFF;
	p2 =	slt.u32 s8, $0xFFFFF086  }
0x1c: {  	p1 =	slt.u32 s9, $0xF7A;
	s5 =	simm.s32 @!p2 $0x0  }
0x1d: {  	s5 =	simm.s32 @p1 $0x1;
	p0 =	seq.s32 s7, s2  }
0x1e: {  	s7 =	smul.u32 @!p0 $0xF7A, s2;
	p2 =	seq.s32 @!p0 s5, $0x0  }
0x1f: {  	s9 =	smul.u32 $0xF7A, s1;
	s8 =	simm.s32 @!p0 $0x1BF5;
	p2 =	por !p2, p0  }
0x20: {  	[sflag:s8] =	ssyncset.s32 @!p0 $0xFFFFF086;
	s6 =	sadd.s32 @!p0 s3, s7;
	s7 =	simm.s32 @!p0 $0x108  }
0x21: {  	s3 =	sadd.s32 s3, s9;
	s6 =	sadd.s32 @!p0 $0x88, s6;
	s7 =	simm.s32 @p2 $0x1082  }
0x22: {  	[simem:s7], [sflag:s8] =	dma.local @!p0 [hbm:s6], $0xF7A  }
0x23: {  	s9 =	sor.u32 $0xD0000000, s2;
	s6 =	simm.s32 $0x108;
	_ =	swait.ge @!p0 [sflag:s8], $0x0  }
0x24: {  	s3 =	sadd.s32 $0x88, s3;
	s6 =	simm.s32 @!p1 $0x1082;
	[sflag:s4] =	ssyncset.s32 $0xFFFFF086  }
0x25: {  	[simem:s6], [sflag:s4] =	dma.local [hbm:s3], $0xF7A  }
0x26: {  	[smem:$0x3F98] =	sst s1;
	(tag) =	ssettag s2;
	_ =	strace s9  }
0x27: {  	s1 =	sld [smem:$0x3FA8]  }
0x28: {  	s2 =	sld [smem:$0x3FA9]  }
0x29: {  	s4 =	sld [smem:$0x3FAB]  }
0x2a: {  	p0 =	seq.s32 s5, $0x0;
	s5 =	sld [smem:$0x3FAC]  }
0x2b: {  	s6 =	sld [smem:$0x3FAD]  }
0x2c: {  	s7 =	sld [smem:$0x3FAE]  }
0x2d: {  	s3 =	simm.s32 $0x108;
	s8 =	sld [smem:$0x3FAF]  }
0x2e: {  	s3 =	simm.s32 @!p0 $0x1082;
	s9 =	sld [smem:$0x3FB0]  }
0x2f: {  	lr =	sadd.s32 s0, s3;
	s0 =	sld [smem:$0x3FA7]  }
0x30: {  	s3 =	sld [smem:$0x3FAA]  }
0x31: {  	[smem:$0x3FB3] =	sst s10  }
0x32: {  	s10 =	sld [smem:$0x3FB1];
	_ =	sdelay $0x3  }
0x33: {  	p0 =	seq.s32 s10, $0x1;
	s10 =	sld [smem:$0x3FB3];
	_ =	sdelay $0x3  }
0x34: {  	[smem:$0x3FB3] =	sst s10  }
0x35: {  	s10 =	sld [smem:$0x3FB2];
	_ =	sdelay $0x3  }
0x36: {  	p1 =	seq.s32 s10, $0x1;
	s10 =	sld [smem:$0x3FB3];
	_ =	sdelay $0x3  }
0x37: {  	[smem:$0x3FB3] =	sst s10  }
0x38: {  	s10 =	sld [smem:$0x3FB4]  }
0x39: {  	_ = 	snop;
	(pc) =	sbr.ind lr, $3  }
0x3a: {  	_ = 	snop  }
0x3b: {  	_ = 	snop  }
0x3c: {  	p2 =	seq.s32 s10, $0x1;
	s10 =	sld [smem:$0x3FB3]  }
0x3d: {  	_ =	shalt  }
0x3e: {  	_ =	shalt  }
0x3f: {  	_ =	shalt  }
0x40: {  	_ =	shalt  }
0x41: {  	_ =	shalt  }
0x42: {  	_ =	shalt  }
0x43: {  	_ =	shalt  }
0x44: {  	_ =	shalt  }
0x45: {  	_ =	shalt  }
0x46: {  	_ =	shalt  }
0x47: {  	_ =	shalt  }
0x48: {  	_ =	shalt  }
0x49: {  	_ =	shalt  }
0x4a: {  	_ =	shalt  }
0x4b: {  	_ =	shalt  }
0x4c: {  	_ =	shalt  }
0x4d: {  	_ =	shalt  }
0x4e: {  	_ =	shalt  }
0x4f: {  	_ =	shalt  }
0x50: {  	_ =	shalt  }
0x51: {  	_ =	shalt  }
0x52: {  	_ =	shalt  }
0x53: {  	_ =	shalt  }
0x54: {  	_ =	shalt  }
0x55: {  	_ =	shalt  }
0x56: {  	_ =	shalt  }
0x57: {  	_ =	shalt  }
0x58: {  	_ =	shalt  }
0x59: {  	_ =	shalt  }
0x5a: {  	_ =	shalt  }
0x5b: {  	_ =	shalt  }
0x5c: {  	_ =	shalt  }
0x5d: {  	_ =	shalt  }
0x5e: {  	_ =	shalt  }
0x5f: {  	_ =	shalt  }
0x60: {  	_ =	shalt  }
0x61: {  	_ =	shalt  }
0x62: {  	_ =	shalt  }
0x63: {  	_ =	shalt  }
0x64: {  	_ =	shalt  }
0x65: {  	_ =	shalt  }
0x66: {  	_ =	shalt  }
0x67: {  	_ =	shalt  }
0x68: {  	_ =	shalt  }
0x69: {  	_ =	shalt  }
0x6a: {  	_ =	shalt  }
0x6b: {  	_ =	shalt  }
0x6c: {  	_ =	shalt  }
0x6d: {  	_ =	shalt  }
0x6e: {  	_ =	shalt  }
0x6f: {  	_ =	shalt  }
0x70: {  	_ =	shalt  }
0x71: {  	_ =	shalt  }
0x72: {  	_ =	shalt  }
0x73: {  	_ =	shalt  }
0x74: {  	_ =	shalt  }
0x75: {  	_ =	shalt  }
0x76: {  	_ =	shalt  }
0x77: {  	_ =	shalt  }
0x78: {  	_ =	shalt  }
0x79: {  	_ =	shalt  }
0x7a: {  	_ =	shalt  }
0x7b: {  	_ =	shalt  }
0x7c: {  	_ =	shalt  }
0x7d: {  	_ =	shalt  }
0x7e: {  	_ =	shalt  }
0x7f: {  	_ =	shalt  }
0x80: {  	_ =	shalt  }
0x81: {  	_ =	shalt  }
0x82: {  	_ =	shalt  }
0x83: {  	_ =	shalt  }
0x84: {  	_ =	shalt  }
0x85: {  	_ =	shalt  }
0x86: {  	_ =	shalt  }
0x87: {  	_ =	shalt  }
.Lfunc_end0:
.L_simem_size_0:
called_computation.1_lowered:
.L_overlay_start_0:
0x88: {  	s2 =	sld [smem:$0x3FD9]  }
0x89: {  	s3 =	sld [smem:$0x3FFE];
	_ =	sdelay $0x1  }
0x8a: {  	s1 =	srdreg.scid  }
0x8b: {  	s0 =	sand.u32 $0x1, s1  }
0x8c: {  	s17 =	sshll.u32 s0, $0xA;
	s2 =	sadd.s32 s3, s2  }
0x8d: {  	s2 =	sadd.s32 s2, s17  }
0x8e: {  	[smem:$0x3FBF] =	sst s2  }
0x8f: {  	_ = 	snop  }
0x90: {  	(tm) =	ssettm $0x1  }
0x91: {  	s18 =	sld [smem:$0x3FFB];
	_ =	sdelay $0x3  }
0x92: {  	_ =	strace s18  }
0x93: {  	s2 =	sld [smem:$0x3FFC];
	_ =	sdelay $0x3  }
0x94: {  	_ =	strace s2  }
0x95: {  	s2 =	sld [smem:$0x3FFD];
	_ =	sdelay $0x3  }
0x96: {  	_ =	strace s2  }
0x97: {  	_ =	strace $0x8FFFFFFF  }
0x98: {  	s19 =	sld [smem:$0x3FDB];
	_ =	sdelay $0x1  }
0x99: {  	s20 =	simm.s32 $_scs_section_size  }
0x9a: {  	s4 =	simm.s32 $_size__tile_overlayer_lowered;
	s5 =	simm.s32 $_tile_overlayer_lowered  }
0x9b: {  	s6 =	simm.s32 $0x1BFF;
	s21 =	sshll.u32 s5, $0x1;
	s3 =	sadd.s32 s20, s19  }
0x9c: {  	s22 =	simm.s32 $0x0;
	s4 =	sshll.u32 s4, $0x1;
	s5 =	sadd.s32 s21, s3  }
0x9d: {  	[timem:s22], [sflag:s6] =	dma.local [hbm:s5], s4  }
0x9e: {  	_ =	swait.ge [sflag:s6], s4  }
0x9f: {  	s4 =	ssub.s32 $0x0, s4;
	[sflag:s6] =	ssyncset.done $0x0  }
0xa0: {  	[sflag:s6] =	ssyncadd.s32 s4;
	_ =	sdelay $0x1  }
0xa1: {  	s23 =	simm.s32 $0x1B8B  }
0xa2: {  	_ =	swait.ge [sflag:s23], $0x1  }
0xa3: {  	[sflag:s23] =	ssyncset.done $0x0  }
0xa4: {  	[sflag:s23] =	ssyncadd.s32 $0xFFFFFFFF  }
0xa5: {  	s4 =	sld [smem:$0x0]  }
0xa6: {  	s5 =	sand.u32 $0xFFFFFFFE, s1  }
0xa7: {  	p0 =	sne.s32 s1, s5  }
0xa8: {  	s5 =	sshll.u32 @p0 s5, $0xE  }
0xa9: {  	s5 =	sadd.s32 @p0 $0x11B8D, s5;
	s6 =	sshll.u32 @p0 s4, $0x11  }
0xaa: {  	s5 =	sor.u32 @p0 s6, s5  }
0xab: {  	[sflag:s5] =	ssyncadd.remote.s32 @p0 $0x1;
	_ =	sdelay $0x1  }
0xac: {  	s5 =	simm.s32 @p0 $0x1B8D  }
0xad: {  	_ =	swait.eq @p0 [sflag:s5], $0x1  }
0xae: {  	[sflag:s5] =	ssyncadd.s32 @p0 $0xFFFFFFFF  }
0xaf: {  	s6 =	sshll.u32 @!p0 s1, $0xE  }
0xb0: {  	s6 =	sor.u32 @!p0 $0x4000, s6;
	s5 =	simm.s32 @!p0 $0x1B8D  }
0xb1: {  	s4 =	sshll.u32 @!p0 s4, $0x11;
	s6 =	sadd.s32 @!p0 $0x11B8D, s6;
	_ =	swait.eq @!p0 [sflag:s5], $0x1  }
0xb2: {  	s4 =	sor.u32 @!p0 s4, s6;
	[sflag:s5] =	ssyncadd.s32 @!p0 $0xFFFFFFFF  }
0xb3: {  	s25 =	simm.s32 $0x1B8E;
	s24 =	sld [smem:$0x3FFE];
	[sflag:s4] =	ssyncadd.remote.s32 @!p0 $0x1  }
0xb4: {  	s26 =	simm.s32 $execute0_lowered;
	[smem:$0x3FD2] =	sst s25  }
0xb5: {  	s5 =	sshll.u32 s26, $0x1;
	_ =	strace $0x80000049;
	[dreg:$0x1] =	wrdreg $0xFFFFFFFF  }
0xb6: {  	s28 =	simm.s32 $_size_execute0_lowered;
	s3 =	sadd.s32 s3, s5;
	[dreg:$0x0] =	wrdreg $0x0  }
0xb7: {  	s5 =	sshll.u32 s28, $0x1;
	[dreg:$0x2] =	wrdreg s3  }
0xb8: {  	[dreg:$0x3] =	wrdreg s5  }
0xb9: {  	[dreg:$0x4] =	wrdreg $0xC0  }
0xba: {  	_ =	task [dreg:s22], $0x5FFFF  }
0xbb: {  	[dreg:$0x1] =	wrdreg $0xFFFFFFFF  }
0xbc: {  	[dreg:$0x0] =	wrdreg $0x60  }
0xbd: {  	[dreg:$0x2] =	wrdreg s24  }
0xbe: {  	[dreg:$0x3] =	wrdreg $0x48000  }
0xbf: {  	[dreg:$0x4] =	wrdreg $0xA  }
0xc0: {  	_ =	task.clear_ibuf [dreg:s22], $0x5FFFF;
	_ =	strace $0x90000049  }
0xc1: {  	s29 =	simm.s32 $0xA;
	_ =	strace $0x8000004B  }
0xc2: {  	_ =	swait.ge [sflag:s29], $0x1  }
0xc3: {  	[sflag:s29] =	ssyncadd.s32 $0xFFFFFFFF  }
0xc4: {  	_ =	strace $0x9000004B  }
0xc5: {  	_ =	sfence  }
0xc6: {  	s30 =	sld [smem:$0x0];
	_ =	sdelay $0x2  }
0xc7: {  	s31 =	sshll.u32 s1, $0xD;
	s1 =	sshrl.u32 s1, $0x2  }
0xc8: {  	s4 =	sand.u32 $0x4000, s31;
	s1 =	sadd.s32 s1, s30  }
0xc9: {  	s0 =	sor.u32 s4, s0;
	s1 =	sshll.u32 s1, $0x11  }
0xca: {  	s0 =	sor.u32 s1, s0  }
0xcb: {  	s0 =	sadd.s32 $0x8F2B, s0  }
0xcc: {  	[sflag:s0] =	ssyncadd.remote.s32 $0x1  }
0xcd: {  	_ =	sfence.sel $0xFFFF  }
0xce: {  	[dreg:$0x0] =	wrdreg $0xFFFFFFFF;
	(pc) =	sbr.abs _section_cstart, $3  }
0xcf: {  	[dreg:$0x1] =	wrdreg $0xFFFFFFFF  }
0xd0: {  	_ =	task.clear_ibuf [dreg:s22], $0x2FFFF;
	_ =	strace $0x9FFFFFFF  }
0xd1: {  	(tm) =	ssettm $0x7FFFFFFF  }
tec
execute0_lowered:
.L_overlay_start_1:
0x0: {  	(tag) =	ssettag $0x1  }
0x1: {  	s5 =	rddreg [dreg:$0x0]  }
0x2: {  	s0 =	srdreg.scid;
	s2 =	rddreg [dreg:$0x1]  }
0x3: {  	s1 =	stileid.u32;
	s3 =	simm.s32 $0x0;
	s11 =	simm.s32 $0x4400  }
0x4: {  	s12 =	simm.s32 $0x80;
	s13 =	simm.s32 $0x100;
	s14 =	simm.s32 $0x180  }
0x5: {  	s15 =	simm.s32 $0x200;
	s16 =	simm.s32 $0x280;
	s17 =	simm.s32 $0x300  }
0x6: {  	s18 =	simm.s32 $0x380;
	s21 =	simm.s32 $0x0;
	s7 =	smul.u32 $0x2800, s1  }
0x7: {  	s4 =	sand.u32 $0x1, s0;
	s0 =	rddreg [dreg:$0x2];
	s9 =	smul.u32 $0x50000, s1  }
0x8: {  	[smem:$0x7FF] =	sst s3;
	s19 =	sshll.u32 s1, $0x6;
	s6 =	smul.u32 $0x28000, s4  }
0x9: {  	_ =	strace $0x8000004A;
	s8 =	ssub.s32 $0x2, s4;
	s4 =	sadd.s32 $0xD4A00, s5  }
0xa: {  	s19 =	sor.u32 $0x1C01, s19;
	s30 =	sshrl.u32 s8, $0x1;
	s6 =	sadd.s32 s7, s6  }
0xb: {  	s31 =	sshrl.u32 s9, $0x2;
	s9 =	simm.s32 $0x400;
	s7 =	sshrl.u32 s6, $0x3  }
0xc: {  	s6 =	sadd.s32 s6, s5;
	s10 =	sadd.s32 s7, s5;
	s7 =	ssub.s32 s8, s30  }
0xd: {  	s5 =	sadd.s32 s31, s2;
	s6 =	sadd.s32 $0xD5200, s6;
	s7 =	smax.u32 s7, $0x1  }
0xe: {  	v0 =	vimm.f32 $0.0e+00;
	s8 =	sadd.s32 $0x2A00, s10;
	s10 =	simm.s32 $0x1;
	s20 =	sshrl.u32 s5, $0x3  }
.LBB2_1:
0xf: {  	[tilespmem:$0x4400] =	vst v0  }
0x10: {  	[tilespmem:$0x4410] =	vst v0  }
0x11: {  	[tilespmem:$0x4420] =	vst v0  }
0x12: {  	[tilespmem:$0x4430] =	vst v0  }
0x13: {  	[tilespmem:$0x4440] =	vst v0  }
0x14: {  	[tilespmem:$0x4450] =	vst v0  }
0x15: {  	[tilespmem:$0x4460] =	vst v0  }
0x16: {  	[tilespmem:$0x4470] =	vst v0  }
0x17: {  	[tilespmem:$0x4480] =	vst v0  }
0x18: {  	[tilespmem:$0x4490] =	vst v0  }
0x19: {  	[tilespmem:$0x44A0] =	vst v0  }
0x1a: {  	[tilespmem:$0x44B0] =	vst v0  }
0x1b: {  	[tilespmem:$0x44C0] =	vst v0  }
0x1c: {  	[tilespmem:$0x44D0] =	vst v0  }
0x1d: {  	[tilespmem:$0x44E0] =	vst v0  }
0x1e: {  	[tilespmem:$0x44F0] =	vst v0  }
0x1f: {  	[tilespmem:$0x4500] =	vst v0  }
0x20: {  	[tilespmem:$0x4510] =	vst v0  }
0x21: {  	[tilespmem:$0x4520] =	vst v0  }
0x22: {  	[tilespmem:$0x4530] =	vst v0  }
0x23: {  	[tilespmem:$0x4540] =	vst v0  }
0x24: {  	[tilespmem:$0x4550] =	vst v0  }
0x25: {  	[tilespmem:$0x4560] =	vst v0  }
0x26: {  	[tilespmem:$0x4570] =	vst v0  }
0x27: {  	[tilespmem:$0x4580] =	vst v0  }
0x28: {  	[tilespmem:$0x4590] =	vst v0  }
0x29: {  	[tilespmem:$0x45A0] =	vst v0  }
0x2a: {  	[tilespmem:$0x45B0] =	vst v0  }
0x2b: {  	[tilespmem:$0x45C0] =	vst v0  }
0x2c: {  	[tilespmem:$0x45D0] =	vst v0  }
0x2d: {  	[tilespmem:$0x45E0] =	vst v0  }
0x2e: {  	[tilespmem:$0x45F0] =	vst v0  }
0x2f: {  	[tilespmem:$0x4600] =	vst v0  }
0x30: {  	[tilespmem:$0x4610] =	vst v0  }
0x31: {  	[tilespmem:$0x4620] =	vst v0  }
0x32: {  	[tilespmem:$0x4630] =	vst v0  }
0x33: {  	[tilespmem:$0x4640] =	vst v0  }
0x34: {  	[tilespmem:$0x4650] =	vst v0  }
0x35: {  	[tilespmem:$0x4660] =	vst v0  }
0x36: {  	[tilespmem:$0x4670] =	vst v0  }
0x37: {  	[tilespmem:$0x4680] =	vst v0  }
0x38: {  	[tilespmem:$0x4690] =	vst v0  }
0x39: {  	[tilespmem:$0x46A0] =	vst v0  }
0x3a: {  	[tilespmem:$0x46B0] =	vst v0  }
0x3b: {  	[tilespmem:$0x46C0] =	vst v0  }
0x3c: {  	[tilespmem:$0x46D0] =	vst v0  }
0x3d: {  	[tilespmem:$0x46E0] =	vst v0  }
0x3e: {  	[tilespmem:$0x46F0] =	vst v0  }
0x3f: {  	[tilespmem:$0x4700] =	vst v0  }
0x40: {  	[tilespmem:$0x4710] =	vst v0  }
0x41: {  	[tilespmem:$0x4720] =	vst v0  }
0x42: {  	[tilespmem:$0x4730] =	vst v0  }
0x43: {  	[tilespmem:$0x4740] =	vst v0  }
0x44: {  	[tilespmem:$0x4750] =	vst v0  }
0x45: {  	[tilespmem:$0x4760] =	vst v0  }
0x46: {  	[tilespmem:$0x4770] =	vst v0  }
0x47: {  	[tilespmem:$0x4780] =	vst v0  }
0x48: {  	[tilespmem:$0x4790] =	vst v0  }
0x49: {  	[tilespmem:$0x47A0] =	vst v0  }
0x4a: {  	[tilespmem:$0x47B0] =	vst v0  }
0x4b: {  	[tilespmem:$0x47C0] =	vst v0  }
0x4c: {  	[tilespmem:$0x47D0] =	vst v0  }
0x4d: {  	[tilespmem:$0x47E0] =	vst v0  }
0x4e: {  	[tilespmem:$0x47F0] =	vst v0  }
0x4f: {  	[tilespmem:s9], [sflag:$0x1] =	stream.linear.gather [hbm4b:s4+s3], $0x4000, $0x38;
	[tilespmem:$0x18800] =	vst v63  }
0x50: {  	_ =	swait.ge [sflag:s10], $0x4000  }
0x51: {  	[sflag:s10] =	ssyncset.done $0x0  }
0x52: {  	s22 =	sadd.s32 $0x0, s5;
	[sflag:s10] =	ssyncadd.s32 $0xFFFFC000  }
0x53: {  	[spmem:s22] =	stream.linear.scatter [tilespmem:s11], [sflag:$0x1], $0x400, $0x38;
	[tilespmem:$0x18800] =	vst v63  }
0x54: {  	s22 =	simm.s32 $0x1000;
	_ =	swait.ge [sflag:s10], $0x400  }
.LBB2_2:
0x55: {  	s23 =	sshra.s32 s22, $0x2;
	[sflag:s10] =	ssyncset.done $0x0;
	p0 =	sne.s32 s22, $0x4F000  }
.Ltmp0:
0x56: {  	s23 =	sadd.s32 s23, s5;
	[sflag:s10] =	ssyncadd.s32 $0xFFFFFC00;
	(pc) =	sbr.rel @p0 .LBB2_2-.Ltmp0, $3  }
0x57: {  	[spmem:s23] =	stream.linear.scatter [tilespmem:s11], [sflag:$0x1], $0x400, $0x38;
	[tilespmem:$0x18800] =	vst v63  }
0x58: {  	s22 =	sadd.s32 $0x1000, s22;
	_ =	sdelay $0x1  }
0x59: {  	_ =	swait.ge [sflag:s10], $0x400  }
0x5a: {  	[sflag:s10] =	ssyncset.done $0x0  }
0x5b: {  	[sflag:s10] =	ssyncadd.s32 $0xFFFFFC00  }
0x5c: {  	s22 =	sadd.s32 $0x0, s8;
	[bflag:$0x0] =	sbarrier.arrive $0xFFFF  }
0x5d: {  	[tilespmem:s3], [sflag:$0x1] =	stream.linear.gather [hbm4b:s22+s3], $0x400, $0x38;
	[tilespmem:$0x18800] =	vst v63  }
0x5e: {  	_ =	swait.ge [sflag:s10], $0x400  }
0x5f: {  	[sflag:s10] =	ssyncset.done $0x0  }
0x60: {  	[sflag:s10] =	ssyncadd.s32 $0xFFFFFC00  }
0x61: {  	[spmem:s2] =	stream.indirect.scatter.add.f32 [tilespmem:s9], [sflag:$0x1], $0x80, s3, s12, $0xb8;
	[tilespmem:$0x18800] =	vst v63  }
0x62: {  	_ =	swait.ge [sflag:s10], $0x4000  }
0x63: {  	[sflag:s10] =	ssyncset.done $0x0  }
0x64: {  	[sflag:s10] =	ssyncadd.s32 $0xFFFFC000  }
0x65: {  	[spmem:s2] =	stream.indirect.scatter.add.f32 [tilespmem:s9], [sflag:$0x1], $0x80, s12, s12, $0xb8;
	[tilespmem:$0x18800] =	vst v63  }
0x66: {  	_ =	swait.ge [sflag:s10], $0x4000  }
0x67: {  	[sflag:s10] =	ssyncset.done $0x0  }
0x68: {  	[sflag:s10] =	ssyncadd.s32 $0xFFFFC000  }
0x69: {  	[spmem:s2] =	stream.indirect.scatter.add.f32 [tilespmem:s9], [sflag:$0x1], $0x80, s13, s12, $0xb8;
	[tilespmem:$0x18800] =	vst v63  }
0x6a: {  	_ =	swait.ge [sflag:s10], $0x4000  }
0x6b: {  	[sflag:s10] =	ssyncset.done $0x0  }
0x6c: {  	[sflag:s10] =	ssyncadd.s32 $0xFFFFC000  }
0x6d: {  	[spmem:s2] =	stream.indirect.scatter.add.f32 [tilespmem:s9], [sflag:$0x1], $0x80, s14, s12, $0xb8;
	[tilespmem:$0x18800] =	vst v63  }
0x6e: {  	_ =	swait.ge [sflag:s10], $0x4000  }
0x6f: {  	[sflag:s10] =	ssyncset.done $0x0  }
0x70: {  	[sflag:s10] =	ssyncadd.s32 $0xFFFFC000  }
0x71: {  	[spmem:s2] =	stream.indirect.scatter.add.f32 [tilespmem:s9], [sflag:$0x1], $0x80, s15, s12, $0xb8;
	[tilespmem:$0x18800] =	vst v63  }
0x72: {  	_ =	swait.ge [sflag:s10], $0x4000  }
0x73: {  	[sflag:s10] =	ssyncset.done $0x0  }
0x74: {  	[sflag:s10] =	ssyncadd.s32 $0xFFFFC000  }
0x75: {  	[spmem:s2] =	stream.indirect.scatter.add.f32 [tilespmem:s9], [sflag:$0x1], $0x80, s16, s12, $0xb8;
	[tilespmem:$0x18800] =	vst v63  }
0x76: {  	_ =	swait.ge [sflag:s10], $0x4000  }
0x77: {  	[sflag:s10] =	ssyncset.done $0x0  }
0x78: {  	[sflag:s10] =	ssyncadd.s32 $0xFFFFC000  }
0x79: {  	[spmem:s2] =	stream.indirect.scatter.add.f32 [tilespmem:s9], [sflag:$0x1], $0x80, s17, s12, $0xb8;
	[tilespmem:$0x18800] =	vst v63  }
0x7a: {  	_ =	swait.ge [sflag:s10], $0x4000  }
0x7b: {  	[sflag:s10] =	ssyncset.done $0x0  }
0x7c: {  	[sflag:s10] =	ssyncadd.s32 $0xFFFFC000  }
0x7d: {  	[spmem:s2] =	stream.indirect.scatter.add.f32 [tilespmem:s9], [sflag:$0x1], $0x80, s18, s12, $0xb8;
	[tilespmem:$0x18800] =	vst v63  }
0x7e: {  	_ =	swait.ge [sflag:s10], $0x4000  }
0x7f: {  	s24 =	simm.s32 $0x100;
	s22 =	simm.s32 $0x80;
	[sflag:s10] =	ssyncset.done $0x0  }
.LBB2_4:
0x80: {  	s25 =	sadd.s32 s22, s8  }
0x81: {  	[sflag:s10] =	ssyncadd.s32 $0xFFFFC000;
	s22 =	smov.u32 s24;
	s23 =	sadd.s32 $0x80, s24  }
0x82: {  	[tilespmem:s3], [sflag:$0x1] =	stream.linear.gather [hbm4b:s25+s3], $0x400, $0x38;
	[tilespmem:$0x18800] =	vst v63  }
0x83: {  	p0 =	sne.s32 s24, $0x480;
	_ =	swait.ge [sflag:s10], $0x400  }
0x84: {  	[sflag:s10] =	ssyncset.done $0x0  }
0x85: {  	[sflag:s10] =	ssyncadd.s32 $0xFFFFFC00  }
0x86: {  	[spmem:s2] =	stream.indirect.scatter.add.f32 [tilespmem:s9], [sflag:$0x1], $0x80, s3, s12, $0xb8;
	[tilespmem:$0x18800] =	vst v63  }
0x87: {  	_ =	swait.ge [sflag:s10], $0x4000  }
0x88: {  	[sflag:s10] =	ssyncset.done $0x0  }
0x89: {  	[sflag:s10] =	ssyncadd.s32 $0xFFFFC000  }
0x8a: {  	[spmem:s2] =	stream.indirect.scatter.add.f32 [tilespmem:s9], [sflag:$0x1], $0x80, s12, s12, $0xb8;
	[tilespmem:$0x18800] =	vst v63  }
0x8b: {  	_ =	swait.ge [sflag:s10], $0x4000  }
0x8c: {  	[sflag:s10] =	ssyncset.done $0x0  }
0x8d: {  	[sflag:s10] =	ssyncadd.s32 $0xFFFFC000  }
0x8e: {  	[spmem:s2] =	stream.indirect.scatter.add.f32 [tilespmem:s9], [sflag:$0x1], $0x80, s13, s12, $0xb8;
	[tilespmem:$0x18800] =	vst v63  }
0x8f: {  	_ =	swait.ge [sflag:s10], $0x4000  }
0x90: {  	[sflag:s10] =	ssyncset.done $0x0  }
0x91: {  	[sflag:s10] =	ssyncadd.s32 $0xFFFFC000  }
0x92: {  	[spmem:s2] =	stream.indirect.scatter.add.f32 [tilespmem:s9], [sflag:$0x1], $0x80, s14, s12, $0xb8;
	[tilespmem:$0x18800] =	vst v63  }
0x93: {  	_ =	swait.ge [sflag:s10], $0x4000  }
0x94: {  	[sflag:s10] =	ssyncset.done $0x0  }
0x95: {  	[sflag:s10] =	ssyncadd.s32 $0xFFFFC000  }
0x96: {  	[spmem:s2] =	stream.indirect.scatter.add.f32 [tilespmem:s9], [sflag:$0x1], $0x80, s15, s12, $0xb8;
	[tilespmem:$0x18800] =	vst v63  }
0x97: {  	_ =	swait.ge [sflag:s10], $0x4000  }
0x98: {  	[sflag:s10] =	ssyncset.done $0x0  }
0x99: {  	[sflag:s10] =	ssyncadd.s32 $0xFFFFC000  }
0x9a: {  	[spmem:s2] =	stream.indirect.scatter.add.f32 [tilespmem:s9], [sflag:$0x1], $0x80, s16, s12, $0xb8;
	[tilespmem:$0x18800] =	vst v63  }
0x9b: {  	_ =	swait.ge [sflag:s10], $0x4000  }
0x9c: {  	[sflag:s10] =	ssyncset.done $0x0  }
0x9d: {  	[sflag:s10] =	ssyncadd.s32 $0xFFFFC000  }
0x9e: {  	[spmem:s2] =	stream.indirect.scatter.add.f32 [tilespmem:s9], [sflag:$0x1], $0x80, s17, s12, $0xb8;
	[tilespmem:$0x18800] =	vst v63  }
0x9f: {  	_ =	swait.ge [sflag:s10], $0x4000  }
.Ltmp1:
0xa0: {  	[sflag:s10] =	ssyncset.done $0x0;
	(pc) =	sbr.rel @p0 .LBB2_4-.Ltmp1, $4  }
0xa1: {  	[sflag:s10] =	ssyncadd.s32 $0xFFFFC000  }
0xa2: {  	[spmem:s2] =	stream.indirect.scatter.add.f32 [tilespmem:s9], [sflag:$0x1], $0x80, s18, s12, $0xb8;
	[tilespmem:$0x18800] =	vst v63  }
0xa3: {  	_ =	swait.ge [sflag:s10], $0x4000  }
0xa4: {  	s24 =	smov.u32 s23;
	[sflag:s10] =	ssyncset.done $0x0  }
0xa5: {  	s22 =	sadd.s32 s22, s8;
	[sflag:s10] =	ssyncadd.s32 $0xFFFFC000  }
0xa6: {  	[tilespmem:s3], [sflag:$0x1] =	stream.linear.gather [hbm4b:s22+s3], $0x400, $0x38;
	[tilespmem:$0x18800] =	vst v63  }
0xa7: {  	_ =	swait.ge [sflag:s10], $0x400  }
0xa8: {  	[sflag:s10] =	ssyncset.done $0x0  }
0xa9: {  	[sflag:s10] =	ssyncadd.s32 $0xFFFFFC00  }
0xaa: {  	[spmem:s2] =	stream.indirect.scatter.add.f32 [tilespmem:s9], [sflag:$0x1], $0x80, s3, s12, $0xb8;
	[tilespmem:$0x18800] =	vst v63  }
0xab: {  	_ =	swait.ge [sflag:s10], $0x4000  }
0xac: {  	[sflag:s10] =	ssyncset.done $0x0  }
0xad: {  	[sflag:s10] =	ssyncadd.s32 $0xFFFFC000  }
0xae: {  	[spmem:s2] =	stream.indirect.scatter.add.f32 [tilespmem:s9], [sflag:$0x1], $0x80, s12, s12, $0xb8;
	[tilespmem:$0x18800] =	vst v63  }
0xaf: {  	_ =	swait.ge [sflag:s10], $0x4000  }
0xb0: {  	[sflag:s10] =	ssyncset.done $0x0  }
0xb1: {  	[sflag:s10] =	ssyncadd.s32 $0xFFFFC000  }
0xb2: {  	[spmem:s2] =	stream.indirect.scatter.add.f32 [tilespmem:s9], [sflag:$0x1], $0x80, s13, s12, $0xb8;
	[tilespmem:$0x18800] =	vst v63  }
0xb3: {  	_ =	swait.ge [sflag:s10], $0x4000  }
0xb4: {  	[sflag:s10] =	ssyncset.done $0x0  }
0xb5: {  	[sflag:s10] =	ssyncadd.s32 $0xFFFFC000  }
0xb6: {  	[spmem:s2] =	stream.indirect.scatter.add.f32 [tilespmem:s9], [sflag:$0x1], $0x80, s14, s12, $0xb8;
	[tilespmem:$0x18800] =	vst v63  }
0xb7: {  	_ =	swait.ge [sflag:s10], $0x4000  }
0xb8: {  	[sflag:s10] =	ssyncset.done $0x0  }
0xb9: {  	[sflag:s10] =	ssyncadd.s32 $0xFFFFC000  }
0xba: {  	[spmem:s2] =	stream.indirect.scatter.add.f32 [tilespmem:s9], [sflag:$0x1], $0x80, s15, s12, $0xb8;
	[tilespmem:$0x18800] =	vst v63  }
0xbb: {  	_ =	swait.ge [sflag:s10], $0x4000  }
0xbc: {  	[sflag:s10] =	ssyncset.done $0x0  }
0xbd: {  	[sflag:s10] =	ssyncadd.s32 $0xFFFFC000  }
0xbe: {  	[spmem:s2] =	stream.indirect.scatter.add.f32 [tilespmem:s9], [sflag:$0x1], $0x80, s16, s12, $0xb8;
	[tilespmem:$0x18800] =	vst v63  }
0xbf: {  	_ =	swait.ge [sflag:s10], $0x4000  }
0xc0: {  	[sflag:s10] =	ssyncset.done $0x0  }
0xc1: {  	[sflag:s10] =	ssyncadd.s32 $0xFFFFC000  }
0xc2: {  	[spmem:s2] =	stream.indirect.scatter.add.f32 [tilespmem:s9], [sflag:$0x1], $0x80, s17, s12, $0xb8;
	[tilespmem:$0x18800] =	vst v63  }
0xc3: {  	_ =	swait.ge [sflag:s10], $0x4000  }
0xc4: {  	[sflag:s10] =	ssyncset.done $0x0  }
0xc5: {  	[sflag:s10] =	ssyncadd.s32 $0xFFFFC000  }
0xc6: {  	[spmem:s2] =	stream.indirect.scatter.add.f32 [tilespmem:s9], [sflag:$0x1], $0x80, s18, s12, $0xb8;
	[tilespmem:$0x18800] =	vst v63  }
0xc7: {  	_ =	swait.ge [sflag:s10], $0x4000  }
0xc8: {  	s21 =	sadd.s32 $0x1, s21;
	[sflag:s10] =	ssyncset.done $0x0  }
0xc9: {  	p0 =	sne.s32 s21, s7;
	[sflag:s10] =	ssyncadd.s32 $0xFFFFC000  }
.Ltmp2:
0xca: {  	[bflag:$0x0] =	sbarrier.arrive $0xFFFF;
	(pc) =	sbr.rel @p0 .LBB2_1-.Ltmp2, $4  }
0xcb: {  	[hbm:s6], [sflag:s19] =	dma.local [spmem:s20], $0x2800  }
0xcc: {  	_ =	swait.ge [sflag:s10], $0x2800  }
0xcd: {  	[sflag:s10] =	ssyncset.done $0x0  }
0xce: {  	[sflag:s10] =	ssyncadd.s32 $0xFFFFD800  }
0xcf: {  	_ =	sfence.sel $0x180000  }
0xd0: {  	[bflag:$0x0] =	sbarrier.arrive $0xFFFF  }
0xd1: {  	p0 =	sne.s32 s1, $0x0;
	_ =	strace $0x9000004A  }
0xd2: {  	s0 =	sadd.s32 @!p0 $0x100000, s0;
	[bflag:$0x2] =	sbarrier.arrive $0xFFFF  }
0xd3: {  	[sflag:s0] =	ssyncadd.tile.s32 @!p0 $0x1;
	_ =	shalt  }
.Lfunc_end2:
_tile_overlayer_lowered:
.L_overlay_start_2:
0xd4: {  	(tag) =	ssettag $0x2  }
0xd5: {  	s0 =	rddreg [dreg:$0x0];
	s2 =	stileid.u32  }
0xd6: {  	s1 =	rddreg [dreg:$0x1];
	p0 =	sne.s32 s2, $0x0  }
0xd7: {  	s3 =	rddreg [dreg:$0x2];
	[bflag:$0x3] =	sbarrier.arrive $0xFFFF;
	s2 =	simm.s32 @!p0 $0x1C01  }
0xd8: {  	[timem:s3], [sflag:s2] =	dma.local @!p0 [hbm:s0], s1  }
0xd9: {  	s0 =	simm.s32 @!p0 $0x1  }
0xda: {  	_ =	swait.ge @!p0 [sflag:s0], s1  }
0xdb: {  	s1 =	ssub.s32 @!p0 $0x0, s1;
	[sflag:s0] =	ssyncset.done @!p0 $0x0  }
0xdc: {  	[sflag:s0] =	ssyncadd.s32 @!p0 s1  }
0xdd: {  	[bflag:$0x3] =	sbarrier.arrive $0xFFFF  }
0xde: {  	_ =	shalt  }

// kernel: kernel.13.cloned.1.call-start
scs
__scs_entry_jumppad:
0x0: {  	(pc) =	sbr.rel $0x88, $3  }
0x1: {  	(tag) =	ssettag $0x0;
	lr =	simm.s32 $0x1  }
0x2: {  	[smem:$0x3F98] =	sst lr;
	_ =	strace $0xD0000000  }
0x3: {  	_ = 	snop  }
0x4: {  	_ = 	snop  }
0x5: {  	_ = 	snop  }
0x6: {  	_ = 	snop  }
0x7: {  	_ = 	snop  }
__scs_overlays_trampoline_lowered:
0x8: {  	[smem:$0x3FA7] =	sst s0  }
0x9: {  	[smem:$0x3FA8] =	sst s1  }
0xa: {  	[smem:$0x3FA9] =	sst s2  }
0xb: {  	[smem:$0x3FAA] =	sst s3  }
0xc: {  	[smem:$0x3FAB] =	sst s4  }
0xd: {  	[smem:$0x3FAC] =	sst s5  }
0xe: {  	[smem:$0x3FAD] =	sst s6  }
0xf: {  	[smem:$0x3FAE] =	sst s7  }
0x10: {  	[smem:$0x3FAF] =	sst s8  }
0x11: {  	[smem:$0x3FB0] =	sst s9;
	s0 =	simm.s32 @!p0 $0x0  }
0x12: {  	s1 =	sld [smem:$0x3F96];
	s0 =	simm.s32 @p0 $0x1  }
0x13: {  	[smem:$0x3FB1] =	sst s0;
	s0 =	simm.s32 @!p1 $0x0  }
0x14: {  	s2 =	sld [smem:$0x3F95];
	s0 =	simm.s32 @p1 $0x1  }
0x15: {  	[smem:$0x3FB2] =	sst s0;
	s0 =	simm.s32 @!p2 $0x0  }
0x16: {  	s3 =	sld [smem:$0x3FDB];
	s0 =	simm.s32 @p2 $0x1  }
0x17: {  	s4 =	simm.s32 $0x1BF5;
	[smem:$0x3FB4] =	sst s0  }
0x18: {  	s0 =	sld [smem:$0x3F97];
	_ =	swait.ge [sflag:s4], $0x0  }
0x19: {  	s7 =	sld [smem:$0x3F98]  }
0x1a: {  	s8 =	sadd.s32 $0xFFFFE003, lr  }
0x1b: {  	s9 =	sadd.s32 $0xFFFFFEF7, lr;
	s5 =	simm.s32 $0xFFFFFFFF;
	p2 =	slt.u32 s8, $0xFFFFF086  }
0x1c: {  	p1 =	slt.u32 s9, $0xF7A;
	s5 =	simm.s32 @!p2 $0x0  }
0x1d: {  	s5 =	simm.s32 @p1 $0x1;
	p0 =	seq.s32 s7, s2  }
0x1e: {  	s7 =	smul.u32 @!p0 $0xF7A, s2;
	p2 =	seq.s32 @!p0 s5, $0x0  }
0x1f: {  	s9 =	smul.u32 $0xF7A, s1;
	s8 =	simm.s32 @!p0 $0x1BF5;
	p2 =	por !p2, p0  }
0x20: {  	[sflag:s8] =	ssyncset.s32 @!p0 $0xFFFFF086;
	s6 =	sadd.s32 @!p0 s3, s7;
	s7 =	simm.s32 @!p0 $0x108  }
0x21: {  	s3 =	sadd.s32 s3, s9;
	s6 =	sadd.s32 @!p0 $0x88, s6;
	s7 =	simm.s32 @p2 $0x1082  }
0x22: {  	[simem:s7], [sflag:s8] =	dma.local @!p0 [hbm:s6], $0xF7A  }
0x23: {  	s9 =	sor.u32 $0xD0000000, s2;
	s6 =	simm.s32 $0x108;
	_ =	swait.ge @!p0 [sflag:s8], $0x0  }
0x24: {  	s3 =	sadd.s32 $0x88, s3;
	s6 =	simm.s32 @!p1 $0x1082;
	[sflag:s4] =	ssyncset.s32 $0xFFFFF086  }
0x25: {  	[simem:s6], [sflag:s4] =	dma.local [hbm:s3], $0xF7A  }
0x26: {  	[smem:$0x3F98] =	sst s1;
	(tag) =	ssettag s2;
	_ =	strace s9  }
0x27: {  	s1 =	sld [smem:$0x3FA8]  }
0x28: {  	s2 =	sld [smem:$0x3FA9]  }
0x29: {  	s4 =	sld [smem:$0x3FAB]  }
0x2a: {  	p0 =	seq.s32 s5, $0x0;
	s5 =	sld [smem:$0x3FAC]  }
0x2b: {  	s6 =	sld [smem:$0x3FAD]  }
0x2c: {  	s7 =	sld [smem:$0x3FAE]  }
0x2d: {  	s3 =	simm.s32 $0x108;
	s8 =	sld [smem:$0x3FAF]  }
0x2e: {  	s3 =	simm.s32 @!p0 $0x1082;
	s9 =	sld [smem:$0x3FB0]  }
0x2f: {  	lr =	sadd.s32 s0, s3;
	s0 =	sld [smem:$0x3FA7]  }
0x30: {  	s3 =	sld [smem:$0x3FAA]  }
0x31: {  	[smem:$0x3FB3] =	sst s10  }
0x32: {  	s10 =	sld [smem:$0x3FB1];
	_ =	sdelay $0x3  }
0x33: {  	p0 =	seq.s32 s10, $0x1;
	s10 =	sld [smem:$0x3FB3];
	_ =	sdelay $0x3  }
0x34: {  	[smem:$0x3FB3] =	sst s10  }
0x35: {  	s10 =	sld [smem:$0x3FB2];
	_ =	sdelay $0x3  }
0x36: {  	p1 =	seq.s32 s10, $0x1;
	s10 =	sld [smem:$0x3FB3];
	_ =	sdelay $0x3  }
0x37: {  	[smem:$0x3FB3] =	sst s10  }
0x38: {  	s10 =	sld [smem:$0x3FB4]  }
0x39: {  	_ = 	snop;
	(pc) =	sbr.ind lr, $3  }
0x3a: {  	_ = 	snop  }
0x3b: {  	_ = 	snop  }
0x3c: {  	p2 =	seq.s32 s10, $0x1;
	s10 =	sld [smem:$0x3FB3]  }
0x3d: {  	_ =	shalt  }
0x3e: {  	_ =	shalt  }
0x3f: {  	_ =	shalt  }
0x40: {  	_ =	shalt  }
0x41: {  	_ =	shalt  }
0x42: {  	_ =	shalt  }
0x43: {  	_ =	shalt  }
0x44: {  	_ =	shalt  }
0x45: {  	_ =	shalt  }
0x46: {  	_ =	shalt  }
0x47: {  	_ =	shalt  }
0x48: {  	_ =	shalt  }
0x49: {  	_ =	shalt  }
0x4a: {  	_ =	shalt  }
0x4b: {  	_ =	shalt  }
0x4c: {  	_ =	shalt  }
0x4d: {  	_ =	shalt  }
0x4e: {  	_ =	shalt  }
0x4f: {  	_ =	shalt  }
0x50: {  	_ =	shalt  }
0x51: {  	_ =	shalt  }
0x52: {  	_ =	shalt  }
0x53: {  	_ =	shalt  }
0x54: {  	_ =	shalt  }
0x55: {  	_ =	shalt  }
0x56: {  	_ =	shalt  }
0x57: {  	_ =	shalt  }
0x58: {  	_ =	shalt  }
0x59: {  	_ =	shalt  }
0x5a: {  	_ =	shalt  }
0x5b: {  	_ =	shalt  }
0x5c: {  	_ =	shalt  }
0x5d: {  	_ =	shalt  }
0x5e: {  	_ =	shalt  }
0x5f: {  	_ =	shalt  }
0x60: {  	_ =	shalt  }
0x61: {  	_ =	shalt  }
0x62: {  	_ =	shalt  }
0x63: {  	_ =	shalt  }
0x64: {  	_ =	shalt  }
0x65: {  	_ =	shalt  }
0x66: {  	_ =	shalt  }
0x67: {  	_ =	shalt  }
0x68: {  	_ =	shalt  }
0x69: {  	_ =	shalt  }
0x6a: {  	_ =	shalt  }
0x6b: {  	_ =	shalt  }
0x6c: {  	_ =	shalt  }
0x6d: {  	_ =	shalt  }
0x6e: {  	_ =	shalt  }
0x6f: {  	_ =	shalt  }
0x70: {  	_ =	shalt  }
0x71: {  	_ =	shalt  }
0x72: {  	_ =	shalt  }
0x73: {  	_ =	shalt  }
0x74: {  	_ =	shalt  }
0x75: {  	_ =	shalt  }
0x76: {  	_ =	shalt  }
0x77: {  	_ =	shalt  }
0x78: {  	_ =	shalt  }
0x79: {  	_ =	shalt  }
0x7a: {  	_ =	shalt  }
0x7b: {  	_ =	shalt  }
0x7c: {  	_ =	shalt  }
0x7d: {  	_ =	shalt  }
0x7e: {  	_ =	shalt  }
0x7f: {  	_ =	shalt  }
0x80: {  	_ =	shalt  }
0x81: {  	_ =	shalt  }
0x82: {  	_ =	shalt  }
0x83: {  	_ =	shalt  }
0x84: {  	_ =	shalt  }
0x85: {  	_ =	shalt  }
0x86: {  	_ =	shalt  }
0x87: {  	_ =	shalt  }
.Lfunc_end0:
.L_simem_size_0:
called_computation.2_lowered:
.L_overlay_start_0:
0x88: {  	s2 =	sld [smem:$0x3FD9]  }
0x89: {  	s3 =	sld [smem:$0x3FFE];
	_ =	sdelay $0x1  }
0x8a: {  	s1 =	srdreg.scid  }
0x8b: {  	s0 =	sand.u32 $0x1, s1  }
0x8c: {  	s16 =	sshll.u32 s0, $0xA;
	s2 =	sadd.s32 s3, s2  }
0x8d: {  	s2 =	sadd.s32 s2, s16  }
0x8e: {  	[smem:$0x3FBF] =	sst s2  }
0x8f: {  	_ = 	snop  }
0x90: {  	(tm) =	ssettm $0x1  }
0x91: {  	s17 =	sld [smem:$0x3FFB];
	_ =	sdelay $0x3  }
0x92: {  	_ =	strace s17  }
0x93: {  	s2 =	sld [smem:$0x3FFC];
	_ =	sdelay $0x3  }
0x94: {  	_ =	strace s2  }
0x95: {  	s2 =	sld [smem:$0x3FFD];
	_ =	sdelay $0x3  }
0x96: {  	_ =	strace s2  }
0x97: {  	_ =	strace $0x8FFFFFFF  }
0x98: {  	s18 =	sld [smem:$0x3FDB];
	_ =	sdelay $0x1  }
0x99: {  	s19 =	simm.s32 $_scs_section_size  }
0x9a: {  	s4 =	simm.s32 $_size__tile_overlayer_lowered;
	s5 =	simm.s32 $_tile_overlayer_lowered  }
0x9b: {  	s22 =	simm.s32 $0x1BFF;
	s21 =	sshll.u32 s5, $0x1;
	s2 =	sadd.s32 s19, s18  }
0x9c: {  	s6 =	simm.s32 $0x0;
	s20 =	sshll.u32 s4, $0x1;
	s4 =	sadd.s32 s21, s2  }
0x9d: {  	[timem:s6], [sflag:s22] =	dma.local [hbm:s4], s20  }
0x9e: {  	_ =	swait.ge [sflag:s22], s20  }
0x9f: {  	s3 =	ssub.s32 $0x0, s20;
	[sflag:s22] =	ssyncset.done $0x0  }
0xa0: {  	[sflag:s22] =	ssyncadd.s32 s3;
	_ =	sdelay $0x1  }
0xa1: {  	s23 =	simm.s32 $0x1B8B  }
0xa2: {  	_ =	swait.ge [sflag:s23], $0x1  }
0xa3: {  	[sflag:s23] =	ssyncset.done $0x0  }
0xa4: {  	s25 =	simm.s32 $0x1B8E;
	s24 =	sld [smem:$0x3FFE];
	[sflag:s23] =	ssyncadd.s32 $0xFFFFFFFF  }
0xa5: {  	s26 =	simm.s32 $execute0_lowered;
	[smem:$0x3FD2] =	sst s25  }
0xa6: {  	s4 =	sshll.u32 s26, $0x1;
	_ =	strace $0x8000004C;
	[dreg:$0x1] =	wrdreg $0xFFFFFFFF  }
0xa7: {  	s28 =	simm.s32 $_size_execute0_lowered;
	s2 =	sadd.s32 s2, s4;
	[dreg:$0x0] =	wrdreg $0x0  }
0xa8: {  	s4 =	sshll.u32 s28, $0x1;
	[dreg:$0x2] =	wrdreg s2  }
0xa9: {  	[dreg:$0x3] =	wrdreg s4  }
0xaa: {  	[dreg:$0x4] =	wrdreg $0xC0  }
0xab: {  	_ =	task [dreg:s6], $0x5FFFF  }
0xac: {  	[dreg:$0x1] =	wrdreg $0xFFFFFFFF  }
0xad: {  	[dreg:$0x0] =	wrdreg $0x60  }
0xae: {  	[dreg:$0x2] =	wrdreg s24  }
0xaf: {  	[dreg:$0x3] =	wrdreg $0x4C000  }
0xb0: {  	[dreg:$0x4] =	wrdreg $0x9  }
0xb1: {  	_ =	task.clear_ibuf [dreg:s6], $0x5FFFF;
	_ =	strace $0x9000004C  }
0xb2: {  	s29 =	simm.s32 $0x9;
	_ =	strace $0x8000004E  }
0xb3: {  	_ =	swait.ge [sflag:s29], $0x1  }
0xb4: {  	[sflag:s29] =	ssyncadd.s32 $0xFFFFFFFF  }
0xb5: {  	_ =	strace $0x9000004E  }
0xb6: {  	_ =	sfence  }
0xb7: {  	s30 =	sld [smem:$0x0];
	_ =	sdelay $0x2  }
0xb8: {  	s31 =	sshll.u32 s1, $0xD;
	s1 =	sshrl.u32 s1, $0x2  }
0xb9: {  	s3 =	sand.u32 $0x4000, s31;
	s1 =	sadd.s32 s1, s30  }
0xba: {  	s0 =	sor.u32 s3, s0;
	s1 =	sshll.u32 s1, $0x11  }
0xbb: {  	s0 =	sor.u32 s1, s0  }
0xbc: {  	s0 =	sadd.s32 $0x8F2B, s0  }
0xbd: {  	[sflag:s0] =	ssyncadd.remote.s32 $0x1  }
0xbe: {  	_ =	sfence.sel $0xFFFF  }
0xbf: {  	[dreg:$0x0] =	wrdreg $0xFFFFFFFF;
	(pc) =	sbr.abs _section_cstart, $3  }
0xc0: {  	[dreg:$0x1] =	wrdreg $0xFFFFFFFF  }
0xc1: {  	_ =	task.clear_ibuf [dreg:s6], $0x2FFFF;
	_ =	strace $0x9FFFFFFF  }
0xc2: {  	(tm) =	ssettm $0x7FFFFFFF  }
0xc3: {  	_ =	shalt  }
tec
execute0_lowered:
.L_overlay_start_1:
0x0: {  	(tag) =	ssettag $0x1  }
0x1: {  	s0 =	rddreg [dreg:$0x0]  }
0x2: {  	s1 =	rddreg [dreg:$0x1]  }
0x3: {  	s3 =	simm.s32 $0x0;
	s2 =	srdreg.scid;
	s8 =	stileid.u32  }
0x4: {  	s11 =	simm.s32 $0x4800;
	s12 =	simm.s32 $0x2;
	s13 =	simm.s32 $0x400  }
0x5: {  	s26 =	simm.s32 $0x80;
	s14 =	simm.s32 $0x20;
	s15 =	simm.s32 $0x800  }
0x6: {  	s16 =	simm.s32 $0x1800;
	s17 =	simm.s32 $0x100;
	s18 =	simm.s32 $0x2800  }
0x7: {  	s19 =	simm.s32 $0x180;
	s28 =	simm.s32 $0x500;
	s29 =	simm.s32 $0x580  }
0x8: {  	s30 =	simm.s32 $0x600;
	s31 =	simm.s32 $0x680;
	s4 =	smul.u32 $0x48, s8  }
0x9: {  	[smem:$0x7FF] =	sst s3;
	s2 =	sand.u32 $0x1, s2;
	s7 =	smul.u32 $0x2800, s8  }
0xa: {  	s5 =	sshll.u32 s8, $0x3;
	s8 =	smul.u32 $0x50000, s8;
	p0 =	seq.s32 s2, $0x0  }
0xb: {  	s5 =	sor.u32 $0x480, s5;
	s6 =	smul.u32 $0x28000, s2;
	_ =	strace $0x8000004D  }
0xc: {  	s2 =	ssub.s32 $0x2, s2;
	[dreg:$0x3] =	wrdreg s26;
	s26 =	simm.s32 $0x480  }
0xd: {  	s5 =	smov.u32 @p0 s4;
	s4 =	sadd.s32 $0x5CA00, s0;
	s21 =	sshrl.u32 s2, $0x1  }
0xe: {  	s22 =	sshrl.u32 s8, $0x2;
	s5 =	sshll.u32 s5, $0x7;
	s20 =	sadd.s32 s7, s6  }
0xf: {  	s2 =	ssub.s32 s2, s21;
	s6 =	simm.s32 $0x48;
	s21 =	simm.s32 $0x1  }
0x10: {  	s7 =	simm.s32 $0x0;
	s9 =	sadd.s32 s5, s0;
	s6 =	simm.s32 @!p0 $0x8  }
0x11: {  	s0 =	sadd.s32 s20, s0;
	s23 =	smax.u32 s2, $0x1;
	[dreg:$0x4] =	wrdreg s6  }
0x12: {  	s5 =	sadd.s32 s22, s1;
	s0 =	sadd.s32 $0x84A00, s0;
	[dreg:$0x6] =	wrdreg s23  }
0x13: {  	s20 =	simm.s32 $0x3800;
	s24 =	sadd.s32 $0xCA00, s9;
	[dreg:$0x5] =	wrdreg s0  }
0x14: {  	s22 =	simm.s32 $0x200;
	s25 =	sadd.s32 $0x34A00, s9;
	[dreg:$0x7] =	wrdreg s24  }
0x15: {  	s2 =	simm.s32 $0x780;
	s23 =	simm.s32 $0x280;
	[dreg:$0x8] =	wrdreg s25  }
0x16: {  	v0 =	vimm.f32 $0.0e+00;
	s24 =	simm.s32 $0x300;
	s25 =	simm.s32 $0x380;
	s0 =	simm.s32 $0x700  }
.LBB2_1:
0x17: {  	[tilespmem:$0x4800] =	vst v0  }
0x18: {  	[tilespmem:$0x4810] =	vst v0  }
0x19: {  	[tilespmem:$0x4820] =	vst v0  }
0x1a: {  	[tilespmem:$0x4830] =	vst v0  }
0x1b: {  	[tilespmem:$0x4840] =	vst v0  }
0x1c: {  	[tilespmem:$0x4850] =	vst v0  }
0x1d: {  	[tilespmem:$0x4860] =	vst v0  }
0x1e: {  	[tilespmem:$0x4870] =	vst v0  }
0x1f: {  	[tilespmem:$0x4880] =	vst v0  }
0x20: {  	[tilespmem:$0x4890] =	vst v0  }
0x21: {  	[tilespmem:$0x48A0] =	vst v0  }
0x22: {  	[tilespmem:$0x48B0] =	vst v0  }
0x23: {  	[tilespmem:$0x48C0] =	vst v0  }
0x24: {  	[tilespmem:$0x48D0] =	vst v0  }
0x25: {  	[tilespmem:$0x48E0] =	vst v0  }
0x26: {  	[tilespmem:$0x48F0] =	vst v0  }
0x27: {  	[tilespmem:$0x4900] =	vst v0  }
0x28: {  	[tilespmem:$0x4910] =	vst v0  }
0x29: {  	[tilespmem:$0x4920] =	vst v0  }
0x2a: {  	[tilespmem:$0x4930] =	vst v0  }
0x2b: {  	[tilespmem:$0x4940] =	vst v0  }
0x2c: {  	[tilespmem:$0x4950] =	vst v0  }
0x2d: {  	[tilespmem:$0x4960] =	vst v0  }
0x2e: {  	[tilespmem:$0x4970] =	vst v0  }
0x2f: {  	[tilespmem:$0x4980] =	vst v0  }
0x30: {  	[tilespmem:$0x4990] =	vst v0  }
0x31: {  	[tilespmem:$0x49A0] =	vst v0  }
0x32: {  	[tilespmem:$0x49B0] =	vst v0  }
0x33: {  	[tilespmem:$0x49C0] =	vst v0  }
0x34: {  	[tilespmem:$0x49D0] =	vst v0  }
0x35: {  	[tilespmem:$0x49E0] =	vst v0  }
0x36: {  	[tilespmem:$0x49F0] =	vst v0  }
0x37: {  	[tilespmem:$0x4A00] =	vst v0  }
0x38: {  	[tilespmem:$0x4A10] =	vst v0  }
0x39: {  	[tilespmem:$0x4A20] =	vst v0  }
0x3a: {  	[tilespmem:$0x4A30] =	vst v0  }
0x3b: {  	[tilespmem:$0x4A40] =	vst v0  }
0x3c: {  	[tilespmem:$0x4A50] =	vst v0  }
0x3d: {  	[tilespmem:$0x4A60] =	vst v0  }
0x3e: {  	[tilespmem:$0x4A70] =	vst v0  }
0x3f: {  	[tilespmem:$0x4A80] =	vst v0  }
0x40: {  	[tilespmem:$0x4A90] =	vst v0  }
0x41: {  	[tilespmem:$0x4AA0] =	vst v0  }
0x42: {  	[tilespmem:$0x4AB0] =	vst v0  }
0x43: {  	[tilespmem:$0x4AC0] =	vst v0  }
0x44: {  	[tilespmem:$0x4AD0] =	vst v0  }
0x45: {  	[tilespmem:$0x4AE0] =	vst v0  }
0x46: {  	[tilespmem:$0x4AF0] =	vst v0  }
0x47: {  	[tilespmem:$0x4B00] =	vst v0  }
0x48: {  	[tilespmem:$0x4B10] =	vst v0  }
0x49: {  	[tilespmem:$0x4B20] =	vst v0  }
0x4a: {  	[tilespmem:$0x4B30] =	vst v0  }
0x4b: {  	[tilespmem:$0x4B40] =	vst v0  }
0x4c: {  	[tilespmem:$0x4B50] =	vst v0  }
0x4d: {  	[tilespmem:$0x4B60] =	vst v0  }
0x4e: {  	[tilespmem:$0x4B70] =	vst v0  }
0x4f: {  	[tilespmem:$0x4B80] =	vst v0  }
0x50: {  	[tilespmem:$0x4B90] =	vst v0  }
0x51: {  	[tilespmem:$0x4BA0] =	vst v0  }
0x52: {  	[tilespmem:$0x4BB0] =	vst v0  }
0x53: {  	[tilespmem:$0x4BC0] =	vst v0  }
0x54: {  	[tilespmem:$0x4BD0] =	vst v0  }
0x55: {  	[tilespmem:$0x4BE0] =	vst v0  }
0x56: {  	[tilespmem:$0x4BF0] =	vst v0;
	s8 =	sadd.s32 $0x0, s5  }
0x57: {  	[spmem:s8] =	stream.linear.scatter [tilespmem:s11], [sflag:$0x2], $0x400, $0x38;
	[tilespmem:$0x18C00] =	vst v63  }
0x58: {  	s8 =	simm.s32 $0x1000;
	_ =	swait.ge [sflag:s12], $0x400  }
.LBB2_2:
0x59: {  	s9 =	sshra.s32 s8, $0x2;
	[sflag:s12] =	ssyncset.done $0x0;
	p0 =	sne.s32 s8, $0x4F000  }
.Ltmp0:
0x5a: {  	s9 =	sadd.s32 s9, s5;
	[sflag:s12] =	ssyncadd.s32 $0xFFFFFC00;
	(pc) =	sbr.rel @p0 .LBB2_2-.Ltmp0, $3  }
0x5b: {  	[spmem:s9] =	stream.linear.scatter [tilespmem:s11], [sflag:$0x2], $0x400, $0x38;
	[tilespmem:$0x18C00] =	vst v63  }
0x5c: {  	s8 =	sadd.s32 $0x1000, s8;
	_ =	sdelay $0x1  }
0x5d: {  	_ =	swait.ge [sflag:s12], $0x400  }
0x5e: {  	[sflag:s12] =	ssyncset.done $0x0  }
0x5f: {  	[sflag:s12] =	ssyncadd.s32 $0xFFFFFC00  }
0x60: {  	[bflag:$0x0] =	sbarrier.arrive $0xFFFF  }
0x61: {  	s10 =	rddreg [dreg:$0x8]  }
0x62: {  	[tilespmem:s3], [sflag:$0x2] =	stream.linear.gather [hbm4b:s10+s3], $0x400, $0x38;
	[tilespmem:$0x18C00] =	vst v63  }
0x63: {  	_ =	swait.ge [sflag:s12], $0x400  }
0x64: {  	[sflag:s12] =	ssyncset.done $0x0  }
0x65: {  	s9 =	rddreg [dreg:$0x7];
	[sflag:s12] =	ssyncadd.s32 $0xFFFFFC00  }
0x66: {  	[tilespmem:s13], [sflag:$0x2] =	stream.linear.gather [hbm4b:s9+s3], $0x400, $0x38;
	[tilespmem:$0x18C00] =	vst v63  }
0x67: {  	_ =	swait.ge [sflag:s12], $0x400  }
0x68: {  	[sflag:s12] =	ssyncset.done $0x0  }
0x69: {  	[sflag:s12] =	ssyncadd.s32 $0xFFFFFC00  }
0x6a: {  	[tilespmem:s15], [sflag:$0x1] =	stream.indirect.gather [hbm4b:s4+s14], $0x80, s3, s14, $0xb8;
	[tilespmem:$0x18C00] =	vst v63  }
0x6b: {  	s8 =	rddreg [dreg:$0x3]  }
0x6c: {  	[tilespmem:s16], [sflag:$0x1] =	stream.indirect.gather [hbm4b:s4+s14], $0x80, s8, s14, $0xb8;
	[tilespmem:$0x18C00] =	vst v63  }
0x6d: {  	_ = 	snop  }
0x6e: {  	[tilespmem:s18], [sflag:$0x1] =	stream.indirect.gather [hbm4b:s4+s14], $0x80, s17, s14, $0xb8;
	[tilespmem:$0x18C00] =	vst v63  }
0x6f: {  	_ = 	snop  }
0x70: {  	[tilespmem:s20], [sflag:$0x1] =	stream.indirect.gather [hbm4b:s4+s14], $0x80, s19, s14, $0xb8;
	[tilespmem:$0x18C00] =	vst v63  }
0x71: {  	_ =	swait.ge [sflag:s21], $0x1000  }
0x72: {  	[sflag:s21] =	ssyncset.done $0x0  }
0x73: {  	[sflag:s21] =	ssyncadd.s32 $0xFFFFF000  }
0x74: {  	_ =	swait.ge [sflag:s21], $0x1000  }
0x75: {  	[sflag:s21] =	ssyncset.done $0x0  }
0x76: {  	[sflag:s21] =	ssyncadd.s32 $0xFFFFF000  }
0x77: {  	_ =	swait.ge [sflag:s21], $0x1000  }
0x78: {  	[sflag:s21] =	ssyncset.done $0x0  }
0x79: {  	[sflag:s21] =	ssyncadd.s32 $0xFFFFF000  }
0x7a: {  	_ =	swait.ge [sflag:s21], $0x1000  }
0x7b: {  	[sflag:s21] =	ssyncset.done $0x0  }
0x7c: {  	[sflag:s21] =	ssyncadd.s32 $0xFFFFF000  }
0x7d: {  	[tilespmem:s15], [sflag:$0x1] =	stream.indirect.gather [hbm4b:s4+s14], $0x80, s22, s14, $0xb8;
	[tilespmem:$0x18C00] =	vst v63  }
0x7e: {  	_ = 	snop  }
0x7f: {  	[tilespmem:s16], [sflag:$0x1] =	stream.indirect.gather [hbm4b:s4+s14], $0x80, s23, s14, $0xb8;
	[tilespmem:$0x18C00] =	vst v63  }
0x80: {  	_ = 	snop  }
0x81: {  	[tilespmem:s18], [sflag:$0x1] =	stream.indirect.gather [hbm4b:s4+s14], $0x80, s24, s14, $0xb8;
	[tilespmem:$0x18C00] =	vst v63  }
0x82: {  	_ = 	snop  }
0x83: {  	[tilespmem:s20], [sflag:$0x1] =	stream.indirect.gather [hbm4b:s4+s14], $0x80, s25, s14, $0xb8;
	[tilespmem:$0x18C00] =	vst v63  }
0x84: {  	_ = 	snop  }
0x85: {  	[spmem:s1] =	stream.indirect.scatter.add.f32 [tilespmem:s15], [sflag:$0x2], $0x80, s13, s14, $0xb8;
	[tilespmem:$0x18C00] =	vst v63  }
0x86: {  	_ =	swait.ge [sflag:s12], $0x1000  }
0x87: {  	[sflag:s12] =	ssyncset.done $0x0  }
0x88: {  	[sflag:s12] =	ssyncadd.s32 $0xFFFFF000  }
0x89: {  	[spmem:s1] =	stream.indirect.scatter.add.f32 [tilespmem:s16], [sflag:$0x2], $0x80, s26, s14, $0xb8;
	[tilespmem:$0x18C00] =	vst v63  }
0x8a: {  	_ =	swait.ge [sflag:s12], $0x1000  }
0x8b: {  	[sflag:s12] =	ssyncset.done $0x0  }
0x8c: {  	[sflag:s12] =	ssyncadd.s32 $0xFFFFF000  }
0x8d: {  	[spmem:s1] =	stream.indirect.scatter.add.f32 [tilespmem:s18], [sflag:$0x2], $0x80, s28, s14, $0xb8;
	[tilespmem:$0x18C00] =	vst v63  }
0x8e: {  	_ =	swait.ge [sflag:s12], $0x1000  }
0x8f: {  	[sflag:s12] =	ssyncset.done $0x0  }
0x90: {  	[sflag:s12] =	ssyncadd.s32 $0xFFFFF000  }
0x91: {  	[spmem:s1] =	stream.indirect.scatter.add.f32 [tilespmem:s20], [sflag:$0x2], $0x80, s29, s14, $0xb8;
	[tilespmem:$0x18C00] =	vst v63  }
0x92: {  	_ =	swait.ge [sflag:s12], $0x1000  }
0x93: {  	[sflag:s12] =	ssyncset.done $0x0  }
0x94: {  	[sflag:s12] =	ssyncadd.s32 $0xFFFFF000  }
0x95: {  	_ =	swait.ge [sflag:s21], $0x1000  }
0x96: {  	[sflag:s21] =	ssyncset.done $0x0  }
0x97: {  	[sflag:s21] =	ssyncadd.s32 $0xFFFFF000  }
0x98: {  	_ =	swait.ge [sflag:s21], $0x1000  }
0x99: {  	[sflag:s21] =	ssyncset.done $0x0  }
0x9a: {  	[sflag:s21] =	ssyncadd.s32 $0xFFFFF000  }
0x9b: {  	_ =	swait.ge [sflag:s21], $0x1000  }
0x9c: {  	[sflag:s21] =	ssyncset.done $0x0  }
0x9d: {  	[sflag:s21] =	ssyncadd.s32 $0xFFFFF000  }
0x9e: {  	_ =	swait.ge [sflag:s21], $0x1000  }
0x9f: {  	[sflag:s21] =	ssyncset.done $0x0  }
0xa0: {  	[sflag:s21] =	ssyncadd.s32 $0xFFFFF000  }
0xa1: {  	[spmem:s1] =	stream.indirect.scatter.add.f32 [tilespmem:s15], [sflag:$0x2], $0x80, s30, s14, $0xb8;
	[tilespmem:$0x18C00] =	vst v63  }
0xa2: {  	_ =	swait.ge [sflag:s12], $0x1000  }
0xa3: {  	[sflag:s12] =	ssyncset.done $0x0  }
0xa4: {  	[sflag:s12] =	ssyncadd.s32 $0xFFFFF000  }
0xa5: {  	[spmem:s1] =	stream.indirect.scatter.add.f32 [tilespmem:s16], [sflag:$0x2], $0x80, s31, s14, $0xb8;
	[tilespmem:$0x18C00] =	vst v63  }
0xa6: {  	_ =	swait.ge [sflag:s12], $0x1000  }
0xa7: {  	[sflag:s12] =	ssyncset.done $0x0  }
0xa8: {  	[sflag:s12] =	ssyncadd.s32 $0xFFFFF000  }
0xa9: {  	[spmem:s1] =	stream.indirect.scatter.add.f32 [tilespmem:s18], [sflag:$0x2], $0x80, s0, s14, $0xb8;
	[tilespmem:$0x18C00] =	vst v63  }
0xaa: {  	_ =	swait.ge [sflag:s12], $0x1000  }
0xab: {  	s6 =	rddreg [dreg:$0x4]  }
0xac: {  	p0 =	sne.s32 s6, $0x1  }
.Ltmp1:
0xad: {  	[sflag:s12] =	ssyncset.done $0x0;
	(pc) =	sbr.rel @!p0 .LBB2_5-.Ltmp1, $4  }
0xae: {  	[sflag:s12] =	ssyncadd.s32 $0xFFFFF000  }
0xaf: {  	[spmem:s1] =	stream.indirect.scatter.add.f32 [tilespmem:s20], [sflag:$0x2], $0x80, s2, s14, $0xb8;
	[tilespmem:$0x18C00] =	vst v63  }
0xb0: {  	_ =	swait.ge [sflag:s12], $0x1000  }
0xb1: {  	s8 =	sadd.s32 $0xFFFFFFFF, s6;
	[sflag:s12] =	ssyncset.done $0x0  }
.LBB2_4:
0xb2: {  	[sflag:s12] =	ssyncadd.s32 $0xFFFFF000;
	s10 =	sadd.s32 $0x80, s10  }
0xb3: {  	[tilespmem:s3], [sflag:$0x2] =	stream.linear.gather [hbm4b:s10+s3], $0x400, $0x38;
	[tilespmem:$0x18C00] =	vst v63  }
0xb4: {  	_ =	swait.ge [sflag:s12], $0x400  }
0xb5: {  	[sflag:s12] =	ssyncset.done $0x0  }
0xb6: {  	s9 =	sadd.s32 $0x80, s9;
	[sflag:s12] =	ssyncadd.s32 $0xFFFFFC00  }
0xb7: {  	[tilespmem:s13], [sflag:$0x2] =	stream.linear.gather [hbm4b:s9+s3], $0x400, $0x38;
	[tilespmem:$0x18C00] =	vst v63  }
0xb8: {  	_ =	swait.ge [sflag:s12], $0x400  }
0xb9: {  	[sflag:s12] =	ssyncset.done $0x0  }
0xba: {  	[sflag:s12] =	ssyncadd.s32 $0xFFFFFC00  }
0xbb: {  	[tilespmem:s15], [sflag:$0x1] =	stream.indirect.gather [hbm4b:s4+s14], $0x80, s3, s14, $0xb8;
	[tilespmem:$0x18C00] =	vst v63  }
0xbc: {  	s6 =	rddreg [dreg:$0x3]  }
0xbd: {  	[tilespmem:s16], [sflag:$0x1] =	stream.indirect.gather [hbm4b:s4+s14], $0x80, s6, s14, $0xb8;
	[tilespmem:$0x18C00] =	vst v63  }
0xbe: {  	_ = 	snop  }
0xbf: {  	[tilespmem:s18], [sflag:$0x1] =	stream.indirect.gather [hbm4b:s4+s14], $0x80, s17, s14, $0xb8;
	[tilespmem:$0x18C00] =	vst v63  }
0xc0: {  	_ = 	snop  }
0xc1: {  	[tilespmem:s20], [sflag:$0x1] =	stream.indirect.gather [hbm4b:s4+s14], $0x80, s19, s14, $0xb8;
	[tilespmem:$0x18C00] =	vst v63  }
0xc2: {  	_ =	swait.ge [sflag:s21], $0x1000  }
0xc3: {  	[sflag:s21] =	ssyncset.done $0x0  }
0xc4: {  	[sflag:s21] =	ssyncadd.s32 $0xFFFFF000  }
0xc5: {  	_ =	swait.ge [sflag:s21], $0x1000  }
0xc6: {  	[sflag:s21] =	ssyncset.done $0x0  }
0xc7: {  	[sflag:s21] =	ssyncadd.s32 $0xFFFFF000  }
0xc8: {  	_ =	swait.ge [sflag:s21], $0x1000  }
0xc9: {  	[sflag:s21] =	ssyncset.done $0x0  }
0xca: {  	[sflag:s21] =	ssyncadd.s32 $0xFFFFF000  }
0xcb: {  	_ =	swait.ge [sflag:s21], $0x1000  }
0xcc: {  	[sflag:s21] =	ssyncset.done $0x0  }
0xcd: {  	[sflag:s21] =	ssyncadd.s32 $0xFFFFF000  }
0xce: {  	[tilespmem:s15], [sflag:$0x1] =	stream.indirect.gather [hbm4b:s4+s14], $0x80, s22, s14, $0xb8;
	[tilespmem:$0x18C00] =	vst v63  }
0xcf: {  	_ = 	snop  }
0xd0: {  	[tilespmem:s16], [sflag:$0x1] =	stream.indirect.gather [hbm4b:s4+s14], $0x80, s23, s14, $0xb8;
	[tilespmem:$0x18C00] =	vst v63  }
0xd1: {  	_ = 	snop  }
0xd2: {  	[tilespmem:s18], [sflag:$0x1] =	stream.indirect.gather [hbm4b:s4+s14], $0x80, s24, s14, $0xb8;
	[tilespmem:$0x18C00] =	vst v63  }
0xd3: {  	_ = 	snop  }
0xd4: {  	[tilespmem:s20], [sflag:$0x1] =	stream.indirect.gather [hbm4b:s4+s14], $0x80, s25, s14, $0xb8;
	[tilespmem:$0x18C00] =	vst v63  }
0xd5: {  	_ = 	snop  }
0xd6: {  	[spmem:s1] =	stream.indirect.scatter.add.f32 [tilespmem:s15], [sflag:$0x2], $0x80, s13, s14, $0xb8;
	[tilespmem:$0x18C00] =	vst v63  }
0xd7: {  	_ =	swait.ge [sflag:s12], $0x1000  }
0xd8: {  	[sflag:s12] =	ssyncset.done $0x0  }
0xd9: {  	[sflag:s12] =	ssyncadd.s32 $0xFFFFF000  }
0xda: {  	[spmem:s1] =	stream.indirect.scatter.add.f32 [tilespmem:s16], [sflag:$0x2], $0x80, s26, s14, $0xb8;
	[tilespmem:$0x18C00] =	vst v63  }
0xdb: {  	_ =	swait.ge [sflag:s12], $0x1000  }
0xdc: {  	[sflag:s12] =	ssyncset.done $0x0  }
0xdd: {  	[sflag:s12] =	ssyncadd.s32 $0xFFFFF000  }
0xde: {  	[spmem:s1] =	stream.indirect.scatter.add.f32 [tilespmem:s18], [sflag:$0x2], $0x80, s28, s14, $0xb8;
	[tilespmem:$0x18C00] =	vst v63  }
0xdf: {  	_ =	swait.ge [sflag:s12], $0x1000  }
0xe0: {  	[sflag:s12] =	ssyncset.done $0x0  }
0xe1: {  	[sflag:s12] =	ssyncadd.s32 $0xFFFFF000  }
0xe2: {  	[spmem:s1] =	stream.indirect.scatter.add.f32 [tilespmem:s20], [sflag:$0x2], $0x80, s29, s14, $0xb8;
	[tilespmem:$0x18C00] =	vst v63  }
0xe3: {  	_ =	swait.ge [sflag:s12], $0x1000  }
0xe4: {  	[sflag:s12] =	ssyncset.done $0x0  }
0xe5: {  	[sflag:s12] =	ssyncadd.s32 $0xFFFFF000  }
0xe6: {  	_ =	swait.ge [sflag:s21], $0x1000  }
0xe7: {  	[sflag:s21] =	ssyncset.done $0x0  }
0xe8: {  	[sflag:s21] =	ssyncadd.s32 $0xFFFFF000  }
0xe9: {  	_ =	swait.ge [sflag:s21], $0x1000  }
0xea: {  	[sflag:s21] =	ssyncset.done $0x0  }
0xeb: {  	[sflag:s21] =	ssyncadd.s32 $0xFFFFF000  }
0xec: {  	_ =	swait.ge [sflag:s21], $0x1000  }
0xed: {  	[sflag:s21] =	ssyncset.done $0x0  }
0xee: {  	[sflag:s21] =	ssyncadd.s32 $0xFFFFF000  }
0xef: {  	_ =	swait.ge [sflag:s21], $0x1000  }
0xf0: {  	[sflag:s21] =	ssyncset.done $0x0  }
0xf1: {  	[sflag:s21] =	ssyncadd.s32 $0xFFFFF000  }
0xf2: {  	[spmem:s1] =	stream.indirect.scatter.add.f32 [tilespmem:s15], [sflag:$0x2], $0x80, s30, s14, $0xb8;
	[tilespmem:$0x18C00] =	vst v63  }
0xf3: {  	_ =	swait.ge [sflag:s12], $0x1000  }
0xf4: {  	[sflag:s12] =	ssyncset.done $0x0  }
0xf5: {  	[sflag:s12] =	ssyncadd.s32 $0xFFFFF000  }
0xf6: {  	[spmem:s1] =	stream.indirect.scatter.add.f32 [tilespmem:s16], [sflag:$0x2], $0x80, s31, s14, $0xb8;
	[tilespmem:$0x18C00] =	vst v63  }
0xf7: {  	_ =	swait.ge [sflag:s12], $0x1000  }
0xf8: {  	[sflag:s12] =	ssyncset.done $0x0  }
0xf9: {  	[sflag:s12] =	ssyncadd.s32 $0xFFFFF000  }
0xfa: {  	[spmem:s1] =	stream.indirect.scatter.add.f32 [tilespmem:s18], [sflag:$0x2], $0x80, s0, s14, $0xb8;
	[tilespmem:$0x18C00] =	vst v63  }
0xfb: {  	p0 =	sne.s32 s8, $0x1;
	_ =	swait.ge [sflag:s12], $0x1000  }
.Ltmp2:
0xfc: {  	[sflag:s12] =	ssyncset.done $0x0;
	(pc) =	sbr.rel @p0 .LBB2_4-.Ltmp2, $4  }
0xfd: {  	[sflag:s12] =	ssyncadd.s32 $0xFFFFF000  }
0xfe: {  	[spmem:s1] =	stream.indirect.scatter.add.f32 [tilespmem:s20], [sflag:$0x2], $0x80, s2, s14, $0xb8;
	[tilespmem:$0x18C00] =	vst v63  }
0xff: {  	_ =	swait.ge [sflag:s12], $0x1000  }
0x100: {  	s8 =	sadd.s32 $0xFFFFFFFF, s8;
	[sflag:s12] =	ssyncset.done $0x0  }
.LBB2_5:
0x101: {  	[sflag:s12] =	ssyncadd.s32 $0xFFFFF000;
	s6 =	stileid.u32  }
0x102: {  	s6 =	sshll.u32 s6, $0x6;
	[bflag:$0x0] =	sbarrier.arrive $0xFFFF  }
0x103: {  	s8 =	sshrl.u32 s5, $0x3;
	s6 =	sor.u32 $0x1C02, s6;
	s9 =	rddreg [dreg:$0x5]  }
0x104: {  	[hbm:s9], [sflag:s6] =	dma.local [spmem:s8], $0x2800  }
0x105: {  	_ =	swait.ge [sflag:s12], $0x2800  }
0x106: {  	s7 =	sadd.s32 $0x1, s7;
	s10 =	rddreg [dreg:$0x6]  }
0x107: {  	p0 =	sne.s32 s7, s10  }
.Ltmp3:
0x108: {  	_ = 	snop;
	(pc) =	sbr.rel @p0 .LBB2_1-.Ltmp3, $3  }
0x109: {  	_ =	sdelay $0x1  }
0x10a: {  	[sflag:s12] =	ssyncset.done $0x0  }
0x10b: {  	[sflag:s12] =	ssyncadd.s32 $0xFFFFD800  }
0x10c: {  	_ =	sfence.sel $0x180000  }
0x10d: {  	[bflag:$0x0] =	sbarrier.arrive $0xFFFF  }
0x10e: {  	_ =	strace $0x9000004D  }
0x10f: {  	s0 =	stileid.u32;
	[bflag:$0x2] =	sbarrier.arrive $0xFFFF  }
0x110: {  	p0 =	sne.s32 s0, $0x0;
	s0 =	rddreg [dreg:$0x2]  }
0x111: {  	s0 =	sadd.s32 @!p0 $0x100000, s0  }
0x112: {  	[sflag:s0] =	ssyncadd.tile.s32 @!p0 $0x1;
	_ =	shalt  }
.Lfunc_end2:
_tile_overlayer_lowered:
.L_overlay_start_2:
0x113: {  	(tag) =	ssettag $0x2  }
0x114: {  	s0 =	rddreg [dreg:$0x0];
	s2 =	stileid.u32  }
0x115: {  	s1 =	rddreg [dreg:$0x1];
	p0 =	sne.s32 s2, $0x0  }
0x116: {  	s3 =	rddreg [dreg:$0x2];
	[bflag:$0x3] =	sbarrier.arrive $0xFFFF;
	s2 =	simm.s32 @!p0 $0x1C02  }
0x117: {  	[timem:s3], [sflag:s2] =	dma.local @!p0 [hbm:s0], s1  }
0x118: {  	s0 =	simm.s32 @!p0 $0x2  }
0x119: {  	_ =	swait.ge @!p0 [sflag:s0], s1  }
0x11a: {  	s1 =	ssub.s32 @!p0 $0x0, s1;
	[sflag:s0] =	ssyncset.done @!p0 $0x0  }
0x11b: {  	[sflag:s0] =	ssyncadd.s32 @!p0 s1  }
0x11c: {  	[bflag:$0x3] =	sbarrier.arrive $0xFFFF  }
0x11d: {  	_ =	shalt  }

// kernel: kernel.7.cloned.1.call-start
scs
__scs_entry_jumppad:
0x0: {  	(pc) =	sbr.rel $0x88, $3  }
0x1: {  	(tag) =	ssettag $0x0;
	lr =	simm.s32 $0x1  }
0x2: {  	[smem:$0x3F98] =	sst lr;
	_ =	strace $0xD0000000  }
0x3: {  	_ = 	snop  }
0x4: {  	_ = 	snop  }
0x5: {  	_ = 	snop  }
0x6: {  	_ = 	snop  }
0x7: {  	_ = 	snop  }
__scs_overlays_trampoline_lowered:
0x8: {  	[smem:$0x3FA7] =	sst s0  }
0x9: {  	[smem:$0x3FA8] =	sst s1  }
0xa: {  	[smem:$0x3FA9] =	sst s2  }
0xb: {  	[smem:$0x3FAA] =	sst s3  }
0xc: {  	[smem:$0x3FAB] =	sst s4  }
0xd: {  	[smem:$0x3FAC] =	sst s5  }
0xe: {  	[smem:$0x3FAD] =	sst s6  }
0xf: {  	[smem:$0x3FAE] =	sst s7  }
0x10: {  	[smem:$0x3FAF] =	sst s8  }
0x11: {  	[smem:$0x3FB0] =	sst s9;
	s0 =	simm.s32 @!p0 $0x0  }
0x12: {  	s1 =	sld [smem:$0x3F96];
	s0 =	simm.s32 @p0 $0x1  }
0x13: {  	[smem:$0x3FB1] =	sst s0;
	s0 =	simm.s32 @!p1 $0x0  }
0x14: {  	s2 =	sld [smem:$0x3F95];
	s0 =	simm.s32 @p1 $0x1  }
0x15: {  	[smem:$0x3FB2] =	sst s0;
	s0 =	simm.s32 @!p2 $0x0  }
0x16: {  	s3 =	sld [smem:$0x3FDB];
	s0 =	simm.s32 @p2 $0x1  }
0x17: {  	s4 =	simm.s32 $0x1BF5;
	[smem:$0x3FB4] =	sst s0  }
0x18: {  	s0 =	sld [smem:$0x3F97];
	_ =	swait.ge [sflag:s4], $0x0  }
0x19: {  	s7 =	sld [smem:$0x3F98]  }
0x1a: {  	s8 =	sadd.s32 $0xFFFFE003, lr  }
0x1b: {  	s9 =	sadd.s32 $0xFFFFFEF7, lr;
	s5 =	simm.s32 $0xFFFFFFFF;
	p2 =	slt.u32 s8, $0xFFFFF086  }
0x1c: {  	p1 =	slt.u32 s9, $0xF7A;
	s5 =	simm.s32 @!p2 $0x0  }
0x1d: {  	s5 =	simm.s32 @p1 $0x1;
	p0 =	seq.s32 s7, s2  }
0x1e: {  	s7 =	smul.u32 @!p0 $0xF7A, s2;
	p2 =	seq.s32 @!p0 s5, $0x0  }
0x1f: {  	s9 =	smul.u32 $0xF7A, s1;
	s8 =	simm.s32 @!p0 $0x1BF5;
	p2 =	por !p2, p0  }
0x20: {  	[sflag:s8] =	ssyncset.s32 @!p0 $0xFFFFF086;
	s6 =	sadd.s32 @!p0 s3, s7;
	s7 =	simm.s32 @!p0 $0x108  }
0x21: {  	s3 =	sadd.s32 s3, s9;
	s6 =	sadd.s32 @!p0 $0x88, s6;
	s7 =	simm.s32 @p2 $0x1082  }
0x22: {  	[simem:s7], [sflag:s8] =	dma.local @!p0 [hbm:s6], $0xF7A  }
0x23: {  	s9 =	sor.u32 $0xD0000000, s2;
	s6 =	simm.s32 $0x108;
	_ =	swait.ge @!p0 [sflag:s8], $0x0  }
0x24: {  	s3 =	sadd.s32 $0x88, s3;
	s6 =	simm.s32 @!p1 $0x1082;
	[sflag:s4] =	ssyncset.s32 $0xFFFFF086  }
0x25: {  	[simem:s6], [sflag:s4] =	dma.local [hbm:s3], $0xF7A  }
0x26: {  	[smem:$0x3F98] =	sst s1;
	(tag) =	ssettag s2;
	_ =	strace s9  }
0x27: {  	s1 =	sld [smem:$0x3FA8]  }
0x28: {  	s2 =	sld [smem:$0x3FA9]  }
0x29: {  	s4 =	sld [smem:$0x3FAB]  }
0x2a: {  	p0 =	seq.s32 s5, $0x0;
	s5 =	sld [smem:$0x3FAC]  }
0x2b: {  	s6 =	sld [smem:$0x3FAD]  }
0x2c: {  	s7 =	sld [smem:$0x3FAE]  }
0x2d: {  	s3 =	simm.s32 $0x108;
	s8 =	sld [smem:$0x3FAF]  }
0x2e: {  	s3 =	simm.s32 @!p0 $0x1082;
	s9 =	sld [smem:$0x3FB0]  }
0x2f: {  	lr =	sadd.s32 s0, s3;
	s0 =	sld [smem:$0x3FA7]  }
0x30: {  	s3 =	sld [smem:$0x3FAA]  }
0x31: {  	[smem:$0x3FB3] =	sst s10  }
0x32: {  	s10 =	sld [smem:$0x3FB1];
	_ =	sdelay $0x3  }
0x33: {  	p0 =	seq.s32 s10, $0x1;
	s10 =	sld [smem:$0x3FB3];
	_ =	sdelay $0x3  }
0x34: {  	[smem:$0x3FB3] =	sst s10  }
0x35: {  	s10 =	sld [smem:$0x3FB2];
	_ =	sdelay $0x3  }
0x36: {  	p1 =	seq.s32 s10, $0x1;
	s10 =	sld [smem:$0x3FB3];
	_ =	sdelay $0x3  }
0x37: {  	[smem:$0x3FB3] =	sst s10  }
0x38: {  	s10 =	sld [smem:$0x3FB4]  }
0x39: {  	_ = 	snop;
	(pc) =	sbr.ind lr, $3  }
0x3a: {  	_ = 	snop  }
0x3b: {  	_ = 	snop  }
0x3c: {  	p2 =	seq.s32 s10, $0x1;
	s10 =	sld [smem:$0x3FB3]  }
0x3d: {  	_ =	shalt  }
0x3e: {  	_ =	shalt  }
0x3f: {  	_ =	shalt  }
0x40: {  	_ =	shalt  }
0x41: {  	_ =	shalt  }
0x42: {  	_ =	shalt  }
0x43: {  	_ =	shalt  }
0x44: {  	_ =	shalt  }
0x45: {  	_ =	shalt  }
0x46: {  	_ =	shalt  }
0x47: {  	_ =	shalt  }
0x48: {  	_ =	shalt  }
0x49: {  	_ =	shalt  }
0x4a: {  	_ =	shalt  }
0x4b: {  	_ =	shalt  }
0x4c: {  	_ =	shalt  }
0x4d: {  	_ =	shalt  }
0x4e: {  	_ =	shalt  }
0x4f: {  	_ =	shalt  }
0x50: {  	_ =	shalt  }
0x51: {  	_ =	shalt  }
0x52: {  	_ =	shalt  }
0x53: {  	_ =	shalt  }
0x54: {  	_ =	shalt  }
0x55: {  	_ =	shalt  }
0x56: {  	_ =	shalt  }
0x57: {  	_ =	shalt  }
0x58: {  	_ =	shalt  }
0x59: {  	_ =	shalt  }
0x5a: {  	_ =	shalt  }
0x5b: {  	_ =	shalt  }
0x5c: {  	_ =	shalt  }
0x5d: {  	_ =	shalt  }
0x5e: {  	_ =	shalt  }
0x5f: {  	_ =	shalt  }
0x60: {  	_ =	shalt  }
0x61: {  	_ =	shalt  }
0x62: {  	_ =	shalt  }
0x63: {  	_ =	shalt  }
0x64: {  	_ =	shalt  }
0x65: {  	_ =	shalt  }
0x66: {  	_ =	shalt  }
0x67: {  	_ =	shalt  }
0x68: {  	_ =	shalt  }
0x69: {  	_ =	shalt  }
0x6a: {  	_ =	shalt  }
0x6b: {  	_ =	shalt  }
0x6c: {  	_ =	shalt  }
0x6d: {  	_ =	shalt  }
0x6e: {  	_ =	shalt  }
0x6f: {  	_ =	shalt  }
0x70: {  	_ =	shalt  }
0x71: {  	_ =	shalt  }
0x72: {  	_ =	shalt  }
0x73: {  	_ =	shalt  }
0x74: {  	_ =	shalt  }
0x75: {  	_ =	shalt  }
0x76: {  	_ =	shalt  }
0x77: {  	_ =	shalt  }
0x78: {  	_ =	shalt  }
0x79: {  	_ =	shalt  }
0x7a: {  	_ =	shalt  }
0x7b: {  	_ =	shalt  }
0x7c: {  	_ =	shalt  }
0x7d: {  	_ =	shalt  }
0x7e: {  	_ =	shalt  }
0x7f: {  	_ =	shalt  }
0x80: {  	_ =	shalt  }
0x81: {  	_ =	shalt  }
0x82: {  	_ =	shalt  }
0x83: {  	_ =	shalt  }
0x84: {  	_ =	shalt  }
0x85: {  	_ =	shalt  }
0x86: {  	_ =	shalt  }
0x87: {  	_ =	shalt  }
.Lfunc_end0:
.L_simem_size_0:
called_computation_lowered:
.L_overlay_start_0:
0x88: {  	s2 =	sld [smem:$0x3FD9]  }
0x89: {  	s3 =	sld [smem:$0x3FFE];
	_ =	sdelay $0x1  }
0x8a: {  	s1 =	srdreg.scid  }
0x8b: {  	s0 =	sand.u32 $0x1, s1  }
0x8c: {  	s16 =	sshll.u32 s0, $0xA;
	s2 =	sadd.s32 s3, s2  }
0x8d: {  	s2 =	sadd.s32 s2, s16  }
0x8e: {  	[smem:$0x3FBF] =	sst s2  }
0x8f: {  	_ = 	snop  }
0x90: {  	(tm) =	ssettm $0x1  }
0x91: {  	s17 =	sld [smem:$0x3FFB];
	_ =	sdelay $0x3  }
0x92: {  	_ =	strace s17  }
0x93: {  	s2 =	sld [smem:$0x3FFC];
	_ =	sdelay $0x3  }
0x94: {  	_ =	strace s2  }
0x95: {  	s2 =	sld [smem:$0x3FFD];
	_ =	sdelay $0x3  }
0x96: {  	_ =	strace s2  }
0x97: {  	_ =	strace $0x8FFFFFFF  }
0x98: {  	s18 =	sld [smem:$0x3FDB];
	_ =	sdelay $0x1  }
0x99: {  	s19 =	simm.s32 $_scs_section_size  }
0x9a: {  	s4 =	simm.s32 $_size__tile_overlayer_lowered;
	s5 =	simm.s32 $_tile_overlayer_lowered  }
0x9b: {  	s22 =	simm.s32 $0x1BFF;
	s21 =	sshll.u32 s5, $0x1;
	s2 =	sadd.s32 s19, s18  }
0x9c: {  	s6 =	simm.s32 $0x0;
	s20 =	sshll.u32 s4, $0x1;
	s4 =	sadd.s32 s21, s2  }
0x9d: {  	[timem:s6], [sflag:s22] =	dma.local [hbm:s4], s20  }
0x9e: {  	_ =	swait.ge [sflag:s22], s20  }
0x9f: {  	s3 =	ssub.s32 $0x0, s20;
	[sflag:s22] =	ssyncset.done $0x0  }
0xa0: {  	[sflag:s22] =	ssyncadd.s32 s3;
	_ =	sdelay $0x1  }
0xa1: {  	s23 =	simm.s32 $0x1B8B  }
0xa2: {  	_ =	swait.ge [sflag:s23], $0x1  }
0xa3: {  	[sflag:s23] =	ssyncset.done $0x0  }
0xa4: {  	s25 =	simm.s32 $0x1B8E;
	s24 =	sld [smem:$0x3FFE];
	[sflag:s23] =	ssyncadd.s32 $0xFFFFFFFF  }
0xa5: {  	s26 =	simm.s32 $execute0_lowered;
	[smem:$0x3FD2] =	sst s25  }
0xa6: {  	s4 =	sshll.u32 s26, $0x1;
	_ =	strace $0x80000046;
	[dreg:$0x1] =	wrdreg $0xFFFFFFFF  }
0xa7: {  	s28 =	simm.s32 $_size_execute0_lowered;
	s2 =	sadd.s32 s2, s4;
	[dreg:$0x0] =	wrdreg $0x0  }
0xa8: {  	s4 =	sshll.u32 s28, $0x1;
	[dreg:$0x2] =	wrdreg s2  }
0xa9: {  	[dreg:$0x3] =	wrdreg s4  }
0xaa: {  	[dreg:$0x4] =	wrdreg $0xC0  }
0xab: {  	_ =	task [dreg:s6], $0x5FFFF  }
0xac: {  	[dreg:$0x1] =	wrdreg $0xFFFFFFFF  }
0xad: {  	[dreg:$0x0] =	wrdreg $0x60  }
0xae: {  	[dreg:$0x2] =	wrdreg s24  }
0xaf: {  	[dreg:$0x3] =	wrdreg $0x4C000  }
0xb0: {  	[dreg:$0x4] =	wrdreg $0x9  }
0xb1: {  	_ =	task.clear_ibuf [dreg:s6], $0x5FFFF;
	_ =	strace $0x90000046  }
0xb2: {  	s29 =	simm.s32 $0x9;
	_ =	strace $0x80000048  }
0xb3: {  	_ =	swait.ge [sflag:s29], $0x1  }
0xb4: {  	[sflag:s29] =	ssyncadd.s32 $0xFFFFFFFF  }
0xb5: {  	_ =	strace $0x90000048  }
0xb6: {  	_ =	sfence  }
0xb7: {  	s30 =	sld [smem:$0x0];
	_ =	sdelay $0x2  }
0xb8: {  	s31 =	sshll.u32 s1, $0xD;
	s1 =	sshrl.u32 s1, $0x2  }
0xb9: {  	s3 =	sand.u32 $0x4000, s31;
	s1 =	sadd.s32 s1, s30  }
0xba: {  	s0 =	sor.u32 s3, s0;
	s1 =	sshll.u32 s1, $0x11  }
0xbb: {  	s0 =	sor.u32 s1, s0  }
0xbc: {  	s0 =	sadd.s32 $0x8F2B, s0  }
0xbd: {  	[sflag:s0] =	ssyncadd.remote.s32 $0x1  }
0xbe: {  	_ =	sfence.sel $0xFFFF  }
0xbf: {  	[dreg:$0x0] =	wrdreg $0xFFFFFFFF;
	(pc) =	sbr.abs _section_cstart, $3  }
0xc0: {  	[dreg:$0x1] =	wrdreg $0xFFFFFFFF  }
0xc1: {  	_ =	task.clear_ibuf [dreg:s6], $0x2FFFF;
	_ =	strace $0x9FFFFFFF  }
0xc2: {  	(tm) =	ssettm $0x7FFFFFFF  }
0xc3: {  	_ =	shalt  }
tec
execute0_lowered:
.L_overlay_start_1:
0x0: {  	(tag) =	ssettag $0x1  }
0x1: {  	s0 =	rddreg [dreg:$0x0]  }
0x2: {  	s1 =	rddreg [dreg:$0x1]  }
0x3: {  	s3 =	simm.s32 $0x0;
	s2 =	srdreg.scid;
	s8 =	stileid.u32  }
0x4: {  	s11 =	simm.s32 $0x4800;
	s12 =	simm.s32 $0x2;
	s13 =	simm.s32 $0x400  }
0x5: {  	s26 =	simm.s32 $0x80;
	s14 =	simm.s32 $0x20;
	s15 =	simm.s32 $0x800  }
0x6: {  	s16 =	simm.s32 $0x1800;
	s17 =	simm.s32 $0x100;
	s18 =	simm.s32 $0x2800  }
0x7: {  	s19 =	simm.s32 $0x180;
	s28 =	simm.s32 $0x500;
	s29 =	simm.s32 $0x580  }
0x8: {  	s30 =	simm.s32 $0x600;
	s31 =	simm.s32 $0x680;
	s4 =	smul.u32 $0x48, s8  }
0x9: {  	[smem:$0x7FF] =	sst s3;
	s2 =	sand.u32 $0x1, s2;
	s7 =	smul.u32 $0x2800, s8  }
0xa: {  	s5 =	sshll.u32 s8, $0x3;
	s8 =	smul.u32 $0x50000, s8;
	p0 =	seq.s32 s2, $0x0  }
0xb: {  	s5 =	sor.u32 $0x480, s5;
	s6 =	smul.u32 $0x28000, s2;
	_ =	strace $0x80000047  }
0xc: {  	s2 =	ssub.s32 $0x2, s2;
	[dreg:$0x3] =	wrdreg s26;
	s26 =	simm.s32 $0x480  }
0xd: {  	s5 =	smov.u32 @p0 s4;
	s4 =	sadd.s32 $0x5CA00, s0;
	s21 =	sshrl.u32 s2, $0x1  }
0xe: {  	s22 =	sshrl.u32 s8, $0x2;
	s5 =	sshll.u32 s5, $0x7;
	s20 =	sadd.s32 s7, s6  }
0xf: {  	s2 =	ssub.s32 s2, s21;
	s6 =	simm.s32 $0x48;
	s21 =	simm.s32 $0x1  }
0x10: {  	s7 =	simm.s32 $0x0;
	s9 =	sadd.s32 s5, s0;
	s6 =	simm.s32 @!p0 $0x8  }
0x11: {  	s0 =	sadd.s32 s20, s0;
	s23 =	smax.u32 s2, $0x1;
	[dreg:$0x4] =	wrdreg s6  }
0x12: {  	s5 =	sadd.s32 s22, s1;
	s0 =	sadd.s32 $0x84A00, s0;
	[dreg:$0x6] =	wrdreg s23  }
0x13: {  	s20 =	simm.s32 $0x3800;
	s24 =	sadd.s32 $0xCA00, s9;
	[dreg:$0x5] =	wrdreg s0  }
0x14: {  	s22 =	simm.s32 $0x200;
	s25 =	sadd.s32 $0x34A00, s9;
	[dreg:$0x7] =	wrdreg s24  }
0x15: {  	s2 =	simm.s32 $0x780;
	s23 =	simm.s32 $0x280;
	[dreg:$0x8] =	wrdreg s25  }
0x16: {  	v0 =	vimm.f32 $0.0e+00;
	s24 =	simm.s32 $0x300;
	s25 =	simm.s32 $0x380;
	s0 =	simm.s32 $0x700  }
.LBB2_1:
0x17: {  	[tilespmem:$0x4800] =	vst v0  }
0x18: {  	[tilespmem:$0x4810] =	vst v0  }
0x19: {  	[tilespmem:$0x4820] =	vst v0  }
0x1a: {  	[tilespmem:$0x4830] =	vst v0  }
0x1b: {  	[tilespmem:$0x4840] =	vst v0  }
0x1c: {  	[tilespmem:$0x4850] =	vst v0  }
0x1d: {  	[tilespmem:$0x4860] =	vst v0  }
0x1e: {  	[tilespmem:$0x4870] =	vst v0  }
0x1f: {  	[tilespmem:$0x4880] =	vst v0  }
0x20: {  	[tilespmem:$0x4890] =	vst v0  }
0x21: {  	[tilespmem:$0x48A0] =	vst v0  }
0x22: {  	[tilespmem:$0x48B0] =	vst v0  }
0x23: {  	[tilespmem:$0x48C0] =	vst v0  }
0x24: {  	[tilespmem:$0x48D0] =	vst v0  }
0x25: {  	[tilespmem:$0x48E0] =	vst v0  }
0x26: {  	[tilespmem:$0x48F0] =	vst v0  }
0x27: {  	[tilespmem:$0x4900] =	vst v0  }
0x28: {  	[tilespmem:$0x4910] =	vst v0  }
0x29: {  	[tilespmem:$0x4920] =	vst v0  }
0x2a: {  	[tilespmem:$0x4930] =	vst v0  }
0x2b: {  	[tilespmem:$0x4940] =	vst v0  }
0x2c: {  	[tilespmem:$0x4950] =	vst v0  }
0x2d: {  	[tilespmem:$0x4960] =	vst v0  }
0x2e: {  	[tilespmem:$0x4970] =	vst v0  }
0x2f: {  	[tilespmem:$0x4980] =	vst v0  }
0x30: {  	[tilespmem:$0x4990] =	vst v0  }
0x31: {  	[tilespmem:$0x49A0] =	vst v0  }
0x32: {  	[tilespmem:$0x49B0] =	vst v0  }
0x33: {  	[tilespmem:$0x49C0] =	vst v0  }
0x34: {  	[tilespmem:$0x49D0] =	vst v0  }
0x35: {  	[tilespmem:$0x49E0] =	vst v0  }
0x36: {  	[tilespmem:$0x49F0] =	vst v0  }
0x37: {  	[tilespmem:$0x4A00] =	vst v0  }
0x38: {  	[tilespmem:$0x4A10] =	vst v0  }
0x39: {  	[tilespmem:$0x4A20] =	vst v0  }
0x3a: {  	[tilespmem:$0x4A30] =	vst v0  }
0x3b: {  	[tilespmem:$0x4A40] =	vst v0  }
0x3c: {  	[tilespmem:$0x4A50] =	vst v0  }
0x3d: {  	[tilespmem:$0x4A60] =	vst v0  }
0x3e: {  	[tilespmem:$0x4A70] =	vst v0  }
0x3f: {  	[tilespmem:$0x4A80] =	vst v0  }
0x40: {  	[tilespmem:$0x4A90] =	vst v0  }
0x41: {  	[tilespmem:$0x4AA0] =	vst v0  }
0x42: {  	[tilespmem:$0x4AB0] =	vst v0  }
0x43: {  	[tilespmem:$0x4AC0] =	vst v0  }
0x44: {  	[tilespmem:$0x4AD0] =	vst v0  }
0x45: {  	[tilespmem:$0x4AE0] =	vst v0  }
0x46: {  	[tilespmem:$0x4AF0] =	vst v0  }
0x47: {  	[tilespmem:$0x4B00] =	vst v0  }
0x48: {  	[tilespmem:$0x4B10] =	vst v0  }
0x49: {  	[tilespmem:$0x4B20] =	vst v0  }
0x4a: {  	[tilespmem:$0x4B30] =	vst v0  }
0x4b: {  	[tilespmem:$0x4B40] =	vst v0  }
0x4c: {  	[tilespmem:$0x4B50] =	vst v0  }
0x4d: {  	[tilespmem:$0x4B60] =	vst v0  }
0x4e: {  	[tilespmem:$0x4B70] =	vst v0  }
0x4f: {  	[tilespmem:$0x4B80] =	vst v0  }
0x50: {  	[tilespmem:$0x4B90] =	vst v0  }
0x51: {  	[tilespmem:$0x4BA0] =	vst v0  }
0x52: {  	[tilespmem:$0x4BB0] =	vst v0  }
0x53: {  	[tilespmem:$0x4BC0] =	vst v0  }
0x54: {  	[tilespmem:$0x4BD0] =	vst v0  }
0x55: {  	[tilespmem:$0x4BE0] =	vst v0  }
0x56: {  	[tilespmem:$0x4BF0] =	vst v0;
	s8 =	sadd.s32 $0x0, s5  }
0x57: {  	[spmem:s8] =	stream.linear.scatter [tilespmem:s11], [sflag:$0x2], $0x400, $0x38;
	[tilespmem:$0x18C00] =	vst v63  }
0x58: {  	s8 =	simm.s32 $0x1000;
	_ =	swait.ge [sflag:s12], $0x400  }
.LBB2_2:
0x59: {  	s9 =	sshra.s32 s8, $0x2;
	[sflag:s12] =	ssyncset.done $0x0;
	p0 =	sne.s32 s8, $0x4F000  }
.Ltmp0:
0x5a: {  	s9 =	sadd.s32 s9, s5;
	[sflag:s12] =	ssyncadd.s32 $0xFFFFFC00;
	(pc) =	sbr.rel @p0 .LBB2_2-.Ltmp0, $3  }
0x5b: {  	[spmem:s9] =	stream.linear.scatter [tilespmem:s11], [sflag:$0x2], $0x400, $0x38;
	[tilespmem:$0x18C00] =	vst v63  }
0x5c: {  	s8 =	sadd.s32 $0x1000, s8;
	_ =	sdelay $0x1  }
0x5d: {  	_ =	swait.ge [sflag:s12], $0x400  }
0x5e: {  	[sflag:s12] =	ssyncset.done $0x0  }
0x5f: {  	[sflag:s12] =	ssyncadd.s32 $0xFFFFFC00  }
0x60: {  	[bflag:$0x0] =	sbarrier.arrive $0xFFFF  }
0x61: {  	s10 =	rddreg [dreg:$0x8]  }
0x62: {  	[tilespmem:s3], [sflag:$0x2] =	stream.linear.gather [hbm4b:s10+s3], $0x400, $0x38;
	[tilespmem:$0x18C00] =	vst v63  }
0x63: {  	_ =	swait.ge [sflag:s12], $0x400  }
0x64: {  	[sflag:s12] =	ssyncset.done $0x0  }
0x65: {  	s9 =	rddreg [dreg:$0x7];
	[sflag:s12] =	ssyncadd.s32 $0xFFFFFC00  }
0x66: {  	[tilespmem:s13], [sflag:$0x2] =	stream.linear.gather [hbm4b:s9+s3], $0x400, $0x38;
	[tilespmem:$0x18C00] =	vst v63  }
0x67: {  	_ =	swait.ge [sflag:s12], $0x400  }
0x68: {  	[sflag:s12] =	ssyncset.done $0x0  }
0x69: {  	[sflag:s12] =	ssyncadd.s32 $0xFFFFFC00  }
0x6a: {  	[tilespmem:s15], [sflag:$0x1] =	stream.indirect.gather [hbm4b:s4+s14], $0x80, s3, s14, $0xb8;
	[tilespmem:$0x18C00] =	vst v63  }
0x6b: {  	s8 =	rddreg [dreg:$0x3]  }
0x6c: {  	[tilespmem:s16], [sflag:$0x1] =	stream.indirect.gather [hbm4b:s4+s14], $0x80, s8, s14, $0xb8;
	[tilespmem:$0x18C00] =	vst v63  }
0x6d: {  	_ = 	snop  }
0x6e: {  	[tilespmem:s18], [sflag:$0x1] =	stream.indirect.gather [hbm4b:s4+s14], $0x80, s17, s14, $0xb8;
	[tilespmem:$0x18C00] =	vst v63  }
0x6f: {  	_ = 	snop  }
0x70: {  	[tilespmem:s20], [sflag:$0x1] =	stream.indirect.gather [hbm4b:s4+s14], $0x80, s19, s14, $0xb8;
	[tilespmem:$0x18C00] =	vst v63  }
0x71: {  	_ =	swait.ge [sflag:s21], $0x1000  }
0x72: {  	[sflag:s21] =	ssyncset.done $0x0  }
0x73: {  	[sflag:s21] =	ssyncadd.s32 $0xFFFFF000  }
0x74: {  	_ =	swait.ge [sflag:s21], $0x1000  }
0x75: {  	[sflag:s21] =	ssyncset.done $0x0  }
0x76: {  	[sflag:s21] =	ssyncadd.s32 $0xFFFFF000  }
0x77: {  	_ =	swait.ge [sflag:s21], $0x1000  }
0x78: {  	[sflag:s21] =	ssyncset.done $0x0  }
0x79: {  	[sflag:s21] =	ssyncadd.s32 $0xFFFFF000  }
0x7a: {  	_ =	swait.ge [sflag:s21], $0x1000  }
0x7b: {  	[sflag:s21] =	ssyncset.done $0x0  }
0x7c: {  	[sflag:s21] =	ssyncadd.s32 $0xFFFFF000  }
0x7d: {  	[tilespmem:s15], [sflag:$0x1] =	stream.indirect.gather [hbm4b:s4+s14], $0x80, s22, s14, $0xb8;
	[tilespmem:$0x18C00] =	vst v63  }
0x7e: {  	_ = 	snop  }
0x7f: {  	[tilespmem:s16], [sflag:$0x1] =	stream.indirect.gather [hbm4b:s4+s14], $0x80, s23, s14, $0xb8;
	[tilespmem:$0x18C00] =	vst v63  }
0x80: {  	_ = 	snop  }
0x81: {  	[tilespmem:s18], [sflag:$0x1] =	stream.indirect.gather [hbm4b:s4+s14], $0x80, s24, s14, $0xb8;
	[tilespmem:$0x18C00] =	vst v63  }
0x82: {  	_ = 	snop  }
0x83: {  	[tilespmem:s20], [sflag:$0x1] =	stream.indirect.gather [hbm4b:s4+s14], $0x80, s25, s14, $0xb8;
	[tilespmem:$0x18C00] =	vst v63  }
0x84: {  	_ = 	snop  }
0x85: {  	[spmem:s1] =	stream.indirect.scatter.add.f32 [tilespmem:s15], [sflag:$0x2], $0x80, s13, s14, $0xb8;
	[tilespmem:$0x18C00] =	vst v63  }
0x86: {  	_ =	swait.ge [sflag:s12], $0x1000  }
0x87: {  	[sflag:s12] =	ssyncset.done $0x0  }
0x88: {  	[sflag:s12] =	ssyncadd.s32 $0xFFFFF000  }
0x89: {  	[spmem:s1] =	stream.indirect.scatter.add.f32 [tilespmem:s16], [sflag:$0x2], $0x80, s26, s14, $0xb8;
	[tilespmem:$0x18C00] =	vst v63  }
0x8a: {  	_ =	swait.ge [sflag:s12], $0x1000  }
0x8b: {  	[sflag:s12] =	ssyncset.done $0x0  }
0x8c: {  	[sflag:s12] =	ssyncadd.s32 $0xFFFFF000  }
0x8d: {  	[spmem:s1] =	stream.indirect.scatter.add.f32 [tilespmem:s18], [sflag:$0x2], $0x80, s28, s14, $0xb8;
	[tilespmem:$0x18C00] =	vst v63  }
0x8e: {  	_ =	swait.ge [sflag:s12], $0x1000  }
0x8f: {  	[sflag:s12] =	ssyncset.done $0x0  }
0x90: {  	[sflag:s12] =	ssyncadd.s32 $0xFFFFF000  }
0x91: {  	[spmem:s1] =	stream.indirect.scatter.add.f32 [tilespmem:s20], [sflag:$0x2], $0x80, s29, s14, $0xb8;
	[tilespmem:$0x18C00] =	vst v63  }
0x92: {  	_ =	swait.ge [sflag:s12], $0x1000  }
0x93: {  	[sflag:s12] =	ssyncset.done $0x0  }
0x94: {  	[sflag:s12] =	ssyncadd.s32 $0xFFFFF000  }
0x95: {  	_ =	swait.ge [sflag:s21], $0x1000  }
0x96: {  	[sflag:s21] =	ssyncset.done $0x0  }
0x97: {  	[sflag:s21] =	ssyncadd.s32 $0xFFFFF000  }
0x98: {  	_ =	swait.ge [sflag:s21], $0x1000  }
0x99: {  	[sflag:s21] =	ssyncset.done $0x0  }
0x9a: {  	[sflag:s21] =	ssyncadd.s32 $0xFFFFF000  }
0x9b: {  	_ =	swait.ge [sflag:s21], $0x1000  }
0x9c: {  	[sflag:s21] =	ssyncset.done $0x0  }
0x9d: {  	[sflag:s21] =	ssyncadd.s32 $0xFFFFF000  }
0x9e: {  	_ =	swait.ge [sflag:s21], $0x1000  }
0x9f: {  	[sflag:s21] =	ssyncset.done $0x0  }
0xa0: {  	[sflag:s21] =	ssyncadd.s32 $0xFFFFF000  }
0xa1: {  	[spmem:s1] =	stream.indirect.scatter.add.f32 [tilespmem:s15], [sflag:$0x2], $0x80, s30, s14, $0xb8;
	[tilespmem:$0x18C00] =	vst v63  }
0xa2: {  	_ =	swait.ge [sflag:s12], $0x1000  }
0xa3: {  	[sflag:s12] =	ssyncset.done $0x0  }
0xa4: {  	[sflag:s12] =	ssyncadd.s32 $0xFFFFF000  }
0xa5: {  	[spmem:s1] =	stream.indirect.scatter.add.f32 [tilespmem:s16], [sflag:$0x2], $0x80, s31, s14, $0xb8;
	[tilespmem:$0x18C00] =	vst v63  }
0xa6: {  	_ =	swait.ge [sflag:s12], $0x1000  }
0xa7: {  	[sflag:s12] =	ssyncset.done $0x0  }
0xa8: {  	[sflag:s12] =	ssyncadd.s32 $0xFFFFF000  }
0xa9: {  	[spmem:s1] =	stream.indirect.scatter.add.f32 [tilespmem:s18], [sflag:$0x2], $0x80, s0, s14, $0xb8;
	[tilespmem:$0x18C00] =	vst v63  }
0xaa: {  	_ =	swait.ge [sflag:s12], $0x1000  }
0xab: {  	s6 =	rddreg [dreg:$0x4]  }
0xac: {  	p0 =	sne.s32 s6, $0x1  }
.Ltmp1:
0xad: {  	[sflag:s12] =	ssyncset.done $0x0;
	(pc) =	sbr.rel @!p0 .LBB2_5-.Ltmp1, $4  }
0xae: {  	[sflag:s12] =	ssyncadd.s32 $0xFFFFF000  }
0xaf: {  	[spmem:s1] =	stream.indirect.scatter.add.f32 [tilespmem:s20], [sflag:$0x2], $0x80, s2, s14, $0xb8;
	[tilespmem:$0x18C00] =	vst v63  }
0xb0: {  	_ =	swait.ge [sflag:s12], $0x1000  }
0xb1: {  	s8 =	sadd.s32 $0xFFFFFFFF, s6;
	[sflag:s12] =	ssyncset.done $0x0  }
.LBB2_4:
0xb2: {  	[sflag:s12] =	ssyncadd.s32 $0xFFFFF000;
	s10 =	sadd.s32 $0x80, s10  }
0xb3: {  	[tilespmem:s3], [sflag:$0x2] =	stream.linear.gather [hbm4b:s10+s3], $0x400, $0x38;
	[tilespmem:$0x18C00] =	vst v63  }
0xb4: {  	_ =	swait.ge [sflag:s12], $0x400  }
0xb5: {  	[sflag:s12] =	ssyncset.done $0x0  }
0xb6: {  	s9 =	sadd.s32 $0x80, s9;
	[sflag:s12] =	ssyncadd.s32 $0xFFFFFC00  }
0xb7: {  	[tilespmem:s13], [sflag:$0x2] =	stream.linear.gather [hbm4b:s9+s3], $0x400, $0x38;
	[tilespmem:$0x18C00] =	vst v63  }
0xb8: {  	_ =	swait.ge [sflag:s12], $0x400  }
0xb9: {  	[sflag:s12] =	ssyncset.done $0x0  }
0xba: {  	[sflag:s12] =	ssyncadd.s32 $0xFFFFFC00  }
0xbb: {  	[tilespmem:s15], [sflag:$0x1] =	stream.indirect.gather [hbm4b:s4+s14], $0x80, s3, s14, $0xb8;
	[tilespmem:$0x18C00] =	vst v63  }
0xbc: {  	s6 =	rddreg [dreg:$0x3]  }
0xbd: {  	[tilespmem:s16], [sflag:$0x1] =	stream.indirect.gather [hbm4b:s4+s14], $0x80, s6, s14, $0xb8;
	[tilespmem:$0x18C00] =	vst v63  }
0xbe: {  	_ = 	snop  }
0xbf: {  	[tilespmem:s18], [sflag:$0x1] =	stream.indirect.gather [hbm4b:s4+s14], $0x80, s17, s14, $0xb8;
	[tilespmem:$0x18C00] =	vst v63  }
0xc0: {  	_ = 	snop  }
0xc1: {  	[tilespmem:s20], [sflag:$0x1] =	stream.indirect.gather [hbm4b:s4+s14], $0x80, s19, s14, $0xb8;
	[tilespmem:$0x18C00] =	vst v63  }
0xc2: {  	_ =	swait.ge [sflag:s21], $0x1000  }
0xc3: {  	[sflag:s21] =	ssyncset.done $0x0  }
0xc4: {  	[sflag:s21] =	ssyncadd.s32 $0xFFFFF000  }
0xc5: {  	_ =	swait.ge [sflag:s21], $0x1000  }
0xc6: {  	[sflag:s21] =	ssyncset.done $0x0  }
0xc7: {  	[sflag:s21] =	ssyncadd.s32 $0xFFFFF000  }
0xc8: {  	_ =	swait.ge [sflag:s21], $0x1000  }
0xc9: {  	[sflag:s21] =	ssyncset.done $0x0  }
0xca: {  	[sflag:s21] =	ssyncadd.s32 $0xFFFFF000  }
0xcb: {  	_ =	swait.ge [sflag:s21], $0x1000  }
0xcc: {  	[sflag:s21] =	ssyncset.done $0x0  }
0xcd: {  	[sflag:s21] =	ssyncadd.s32 $0xFFFFF000  }
0xce: {  	[tilespmem:s15], [sflag:$0x1] =	stream.indirect.gather [hbm4b:s4+s14], $0x80, s22, s14, $0xb8;
	[tilespmem:$0x18C00] =	vst v63  }
0xcf: {  	_ = 	snop  }
0xd0: {  	[tilespmem:s16], [sflag:$0x1] =	stream.indirect.gather [hbm4b:s4+s14], $0x80, s23, s14, $0xb8;
	[tilespmem:$0x18C00] =	vst v63  }
0xd1: {  	_ = 	snop  }
0xd2: {  	[tilespmem:s18], [sflag:$0x1] =	stream.indirect.gather [hbm4b:s4+s14], $0x80, s24, s14, $0xb8;
	[tilespmem:$0x18C00] =	vst v63  }
0xd3: {  	_ = 	snop  }
0xd4: {  	[tilespmem:s20], [sflag:$0x1] =	stream.indirect.gather [hbm4b:s4+s14], $0x80, s25, s14, $0xb8;
	[tilespmem:$0x18C00] =	vst v63  }
0xd5: {  	_ = 	snop  }
0xd6: {  	[spmem:s1] =	stream.indirect.scatter.add.f32 [tilespmem:s15], [sflag:$0x2], $0x80, s13, s14, $0xb8;
	[tilespmem:$0x18C00] =	vst v63  }
0xd7: {  	_ =	swait.ge [sflag:s12], $0x1000  }
0xd8: {  	[sflag:s12] =	ssyncset.done $0x0  }
0xd9: {  	[sflag:s12] =	ssyncadd.s32 $0xFFFFF000  }
0xda: {  	[spmem:s1] =	stream.indirect.scatter.add.f32 [tilespmem:s16], [sflag:$0x2], $0x80, s26, s14, $0xb8;
	[tilespmem:$0x18C00] =	vst v63  }
0xdb: {  	_ =	swait.ge [sflag:s12], $0x1000  }
0xdc: {  	[sflag:s12] =	ssyncset.done $0x0  }
0xdd: {  	[sflag:s12] =	ssyncadd.s32 $0xFFFFF000  }
0xde: {  	[spmem:s1] =	stream.indirect.scatter.add.f32 [tilespmem:s18], [sflag:$0x2], $0x80, s28, s14, $0xb8;
	[tilespmem:$0x18C00] =	vst v63  }
0xdf: {  	_ =	swait.ge [sflag:s12], $0x1000  }
0xe0: {  	[sflag:s12] =	ssyncset.done $0x0  }
0xe1: {  	[sflag:s12] =	ssyncadd.s32 $0xFFFFF000  }
0xe2: {  	[spmem:s1] =	stream.indirect.scatter.add.f32 [tilespmem:s20], [sflag:$0x2], $0x80, s29, s14, $0xb8;
	[tilespmem:$0x18C00] =	vst v63  }
0xe3: {  	_ =	swait.ge [sflag:s12], $0x1000  }
0xe4: {  	[sflag:s12] =	ssyncset.done $0x0  }
0xe5: {  	[sflag:s12] =	ssyncadd.s32 $0xFFFFF000  }
0xe6: {  	_ =	swait.ge [sflag:s21], $0x1000  }
0xe7: {  	[sflag:s21] =	ssyncset.done $0x0  }
0xe8: {  	[sflag:s21] =	ssyncadd.s32 $0xFFFFF000  }
0xe9: {  	_ =	swait.ge [sflag:s21], $0x1000  }
0xea: {  	[sflag:s21] =	ssyncset.done $0x0  }
0xeb: {  	[sflag:s21] =	ssyncadd.s32 $0xFFFFF000  }
0xec: {  	_ =	swait.ge [sflag:s21], $0x1000  }
0xed: {  	[sflag:s21] =	ssyncset.done $0x0  }
0xee: {  	[sflag:s21] =	ssyncadd.s32 $0xFFFFF000  }
0xef: {  	_ =	swait.ge [sflag:s21], $0x1000  }
0xf0: {  	[sflag:s21] =	ssyncset.done $0x0  }
0xf1: {  	[sflag:s21] =	ssyncadd.s32 $0xFFFFF000  }
0xf2: {  	[spmem:s1] =	stream.indirect.scatter.add.f32 [tilespmem:s15], [sflag:$0x2], $0x80, s30, s14, $0xb8;
	[tilespmem:$0x18C00] =	vst v63  }
0xf3: {  	_ =	swait.ge [sflag:s12], $0x1000  }
0xf4: {  	[sflag:s12] =	ssyncset.done $0x0  }
0xf5: {  	[sflag:s12] =	ssyncadd.s32 $0xFFFFF000  }
0xf6: {  	[spmem:s1] =	stream.indirect.scatter.add.f32 [tilespmem:s16], [sflag:$0x2], $0x80, s31, s14, $0xb8;
	[tilespmem:$0x18C00] =	vst v63  }
0xf7: {  	_ =	swait.ge [sflag:s12], $0x1000  }
0xf8: {  	[sflag:s12] =	ssyncset.done $0x0  }
0xf9: {  	[sflag:s12] =	ssyncadd.s32 $0xFFFFF000  }
0xfa: {  	[spmem:s1] =	stream.indirect.scatter.add.f32 [tilespmem:s18], [sflag:$0x2], $0x80, s0, s14, $0xb8;
	[tilespmem:$0x18C00] =	vst v63  }
0xfb: {  	p0 =	sne.s32 s8, $0x1;
	_ =	swait.ge [sflag:s12], $0x1000  }
.Ltmp2:
0xfc: {  	[sflag:s12] =	ssyncset.done $0x0;
	(pc) =	sbr.rel @p0 .LBB2_4-.Ltmp2, $4  }
0xfd: {  	[sflag:s12] =	ssyncadd.s32 $0xFFFFF000  }
0xfe: {  	[spmem:s1] =	stream.indirect.scatter.add.f32 [tilespmem:s20], [sflag:$0x2], $0x80, s2, s14, $0xb8;
	[tilespmem:$0x18C00] =	vst v63  }
0xff: {  	_ =	swait.ge [sflag:s12], $0x1000  }
0x100: {  	s8 =	sadd.s32 $0xFFFFFFFF, s8;
	[sflag:s12] =	ssyncset.done $0x0  }
.LBB2_5:
0x101: {  	[sflag:s12] =	ssyncadd.s32 $0xFFFFF000;
	s6 =	stileid.u32  }
0x102: {  	s6 =	sshll.u32 s6, $0x6;
	[bflag:$0x0] =	sbarrier.arrive $0xFFFF  }
0x103: {  	s8 =	sshrl.u32 s5, $0x3;
	s6 =	sor.u32 $0x1C02, s6;
	s9 =	rddreg [dreg:$0x5]  }
0x104: {  	[hbm:s9], [sflag:s6] =	dma.local [spmem:s8], $0x2800  }
0x105: {  	_ =	swait.ge [sflag:s12], $0x2800  }
0x106: {  	s7 =	sadd.s32 $0x1, s7;
	s10 =	rddreg [dreg:$0x6]  }
0x107: {  	p0 =	sne.s32 s7, s10  }
.Ltmp3:
0x108: {  	_ = 	snop;
	(pc) =	sbr.rel @p0 .LBB2_1-.Ltmp3, $3  }
0x109: {  	_ =	sdelay $0x1  }
0x10a: {  	[sflag:s12] =	ssyncset.done $0x0  }
0x10b: {  	[sflag:s12] =	ssyncadd.s32 $0xFFFFD800  }
0x10c: {  	_ =	sfence.sel $0x180000  }
0x10d: {  	[bflag:$0x0] =	sbarrier.arrive $0xFFFF  }
0x10e: {  	_ =	strace $0x90000047  }
0x10f: {  	s0 =	stileid.u32;
	[bflag:$0x2] =	sbarrier.arrive $0xFFFF  }
0x110: {  	p0 =	sne.s32 s0, $0x0;
	s0 =	rddreg [dreg:$0x2]  }
0x111: {  	s0 =	sadd.s32 @!p0 $0x100000, s0  }
0x112: {  	[sflag:s0] =	ssyncadd.tile.s32 @!p0 $0x1;
	_ =	shalt  }
.Lfunc_end2:
_tile_overlayer_lowered:
.L_overlay_start_2:
0x113: {  	(tag) =	ssettag $0x2  }
0x114: {  	s0 =	rddreg [dreg:$0x0];
	s2 =	stileid.u32  }
0x115: {  	s1 =	rddreg [dreg:$0x1];
	p0 =	sne.s32 s2, $0x0  }
0x116: {  	s3 =	rddreg [dreg:$0x2];
	[bflag:$0x3] =	sbarrier.arrive $0xFFFF;
	s2 =	simm.s32 @!p0 $0x1C02  }
0x117: {  	[timem:s3], [sflag:s2] =	dma.local @!p0 [hbm:s0], s1  }
0x118: {  	s0 =	simm.s32 @!p0 $0x2  }
0x119: {  	_ =	swait.ge @!p0 [sflag:s0], s1  }
0x11a: {  	s1 =	ssub.s32 @!p0 $0x0, s1;
	[sflag:s0] =	ssyncset.done @!p0 $0x0  }
0x11b: {  	[sflag:s0] =	ssyncadd.s32 @!p0 s1  }
0x11c: {  	[bflag:$0x3] =	sbarrier.arrive $0xFFFF  }
0x11d: {  	_ =	shalt  }

</sc_bundles>
